<compile_context>
chip_gen: v7x
topology: tpu7x:2x2x1
jax: 0.10.2.dev20260603
libtpu: 0.0.44.dev20260713+nightly
codegen_flags: <defaults>
</compile_context>

<pallas_src>
import functools

import jax
import jax.numpy as jnp
from jax import lax
from jax.experimental import pallas as pl
from jax.experimental.pallas import tpu as pltpu
from jax.experimental.pallas import tpu_sc as plsc

N_NODES = 10000
N_EDGES = 320000
D = 128

NC = 2
NS = 16
NW = NC * NS

CH = 80
ROUNDS = 5
KJ2 = 25
KJ = ROUNDS * KJ2
EPW = CH * KJ
NP = 10112

NBUF = 3
NGRP = KJ2 // NBUF

_mesh = plsc.VectorSubcoreMesh(core_axis_name="c", subcore_axis_name="s")


def _agg_body(ei_hbm, x_hbm, out_hbm, idx_v, msg_v, agg_s,
              gsem, ssem, isem):
    c = lax.axis_index("c")
    s = lax.axis_index("s")
    wid = c * NS + s

    def idx_start(rnd):
        slot = rnd % 2
        pltpu.async_copy(ei_hbm.at[0, wid, rnd], idx_v.at[slot, 0],
                         isem.at[slot])
        pltpu.async_copy(ei_hbm.at[1, wid, rnd], idx_v.at[slot, 1],
                         isem.at[slot])

    def idx_wait(rnd):
        slot = rnd % 2
        for sd in range(2):
            pltpu.make_async_copy(ei_hbm.at[0, wid, 0], idx_v.at[slot, sd],
                                  isem.at[slot]).wait()

    def gather(slot, chunk, b):
        pltpu.async_copy(x_hbm.at[idx_v.at[slot, 0, chunk]], msg_v.at[b],
                         gsem.at[b])

    def scatter(slot, chunk, b):
        pltpu.async_copy(msg_v.at[b], agg_s.at[idx_v.at[slot, 1, chunk]],
                         ssem.at[b], add=True)

    def gwait(b):
        pltpu.make_async_copy(x_hbm.at[idx_v.at[0, 0, 0]], msg_v.at[b],
                              gsem.at[b]).wait()

    def swait(b):
        pltpu.make_async_copy(msg_v.at[b], agg_s.at[idx_v.at[0, 1, 0]],
                              ssem.at[b]).wait()

    idx_start(0)
    idx_wait(0)
    for b in range(1, NBUF):
        gather(0, b, b)
    idx_start(1)

    zero = jnp.zeros((16,), jnp.float32)

    def zbody(i, carry):
        for k in range(8):
            msg_v[0, i, pl.ds(k * 16, 16)] = zero
        return carry

    lax.fori_loop(0, CH, zbody, 0)
    rows = NP // NS
    for r in range(rows // CH):
        pltpu.sync_copy(msg_v.at[0], agg_s.at[pl.ds(s * rows + r * CH, CH)])
    rem = rows % CH
    if rem:
        pltpu.sync_copy(msg_v.at[0].at[pl.ds(0, rem)],
                        agg_s.at[pl.ds(s * rows + (rows // CH) * CH, rem)])
    plsc.subcore_barrier()
    gather(0, 0, 0)

    for rnd in range(ROUNDS):
        slot = rnd % 2
        if rnd > 0:
            idx_wait(rnd)
            if rnd + 1 < ROUNDS:
                idx_start(rnd + 1)
            for b in range(NBUF):
                gather(slot, b, b)

        def group(g, carry, slot=slot):
            base = g * NBUF
            for b in range(NBUF):
                gwait(b)
                scatter(slot, base + b, b)
            for b in range(NBUF):
                swait(b)
                gather(slot, base + NBUF + b, b)
            return carry

        lax.fori_loop(0, NGRP - 1, group, 0)

        base = (NGRP - 1) * NBUF
        for b in range(NBUF):
            gwait(b)
            scatter(slot, base + b, b)
        swait(0)
        gather(slot, KJ2 - 1, 0)
        for b in range(1, NBUF):
            swait(b)
        gwait(0)
        scatter(slot, KJ2 - 1, 0)
        swait(0)
    plsc.subcore_barrier()

    rows = NP // NS
    pltpu.sync_copy(agg_s.at[pl.ds(s * rows, rows)],
                    out_hbm.at[c, pl.ds(s * rows, rows)])


_agg = functools.partial(
    pl.kernel,
    mesh=_mesh,
    out_type=jax.ShapeDtypeStruct((NC, NP, D), jnp.float32),
    scratch_types=[
        pltpu.VMEM((2, 2, KJ2, CH), jnp.int32),
        pltpu.VMEM((NBUF, CH, D), jnp.float32),
        pltpu.VMEM_SHARED((NP, D), jnp.float32),
        pltpu.SemaphoreType.DMA((NBUF,)),
        pltpu.SemaphoreType.DMA((NBUF,)),
        pltpu.SemaphoreType.DMA((2,)),
    ],
)(_agg_body)


def _mm_body(x_ref, a_ref, wt_ref, b_ref, o_ref):
    h = x_ref[...] + a_ref[0] + a_ref[1]
    y = jnp.dot(h, wt_ref[...], preferred_element_type=jnp.float32)
    o_ref[...] = jnp.maximum(y + b_ref[...], 0.0)


_BN = 2000


def _apply_linear(x, agg, wt, b2):
    grid = N_NODES // _BN
    return pl.pallas_call(
        _mm_body,
        grid=(grid,),
        in_specs=[
            pl.BlockSpec((_BN, D), lambda i: (i, 0)),
            pl.BlockSpec((NC, _BN, D), lambda i: (0, i, 0)),
            pl.BlockSpec((D, D), lambda i: (0, 0)),
            pl.BlockSpec((1, D), lambda i: (0, 0)),
        ],
        out_specs=pl.BlockSpec((_BN, D), lambda i: (i, 0)),
        out_shape=jax.ShapeDtypeStruct((N_NODES, D), jnp.float32),
    )(x, agg, wt, b2)


def kernel(inputs, edge_index, W, b):
    ei = edge_index.astype(jnp.int32).reshape(2, NW, ROUNDS, KJ2, CH)
    agg = _agg(ei, inputs)
    return _apply_linear(inputs, agg, W.T, b.reshape(1, D))

# --- scband reference (transcript-rebuilt; emitter-appended) ---
"""Pipeline reference for scband-ginconv-40346922779435 (READ-ONLY COPY).

The authoritative reference and input builder live on the scoring server;
editing this copy changes nothing except your own understanding.
"""

import jax, jax.numpy as jnp
import numpy as np

N_NODES = 10000
N_EDGES = 320000
D_IN = 128
D_OUT = 128
EPS = 0.0


def setup_inputs(seed: int = 0) -> dict:
    key = jax.random.key(seed)
    k1, k2, k3, k4 = jax.random.split(key, 4)
    inputs = jax.random.normal(k1, (N_NODES, D_IN), dtype=jnp.float32)
    edge_index = jax.random.randint(k2, (2, N_EDGES), 0, N_NODES, dtype=jnp.int64)
    # Linear layer params (torch.nn.Linear: y = x @ W.T + b)
    bound = 1.0 / np.sqrt(D_IN)
    W = jax.random.uniform(k3, (D_OUT, D_IN), dtype=jnp.float32, minval=-bound, maxval=bound)
    b = jax.random.uniform(k4, (D_OUT,), dtype=jnp.float32, minval=-bound, maxval=bound)
    return {"inputs": inputs, "edge_index": edge_index, "W": W, "b": b}


def reference(inputs, edge_index, W, b):
    # dropout p=0.0 -> identity
    src = edge_index[0]
    dst = edge_index[1]
    # GIN sum aggregation: agg_i = sum_{j in N(i)} x_j  (messages flow src -> dst)
    msgs = jnp.take(inputs, src, axis=0)
    agg = jnp.zeros((N_NODES, D_IN), dtype=inputs.dtype).at[dst].add(msgs)
    h = (1.0 + EPS) * inputs + agg
    out = h @ W.T + b
    out = jax.nn.relu(out)
    return out

if __name__ == "__main__":
    import jax
    _d = setup_inputs()
    print(jax.jit(kernel)(*tuple(_d.values())))

</pallas_src>

<mosaic_0001>
#map = affine_map<(d0, d1) -> (0, 0, 0, 0, 0)>
#map1 = affine_map<(d0, d1) -> (0, 0)>
#map2 = affine_map<(d0, d1) -> (0, 0, 0)>
module attributes {stable_mosaic.version = 14 : i64} {
  func.func @_agg_body(%arg0: i32, %arg1: i32, %arg2: memref<2x32x5x25x80xi32, #tpu.memory_space<hbm>>, %arg3: memref<10000x128xf32, #tpu.memory_space<hbm>>, %arg4: memref<2x10112x128xf32, #tpu.memory_space<hbm>>, %arg5: memref<2x2x25x80xi32, #tpu.memory_space<vmem>>, %arg6: memref<3x80x128xf32, #tpu.memory_space<vmem>>, %arg7: memref<10112x128xf32, #tpu.memory_space<vmem_shared>>, %arg8: memref<3x!tpu.dma_semaphore, #tpu.memory_space<semaphore_mem>>, %arg9: memref<3x!tpu.dma_semaphore, #tpu.memory_space<semaphore_mem>>, %arg10: memref<2x!tpu.dma_semaphore, #tpu.memory_space<semaphore_mem>>) attributes {dimension_semantics = [#tpu.dimension_semantics<core_parallel>, #tpu.dimension_semantics<subcore_parallel>], iteration_bounds = array<i64: 2, 16>, scalar_prefetch = 0 : i64, scratch_operands = 6 : i64, tpu.core_type = #tpu.core_type<sc_vector_subcore>, window_params = [{transform_indices = #map}, {transform_indices = #map1}, {transform_indices = #map2}]} {
    %mul3A = arith.constant 16 : i32
    %mul3A_0 = arith.muli %arg0, %mul3A : i32
    %add3A = arith.addi %mul3A_0, %arg1 : i32
    %dma_start3A = arith.constant 0 : i32
    %dma_start3A_1 = arith.constant 0 : i32
    %dma_start3A_2 = arith.constant 0 : i32
    %dma_start3A_3 = arith.constant 0 : i32
    %dma_start3A_4 = arith.constant 0 : i32
    %dma_start3A_5 = arith.constant 0 : i32
    %dma_start3A_6 = arith.constant 0 : i32
    %dma_start3A_7 = tpu.memref_slice %arg5[%dma_start3A_2, %dma_start3A_3, %dma_start3A_5, %dma_start3A_6] : memref<2x2x25x80xi32, #tpu.memory_space<vmem>> -> memref<1x1x25x80xi32, #tpu.memory_space<vmem>>
    %dma_start3A_8 = tpu.memref_squeeze %dma_start3A_7 : memref<1x1x25x80xi32, #tpu.memory_space<vmem>> -> memref<25x80xi32, #tpu.memory_space<vmem>>
    %dma_start3A_9 = arith.constant 0 : i32
    %dma_start3A_10 = arith.constant 0 : i32
    %dma_start3A_11 = tpu.memref_slice %arg2[%dma_start3A, %add3A, %dma_start3A_1, %dma_start3A_9, %dma_start3A_10] : memref<2x32x5x25x80xi32, #tpu.memory_space<hbm>> -> memref<1x1x1x25x80xi32, #tpu.memory_space<hbm>>
    %dma_start3A_12 = tpu.memref_squeeze %dma_start3A_11 : memref<1x1x1x25x80xi32, #tpu.memory_space<hbm>> -> memref<25x80xi32, #tpu.memory_space<hbm>>
    %dma_start3A_13 = tpu.memref_slice %arg10[%dma_start3A_4] : memref<2x!tpu.dma_semaphore, #tpu.memory_space<semaphore_mem>> -> memref<1x!tpu.dma_semaphore, #tpu.memory_space<semaphore_mem>>
    %dma_start3A_14 = tpu.memref_squeeze %dma_start3A_13 : memref<1x!tpu.dma_semaphore, #tpu.memory_space<semaphore_mem>> -> memref<!tpu.dma_semaphore, #tpu.memory_space<semaphore_mem>>
    %dma_start3A_15 = arith.constant 0 : i32
    %dma_start3A_16 = arith.constant 0 : i32
    %dma_start3A_17 = tpu.memref_slice %arg5[%dma_start3A_2, %dma_start3A_3, %dma_start3A_15, %dma_start3A_16] : memref<2x2x25x80xi32, #tpu.memory_space<vmem>> -> memref<1x1x25x80xi32, #tpu.memory_space<vmem>>
    %dma_start3A_18 = tpu.memref_squeeze %dma_start3A_17 : memref<1x1x25x80xi32, #tpu.memory_space<vmem>> -> memref<25x80xi32, #tpu.memory_space<vmem>>
    %dma_start3A_19 = arith.constant 0 : i32
    %dma_start3A_20 = arith.constant 0 : i32
    %dma_start3A_21 = tpu.memref_slice %arg2[%dma_start3A, %add3A, %dma_start3A_1, %dma_start3A_19, %dma_start3A_20] : memref<2x32x5x25x80xi32, #tpu.memory_space<hbm>> -> memref<1x1x1x25x80xi32, #tpu.memory_space<hbm>>
    %dma_start3A_22 = tpu.memref_squeeze %dma_start3A_21 : memref<1x1x1x25x80xi32, #tpu.memory_space<hbm>> -> memref<25x80xi32, #tpu.memory_space<hbm>>
    tpu.enqueue_dma source(%dma_start3A_22 : memref<25x80xi32, #tpu.memory_space<hbm>>) target(%dma_start3A_18 : memref<25x80xi32, #tpu.memory_space<vmem>>) target_semaphore(%dma_start3A_14 : memref<!tpu.dma_semaphore, #tpu.memory_space<semaphore_mem>>)
    %dma_start3A_23 = arith.constant 1 : i32
    %dma_start3A_24 = arith.constant 0 : i32
    %dma_start3A_25 = arith.constant 0 : i32
    %dma_start3A_26 = arith.constant 1 : i32
    %dma_start3A_27 = arith.constant 0 : i32
    %dma_start3A_28 = arith.constant 0 : i32
    %dma_start3A_29 = arith.constant 0 : i32
    %dma_start3A_30 = tpu.memref_slice %arg5[%dma_start3A_25, %dma_start3A_26, %dma_start3A_28, %dma_start3A_29] : memref<2x2x25x80xi32, #tpu.memory_space<vmem>> -> memref<1x1x25x80xi32, #tpu.memory_space<vmem>>
    %dma_start3A_31 = tpu.memref_squeeze %dma_start3A_30 : memref<1x1x25x80xi32, #tpu.memory_space<vmem>> -> memref<25x80xi32, #tpu.memory_space<vmem>>
    %dma_start3A_32 = arith.constant 0 : i32
    %dma_start3A_33 = arith.constant 0 : i32
    %dma_start3A_34 = tpu.memref_slice %arg2[%dma_start3A_23, %add3A, %dma_start3A_24, %dma_start3A_32, %dma_start3A_33] : memref<2x32x5x25x80xi32, #tpu.memory_space<hbm>> -> memref<1x1x1x25x80xi32, #tpu.memory_space<hbm>>
    %dma_start3A_35 = tpu.memref_squeeze %dma_start3A_34 : memref<1x1x1x25x80xi32, #tpu.memory_space<hbm>> -> memref<25x80xi32, #tpu.memory_space<hbm>>
    %dma_start3A_36 = tpu.memref_slice %arg10[%dma_start3A_27] : memref<2x!tpu.dma_semaphore, #tpu.memory_space<semaphore_mem>> -> memref<1x!tpu.dma_semaphore, #tpu.memory_space<semaphore_mem>>
    %dma_start3A_37 = tpu.memref_squeeze %dma_start3A_36 : memref<1x!tpu.dma_semaphore, #tpu.memory_space<semaphore_mem>> -> memref<!tpu.dma_semaphore, #tpu.memory_space<semaphore_mem>>
    %dma_start3A_38 = arith.constant 0 : i32
    %dma_start3A_39 = arith.constant 0 : i32
    %dma_start3A_40 = tpu.memref_slice %arg5[%dma_start3A_25, %dma_start3A_26, %dma_start3A_38, %dma_start3A_39] : memref<2x2x25x80xi32, #tpu.memory_space<vmem>> -> memref<1x1x25x80xi32, #tpu.memory_space<vmem>>
    %dma_start3A_41 = tpu.memref_squeeze %dma_start3A_40 : memref<1x1x25x80xi32, #tpu.memory_space<vmem>> -> memref<25x80xi32, #tpu.memory_space<vmem>>
    %dma_start3A_42 = arith.constant 0 : i32
    %dma_start3A_43 = arith.constant 0 : i32
    %dma_start3A_44 = tpu.memref_slice %arg2[%dma_start3A_23, %add3A, %dma_start3A_24, %dma_start3A_42, %dma_start3A_43] : memref<2x32x5x25x80xi32, #tpu.memory_space<hbm>> -> memref<1x1x1x25x80xi32, #tpu.memory_space<hbm>>
    %dma_start3A_45 = tpu.memref_squeeze %dma_start3A_44 : memref<1x1x1x25x80xi32, #tpu.memory_space<hbm>> -> memref<25x80xi32, #tpu.memory_space<hbm>>
    tpu.enqueue_dma source(%dma_start3A_45 : memref<25x80xi32, #tpu.memory_space<hbm>>) target(%dma_start3A_41 : memref<25x80xi32, #tpu.memory_space<vmem>>) target_semaphore(%dma_start3A_37 : memref<!tpu.dma_semaphore, #tpu.memory_space<semaphore_mem>>)
    %dma_wait3A = arith.constant 0 : i32
    %dma_wait3A_46 = arith.constant 0 : i32
    %dma_wait3A_47 = arith.constant 0 : i32
    %dma_wait3A_48 = arith.constant 0 : i32
    %dma_wait3A_49 = arith.constant 0 : i32
    %dma_wait3A_50 = arith.constant 0 : i32
    %dma_wait3A_51 = arith.constant 0 : i32
    %dma_wait3A_52 = tpu.memref_slice %arg5[%dma_wait3A_47, %dma_wait3A_48, %dma_wait3A_50, %dma_wait3A_51] : memref<2x2x25x80xi32, #tpu.memory_space<vmem>> -> memref<1x1x25x80xi32, #tpu.memory_space<vmem>>
    %dma_wait3A_53 = tpu.memref_squeeze %dma_wait3A_52 : memref<1x1x25x80xi32, #tpu.memory_space<vmem>> -> memref<25x80xi32, #tpu.memory_space<vmem>>
    %dma_wait3A_54 = arith.constant 0 : i32
    %dma_wait3A_55 = arith.constant 0 : i32
    %dma_wait3A_56 = tpu.memref_slice %arg2[%dma_wait3A, %add3A, %dma_wait3A_46, %dma_wait3A_54, %dma_wait3A_55] : memref<2x32x5x25x80xi32, #tpu.memory_space<hbm>> -> memref<1x1x1x25x80xi32, #tpu.memory_space<hbm>>
    %dma_wait3A_57 = tpu.memref_squeeze %dma_wait3A_56 : memref<1x1x1x25x80xi32, #tpu.memory_space<hbm>> -> memref<25x80xi32, #tpu.memory_space<hbm>>
    %dma_wait3A_58 = tpu.memref_slice %arg10[%dma_wait3A_49] : memref<2x!tpu.dma_semaphore, #tpu.memory_space<semaphore_mem>> -> memref<1x!tpu.dma_semaphore, #tpu.memory_space<semaphore_mem>>
    %dma_wait3A_59 = tpu.memref_squeeze %dma_wait3A_58 : memref<1x!tpu.dma_semaphore, #tpu.memory_space<semaphore_mem>> -> memref<!tpu.dma_semaphore, #tpu.memory_space<semaphore_mem>>
    %dma_wait3A_60 = arith.constant 0 : i32
    %dma_wait3A_61 = arith.constant 0 : i32
    %dma_wait3A_62 = tpu.memref_slice %arg5[%dma_wait3A_47, %dma_wait3A_48, %dma_wait3A_60, %dma_wait3A_61] : memref<2x2x25x80xi32, #tpu.memory_space<vmem>> -> memref<1x1x25x80xi32, #tpu.memory_space<vmem>>
    %dma_wait3A_63 = tpu.memref_squeeze %dma_wait3A_62 : memref<1x1x25x80xi32, #tpu.memory_space<vmem>> -> memref<25x80xi32, #tpu.memory_space<vmem>>
    %dma_wait3A_64 = arith.constant 0 : i32
    %dma_wait3A_65 = arith.constant 0 : i32
    %dma_wait3A_66 = tpu.memref_slice %arg2[%dma_wait3A, %add3A, %dma_wait3A_46, %dma_wait3A_64, %dma_wait3A_65] : memref<2x32x5x25x80xi32, #tpu.memory_space<hbm>> -> memref<1x1x1x25x80xi32, #tpu.memory_space<hbm>>
    %dma_wait3A_67 = tpu.memref_squeeze %dma_wait3A_66 : memref<1x1x1x25x80xi32, #tpu.memory_space<hbm>> -> memref<25x80xi32, #tpu.memory_space<hbm>>
    tpu.wait_dma2 semaphore(%dma_wait3A_59 : memref<!tpu.dma_semaphore, #tpu.memory_space<semaphore_mem>>) src(%dma_wait3A_67 : memref<25x80xi32, #tpu.memory_space<hbm>>) dst(%dma_wait3A_63 : memref<25x80xi32, #tpu.memory_space<vmem>>)
    %dma_wait3A_68 = arith.constant 0 : i32
    %dma_wait3A_69 = arith.constant 0 : i32
    %dma_wait3A_70 = arith.constant 0 : i32
    %dma_wait3A_71 = arith.constant 1 : i32
    %dma_wait3A_72 = arith.constant 0 : i32
    %dma_wait3A_73 = arith.constant 0 : i32
    %dma_wait3A_74 = arith.constant 0 : i32
    %dma_wait3A_75 = tpu.memref_slice %arg5[%dma_wait3A_70, %dma_wait3A_71, %dma_wait3A_73, %dma_wait3A_74] : memref<2x2x25x80xi32, #tpu.memory_space<vmem>> -> memref<1x1x25x80xi32, #tpu.memory_space<vmem>>
    %dma_wait3A_76 = tpu.memref_squeeze %dma_wait3A_75 : memref<1x1x25x80xi32, #tpu.memory_space<vmem>> -> memref<25x80xi32, #tpu.memory_space<vmem>>
    %dma_wait3A_77 = arith.constant 0 : i32
    %dma_wait3A_78 = arith.constant 0 : i32
    %dma_wait3A_79 = tpu.memref_slice %arg2[%dma_wait3A_68, %add3A, %dma_wait3A_69, %dma_wait3A_77, %dma_wait3A_78] : memref<2x32x5x25x80xi32, #tpu.memory_space<hbm>> -> memref<1x1x1x25x80xi32, #tpu.memory_space<hbm>>
    %dma_wait3A_80 = tpu.memref_squeeze %dma_wait3A_79 : memref<1x1x1x25x80xi32, #tpu.memory_space<hbm>> -> memref<25x80xi32, #tpu.memory_space<hbm>>
    %dma_wait3A_81 = tpu.memref_slice %arg10[%dma_wait3A_72] : memref<2x!tpu.dma_semaphore, #tpu.memory_space<semaphore_mem>> -> memref<1x!tpu.dma_semaphore, #tpu.memory_space<semaphore_mem>>
    %dma_wait3A_82 = tpu.memref_squeeze %dma_wait3A_81 : memref<1x!tpu.dma_semaphore, #tpu.memory_space<semaphore_mem>> -> memref<!tpu.dma_semaphore, #tpu.memory_space<semaphore_mem>>
    %dma_wait3A_83 = arith.constant 0 : i32
    %dma_wait3A_84 = arith.constant 0 : i32
    %dma_wait3A_85 = tpu.memref_slice %arg5[%dma_wait3A_70, %dma_wait3A_71, %dma_wait3A_83, %dma_wait3A_84] : memref<2x2x25x80xi32, #tpu.memory_space<vmem>> -> memref<1x1x25x80xi32, #tpu.memory_space<vmem>>
    %dma_wait3A_86 = tpu.memref_squeeze %dma_wait3A_85 : memref<1x1x25x80xi32, #tpu.memory_space<vmem>> -> memref<25x80xi32, #tpu.memory_space<vmem>>
    %dma_wait3A_87 = arith.constant 0 : i32
    %dma_wait3A_88 = arith.constant 0 : i32
    %dma_wait3A_89 = tpu.memref_slice %arg2[%dma_wait3A_68, %add3A, %dma_wait3A_69, %dma_wait3A_87, %dma_wait3A_88] : memref<2x32x5x25x80xi32, #tpu.memory_space<hbm>> -> memref<1x1x1x25x80xi32, #tpu.memory_space<hbm>>
    %dma_wait3A_90 = tpu.memref_squeeze %dma_wait3A_89 : memref<1x1x1x25x80xi32, #tpu.memory_space<hbm>> -> memref<25x80xi32, #tpu.memory_space<hbm>>
    tpu.wait_dma2 semaphore(%dma_wait3A_82 : memref<!tpu.dma_semaphore, #tpu.memory_space<semaphore_mem>>) src(%dma_wait3A_90 : memref<25x80xi32, #tpu.memory_space<hbm>>) dst(%dma_wait3A_86 : memref<25x80xi32, #tpu.memory_space<vmem>>)
    %dma_start3A_91 = arith.constant 0 : i32
    %dma_start3A_92 = arith.constant 0 : i32
    %dma_start3A_93 = arith.constant 1 : i32
    %dma_start3A_94 = arith.constant 1 : i32
    %dma_start3A_95 = arith.constant 1 : i32
    %dma_start3A_96 = arith.constant 0 : i32
    %dma_start3A_97 = arith.constant 0 : i32
    %dma_start3A_98 = tpu.memref_slice %arg6[%dma_start3A_94, %dma_start3A_96, %dma_start3A_97] : memref<3x80x128xf32, #tpu.memory_space<vmem>> -> memref<1x80x128xf32, #tpu.memory_space<vmem>>
    %dma_start3A_99 = tpu.memref_squeeze %dma_start3A_98 : memref<1x80x128xf32, #tpu.memory_space<vmem>> -> memref<80x128xf32, #tpu.memory_space<vmem>>
    %dma_start3A_100 = arith.constant 0 : i32
    %dma_start3A_101 = tpu.memref_slice %arg5[%dma_start3A_91, %dma_start3A_92, %dma_start3A_93, %dma_start3A_100] : memref<2x2x25x80xi32, #tpu.memory_space<vmem>> -> memref<1x1x1x80xi32, #tpu.memory_space<vmem>>
    %dma_start3A_102 = tpu.memref_squeeze %dma_start3A_101 : memref<1x1x1x80xi32, #tpu.memory_space<vmem>> -> memref<80xi32, #tpu.memory_space<vmem>>
    %dma_start3A_103 = arith.constant 0 : i32
    %dma_start3A_104 = arith.constant 0 : i32
    %dma_start3A_105 = tpu.memref_slice %arg3[%dma_start3A_103, %dma_start3A_104] : memref<10000x128xf32, #tpu.memory_space<hbm>> -> memref<10000x128xf32, #tpu.memory_space<hbm>>
    %dma_start3A_106 = tpu.memref_slice %arg8[%dma_start3A_95] : memref<3x!tpu.dma_semaphore, #tpu.memory_space<semaphore_mem>> -> memref<1x!tpu.dma_semaphore, #tpu.memory_space<semaphore_mem>>
    %dma_start3A_107 = tpu.memref_squeeze %dma_start3A_106 : memref<1x!tpu.dma_semaphore, #tpu.memory_space<semaphore_mem>> -> memref<!tpu.dma_semaphore, #tpu.memory_space<semaphore_mem>>
    tpu.enqueue_indirect_dma source(%dma_start3A_105 : memref<10000x128xf32, #tpu.memory_space<hbm>>) target(%dma_start3A_99 : memref<80x128xf32, #tpu.memory_space<vmem>>) offsets(%dma_start3A_102 : memref<80xi32, #tpu.memory_space<vmem>>) semaphore(%dma_start3A_107 : memref<!tpu.dma_semaphore, #tpu.memory_space<semaphore_mem>>)
    %dma_start3A_108 = arith.constant 0 : i32
    %dma_start3A_109 = arith.constant 0 : i32
    %dma_start3A_110 = arith.constant 2 : i32
    %dma_start3A_111 = arith.constant 2 : i32
    %dma_start3A_112 = arith.constant 2 : i32
    %dma_start3A_113 = arith.constant 0 : i32
    %dma_start3A_114 = arith.constant 0 : i32
    %dma_start3A_115 = tpu.memref_slice %arg6[%dma_start3A_111, %dma_start3A_113, %dma_start3A_114] : memref<3x80x128xf32, #tpu.memory_space<vmem>> -> memref<1x80x128xf32, #tpu.memory_space<vmem>>
    %dma_start3A_116 = tpu.memref_squeeze %dma_start3A_115 : memref<1x80x128xf32, #tpu.memory_space<vmem>> -> memref<80x128xf32, #tpu.memory_space<vmem>>
    %dma_start3A_117 = arith.constant 0 : i32
    %dma_start3A_118 = tpu.memref_slice %arg5[%dma_start3A_108, %dma_start3A_109, %dma_start3A_110, %dma_start3A_117] : memref<2x2x25x80xi32, #tpu.memory_space<vmem>> -> memref<1x1x1x80xi32, #tpu.memory_space<vmem>>
    %dma_start3A_119 = tpu.memref_squeeze %dma_start3A_118 : memref<1x1x1x80xi32, #tpu.memory_space<vmem>> -> memref<80xi32, #tpu.memory_space<vmem>>
    %dma_start3A_120 = arith.constant 0 : i32
    %dma_start3A_121 = arith.constant 0 : i32
    %dma_start3A_122 = tpu.memref_slice %arg3[%dma_start3A_120, %dma_start3A_121] : memref<10000x128xf32, #tpu.memory_space<hbm>> -> memref<10000x128xf32, #tpu.memory_space<hbm>>
    %dma_start3A_123 = tpu.memref_slice %arg8[%dma_start3A_112] : memref<3x!tpu.dma_semaphore, #tpu.memory_space<semaphore_mem>> -> memref<1x!tpu.dma_semaphore, #tpu.memory_space<semaphore_mem>>
    %dma_start3A_124 = tpu.memref_squeeze %dma_start3A_123 : memref<1x!tpu.dma_semaphore, #tpu.memory_space<semaphore_mem>> -> memref<!tpu.dma_semaphore, #tpu.memory_space<semaphore_mem>>
    tpu.enqueue_indirect_dma source(%dma_start3A_122 : memref<10000x128xf32, #tpu.memory_space<hbm>>) target(%dma_start3A_116 : memref<80x128xf32, #tpu.memory_space<vmem>>) offsets(%dma_start3A_119 : memref<80xi32, #tpu.memory_space<vmem>>) semaphore(%dma_start3A_124 : memref<!tpu.dma_semaphore, #tpu.memory_space<semaphore_mem>>)
    %dma_start3A_125 = arith.constant 0 : i32
    %dma_start3A_126 = arith.constant 1 : i32
    %dma_start3A_127 = arith.constant 1 : i32
    %dma_start3A_128 = arith.constant 0 : i32
    %dma_start3A_129 = arith.constant 1 : i32
    %dma_start3A_130 = arith.constant 0 : i32
    %dma_start3A_131 = arith.constant 0 : i32
    %dma_start3A_132 = tpu.memref_slice %arg5[%dma_start3A_127, %dma_start3A_128, %dma_start3A_130, %dma_start3A_131] : memref<2x2x25x80xi32, #tpu.memory_space<vmem>> -> memref<1x1x25x80xi32, #tpu.memory_space<vmem>>
    %dma_start3A_133 = tpu.memref_squeeze %dma_start3A_132 : memref<1x1x25x80xi32, #tpu.memory_space<vmem>> -> memref<25x80xi32, #tpu.memory_space<vmem>>
    %dma_start3A_134 = arith.constant 0 : i32
    %dma_start3A_135 = arith.constant 0 : i32
    %dma_start3A_136 = tpu.memref_slice %arg2[%dma_start3A_125, %add3A, %dma_start3A_126, %dma_start3A_134, %dma_start3A_135] : memref<2x32x5x25x80xi32, #tpu.memory_space<hbm>> -> memref<1x1x1x25x80xi32, #tpu.memory_space<hbm>>
    %dma_start3A_137 = tpu.memref_squeeze %dma_start3A_136 : memref<1x1x1x25x80xi32, #tpu.memory_space<hbm>> -> memref<25x80xi32, #tpu.memory_space<hbm>>
    %dma_start3A_138 = tpu.memref_slice %arg10[%dma_start3A_129] : memref<2x!tpu.dma_semaphore, #tpu.memory_space<semaphore_mem>> -> memref<1x!tpu.dma_semaphore, #tpu.memory_space<semaphore_mem>>
    %dma_start3A_139 = tpu.memref_squeeze %dma_start3A_138 : memref<1x!tpu.dma_semaphore, #tpu.memory_space<semaphore_mem>> -> memref<!tpu.dma_semaphore, #tpu.memory_space<semaphore_mem>>
    %dma_start3A_140 = arith.constant 0 : i32
    %dma_start3A_141 = arith.constant 0 : i32
    %dma_start3A_142 = tpu.memref_slice %arg5[%dma_start3A_127, %dma_start3A_128, %dma_start3A_140, %dma_start3A_141] : memref<2x2x25x80xi32, #tpu.memory_space<vmem>> -> memref<1x1x25x80xi32, #tpu.memory_space<vmem>>
    %dma_start3A_143 = tpu.memref_squeeze %dma_start3A_142 : memref<1x1x25x80xi32, #tpu.memory_space<vmem>> -> memref<25x80xi32, #tpu.memory_space<vmem>>
    %dma_start3A_144 = arith.constant 0 : i32
    %dma_start3A_145 = arith.constant 0 : i32
    %dma_start3A_146 = tpu.memref_slice %arg2[%dma_start3A_125, %add3A, %dma_start3A_126, %dma_start3A_144, %dma_start3A_145] : memref<2x32x5x25x80xi32, #tpu.memory_space<hbm>> -> memref<1x1x1x25x80xi32, #tpu.memory_space<hbm>>
    %dma_start3A_147 = tpu.memref_squeeze %dma_start3A_146 : memref<1x1x1x25x80xi32, #tpu.memory_space<hbm>> -> memref<25x80xi32, #tpu.memory_space<hbm>>
    tpu.enqueue_dma source(%dma_start3A_147 : memref<25x80xi32, #tpu.memory_space<hbm>>) target(%dma_start3A_143 : memref<25x80xi32, #tpu.memory_space<vmem>>) target_semaphore(%dma_start3A_139 : memref<!tpu.dma_semaphore, #tpu.memory_space<semaphore_mem>>)
    %dma_start3A_148 = arith.constant 1 : i32
    %dma_start3A_149 = arith.constant 1 : i32
    %dma_start3A_150 = arith.constant 1 : i32
    %dma_start3A_151 = arith.constant 1 : i32
    %dma_start3A_152 = arith.constant 1 : i32
    %dma_start3A_153 = arith.constant 0 : i32
    %dma_start3A_154 = arith.constant 0 : i32
    %dma_start3A_155 = tpu.memref_slice %arg5[%dma_start3A_150, %dma_start3A_151, %dma_start3A_153, %dma_start3A_154] : memref<2x2x25x80xi32, #tpu.memory_space<vmem>> -> memref<1x1x25x80xi32, #tpu.memory_space<vmem>>
    %dma_start3A_156 = tpu.memref_squeeze %dma_start3A_155 : memref<1x1x25x80xi32, #tpu.memory_space<vmem>> -> memref<25x80xi32, #tpu.memory_space<vmem>>
    %dma_start3A_157 = arith.constant 0 : i32
    %dma_start3A_158 = arith.constant 0 : i32
    %dma_start3A_159 = tpu.memref_slice %arg2[%dma_start3A_148, %add3A, %dma_start3A_149, %dma_start3A_157, %dma_start3A_158] : memref<2x32x5x25x80xi32, #tpu.memory_space<hbm>> -> memref<1x1x1x25x80xi32, #tpu.memory_space<hbm>>
    %dma_start3A_160 = tpu.memref_squeeze %dma_start3A_159 : memref<1x1x1x25x80xi32, #tpu.memory_space<hbm>> -> memref<25x80xi32, #tpu.memory_space<hbm>>
    %dma_start3A_161 = tpu.memref_slice %arg10[%dma_start3A_152] : memref<2x!tpu.dma_semaphore, #tpu.memory_space<semaphore_mem>> -> memref<1x!tpu.dma_semaphore, #tpu.memory_space<semaphore_mem>>
    %dma_start3A_162 = tpu.memref_squeeze %dma_start3A_161 : memref<1x!tpu.dma_semaphore, #tpu.memory_space<semaphore_mem>> -> memref<!tpu.dma_semaphore, #tpu.memory_space<semaphore_mem>>
    %dma_start3A_163 = arith.constant 0 : i32
    %dma_start3A_164 = arith.constant 0 : i32
    %dma_start3A_165 = tpu.memref_slice %arg5[%dma_start3A_150, %dma_start3A_151, %dma_start3A_163, %dma_start3A_164] : memref<2x2x25x80xi32, #tpu.memory_space<vmem>> -> memref<1x1x25x80xi32, #tpu.memory_space<vmem>>
    %dma_start3A_166 = tpu.memref_squeeze %dma_start3A_165 : memref<1x1x25x80xi32, #tpu.memory_space<vmem>> -> memref<25x80xi32, #tpu.memory_space<vmem>>
    %dma_start3A_167 = arith.constant 0 : i32
    %dma_start3A_168 = arith.constant 0 : i32
    %dma_start3A_169 = tpu.memref_slice %arg2[%dma_start3A_148, %add3A, %dma_start3A_149, %dma_start3A_167, %dma_start3A_168] : memref<2x32x5x25x80xi32, #tpu.memory_space<hbm>> -> memref<1x1x1x25x80xi32, #tpu.memory_space<hbm>>
    %dma_start3A_170 = tpu.memref_squeeze %dma_start3A_169 : memref<1x1x1x25x80xi32, #tpu.memory_space<hbm>> -> memref<25x80xi32, #tpu.memory_space<hbm>>
    tpu.enqueue_dma source(%dma_start3A_170 : memref<25x80xi32, #tpu.memory_space<hbm>>) target(%dma_start3A_166 : memref<25x80xi32, #tpu.memory_space<vmem>>) target_semaphore(%dma_start3A_162 : memref<!tpu.dma_semaphore, #tpu.memory_space<semaphore_mem>>)
    %broadcast_in_dim3A = arith.constant 0.000000e+00 : f32
    %broadcast_in_dim3A_171 = vector.broadcast %broadcast_in_dim3A : f32 to vector<16xf32>
    %scan3A = arith.constant 0 : i32
    %scan3A_172 = arith.constant 0 : i32
    %scan3A_173 = arith.constant 80 : i32
    %scan3A_174 = arith.addi %scan3A_172, %scan3A_173 : i32
    %scan3A_175 = arith.constant 1 : i32
    scf.for %scan3A_1899 = %scan3A_172 to %scan3A_174 step %scan3A_175  : i32 {
      %swap3A = arith.constant 0 : i32
      %swap3A_1900 = arith.index_cast %swap3A : i32 to index
      %swap3A_1901 = arith.index_cast %scan3A_1899 : i32 to index
      %swap3A_1902 = arith.constant 0 : index
      %swap3A_1903 = tpu.vector_load %arg6[%swap3A_1900, %swap3A_1901, %swap3A_1902] {strides = array<i32>} : memref<3x80x128xf32, #tpu.memory_space<vmem>>, vector<1x1x16xf32>,
      %swap3A_1904 = vector.shape_cast %swap3A_1903 : vector<1x1x16xf32> to vector<16xf32>
      %swap3A_1905 = vector.shape_cast %broadcast_in_dim3A_171 : vector<16xf32> to vector<1x1x16xf32>
      tpu.vector_store %arg6[%swap3A_1900, %swap3A_1901, %swap3A_1902], %swap3A_1905 {strides = array<i32>} : memref<3x80x128xf32, #tpu.memory_space<vmem>>, vector<1x1x16xf32>,
      %swap3A_1906 = arith.constant 0 : i32
      %swap3A_1907 = arith.index_cast %swap3A_1906 : i32 to index
      %swap3A_1908 = arith.index_cast %scan3A_1899 : i32 to index
      %swap3A_1909 = arith.constant 16 : index
      %swap3A_1910 = tpu.vector_load %arg6[%swap3A_1907, %swap3A_1908, %swap3A_1909] {strides = array<i32>} : memref<3x80x128xf32, #tpu.memory_space<vmem>>, vector<1x1x16xf32>,
      %swap3A_1911 = vector.shape_cast %swap3A_1910 : vector<1x1x16xf32> to vector<16xf32>
      %swap3A_1912 = vector.shape_cast %broadcast_in_dim3A_171 : vector<16xf32> to vector<1x1x16xf32>
      tpu.vector_store %arg6[%swap3A_1907, %swap3A_1908, %swap3A_1909], %swap3A_1912 {strides = array<i32>} : memref<3x80x128xf32, #tpu.memory_space<vmem>>, vector<1x1x16xf32>,
      %swap3A_1913 = arith.constant 0 : i32
      %swap3A_1914 = arith.index_cast %swap3A_1913 : i32 to index
      %swap3A_1915 = arith.index_cast %scan3A_1899 : i32 to index
      %swap3A_1916 = arith.constant 32 : index
      %swap3A_1917 = tpu.vector_load %arg6[%swap3A_1914, %swap3A_1915, %swap3A_1916] {strides = array<i32>} : memref<3x80x128xf32, #tpu.memory_space<vmem>>, vector<1x1x16xf32>,
      %swap3A_1918 = vector.shape_cast %swap3A_1917 : vector<1x1x16xf32> to vector<16xf32>
      %swap3A_1919 = vector.shape_cast %broadcast_in_dim3A_171 : vector<16xf32> to vector<1x1x16xf32>
      tpu.vector_store %arg6[%swap3A_1914, %swap3A_1915, %swap3A_1916], %swap3A_1919 {strides = array<i32>} : memref<3x80x128xf32, #tpu.memory_space<vmem>>, vector<1x1x16xf32>,
      %swap3A_1920 = arith.constant 0 : i32
      %swap3A_1921 = arith.index_cast %swap3A_1920 : i32 to index
      %swap3A_1922 = arith.index_cast %scan3A_1899 : i32 to index
      %swap3A_1923 = arith.constant 48 : index
      %swap3A_1924 = tpu.vector_load %arg6[%swap3A_1921, %swap3A_1922, %swap3A_1923] {strides = array<i32>} : memref<3x80x128xf32, #tpu.memory_space<vmem>>, vector<1x1x16xf32>,
      %swap3A_1925 = vector.shape_cast %swap3A_1924 : vector<1x1x16xf32> to vector<16xf32>
      %swap3A_1926 = vector.shape_cast %broadcast_in_dim3A_171 : vector<16xf32> to vector<1x1x16xf32>
      tpu.vector_store %arg6[%swap3A_1921, %swap3A_1922, %swap3A_1923], %swap3A_1926 {strides = array<i32>} : memref<3x80x128xf32, #tpu.memory_space<vmem>>, vector<1x1x16xf32>,
      %swap3A_1927 = arith.constant 0 : i32
      %swap3A_1928 = arith.index_cast %swap3A_1927 : i32 to index
      %swap3A_1929 = arith.index_cast %scan3A_1899 : i32 to index
      %swap3A_1930 = arith.constant 64 : index
      %swap3A_1931 = tpu.vector_load %arg6[%swap3A_1928, %swap3A_1929, %swap3A_1930] {strides = array<i32>} : memref<3x80x128xf32, #tpu.memory_space<vmem>>, vector<1x1x16xf32>,
      %swap3A_1932 = vector.shape_cast %swap3A_1931 : vector<1x1x16xf32> to vector<16xf32>
      %swap3A_1933 = vector.shape_cast %broadcast_in_dim3A_171 : vector<16xf32> to vector<1x1x16xf32>
      tpu.vector_store %arg6[%swap3A_1928, %swap3A_1929, %swap3A_1930], %swap3A_1933 {strides = array<i32>} : memref<3x80x128xf32, #tpu.memory_space<vmem>>, vector<1x1x16xf32>,
      %swap3A_1934 = arith.constant 0 : i32
      %swap3A_1935 = arith.index_cast %swap3A_1934 : i32 to index
      %swap3A_1936 = arith.index_cast %scan3A_1899 : i32 to index
      %swap3A_1937 = arith.constant 80 : index
      %swap3A_1938 = tpu.vector_load %arg6[%swap3A_1935, %swap3A_1936, %swap3A_1937] {strides = array<i32>} : memref<3x80x128xf32, #tpu.memory_space<vmem>>, vector<1x1x16xf32>,
      %swap3A_1939 = vector.shape_cast %swap3A_1938 : vector<1x1x16xf32> to vector<16xf32>
      %swap3A_1940 = vector.shape_cast %broadcast_in_dim3A_171 : vector<16xf32> to vector<1x1x16xf32>
      tpu.vector_store %arg6[%swap3A_1935, %swap3A_1936, %swap3A_1937], %swap3A_1940 {strides = array<i32>} : memref<3x80x128xf32, #tpu.memory_space<vmem>>, vector<1x1x16xf32>,
      %swap3A_1941 = arith.constant 0 : i32
      %swap3A_1942 = arith.index_cast %swap3A_1941 : i32 to index
      %swap3A_1943 = arith.index_cast %scan3A_1899 : i32 to index
      %swap3A_1944 = arith.constant 96 : index
      %swap3A_1945 = tpu.vector_load %arg6[%swap3A_1942, %swap3A_1943, %swap3A_1944] {strides = array<i32>} : memref<3x80x128xf32, #tpu.memory_space<vmem>>, vector<1x1x16xf32>,
      %swap3A_1946 = vector.shape_cast %swap3A_1945 : vector<1x1x16xf32> to vector<16xf32>
      %swap3A_1947 = vector.shape_cast %broadcast_in_dim3A_171 : vector<16xf32> to vector<1x1x16xf32>
      tpu.vector_store %arg6[%swap3A_1942, %swap3A_1943, %swap3A_1944], %swap3A_1947 {strides = array<i32>} : memref<3x80x128xf32, #tpu.memory_space<vmem>>, vector<1x1x16xf32>,
      %swap3A_1948 = arith.constant 0 : i32
      %swap3A_1949 = arith.index_cast %swap3A_1948 : i32 to index
      %swap3A_1950 = arith.index_cast %scan3A_1899 : i32 to index
      %swap3A_1951 = arith.constant 112 : index
      %swap3A_1952 = tpu.vector_load %arg6[%swap3A_1949, %swap3A_1950, %swap3A_1951] {strides = array<i32>} : memref<3x80x128xf32, #tpu.memory_space<vmem>>, vector<1x1x16xf32>,
      %swap3A_1953 = vector.shape_cast %swap3A_1952 : vector<1x1x16xf32> to vector<16xf32>
      %swap3A_1954 = vector.shape_cast %broadcast_in_dim3A_171 : vector<16xf32> to vector<1x1x16xf32>
      tpu.vector_store %arg6[%swap3A_1949, %swap3A_1950, %swap3A_1951], %swap3A_1954 {strides = array<i32>} : memref<3x80x128xf32, #tpu.memory_space<vmem>>, vector<1x1x16xf32>,
    }
    %scan3A_176 = arith.constant 80 : i32
    %mul3A_177 = arith.constant 632 : i32
    %mul3A_178 = arith.muli %arg1, %mul3A_177 : i32
    %add3A_179 = arith.constant 0 : i32
    %add3A_180 = arith.addi %mul3A_178, %add3A_179 : i32
    %run_scoped3A = arith.constant 0 : i32
    "tpu.region"() ({
      %run_scoped3A_1899 = tpu.sem_alloc : memref<!tpu.dma_semaphore, #tpu.memory_space<semaphore_mem>>
      %dma_start3A_1900 = arith.constant 0 : i32
      %dma_start3A_1901 = arith.constant 0 : i32
      %dma_start3A_1902 = tpu.memref_slice %arg6[%run_scoped3A, %dma_start3A_1900, %dma_start3A_1901] : memref<3x80x128xf32, #tpu.memory_space<vmem>> -> memref<1x80x128xf32, #tpu.memory_space<vmem>>
      %dma_start3A_1903 = tpu.memref_squeeze %dma_start3A_1902 : memref<1x80x128xf32, #tpu.memory_space<vmem>> -> memref<80x128xf32, #tpu.memory_space<vmem>>
      %dma_start3A_1904 = arith.constant 0 : i32
      %dma_start3A_1905 = tpu.memref_slice %arg7[%add3A_180, %dma_start3A_1904] : memref<10112x128xf32, #tpu.memory_space<vmem_shared>> -> memref<80x128xf32, #tpu.memory_space<vmem_shared>>
      %dma_start3A_1906 = arith.constant 0 : i32
      %dma_start3A_1907 = tpu.memref_slice %arg7[%add3A_180, %dma_start3A_1906] : memref<10112x128xf32, #tpu.memory_space<vmem_shared>> -> memref<80x128xf32, #tpu.memory_space<vmem_shared>>
      %dma_start3A_1908 = arith.constant 0 : i32
      %dma_start3A_1909 = arith.constant 0 : i32
      %dma_start3A_1910 = tpu.memref_slice %arg6[%run_scoped3A, %dma_start3A_1908, %dma_start3A_1909] : memref<3x80x128xf32, #tpu.memory_space<vmem>> -> memref<1x80x128xf32, #tpu.memory_space<vmem>>
      %dma_start3A_1911 = tpu.memref_squeeze %dma_start3A_1910 : memref<1x80x128xf32, #tpu.memory_space<vmem>> -> memref<80x128xf32, #tpu.memory_space<vmem>>
      tpu.enqueue_dma source(%dma_start3A_1911 : memref<80x128xf32, #tpu.memory_space<vmem>>) target(%dma_start3A_1907 : memref<80x128xf32, #tpu.memory_space<vmem_shared>>) target_semaphore(%run_scoped3A_1899 : memref<!tpu.dma_semaphore, #tpu.memory_space<semaphore_mem>>)
      %dma_wait3A_1912 = arith.constant 0 : i32
      %dma_wait3A_1913 = arith.constant 0 : i32
      %dma_wait3A_1914 = tpu.memref_slice %arg6[%run_scoped3A, %dma_wait3A_1912, %dma_wait3A_1913] : memref<3x80x128xf32, #tpu.memory_space<vmem>> -> memref<1x80x128xf32, #tpu.memory_space<vmem>>
      %dma_wait3A_1915 = tpu.memref_squeeze %dma_wait3A_1914 : memref<1x80x128xf32, #tpu.memory_space<vmem>> -> memref<80x128xf32, #tpu.memory_space<vmem>>
      %dma_wait3A_1916 = arith.constant 0 : i32
      %dma_wait3A_1917 = tpu.memref_slice %arg7[%add3A_180, %dma_wait3A_1916] : memref<10112x128xf32, #tpu.memory_space<vmem_shared>> -> memref<80x128xf32, #tpu.memory_space<vmem_shared>>
      %dma_wait3A_1918 = arith.constant 0 : i32
      %dma_wait3A_1919 = tpu.memref_slice %arg7[%add3A_180, %dma_wait3A_1918] : memref<10112x128xf32, #tpu.memory_space<vmem_shared>> -> memref<80x128xf32, #tpu.memory_space<vmem_shared>>
      %dma_wait3A_1920 = arith.constant 0 : i32
      %dma_wait3A_1921 = arith.constant 0 : i32
      %dma_wait3A_1922 = tpu.memref_slice %arg6[%run_scoped3A, %dma_wait3A_1920, %dma_wait3A_1921] : memref<3x80x128xf32, #tpu.memory_space<vmem>> -> memref<1x80x128xf32, #tpu.memory_space<vmem>>
      %dma_wait3A_1923 = tpu.memref_squeeze %dma_wait3A_1922 : memref<1x80x128xf32, #tpu.memory_space<vmem>> -> memref<80x128xf32, #tpu.memory_space<vmem>>
      tpu.wait_dma2 semaphore(%run_scoped3A_1899 : memref<!tpu.dma_semaphore, #tpu.memory_space<semaphore_mem>>) src(%dma_wait3A_1923 : memref<80x128xf32, #tpu.memory_space<vmem>>) dst(%dma_wait3A_1919 : memref<80x128xf32, #tpu.memory_space<vmem_shared>>)
      tpu.yield
    }) : () -> ()
    %mul3A_181 = arith.constant 632 : i32
    %mul3A_182 = arith.muli %arg1, %mul3A_181 : i32
    %add3A_183 = arith.constant 80 : i32
    %add3A_184 = arith.addi %mul3A_182, %add3A_183 : i32
    %run_scoped3A_185 = arith.constant 0 : i32
    "tpu.region"() ({
      %run_scoped3A_1899 = tpu.sem_alloc : memref<!tpu.dma_semaphore, #tpu.memory_space<semaphore_mem>>
      %dma_start3A_1900 = arith.constant 0 : i32
      %dma_start3A_1901 = arith.constant 0 : i32
      %dma_start3A_1902 = tpu.memref_slice %arg6[%run_scoped3A_185, %dma_start3A_1900, %dma_start3A_1901] : memref<3x80x128xf32, #tpu.memory_space<vmem>> -> memref<1x80x128xf32, #tpu.memory_space<vmem>>
      %dma_start3A_1903 = tpu.memref_squeeze %dma_start3A_1902 : memref<1x80x128xf32, #tpu.memory_space<vmem>> -> memref<80x128xf32, #tpu.memory_space<vmem>>
      %dma_start3A_1904 = arith.constant 0 : i32
      %dma_start3A_1905 = tpu.memref_slice %arg7[%add3A_184, %dma_start3A_1904] : memref<10112x128xf32, #tpu.memory_space<vmem_shared>> -> memref<80x128xf32, #tpu.memory_space<vmem_shared>>
      %dma_start3A_1906 = arith.constant 0 : i32
      %dma_start3A_1907 = tpu.memref_slice %arg7[%add3A_184, %dma_start3A_1906] : memref<10112x128xf32, #tpu.memory_space<vmem_shared>> -> memref<80x128xf32, #tpu.memory_space<vmem_shared>>
      %dma_start3A_1908 = arith.constant 0 : i32
      %dma_start3A_1909 = arith.constant 0 : i32
      %dma_start3A_1910 = tpu.memref_slice %arg6[%run_scoped3A_185, %dma_start3A_1908, %dma_start3A_1909] : memref<3x80x128xf32, #tpu.memory_space<vmem>> -> memref<1x80x128xf32, #tpu.memory_space<vmem>>
      %dma_start3A_1911 = tpu.memref_squeeze %dma_start3A_1910 : memref<1x80x128xf32, #tpu.memory_space<vmem>> -> memref<80x128xf32, #tpu.memory_space<vmem>>
      tpu.enqueue_dma source(%dma_start3A_1911 : memref<80x128xf32, #tpu.memory_space<vmem>>) target(%dma_start3A_1907 : memref<80x128xf32, #tpu.memory_space<vmem_shared>>) target_semaphore(%run_scoped3A_1899 : memref<!tpu.dma_semaphore, #tpu.memory_space<semaphore_mem>>)
      %dma_wait3A_1912 = arith.constant 0 : i32
      %dma_wait3A_1913 = arith.constant 0 : i32
      %dma_wait3A_1914 = tpu.memref_slice %arg6[%run_scoped3A_185, %dma_wait3A_1912, %dma_wait3A_1913] : memref<3x80x128xf32, #tpu.memory_space<vmem>> -> memref<1x80x128xf32, #tpu.memory_space<vmem>>
      %dma_wait3A_1915 = tpu.memref_squeeze %dma_wait3A_1914 : memref<1x80x128xf32, #tpu.memory_space<vmem>> -> memref<80x128xf32, #tpu.memory_space<vmem>>
      %dma_wait3A_1916 = arith.constant 0 : i32
      %dma_wait3A_1917 = tpu.memref_slice %arg7[%add3A_184, %dma_wait3A_1916] : memref<10112x128xf32, #tpu.memory_space<vmem_shared>> -> memref<80x128xf32, #tpu.memory_space<vmem_shared>>
      %dma_wait3A_1918 = arith.constant 0 : i32
      %dma_wait3A_1919 = tpu.memref_slice %arg7[%add3A_184, %dma_wait3A_1918] : memref<10112x128xf32, #tpu.memory_space<vmem_shared>> -> memref<80x128xf32, #tpu.memory_space<vmem_shared>>
      %dma_wait3A_1920 = arith.constant 0 : i32
      %dma_wait3A_1921 = arith.constant 0 : i32
      %dma_wait3A_1922 = tpu.memref_slice %arg6[%run_scoped3A_185, %dma_wait3A_1920, %dma_wait3A_1921] : memref<3x80x128xf32, #tpu.memory_space<vmem>> -> memref<1x80x128xf32, #tpu.memory_space<vmem>>
      %dma_wait3A_1923 = tpu.memref_squeeze %dma_wait3A_1922 : memref<1x80x128xf32, #tpu.memory_space<vmem>> -> memref<80x128xf32, #tpu.memory_space<vmem>>
      tpu.wait_dma2 semaphore(%run_scoped3A_1899 : memref<!tpu.dma_semaphore, #tpu.memory_space<semaphore_mem>>) src(%dma_wait3A_1923 : memref<80x128xf32, #tpu.memory_space<vmem>>) dst(%dma_wait3A_1919 : memref<80x128xf32, #tpu.memory_space<vmem_shared>>)
      tpu.yield
    }) : () -> ()
    %mul3A_186 = arith.constant 632 : i32
    %mul3A_187 = arith.muli %arg1, %mul3A_186 : i32
    %add3A_188 = arith.constant 160 : i32
    %add3A_189 = arith.addi %mul3A_187, %add3A_188 : i32
    %run_scoped3A_190 = arith.constant 0 : i32
    "tpu.region"() ({
      %run_scoped3A_1899 = tpu.sem_alloc : memref<!tpu.dma_semaphore, #tpu.memory_space<semaphore_mem>>
      %dma_start3A_1900 = arith.constant 0 : i32
      %dma_start3A_1901 = arith.constant 0 : i32
      %dma_start3A_1902 = tpu.memref_slice %arg6[%run_scoped3A_190, %dma_start3A_1900, %dma_start3A_1901] : memref<3x80x128xf32, #tpu.memory_space<vmem>> -> memref<1x80x128xf32, #tpu.memory_space<vmem>>
      %dma_start3A_1903 = tpu.memref_squeeze %dma_start3A_1902 : memref<1x80x128xf32, #tpu.memory_space<vmem>> -> memref<80x128xf32, #tpu.memory_space<vmem>>
      %dma_start3A_1904 = arith.constant 0 : i32
      %dma_start3A_1905 = tpu.memref_slice %arg7[%add3A_189, %dma_start3A_1904] : memref<10112x128xf32, #tpu.memory_space<vmem_shared>> -> memref<80x128xf32, #tpu.memory_space<vmem_shared>>
      %dma_start3A_1906 = arith.constant 0 : i32
      %dma_start3A_1907 = tpu.memref_slice %arg7[%add3A_189, %dma_start3A_1906] : memref<10112x128xf32, #tpu.memory_space<vmem_shared>> -> memref<80x128xf32, #tpu.memory_space<vmem_shared>>
      %dma_start3A_1908 = arith.constant 0 : i32
      %dma_start3A_1909 = arith.constant 0 : i32
      %dma_start3A_1910 = tpu.memref_slice %arg6[%run_scoped3A_190, %dma_start3A_1908, %dma_start3A_1909] : memref<3x80x128xf32, #tpu.memory_space<vmem>> -> memref<1x80x128xf32, #tpu.memory_space<vmem>>
      %dma_start3A_1911 = tpu.memref_squeeze %dma_start3A_1910 : memref<1x80x128xf32, #tpu.memory_space<vmem>> -> memref<80x128xf32, #tpu.memory_space<vmem>>
      tpu.enqueue_dma source(%dma_start3A_1911 : memref<80x128xf32, #tpu.memory_space<vmem>>) target(%dma_start3A_1907 : memref<80x128xf32, #tpu.memory_space<vmem_shared>>) target_semaphore(%run_scoped3A_1899 : memref<!tpu.dma_semaphore, #tpu.memory_space<semaphore_mem>>)
      %dma_wait3A_1912 = arith.constant 0 : i32
      %dma_wait3A_1913 = arith.constant 0 : i32
      %dma_wait3A_1914 = tpu.memref_slice %arg6[%run_scoped3A_190, %dma_wait3A_1912, %dma_wait3A_1913] : memref<3x80x128xf32, #tpu.memory_space<vmem>> -> memref<1x80x128xf32, #tpu.memory_space<vmem>>
      %dma_wait3A_1915 = tpu.memref_squeeze %dma_wait3A_1914 : memref<1x80x128xf32, #tpu.memory_space<vmem>> -> memref<80x128xf32, #tpu.memory_space<vmem>>
      %dma_wait3A_1916 = arith.constant 0 : i32
      %dma_wait3A_1917 = tpu.memref_slice %arg7[%add3A_189, %dma_wait3A_1916] : memref<10112x128xf32, #tpu.memory_space<vmem_shared>> -> memref<80x128xf32, #tpu.memory_space<vmem_shared>>
      %dma_wait3A_1918 = arith.constant 0 : i32
      %dma_wait3A_1919 = tpu.memref_slice %arg7[%add3A_189, %dma_wait3A_1918] : memref<10112x128xf32, #tpu.memory_space<vmem_shared>> -> memref<80x128xf32, #tpu.memory_space<vmem_shared>>
      %dma_wait3A_1920 = arith.constant 0 : i32
      %dma_wait3A_1921 = arith.constant 0 : i32
      %dma_wait3A_1922 = tpu.memref_slice %arg6[%run_scoped3A_190, %dma_wait3A_1920, %dma_wait3A_1921] : memref<3x80x128xf32, #tpu.memory_space<vmem>> -> memref<1x80x128xf32, #tpu.memory_space<vmem>>
      %dma_wait3A_1923 = tpu.memref_squeeze %dma_wait3A_1922 : memref<1x80x128xf32, #tpu.memory_space<vmem>> -> memref<80x128xf32, #tpu.memory_space<vmem>>
      tpu.wait_dma2 semaphore(%run_scoped3A_1899 : memref<!tpu.dma_semaphore, #tpu.memory_space<semaphore_mem>>) src(%dma_wait3A_1923 : memref<80x128xf32, #tpu.memory_space<vmem>>) dst(%dma_wait3A_1919 : memref<80x128xf32, #tpu.memory_space<vmem_shared>>)
      tpu.yield
    }) : () -> ()
    %mul3A_191 = arith.constant 632 : i32
    %mul3A_192 = arith.muli %arg1, %mul3A_191 : i32
    %add3A_193 = arith.constant 240 : i32
    %add3A_194 = arith.addi %mul3A_192, %add3A_193 : i32
    %run_scoped3A_195 = arith.constant 0 : i32
    "tpu.region"() ({
      %run_scoped3A_1899 = tpu.sem_alloc : memref<!tpu.dma_semaphore, #tpu.memory_space<semaphore_mem>>
      %dma_start3A_1900 = arith.constant 0 : i32
      %dma_start3A_1901 = arith.constant 0 : i32
      %dma_start3A_1902 = tpu.memref_slice %arg6[%run_scoped3A_195, %dma_start3A_1900, %dma_start3A_1901] : memref<3x80x128xf32, #tpu.memory_space<vmem>> -> memref<1x80x128xf32, #tpu.memory_space<vmem>>
      %dma_start3A_1903 = tpu.memref_squeeze %dma_start3A_1902 : memref<1x80x128xf32, #tpu.memory_space<vmem>> -> memref<80x128xf32, #tpu.memory_space<vmem>>
      %dma_start3A_1904 = arith.constant 0 : i32
      %dma_start3A_1905 = tpu.memref_slice %arg7[%add3A_194, %dma_start3A_1904] : memref<10112x128xf32, #tpu.memory_space<vmem_shared>> -> memref<80x128xf32, #tpu.memory_space<vmem_shared>>
      %dma_start3A_1906 = arith.constant 0 : i32
      %dma_start3A_1907 = tpu.memref_slice %arg7[%add3A_194, %dma_start3A_1906] : memref<10112x128xf32, #tpu.memory_space<vmem_shared>> -> memref<80x128xf32, #tpu.memory_space<vmem_shared>>
      %dma_start3A_1908 = arith.constant 0 : i32
      %dma_start3A_1909 = arith.constant 0 : i32
      %dma_start3A_1910 = tpu.memref_slice %arg6[%run_scoped3A_195, %dma_start3A_1908, %dma_start3A_1909] : memref<3x80x128xf32, #tpu.memory_space<vmem>> -> memref<1x80x128xf32, #tpu.memory_space<vmem>>
      %dma_start3A_1911 = tpu.memref_squeeze %dma_start3A_1910 : memref<1x80x128xf32, #tpu.memory_space<vmem>> -> memref<80x128xf32, #tpu.memory_space<vmem>>
      tpu.enqueue_dma source(%dma_start3A_1911 : memref<80x128xf32, #tpu.memory_space<vmem>>) target(%dma_start3A_1907 : memref<80x128xf32, #tpu.memory_space<vmem_shared>>) target_semaphore(%run_scoped3A_1899 : memref<!tpu.dma_semaphore, #tpu.memory_space<semaphore_mem>>)
      %dma_wait3A_1912 = arith.constant 0 : i32
      %dma_wait3A_1913 = arith.constant 0 : i32
      %dma_wait3A_1914 = tpu.memref_slice %arg6[%run_scoped3A_195, %dma_wait3A_1912, %dma_wait3A_1913] : memref<3x80x128xf32, #tpu.memory_space<vmem>> -> memref<1x80x128xf32, #tpu.memory_space<vmem>>
      %dma_wait3A_1915 = tpu.memref_squeeze %dma_wait3A_1914 : memref<1x80x128xf32, #tpu.memory_space<vmem>> -> memref<80x128xf32, #tpu.memory_space<vmem>>
      %dma_wait3A_1916 = arith.constant 0 : i32
      %dma_wait3A_1917 = tpu.memref_slice %arg7[%add3A_194, %dma_wait3A_1916] : memref<10112x128xf32, #tpu.memory_space<vmem_shared>> -> memref<80x128xf32, #tpu.memory_space<vmem_shared>>
      %dma_wait3A_1918 = arith.constant 0 : i32
      %dma_wait3A_1919 = tpu.memref_slice %arg7[%add3A_194, %dma_wait3A_1918] : memref<10112x128xf32, #tpu.memory_space<vmem_shared>> -> memref<80x128xf32, #tpu.memory_space<vmem_shared>>
      %dma_wait3A_1920 = arith.constant 0 : i32
      %dma_wait3A_1921 = arith.constant 0 : i32
      %dma_wait3A_1922 = tpu.memref_slice %arg6[%run_scoped3A_195, %dma_wait3A_1920, %dma_wait3A_1921] : memref<3x80x128xf32, #tpu.memory_space<vmem>> -> memref<1x80x128xf32, #tpu.memory_space<vmem>>
      %dma_wait3A_1923 = tpu.memref_squeeze %dma_wait3A_1922 : memref<1x80x128xf32, #tpu.memory_space<vmem>> -> memref<80x128xf32, #tpu.memory_space<vmem>>
      tpu.wait_dma2 semaphore(%run_scoped3A_1899 : memref<!tpu.dma_semaphore, #tpu.memory_space<semaphore_mem>>) src(%dma_wait3A_1923 : memref<80x128xf32, #tpu.memory_space<vmem>>) dst(%dma_wait3A_1919 : memref<80x128xf32, #tpu.memory_space<vmem_shared>>)
      tpu.yield
    }) : () -> ()
    %mul3A_196 = arith.constant 632 : i32
    %mul3A_197 = arith.muli %arg1, %mul3A_196 : i32
    %add3A_198 = arith.constant 320 : i32
    %add3A_199 = arith.addi %mul3A_197, %add3A_198 : i32
    %run_scoped3A_200 = arith.constant 0 : i32
    "tpu.region"() ({
      %run_scoped3A_1899 = tpu.sem_alloc : memref<!tpu.dma_semaphore, #tpu.memory_space<semaphore_mem>>
      %dma_start3A_1900 = arith.constant 0 : i32
      %dma_start3A_1901 = arith.constant 0 : i32
      %dma_start3A_1902 = tpu.memref_slice %arg6[%run_scoped3A_200, %dma_start3A_1900, %dma_start3A_1901] : memref<3x80x128xf32, #tpu.memory_space<vmem>> -> memref<1x80x128xf32, #tpu.memory_space<vmem>>
      %dma_start3A_1903 = tpu.memref_squeeze %dma_start3A_1902 : memref<1x80x128xf32, #tpu.memory_space<vmem>> -> memref<80x128xf32, #tpu.memory_space<vmem>>
      %dma_start3A_1904 = arith.constant 0 : i32
      %dma_start3A_1905 = tpu.memref_slice %arg7[%add3A_199, %dma_start3A_1904] : memref<10112x128xf32, #tpu.memory_space<vmem_shared>> -> memref<80x128xf32, #tpu.memory_space<vmem_shared>>
      %dma_start3A_1906 = arith.constant 0 : i32
      %dma_start3A_1907 = tpu.memref_slice %arg7[%add3A_199, %dma_start3A_1906] : memref<10112x128xf32, #tpu.memory_space<vmem_shared>> -> memref<80x128xf32, #tpu.memory_space<vmem_shared>>
      %dma_start3A_1908 = arith.constant 0 : i32
      %dma_start3A_1909 = arith.constant 0 : i32
      %dma_start3A_1910 = tpu.memref_slice %arg6[%run_scoped3A_200, %dma_start3A_1908, %dma_start3A_1909] : memref<3x80x128xf32, #tpu.memory_space<vmem>> -> memref<1x80x128xf32, #tpu.memory_space<vmem>>
      %dma_start3A_1911 = tpu.memref_squeeze %dma_start3A_1910 : memref<1x80x128xf32, #tpu.memory_space<vmem>> -> memref<80x128xf32, #tpu.memory_space<vmem>>
      tpu.enqueue_dma source(%dma_start3A_1911 : memref<80x128xf32, #tpu.memory_space<vmem>>) target(%dma_start3A_1907 : memref<80x128xf32, #tpu.memory_space<vmem_shared>>) target_semaphore(%run_scoped3A_1899 : memref<!tpu.dma_semaphore, #tpu.memory_space<semaphore_mem>>)
      %dma_wait3A_1912 = arith.constant 0 : i32
      %dma_wait3A_1913 = arith.constant 0 : i32
      %dma_wait3A_1914 = tpu.memref_slice %arg6[%run_scoped3A_200, %dma_wait3A_1912, %dma_wait3A_1913] : memref<3x80x128xf32, #tpu.memory_space<vmem>> -> memref<1x80x128xf32, #tpu.memory_space<vmem>>
      %dma_wait3A_1915 = tpu.memref_squeeze %dma_wait3A_1914 : memref<1x80x128xf32, #tpu.memory_space<vmem>> -> memref<80x128xf32, #tpu.memory_space<vmem>>
      %dma_wait3A_1916 = arith.constant 0 : i32
      %dma_wait3A_1917 = tpu.memref_slice %arg7[%add3A_199, %dma_wait3A_1916] : memref<10112x128xf32, #tpu.memory_space<vmem_shared>> -> memref<80x128xf32, #tpu.memory_space<vmem_shared>>
      %dma_wait3A_1918 = arith.constant 0 : i32
      %dma_wait3A_1919 = tpu.memref_slice %arg7[%add3A_199, %dma_wait3A_1918] : memref<10112x128xf32, #tpu.memory_space<vmem_shared>> -> memref<80x128xf32, #tpu.memory_space<vmem_shared>>
      %dma_wait3A_1920 = arith.constant 0 : i32
      %dma_wait3A_1921 = arith.constant 0 : i32
      %dma_wait3A_1922 = tpu.memref_slice %arg6[%run_scoped3A_200, %dma_wait3A_1920, %dma_wait3A_1921] : memref<3x80x128xf32, #tpu.memory_space<vmem>> -> memref<1x80x128xf32, #tpu.memory_space<vmem>>
      %dma_wait3A_1923 = tpu.memref_squeeze %dma_wait3A_1922 : memref<1x80x128xf32, #tpu.memory_space<vmem>> -> memref<80x128xf32, #tpu.memory_space<vmem>>
      tpu.wait_dma2 semaphore(%run_scoped3A_1899 : memref<!tpu.dma_semaphore, #tpu.memory_space<semaphore_mem>>) src(%dma_wait3A_1923 : memref<80x128xf32, #tpu.memory_space<vmem>>) dst(%dma_wait3A_1919 : memref<80x128xf32, #tpu.memory_space<vmem_shared>>)
      tpu.yield
    }) : () -> ()
    %mul3A_201 = arith.constant 632 : i32
    %mul3A_202 = arith.muli %arg1, %mul3A_201 : i32
    %add3A_203 = arith.constant 400 : i32
    %add3A_204 = arith.addi %mul3A_202, %add3A_203 : i32
    %run_scoped3A_205 = arith.constant 0 : i32
    "tpu.region"() ({
      %run_scoped3A_1899 = tpu.sem_alloc : memref<!tpu.dma_semaphore, #tpu.memory_space<semaphore_mem>>
      %dma_start3A_1900 = arith.constant 0 : i32
      %dma_start3A_1901 = arith.constant 0 : i32
      %dma_start3A_1902 = tpu.memref_slice %arg6[%run_scoped3A_205, %dma_start3A_1900, %dma_start3A_1901] : memref<3x80x128xf32, #tpu.memory_space<vmem>> -> memref<1x80x128xf32, #tpu.memory_space<vmem>>
      %dma_start3A_1903 = tpu.memref_squeeze %dma_start3A_1902 : memref<1x80x128xf32, #tpu.memory_space<vmem>> -> memref<80x128xf32, #tpu.memory_space<vmem>>
      %dma_start3A_1904 = arith.constant 0 : i32
      %dma_start3A_1905 = tpu.memref_slice %arg7[%add3A_204, %dma_start3A_1904] : memref<10112x128xf32, #tpu.memory_space<vmem_shared>> -> memref<80x128xf32, #tpu.memory_space<vmem_shared>>
      %dma_start3A_1906 = arith.constant 0 : i32
      %dma_start3A_1907 = tpu.memref_slice %arg7[%add3A_204, %dma_start3A_1906] : memref<10112x128xf32, #tpu.memory_space<vmem_shared>> -> memref<80x128xf32, #tpu.memory_space<vmem_shared>>
      %dma_start3A_1908 = arith.constant 0 : i32
      %dma_start3A_1909 = arith.constant 0 : i32
      %dma_start3A_1910 = tpu.memref_slice %arg6[%run_scoped3A_205, %dma_start3A_1908, %dma_start3A_1909] : memref<3x80x128xf32, #tpu.memory_space<vmem>> -> memref<1x80x128xf32, #tpu.memory_space<vmem>>
      %dma_start3A_1911 = tpu.memref_squeeze %dma_start3A_1910 : memref<1x80x128xf32, #tpu.memory_space<vmem>> -> memref<80x128xf32, #tpu.memory_space<vmem>>
      tpu.enqueue_dma source(%dma_start3A_1911 : memref<80x128xf32, #tpu.memory_space<vmem>>) target(%dma_start3A_1907 : memref<80x128xf32, #tpu.memory_space<vmem_shared>>) target_semaphore(%run_scoped3A_1899 : memref<!tpu.dma_semaphore, #tpu.memory_space<semaphore_mem>>)
      %dma_wait3A_1912 = arith.constant 0 : i32
      %dma_wait3A_1913 = arith.constant 0 : i32
      %dma_wait3A_1914 = tpu.memref_slice %arg6[%run_scoped3A_205, %dma_wait3A_1912, %dma_wait3A_1913] : memref<3x80x128xf32, #tpu.memory_space<vmem>> -> memref<1x80x128xf32, #tpu.memory_space<vmem>>
      %dma_wait3A_1915 = tpu.memref_squeeze %dma_wait3A_1914 : memref<1x80x128xf32, #tpu.memory_space<vmem>> -> memref<80x128xf32, #tpu.memory_space<vmem>>
      %dma_wait3A_1916 = arith.constant 0 : i32
      %dma_wait3A_1917 = tpu.memref_slice %arg7[%add3A_204, %dma_wait3A_1916] : memref<10112x128xf32, #tpu.memory_space<vmem_shared>> -> memref<80x128xf32, #tpu.memory_space<vmem_shared>>
      %dma_wait3A_1918 = arith.constant 0 : i32
      %dma_wait3A_1919 = tpu.memref_slice %arg7[%add3A_204, %dma_wait3A_1918] : memref<10112x128xf32, #tpu.memory_space<vmem_shared>> -> memref<80x128xf32, #tpu.memory_space<vmem_shared>>
      %dma_wait3A_1920 = arith.constant 0 : i32
      %dma_wait3A_1921 = arith.constant 0 : i32
      %dma_wait3A_1922 = tpu.memref_slice %arg6[%run_scoped3A_205, %dma_wait3A_1920, %dma_wait3A_1921] : memref<3x80x128xf32, #tpu.memory_space<vmem>> -> memref<1x80x128xf32, #tpu.memory_space<vmem>>
      %dma_wait3A_1923 = tpu.memref_squeeze %dma_wait3A_1922 : memref<1x80x128xf32, #tpu.memory_space<vmem>> -> memref<80x128xf32, #tpu.memory_space<vmem>>
      tpu.wait_dma2 semaphore(%run_scoped3A_1899 : memref<!tpu.dma_semaphore, #tpu.memory_space<semaphore_mem>>) src(%dma_wait3A_1923 : memref<80x128xf32, #tpu.memory_space<vmem>>) dst(%dma_wait3A_1919 : memref<80x128xf32, #tpu.memory_space<vmem_shared>>)
      tpu.yield
    }) : () -> ()
    %mul3A_206 = arith.constant 632 : i32
    %mul3A_207 = arith.muli %arg1, %mul3A_206 : i32
    %add3A_208 = arith.constant 480 : i32
    %add3A_209 = arith.addi %mul3A_207, %add3A_208 : i32
    %run_scoped3A_210 = arith.constant 0 : i32
    "tpu.region"() ({
      %run_scoped3A_1899 = tpu.sem_alloc : memref<!tpu.dma_semaphore, #tpu.memory_space<semaphore_mem>>
      %dma_start3A_1900 = arith.constant 0 : i32
      %dma_start3A_1901 = arith.constant 0 : i32
      %dma_start3A_1902 = tpu.memref_slice %arg6[%run_scoped3A_210, %dma_start3A_1900, %dma_start3A_1901] : memref<3x80x128xf32, #tpu.memory_space<vmem>> -> memref<1x80x128xf32, #tpu.memory_space<vmem>>
      %dma_start3A_1903 = tpu.memref_squeeze %dma_start3A_1902 : memref<1x80x128xf32, #tpu.memory_space<vmem>> -> memref<80x128xf32, #tpu.memory_space<vmem>>
      %dma_start3A_1904 = arith.constant 0 : i32
      %dma_start3A_1905 = tpu.memref_slice %arg7[%add3A_209, %dma_start3A_1904] : memref<10112x128xf32, #tpu.memory_space<vmem_shared>> -> memref<80x128xf32, #tpu.memory_space<vmem_shared>>
      %dma_start3A_1906 = arith.constant 0 : i32
      %dma_start3A_1907 = tpu.memref_slice %arg7[%add3A_209, %dma_start3A_1906] : memref<10112x128xf32, #tpu.memory_space<vmem_shared>> -> memref<80x128xf32, #tpu.memory_space<vmem_shared>>
      %dma_start3A_1908 = arith.constant 0 : i32
      %dma_start3A_1909 = arith.constant 0 : i32
      %dma_start3A_1910 = tpu.memref_slice %arg6[%run_scoped3A_210, %dma_start3A_1908, %dma_start3A_1909] : memref<3x80x128xf32, #tpu.memory_space<vmem>> -> memref<1x80x128xf32, #tpu.memory_space<vmem>>
      %dma_start3A_1911 = tpu.memref_squeeze %dma_start3A_1910 : memref<1x80x128xf32, #tpu.memory_space<vmem>> -> memref<80x128xf32, #tpu.memory_space<vmem>>
      tpu.enqueue_dma source(%dma_start3A_1911 : memref<80x128xf32, #tpu.memory_space<vmem>>) target(%dma_start3A_1907 : memref<80x128xf32, #tpu.memory_space<vmem_shared>>) target_semaphore(%run_scoped3A_1899 : memref<!tpu.dma_semaphore, #tpu.memory_space<semaphore_mem>>)
      %dma_wait3A_1912 = arith.constant 0 : i32
      %dma_wait3A_1913 = arith.constant 0 : i32
      %dma_wait3A_1914 = tpu.memref_slice %arg6[%run_scoped3A_210, %dma_wait3A_1912, %dma_wait3A_1913] : memref<3x80x128xf32, #tpu.memory_space<vmem>> -> memref<1x80x128xf32, #tpu.memory_space<vmem>>
      %dma_wait3A_1915 = tpu.memref_squeeze %dma_wait3A_1914 : memref<1x80x128xf32, #tpu.memory_space<vmem>> -> memref<80x128xf32, #tpu.memory_space<vmem>>
      %dma_wait3A_1916 = arith.constant 0 : i32
      %dma_wait3A_1917 = tpu.memref_slice %arg7[%add3A_209, %dma_wait3A_1916] : memref<10112x128xf32, #tpu.memory_space<vmem_shared>> -> memref<80x128xf32, #tpu.memory_space<vmem_shared>>
      %dma_wait3A_1918 = arith.constant 0 : i32
      %dma_wait3A_1919 = tpu.memref_slice %arg7[%add3A_209, %dma_wait3A_1918] : memref<10112x128xf32, #tpu.memory_space<vmem_shared>> -> memref<80x128xf32, #tpu.memory_space<vmem_shared>>
      %dma_wait3A_1920 = arith.constant 0 : i32
      %dma_wait3A_1921 = arith.constant 0 : i32
      %dma_wait3A_1922 = tpu.memref_slice %arg6[%run_scoped3A_210, %dma_wait3A_1920, %dma_wait3A_1921] : memref<3x80x128xf32, #tpu.memory_space<vmem>> -> memref<1x80x128xf32, #tpu.memory_space<vmem>>
      %dma_wait3A_1923 = tpu.memref_squeeze %dma_wait3A_1922 : memref<1x80x128xf32, #tpu.memory_space<vmem>> -> memref<80x128xf32, #tpu.memory_space<vmem>>
      tpu.wait_dma2 semaphore(%run_scoped3A_1899 : memref<!tpu.dma_semaphore, #tpu.memory_space<semaphore_mem>>) src(%dma_wait3A_1923 : memref<80x128xf32, #tpu.memory_space<vmem>>) dst(%dma_wait3A_1919 : memref<80x128xf32, #tpu.memory_space<vmem_shared>>)
      tpu.yield
    }) : () -> ()
    %mul3A_211 = arith.constant 632 : i32
    %mul3A_212 = arith.muli %arg1, %mul3A_211 : i32
    %add3A_213 = arith.constant 560 : i32
    %add3A_214 = arith.addi %mul3A_212, %add3A_213 : i32
    %run_scoped3A_215 = arith.constant 0 : i32
    "tpu.region"() ({
      %run_scoped3A_1899 = tpu.sem_alloc : memref<!tpu.dma_semaphore, #tpu.memory_space<semaphore_mem>>
      %dma_start3A_1900 = arith.constant 0 : i32
      %dma_start3A_1901 = arith.constant 0 : i32
      %dma_start3A_1902 = tpu.memref_slice %arg6[%run_scoped3A_215, %dma_start3A_1900, %dma_start3A_1901] : memref<3x80x128xf32, #tpu.memory_space<vmem>> -> memref<1x80x128xf32, #tpu.memory_space<vmem>>
      %dma_start3A_1903 = tpu.memref_squeeze %dma_start3A_1902 : memref<1x80x128xf32, #tpu.memory_space<vmem>> -> memref<80x128xf32, #tpu.memory_space<vmem>>
      %dma_start3A_1904 = arith.constant 0 : i32
      %dma_start3A_1905 = arith.constant 0 : i32
      %dma_start3A_1906 = tpu.memref_slice %dma_start3A_1903[%dma_start3A_1904, %dma_start3A_1905] : memref<80x128xf32, #tpu.memory_space<vmem>> -> memref<72x128xf32, #tpu.memory_space<vmem>>
      %dma_start3A_1907 = arith.constant 0 : i32
      %dma_start3A_1908 = tpu.memref_slice %arg7[%add3A_214, %dma_start3A_1907] : memref<10112x128xf32, #tpu.memory_space<vmem_shared>> -> memref<72x128xf32, #tpu.memory_space<vmem_shared>>
      %dma_start3A_1909 = arith.constant 0 : i32
      %dma_start3A_1910 = tpu.memref_slice %arg7[%add3A_214, %dma_start3A_1909] : memref<10112x128xf32, #tpu.memory_space<vmem_shared>> -> memref<72x128xf32, #tpu.memory_space<vmem_shared>>
      %dma_start3A_1911 = arith.constant 0 : i32
      %dma_start3A_1912 = arith.constant 0 : i32
      %dma_start3A_1913 = tpu.memref_slice %arg6[%run_scoped3A_215, %dma_start3A_1911, %dma_start3A_1912] : memref<3x80x128xf32, #tpu.memory_space<vmem>> -> memref<1x80x128xf32, #tpu.memory_space<vmem>>
      %dma_start3A_1914 = tpu.memref_squeeze %dma_start3A_1913 : memref<1x80x128xf32, #tpu.memory_space<vmem>> -> memref<80x128xf32, #tpu.memory_space<vmem>>
      %dma_start3A_1915 = arith.constant 0 : i32
      %dma_start3A_1916 = arith.constant 0 : i32
      %dma_start3A_1917 = tpu.memref_slice %dma_start3A_1914[%dma_start3A_1915, %dma_start3A_1916] : memref<80x128xf32, #tpu.memory_space<vmem>> -> memref<72x128xf32, #tpu.memory_space<vmem>>
      tpu.enqueue_dma source(%dma_start3A_1917 : memref<72x128xf32, #tpu.memory_space<vmem>>) target(%dma_start3A_1910 : memref<72x128xf32, #tpu.memory_space<vmem_shared>>) target_semaphore(%run_scoped3A_1899 : memref<!tpu.dma_semaphore, #tpu.memory_space<semaphore_mem>>)
      %dma_wait3A_1918 = arith.constant 0 : i32
      %dma_wait3A_1919 = arith.constant 0 : i32
      %dma_wait3A_1920 = tpu.memref_slice %arg6[%run_scoped3A_215, %dma_wait3A_1918, %dma_wait3A_1919] : memref<3x80x128xf32, #tpu.memory_space<vmem>> -> memref<1x80x128xf32, #tpu.memory_space<vmem>>
      %dma_wait3A_1921 = tpu.memref_squeeze %dma_wait3A_1920 : memref<1x80x128xf32, #tpu.memory_space<vmem>> -> memref<80x128xf32, #tpu.memory_space<vmem>>
      %dma_wait3A_1922 = arith.constant 0 : i32
      %dma_wait3A_1923 = arith.constant 0 : i32
      %dma_wait3A_1924 = tpu.memref_slice %dma_wait3A_1921[%dma_wait3A_1922, %dma_wait3A_1923] : memref<80x128xf32, #tpu.memory_space<vmem>> -> memref<72x128xf32, #tpu.memory_space<vmem>>
      %dma_wait3A_1925 = arith.constant 0 : i32
      %dma_wait3A_1926 = tpu.memref_slice %arg7[%add3A_214, %dma_wait3A_1925] : memref<10112x128xf32, #tpu.memory_space<vmem_shared>> -> memref<72x128xf32, #tpu.memory_space<vmem_shared>>
      %dma_wait3A_1927 = arith.constant 0 : i32
      %dma_wait3A_1928 = tpu.memref_slice %arg7[%add3A_214, %dma_wait3A_1927] : memref<10112x128xf32, #tpu.memory_space<vmem_shared>> -> memref<72x128xf32, #tpu.memory_space<vmem_shared>>
      %dma_wait3A_1929 = arith.constant 0 : i32
      %dma_wait3A_1930 = arith.constant 0 : i32
      %dma_wait3A_1931 = tpu.memref_slice %arg6[%run_scoped3A_215, %dma_wait3A_1929, %dma_wait3A_1930] : memref<3x80x128xf32, #tpu.memory_space<vmem>> -> memref<1x80x128xf32, #tpu.memory_space<vmem>>
      %dma_wait3A_1932 = tpu.memref_squeeze %dma_wait3A_1931 : memref<1x80x128xf32, #tpu.memory_space<vmem>> -> memref<80x128xf32, #tpu.memory_space<vmem>>
      %dma_wait3A_1933 = arith.constant 0 : i32
      %dma_wait3A_1934 = arith.constant 0 : i32
      %dma_wait3A_1935 = tpu.memref_slice %dma_wait3A_1932[%dma_wait3A_1933, %dma_wait3A_1934] : memref<80x128xf32, #tpu.memory_space<vmem>> -> memref<72x128xf32, #tpu.memory_space<vmem>>
      tpu.wait_dma2 semaphore(%run_scoped3A_1899 : memref<!tpu.dma_semaphore, #tpu.memory_space<semaphore_mem>>) src(%dma_wait3A_1935 : memref<72x128xf32, #tpu.memory_space<vmem>>) dst(%dma_wait3A_1928 : memref<72x128xf32, #tpu.memory_space<vmem_shared>>)
      tpu.yield
    }) : () -> ()
    %barrier3A = arith.constant 0 : index
    tpu.barrier barrier_id(%barrier3A)
    %dma_start3A_216 = arith.constant 0 : i32
    %dma_start3A_217 = arith.constant 0 : i32
    %dma_start3A_218 = arith.constant 0 : i32
    %dma_start3A_219 = arith.constant 0 : i32
    %dma_start3A_220 = arith.constant 0 : i32
    %dma_start3A_221 = arith.constant 0 : i32
    %dma_start3A_222 = arith.constant 0 : i32
    %dma_start3A_223 = tpu.memref_slice %arg6[%dma_start3A_219, %dma_start3A_221, %dma_start3A_222] : memref<3x80x128xf32, #tpu.memory_space<vmem>> -> memref<1x80x128xf32, #tpu.memory_space<vmem>>
    %dma_start3A_224 = tpu.memref_squeeze %dma_start3A_223 : memref<1x80x128xf32, #tpu.memory_space<vmem>> -> memref<80x128xf32, #tpu.memory_space<vmem>>
    %dma_start3A_225 = arith.constant 0 : i32
    %dma_start3A_226 = tpu.memref_slice %arg5[%dma_start3A_216, %dma_start3A_217, %dma_start3A_218, %dma_start3A_225] : memref<2x2x25x80xi32, #tpu.memory_space<vmem>> -> memref<1x1x1x80xi32, #tpu.memory_space<vmem>>
    %dma_start3A_227 = tpu.memref_squeeze %dma_start3A_226 : memref<1x1x1x80xi32, #tpu.memory_space<vmem>> -> memref<80xi32, #tpu.memory_space<vmem>>
    %dma_start3A_228 = arith.constant 0 : i32
    %dma_start3A_229 = arith.constant 0 : i32
    %dma_start3A_230 = tpu.memref_slice %arg3[%dma_start3A_228, %dma_start3A_229] : memref<10000x128xf32, #tpu.memory_space<hbm>> -> memref<10000x128xf32, #tpu.memory_space<hbm>>
    %dma_start3A_231 = tpu.memref_slice %arg8[%dma_start3A_220] : memref<3x!tpu.dma_semaphore, #tpu.memory_space<semaphore_mem>> -> memref<1x!tpu.dma_semaphore, #tpu.memory_space<semaphore_mem>>
    %dma_start3A_232 = tpu.memref_squeeze %dma_start3A_231 : memref<1x!tpu.dma_semaphore, #tpu.memory_space<semaphore_mem>> -> memref<!tpu.dma_semaphore, #tpu.memory_space<semaphore_mem>>
    tpu.enqueue_indirect_dma source(%dma_start3A_230 : memref<10000x128xf32, #tpu.memory_space<hbm>>) target(%dma_start3A_224 : memref<80x128xf32, #tpu.memory_space<vmem>>) offsets(%dma_start3A_227 : memref<80xi32, #tpu.memory_space<vmem>>) semaphore(%dma_start3A_232 : memref<!tpu.dma_semaphore, #tpu.memory_space<semaphore_mem>>)
    %scan3A_233 = arith.constant 0 : i32
    %scan3A_234 = arith.constant 0 : i32
    %scan3A_235 = arith.constant 7 : i32
    %scan3A_236 = arith.addi %scan3A_234, %scan3A_235 : i32
    %scan3A_237 = arith.constant 1 : i32
    scf.for %scan3A_1899 = %scan3A_234 to %scan3A_236 step %scan3A_237  : i32 {
      %mul3A_1900 = arith.constant 3 : i32
      %mul3A_1901 = arith.muli %scan3A_1899, %mul3A_1900 : i32
      %dma_wait3A_1902 = arith.constant 0 : i32
      %dma_wait3A_1903 = arith.constant 0 : i32
      %dma_wait3A_1904 = arith.constant 0 : i32
      %dma_wait3A_1905 = arith.constant 0 : i32
      %dma_wait3A_1906 = arith.constant 0 : i32
      %dma_wait3A_1907 = arith.constant 0 : i32
      %dma_wait3A_1908 = arith.constant 0 : i32
      %dma_wait3A_1909 = tpu.memref_slice %arg6[%dma_wait3A_1905, %dma_wait3A_1907, %dma_wait3A_1908] : memref<3x80x128xf32, #tpu.memory_space<vmem>> -> memref<1x80x128xf32, #tpu.memory_space<vmem>>
      %dma_wait3A_1910 = tpu.memref_squeeze %dma_wait3A_1909 : memref<1x80x128xf32, #tpu.memory_space<vmem>> -> memref<80x128xf32, #tpu.memory_space<vmem>>
      %dma_wait3A_1911 = arith.constant 0 : i32
      %dma_wait3A_1912 = tpu.memref_slice %arg5[%dma_wait3A_1902, %dma_wait3A_1903, %dma_wait3A_1904, %dma_wait3A_1911] : memref<2x2x25x80xi32, #tpu.memory_space<vmem>> -> memref<1x1x1x80xi32, #tpu.memory_space<vmem>>
      %dma_wait3A_1913 = tpu.memref_squeeze %dma_wait3A_1912 : memref<1x1x1x80xi32, #tpu.memory_space<vmem>> -> memref<80xi32, #tpu.memory_space<vmem>>
      %dma_wait3A_1914 = arith.constant 0 : i32
      %dma_wait3A_1915 = arith.constant 0 : i32
      %dma_wait3A_1916 = tpu.memref_slice %arg3[%dma_wait3A_1914, %dma_wait3A_1915] : memref<10000x128xf32, #tpu.memory_space<hbm>> -> memref<10000x128xf32, #tpu.memory_space<hbm>>
      %dma_wait3A_1917 = tpu.memref_slice %arg8[%dma_wait3A_1906] : memref<3x!tpu.dma_semaphore, #tpu.memory_space<semaphore_mem>> -> memref<1x!tpu.dma_semaphore, #tpu.memory_space<semaphore_mem>>
      %dma_wait3A_1918 = tpu.memref_squeeze %dma_wait3A_1917 : memref<1x!tpu.dma_semaphore, #tpu.memory_space<semaphore_mem>> -> memref<!tpu.dma_semaphore, #tpu.memory_space<semaphore_mem>>
      tpu.wait_indirect_dma semaphore(%dma_wait3A_1918 : memref<!tpu.dma_semaphore, #tpu.memory_space<semaphore_mem>>) src(%dma_wait3A_1916 : memref<10000x128xf32, #tpu.memory_space<hbm>>) dst(%dma_wait3A_1910 : memref<80x128xf32, #tpu.memory_space<vmem>>)
      %add3A_1919 = arith.constant 0 : i32
      %add3A_1920 = arith.addi %mul3A_1901, %add3A_1919 : i32
      %dma_start3A_1921 = arith.constant 0 : i32
      %dma_start3A_1922 = arith.constant 0 : i32
      %dma_start3A_1923 = arith.constant 1 : i32
      %dma_start3A_1924 = arith.constant 0 : i32
      %dma_start3A_1925 = arith.constant 0 : i32
      %dma_start3A_1926 = arith.constant 0 : i32
      %dma_start3A_1927 = tpu.memref_slice %arg6[%dma_start3A_1921, %dma_start3A_1925, %dma_start3A_1926] : memref<3x80x128xf32, #tpu.memory_space<vmem>> -> memref<1x80x128xf32, #tpu.memory_space<vmem>>
      %dma_start3A_1928 = tpu.memref_squeeze %dma_start3A_1927 : memref<1x80x128xf32, #tpu.memory_space<vmem>> -> memref<80x128xf32, #tpu.memory_space<vmem>>
      %dma_start3A_1929 = arith.constant 0 : i32
      %dma_start3A_1930 = tpu.memref_slice %arg5[%dma_start3A_1922, %dma_start3A_1923, %add3A_1920, %dma_start3A_1929] : memref<2x2x25x80xi32, #tpu.memory_space<vmem>> -> memref<1x1x1x80xi32, #tpu.memory_space<vmem>>
      %dma_start3A_1931 = tpu.memref_squeeze %dma_start3A_1930 : memref<1x1x1x80xi32, #tpu.memory_space<vmem>> -> memref<80xi32, #tpu.memory_space<vmem>>
      %dma_start3A_1932 = arith.constant 0 : i32
      %dma_start3A_1933 = arith.constant 0 : i32
      %dma_start3A_1934 = tpu.memref_slice %arg7[%dma_start3A_1932, %dma_start3A_1933] : memref<10112x128xf32, #tpu.memory_space<vmem_shared>> -> memref<10112x128xf32, #tpu.memory_space<vmem_shared>>
      %dma_start3A_1935 = tpu.memref_slice %arg9[%dma_start3A_1924] : memref<3x!tpu.dma_semaphore, #tpu.memory_space<semaphore_mem>> -> memref<1x!tpu.dma_semaphore, #tpu.memory_space<semaphore_mem>>
      %dma_start3A_1936 = tpu.memref_squeeze %dma_start3A_1935 : memref<1x!tpu.dma_semaphore, #tpu.memory_space<semaphore_mem>> -> memref<!tpu.dma_semaphore, #tpu.memory_space<semaphore_mem>>
      tpu.enqueue_indirect_dma source(%dma_start3A_1928 : memref<80x128xf32, #tpu.memory_space<vmem>>) target(%dma_start3A_1934 : memref<10112x128xf32, #tpu.memory_space<vmem_shared>>) offsets(%dma_start3A_1931 : memref<80xi32, #tpu.memory_space<vmem>>) semaphore(%dma_start3A_1936 : memref<!tpu.dma_semaphore, #tpu.memory_space<semaphore_mem>>) {add = true}
      %dma_wait3A_1937 = arith.constant 0 : i32
      %dma_wait3A_1938 = arith.constant 0 : i32
      %dma_wait3A_1939 = arith.constant 0 : i32
      %dma_wait3A_1940 = arith.constant 1 : i32
      %dma_wait3A_1941 = arith.constant 1 : i32
      %dma_wait3A_1942 = arith.constant 0 : i32
      %dma_wait3A_1943 = arith.constant 0 : i32
      %dma_wait3A_1944 = tpu.memref_slice %arg6[%dma_wait3A_1940, %dma_wait3A_1942, %dma_wait3A_1943] : memref<3x80x128xf32, #tpu.memory_space<vmem>> -> memref<1x80x128xf32, #tpu.memory_space<vmem>>
      %dma_wait3A_1945 = tpu.memref_squeeze %dma_wait3A_1944 : memref<1x80x128xf32, #tpu.memory_space<vmem>> -> memref<80x128xf32, #tpu.memory_space<vmem>>
      %dma_wait3A_1946 = arith.constant 0 : i32
      %dma_wait3A_1947 = tpu.memref_slice %arg5[%dma_wait3A_1937, %dma_wait3A_1938, %dma_wait3A_1939, %dma_wait3A_1946] : memref<2x2x25x80xi32, #tpu.memory_space<vmem>> -> memref<1x1x1x80xi32, #tpu.memory_space<vmem>>
      %dma_wait3A_1948 = tpu.memref_squeeze %dma_wait3A_1947 : memref<1x1x1x80xi32, #tpu.memory_space<vmem>> -> memref<80xi32, #tpu.memory_space<vmem>>
      %dma_wait3A_1949 = arith.constant 0 : i32
      %dma_wait3A_1950 = arith.constant 0 : i32
      %dma_wait3A_1951 = tpu.memref_slice %arg3[%dma_wait3A_1949, %dma_wait3A_1950] : memref<10000x128xf32, #tpu.memory_space<hbm>> -> memref<10000x128xf32, #tpu.memory_space<hbm>>
      %dma_wait3A_1952 = tpu.memref_slice %arg8[%dma_wait3A_1941] : memref<3x!tpu.dma_semaphore, #tpu.memory_space<semaphore_mem>> -> memref<1x!tpu.dma_semaphore, #tpu.memory_space<semaphore_mem>>
      %dma_wait3A_1953 = tpu.memref_squeeze %dma_wait3A_1952 : memref<1x!tpu.dma_semaphore, #tpu.memory_space<semaphore_mem>> -> memref<!tpu.dma_semaphore, #tpu.memory_space<semaphore_mem>>
      tpu.wait_indirect_dma semaphore(%dma_wait3A_1953 : memref<!tpu.dma_semaphore, #tpu.memory_space<semaphore_mem>>) src(%dma_wait3A_1951 : memref<10000x128xf32, #tpu.memory_space<hbm>>) dst(%dma_wait3A_1945 : memref<80x128xf32, #tpu.memory_space<vmem>>)
      %add3A_1954 = arith.constant 1 : i32
      %add3A_1955 = arith.addi %mul3A_1901, %add3A_1954 : i32
      %dma_start3A_1956 = arith.constant 1 : i32
      %dma_start3A_1957 = arith.constant 0 : i32
      %dma_start3A_1958 = arith.constant 1 : i32
      %dma_start3A_1959 = arith.constant 1 : i32
      %dma_start3A_1960 = arith.constant 0 : i32
      %dma_start3A_1961 = arith.constant 0 : i32
      %dma_start3A_1962 = tpu.memref_slice %arg6[%dma_start3A_1956, %dma_start3A_1960, %dma_start3A_1961] : memref<3x80x128xf32, #tpu.memory_space<vmem>> -> memref<1x80x128xf32, #tpu.memory_space<vmem>>
      %dma_start3A_1963 = tpu.memref_squeeze %dma_start3A_1962 : memref<1x80x128xf32, #tpu.memory_space<vmem>> -> memref<80x128xf32, #tpu.memory_space<vmem>>
      %dma_start3A_1964 = arith.constant 0 : i32
      %dma_start3A_1965 = tpu.memref_slice %arg5[%dma_start3A_1957, %dma_start3A_1958, %add3A_1955, %dma_start3A_1964] : memref<2x2x25x80xi32, #tpu.memory_space<vmem>> -> memref<1x1x1x80xi32, #tpu.memory_space<vmem>>
      %dma_start3A_1966 = tpu.memref_squeeze %dma_start3A_1965 : memref<1x1x1x80xi32, #tpu.memory_space<vmem>> -> memref<80xi32, #tpu.memory_space<vmem>>
      %dma_start3A_1967 = arith.constant 0 : i32
      %dma_start3A_1968 = arith.constant 0 : i32
      %dma_start3A_1969 = tpu.memref_slice %arg7[%dma_start3A_1967, %dma_start3A_1968] : memref<10112x128xf32, #tpu.memory_space<vmem_shared>> -> memref<10112x128xf32, #tpu.memory_space<vmem_shared>>
      %dma_start3A_1970 = tpu.memref_slice %arg9[%dma_start3A_1959] : memref<3x!tpu.dma_semaphore, #tpu.memory_space<semaphore_mem>> -> memref<1x!tpu.dma_semaphore, #tpu.memory_space<semaphore_mem>>
      %dma_start3A_1971 = tpu.memref_squeeze %dma_start3A_1970 : memref<1x!tpu.dma_semaphore, #tpu.memory_space<semaphore_mem>> -> memref<!tpu.dma_semaphore, #tpu.memory_space<semaphore_mem>>
      tpu.enqueue_indirect_dma source(%dma_start3A_1963 : memref<80x128xf32, #tpu.memory_space<vmem>>) target(%dma_start3A_1969 : memref<10112x128xf32, #tpu.memory_space<vmem_shared>>) offsets(%dma_start3A_1966 : memref<80xi32, #tpu.memory_space<vmem>>) semaphore(%dma_start3A_1971 : memref<!tpu.dma_semaphore, #tpu.memory_space<semaphore_mem>>) {add = true}
      %dma_wait3A_1972 = arith.constant 0 : i32
      %dma_wait3A_1973 = arith.constant 0 : i32
      %dma_wait3A_1974 = arith.constant 0 : i32
      %dma_wait3A_1975 = arith.constant 2 : i32
      %dma_wait3A_1976 = arith.constant 2 : i32
      %dma_wait3A_1977 = arith.constant 0 : i32
      %dma_wait3A_1978 = arith.constant 0 : i32
      %dma_wait3A_1979 = tpu.memref_slice %arg6[%dma_wait3A_1975, %dma_wait3A_1977, %dma_wait3A_1978] : memref<3x80x128xf32, #tpu.memory_space<vmem>> -> memref<1x80x128xf32, #tpu.memory_space<vmem>>
      %dma_wait3A_1980 = tpu.memref_squeeze %dma_wait3A_1979 : memref<1x80x128xf32, #tpu.memory_space<vmem>> -> memref<80x128xf32, #tpu.memory_space<vmem>>
      %dma_wait3A_1981 = arith.constant 0 : i32
      %dma_wait3A_1982 = tpu.memref_slice %arg5[%dma_wait3A_1972, %dma_wait3A_1973, %dma_wait3A_1974, %dma_wait3A_1981] : memref<2x2x25x80xi32, #tpu.memory_space<vmem>> -> memref<1x1x1x80xi32, #tpu.memory_space<vmem>>
      %dma_wait3A_1983 = tpu.memref_squeeze %dma_wait3A_1982 : memref<1x1x1x80xi32, #tpu.memory_space<vmem>> -> memref<80xi32, #tpu.memory_space<vmem>>
      %dma_wait3A_1984 = arith.constant 0 : i32
      %dma_wait3A_1985 = arith.constant 0 : i32
      %dma_wait3A_1986 = tpu.memref_slice %arg3[%dma_wait3A_1984, %dma_wait3A_1985] : memref<10000x128xf32, #tpu.memory_space<hbm>> -> memref<10000x128xf32, #tpu.memory_space<hbm>>
      %dma_wait3A_1987 = tpu.memref_slice %arg8[%dma_wait3A_1976] : memref<3x!tpu.dma_semaphore, #tpu.memory_space<semaphore_mem>> -> memref<1x!tpu.dma_semaphore, #tpu.memory_space<semaphore_mem>>
      %dma_wait3A_1988 = tpu.memref_squeeze %dma_wait3A_1987 : memref<1x!tpu.dma_semaphore, #tpu.memory_space<semaphore_mem>> -> memref<!tpu.dma_semaphore, #tpu.memory_space<semaphore_mem>>
      tpu.wait_indirect_dma semaphore(%dma_wait3A_1988 : memref<!tpu.dma_semaphore, #tpu.memory_space<semaphore_mem>>) src(%dma_wait3A_1986 : memref<10000x128xf32, #tpu.memory_space<hbm>>) dst(%dma_wait3A_1980 : memref<80x128xf32, #tpu.memory_space<vmem>>)
      %add3A_1989 = arith.constant 2 : i32
      %add3A_1990 = arith.addi %mul3A_1901, %add3A_1989 : i32
      %dma_start3A_1991 = arith.constant 2 : i32
      %dma_start3A_1992 = arith.constant 0 : i32
      %dma_start3A_1993 = arith.constant 1 : i32
      %dma_start3A_1994 = arith.constant 2 : i32
      %dma_start3A_1995 = arith.constant 0 : i32
      %dma_start3A_1996 = arith.constant 0 : i32
      %dma_start3A_1997 = tpu.memref_slice %arg6[%dma_start3A_1991, %dma_start3A_1995, %dma_start3A_1996] : memref<3x80x128xf32, #tpu.memory_space<vmem>> -> memref<1x80x128xf32, #tpu.memory_space<vmem>>
      %dma_start3A_1998 = tpu.memref_squeeze %dma_start3A_1997 : memref<1x80x128xf32, #tpu.memory_space<vmem>> -> memref<80x128xf32, #tpu.memory_space<vmem>>
      %dma_start3A_1999 = arith.constant 0 : i32
      %dma_start3A_2000 = tpu.memref_slice %arg5[%dma_start3A_1992, %dma_start3A_1993, %add3A_1990, %dma_start3A_1999] : memref<2x2x25x80xi32, #tpu.memory_space<vmem>> -> memref<1x1x1x80xi32, #tpu.memory_space<vmem>>
      %dma_start3A_2001 = tpu.memref_squeeze %dma_start3A_2000 : memref<1x1x1x80xi32, #tpu.memory_space<vmem>> -> memref<80xi32, #tpu.memory_space<vmem>>
      %dma_start3A_2002 = arith.constant 0 : i32
      %dma_start3A_2003 = arith.constant 0 : i32
      %dma_start3A_2004 = tpu.memref_slice %arg7[%dma_start3A_2002, %dma_start3A_2003] : memref<10112x128xf32, #tpu.memory_space<vmem_shared>> -> memref<10112x128xf32, #tpu.memory_space<vmem_shared>>
      %dma_start3A_2005 = tpu.memref_slice %arg9[%dma_start3A_1994] : memref<3x!tpu.dma_semaphore, #tpu.memory_space<semaphore_mem>> -> memref<1x!tpu.dma_semaphore, #tpu.memory_space<semaphore_mem>>
      %dma_start3A_2006 = tpu.memref_squeeze %dma_start3A_2005 : memref<1x!tpu.dma_semaphore, #tpu.memory_space<semaphore_mem>> -> memref<!tpu.dma_semaphore, #tpu.memory_space<semaphore_mem>>
      tpu.enqueue_indirect_dma source(%dma_start3A_1998 : memref<80x128xf32, #tpu.memory_space<vmem>>) target(%dma_start3A_2004 : memref<10112x128xf32, #tpu.memory_space<vmem_shared>>) offsets(%dma_start3A_2001 : memref<80xi32, #tpu.memory_space<vmem>>) semaphore(%dma_start3A_2006 : memref<!tpu.dma_semaphore, #tpu.memory_space<semaphore_mem>>) {add = true}
      %dma_wait3A_2007 = arith.constant 0 : i32
      %dma_wait3A_2008 = arith.constant 0 : i32
      %dma_wait3A_2009 = arith.constant 1 : i32
      %dma_wait3A_2010 = arith.constant 0 : i32
      %dma_wait3A_2011 = arith.constant 0 : i32
      %dma_wait3A_2012 = arith.constant 0 : i32
      %dma_wait3A_2013 = arith.constant 0 : i32
      %dma_wait3A_2014 = tpu.memref_slice %arg6[%dma_wait3A_2007, %dma_wait3A_2012, %dma_wait3A_2013] : memref<3x80x128xf32, #tpu.memory_space<vmem>> -> memref<1x80x128xf32, #tpu.memory_space<vmem>>
      %dma_wait3A_2015 = tpu.memref_squeeze %dma_wait3A_2014 : memref<1x80x128xf32, #tpu.memory_space<vmem>> -> memref<80x128xf32, #tpu.memory_space<vmem>>
      %dma_wait3A_2016 = arith.constant 0 : i32
      %dma_wait3A_2017 = tpu.memref_slice %arg5[%dma_wait3A_2008, %dma_wait3A_2009, %dma_wait3A_2010, %dma_wait3A_2016] : memref<2x2x25x80xi32, #tpu.memory_space<vmem>> -> memref<1x1x1x80xi32, #tpu.memory_space<vmem>>
      %dma_wait3A_2018 = tpu.memref_squeeze %dma_wait3A_2017 : memref<1x1x1x80xi32, #tpu.memory_space<vmem>> -> memref<80xi32, #tpu.memory_space<vmem>>
      %dma_wait3A_2019 = arith.constant 0 : i32
      %dma_wait3A_2020 = arith.constant 0 : i32
      %dma_wait3A_2021 = tpu.memref_slice %arg7[%dma_wait3A_2019, %dma_wait3A_2020] : memref<10112x128xf32, #tpu.memory_space<vmem_shared>> -> memref<10112x128xf32, #tpu.memory_space<vmem_shared>>
      %dma_wait3A_2022 = tpu.memref_slice %arg9[%dma_wait3A_2011] : memref<3x!tpu.dma_semaphore, #tpu.memory_space<semaphore_mem>> -> memref<1x!tpu.dma_semaphore, #tpu.memory_space<semaphore_mem>>
      %dma_wait3A_2023 = tpu.memref_squeeze %dma_wait3A_2022 : memref<1x!tpu.dma_semaphore, #tpu.memory_space<semaphore_mem>> -> memref<!tpu.dma_semaphore, #tpu.memory_space<semaphore_mem>>
      tpu.wait_indirect_dma semaphore(%dma_wait3A_2023 : memref<!tpu.dma_semaphore, #tpu.memory_space<semaphore_mem>>) src(%dma_wait3A_2015 : memref<80x128xf32, #tpu.memory_space<vmem>>) dst(%dma_wait3A_2021 : memref<10112x128xf32, #tpu.memory_space<vmem_shared>>)
      %add3A_2024 = arith.constant 3 : i32
      %add3A_2025 = arith.addi %mul3A_1901, %add3A_2024 : i32
      %add3A_2026 = arith.constant 0 : i32
      %add3A_2027 = arith.addi %add3A_2025, %add3A_2026 : i32
      %dma_start3A_2028 = arith.constant 0 : i32
      %dma_start3A_2029 = arith.constant 0 : i32
      %dma_start3A_2030 = arith.constant 0 : i32
      %dma_start3A_2031 = arith.constant 0 : i32
      %dma_start3A_2032 = arith.constant 0 : i32
      %dma_start3A_2033 = arith.constant 0 : i32
      %dma_start3A_2034 = tpu.memref_slice %arg6[%dma_start3A_2030, %dma_start3A_2032, %dma_start3A_2033] : memref<3x80x128xf32, #tpu.memory_space<vmem>> -> memref<1x80x128xf32, #tpu.memory_space<vmem>>
      %dma_start3A_2035 = tpu.memref_squeeze %dma_start3A_2034 : memref<1x80x128xf32, #tpu.memory_space<vmem>> -> memref<80x128xf32, #tpu.memory_space<vmem>>
      %dma_start3A_2036 = arith.constant 0 : i32
      %dma_start3A_2037 = tpu.memref_slice %arg5[%dma_start3A_2028, %dma_start3A_2029, %add3A_2027, %dma_start3A_2036] : memref<2x2x25x80xi32, #tpu.memory_space<vmem>> -> memref<1x1x1x80xi32, #tpu.memory_space<vmem>>
      %dma_start3A_2038 = tpu.memref_squeeze %dma_start3A_2037 : memref<1x1x1x80xi32, #tpu.memory_space<vmem>> -> memref<80xi32, #tpu.memory_space<vmem>>
      %dma_start3A_2039 = arith.constant 0 : i32
      %dma_start3A_2040 = arith.constant 0 : i32
      %dma_start3A_2041 = tpu.memref_slice %arg3[%dma_start3A_2039, %dma_start3A_2040] : memref<10000x128xf32, #tpu.memory_space<hbm>> -> memref<10000x128xf32, #tpu.memory_space<hbm>>
      %dma_start3A_2042 = tpu.memref_slice %arg8[%dma_start3A_2031] : memref<3x!tpu.dma_semaphore, #tpu.memory_space<semaphore_mem>> -> memref<1x!tpu.dma_semaphore, #tpu.memory_space<semaphore_mem>>
      %dma_start3A_2043 = tpu.memref_squeeze %dma_start3A_2042 : memref<1x!tpu.dma_semaphore, #tpu.memory_space<semaphore_mem>> -> memref<!tpu.dma_semaphore, #tpu.memory_space<semaphore_mem>>
      tpu.enqueue_indirect_dma source(%dma_start3A_2041 : memref<10000x128xf32, #tpu.memory_space<hbm>>) target(%dma_start3A_2035 : memref<80x128xf32, #tpu.memory_space<vmem>>) offsets(%dma_start3A_2038 : memref<80xi32, #tpu.memory_space<vmem>>) semaphore(%dma_start3A_2043 : memref<!tpu.dma_semaphore, #tpu.memory_space<semaphore_mem>>)
      %dma_wait3A_2044 = arith.constant 1 : i32
      %dma_wait3A_2045 = arith.constant 0 : i32
      %dma_wait3A_2046 = arith.constant 1 : i32
      %dma_wait3A_2047 = arith.constant 0 : i32
      %dma_wait3A_2048 = arith.constant 1 : i32
      %dma_wait3A_2049 = arith.constant 0 : i32
      %dma_wait3A_2050 = arith.constant 0 : i32
      %dma_wait3A_2051 = tpu.memref_slice %arg6[%dma_wait3A_2044, %dma_wait3A_2049, %dma_wait3A_2050] : memref<3x80x128xf32, #tpu.memory_space<vmem>> -> memref<1x80x128xf32, #tpu.memory_space<vmem>>
      %dma_wait3A_2052 = tpu.memref_squeeze %dma_wait3A_2051 : memref<1x80x128xf32, #tpu.memory_space<vmem>> -> memref<80x128xf32, #tpu.memory_space<vmem>>
      %dma_wait3A_2053 = arith.constant 0 : i32
      %dma_wait3A_2054 = tpu.memref_slice %arg5[%dma_wait3A_2045, %dma_wait3A_2046, %dma_wait3A_2047, %dma_wait3A_2053] : memref<2x2x25x80xi32, #tpu.memory_space<vmem>> -> memref<1x1x1x80xi32, #tpu.memory_space<vmem>>
      %dma_wait3A_2055 = tpu.memref_squeeze %dma_wait3A_2054 : memref<1x1x1x80xi32, #tpu.memory_space<vmem>> -> memref<80xi32, #tpu.memory_space<vmem>>
      %dma_wait3A_2056 = arith.constant 0 : i32
      %dma_wait3A_2057 = arith.constant 0 : i32
      %dma_wait3A_2058 = tpu.memref_slice %arg7[%dma_wait3A_2056, %dma_wait3A_2057] : memref<10112x128xf32, #tpu.memory_space<vmem_shared>> -> memref<10112x128xf32, #tpu.memory_space<vmem_shared>>
      %dma_wait3A_2059 = tpu.memref_slice %arg9[%dma_wait3A_2048] : memref<3x!tpu.dma_semaphore, #tpu.memory_space<semaphore_mem>> -> memref<1x!tpu.dma_semaphore, #tpu.memory_space<semaphore_mem>>
      %dma_wait3A_2060 = tpu.memref_squeeze %dma_wait3A_2059 : memref<1x!tpu.dma_semaphore, #tpu.memory_space<semaphore_mem>> -> memref<!tpu.dma_semaphore, #tpu.memory_space<semaphore_mem>>
      tpu.wait_indirect_dma semaphore(%dma_wait3A_2060 : memref<!tpu.dma_semaphore, #tpu.memory_space<semaphore_mem>>) src(%dma_wait3A_2052 : memref<80x128xf32, #tpu.memory_space<vmem>>) dst(%dma_wait3A_2058 : memref<10112x128xf32, #tpu.memory_space<vmem_shared>>)
      %add3A_2061 = arith.constant 3 : i32
      %add3A_2062 = arith.addi %mul3A_1901, %add3A_2061 : i32
      %add3A_2063 = arith.constant 1 : i32
      %add3A_2064 = arith.addi %add3A_2062, %add3A_2063 : i32
      %dma_start3A_2065 = arith.constant 0 : i32
      %dma_start3A_2066 = arith.constant 0 : i32
      %dma_start3A_2067 = arith.constant 1 : i32
      %dma_start3A_2068 = arith.constant 1 : i32
      %dma_start3A_2069 = arith.constant 0 : i32
      %dma_start3A_2070 = arith.constant 0 : i32
      %dma_start3A_2071 = tpu.memref_slice %arg6[%dma_start3A_2067, %dma_start3A_2069, %dma_start3A_2070] : memref<3x80x128xf32, #tpu.memory_space<vmem>> -> memref<1x80x128xf32, #tpu.memory_space<vmem>>
      %dma_start3A_2072 = tpu.memref_squeeze %dma_start3A_2071 : memref<1x80x128xf32, #tpu.memory_space<vmem>> -> memref<80x128xf32, #tpu.memory_space<vmem>>
      %dma_start3A_2073 = arith.constant 0 : i32
      %dma_start3A_2074 = tpu.memref_slice %arg5[%dma_start3A_2065, %dma_start3A_2066, %add3A_2064, %dma_start3A_2073] : memref<2x2x25x80xi32, #tpu.memory_space<vmem>> -> memref<1x1x1x80xi32, #tpu.memory_space<vmem>>
      %dma_start3A_2075 = tpu.memref_squeeze %dma_start3A_2074 : memref<1x1x1x80xi32, #tpu.memory_space<vmem>> -> memref<80xi32, #tpu.memory_space<vmem>>
      %dma_start3A_2076 = arith.constant 0 : i32
      %dma_start3A_2077 = arith.constant 0 : i32
      %dma_start3A_2078 = tpu.memref_slice %arg3[%dma_start3A_2076, %dma_start3A_2077] : memref<10000x128xf32, #tpu.memory_space<hbm>> -> memref<10000x128xf32, #tpu.memory_space<hbm>>
      %dma_start3A_2079 = tpu.memref_slice %arg8[%dma_start3A_2068] : memref<3x!tpu.dma_semaphore, #tpu.memory_space<semaphore_mem>> -> memref<1x!tpu.dma_semaphore, #tpu.memory_space<semaphore_mem>>
      %dma_start3A_2080 = tpu.memref_squeeze %dma_start3A_2079 : memref<1x!tpu.dma_semaphore, #tpu.memory_space<semaphore_mem>> -> memref<!tpu.dma_semaphore, #tpu.memory_space<semaphore_mem>>
      tpu.enqueue_indirect_dma source(%dma_start3A_2078 : memref<10000x128xf32, #tpu.memory_space<hbm>>) target(%dma_start3A_2072 : memref<80x128xf32, #tpu.memory_space<vmem>>) offsets(%dma_start3A_2075 : memref<80xi32, #tpu.memory_space<vmem>>) semaphore(%dma_start3A_2080 : memref<!tpu.dma_semaphore, #tpu.memory_space<semaphore_mem>>)
      %dma_wait3A_2081 = arith.constant 2 : i32
      %dma_wait3A_2082 = arith.constant 0 : i32
      %dma_wait3A_2083 = arith.constant 1 : i32
      %dma_wait3A_2084 = arith.constant 0 : i32
      %dma_wait3A_2085 = arith.constant 2 : i32
      %dma_wait3A_2086 = arith.constant 0 : i32
      %dma_wait3A_2087 = arith.constant 0 : i32
      %dma_wait3A_2088 = tpu.memref_slice %arg6[%dma_wait3A_2081, %dma_wait3A_2086, %dma_wait3A_2087] : memref<3x80x128xf32, #tpu.memory_space<vmem>> -> memref<1x80x128xf32, #tpu.memory_space<vmem>>
      %dma_wait3A_2089 = tpu.memref_squeeze %dma_wait3A_2088 : memref<1x80x128xf32, #tpu.memory_space<vmem>> -> memref<80x128xf32, #tpu.memory_space<vmem>>
      %dma_wait3A_2090 = arith.constant 0 : i32
      %dma_wait3A_2091 = tpu.memref_slice %arg5[%dma_wait3A_2082, %dma_wait3A_2083, %dma_wait3A_2084, %dma_wait3A_2090] : memref<2x2x25x80xi32, #tpu.memory_space<vmem>> -> memref<1x1x1x80xi32, #tpu.memory_space<vmem>>
      %dma_wait3A_2092 = tpu.memref_squeeze %dma_wait3A_2091 : memref<1x1x1x80xi32, #tpu.memory_space<vmem>> -> memref<80xi32, #tpu.memory_space<vmem>>
      %dma_wait3A_2093 = arith.constant 0 : i32
      %dma_wait3A_2094 = arith.constant 0 : i32
      %dma_wait3A_2095 = tpu.memref_slice %arg7[%dma_wait3A_2093, %dma_wait3A_2094] : memref<10112x128xf32, #tpu.memory_space<vmem_shared>> -> memref<10112x128xf32, #tpu.memory_space<vmem_shared>>
      %dma_wait3A_2096 = tpu.memref_slice %arg9[%dma_wait3A_2085] : memref<3x!tpu.dma_semaphore, #tpu.memory_space<semaphore_mem>> -> memref<1x!tpu.dma_semaphore, #tpu.memory_space<semaphore_mem>>
      %dma_wait3A_2097 = tpu.memref_squeeze %dma_wait3A_2096 : memref<1x!tpu.dma_semaphore, #tpu.memory_space<semaphore_mem>> -> memref<!tpu.dma_semaphore, #tpu.memory_space<semaphore_mem>>
      tpu.wait_indirect_dma semaphore(%dma_wait3A_2097 : memref<!tpu.dma_semaphore, #tpu.memory_space<semaphore_mem>>) src(%dma_wait3A_2089 : memref<80x128xf32, #tpu.memory_space<vmem>>) dst(%dma_wait3A_2095 : memref<10112x128xf32, #tpu.memory_space<vmem_shared>>)
      %add3A_2098 = arith.constant 3 : i32
      %add3A_2099 = arith.addi %mul3A_1901, %add3A_2098 : i32
      %add3A_2100 = arith.constant 2 : i32
      %add3A_2101 = arith.addi %add3A_2099, %add3A_2100 : i32
      %dma_start3A_2102 = arith.constant 0 : i32
      %dma_start3A_2103 = arith.constant 0 : i32
      %dma_start3A_2104 = arith.constant 2 : i32
      %dma_start3A_2105 = arith.constant 2 : i32
      %dma_start3A_2106 = arith.constant 0 : i32
      %dma_start3A_2107 = arith.constant 0 : i32
      %dma_start3A_2108 = tpu.memref_slice %arg6[%dma_start3A_2104, %dma_start3A_2106, %dma_start3A_2107] : memref<3x80x128xf32, #tpu.memory_space<vmem>> -> memref<1x80x128xf32, #tpu.memory_space<vmem>>
      %dma_start3A_2109 = tpu.memref_squeeze %dma_start3A_2108 : memref<1x80x128xf32, #tpu.memory_space<vmem>> -> memref<80x128xf32, #tpu.memory_space<vmem>>
      %dma_start3A_2110 = arith.constant 0 : i32
      %dma_start3A_2111 = tpu.memref_slice %arg5[%dma_start3A_2102, %dma_start3A_2103, %add3A_2101, %dma_start3A_2110] : memref<2x2x25x80xi32, #tpu.memory_space<vmem>> -> memref<1x1x1x80xi32, #tpu.memory_space<vmem>>
      %dma_start3A_2112 = tpu.memref_squeeze %dma_start3A_2111 : memref<1x1x1x80xi32, #tpu.memory_space<vmem>> -> memref<80xi32, #tpu.memory_space<vmem>>
      %dma_start3A_2113 = arith.constant 0 : i32
      %dma_start3A_2114 = arith.constant 0 : i32
      %dma_start3A_2115 = tpu.memref_slice %arg3[%dma_start3A_2113, %dma_start3A_2114] : memref<10000x128xf32, #tpu.memory_space<hbm>> -> memref<10000x128xf32, #tpu.memory_space<hbm>>
      %dma_start3A_2116 = tpu.memref_slice %arg8[%dma_start3A_2105] : memref<3x!tpu.dma_semaphore, #tpu.memory_space<semaphore_mem>> -> memref<1x!tpu.dma_semaphore, #tpu.memory_space<semaphore_mem>>
      %dma_start3A_2117 = tpu.memref_squeeze %dma_start3A_2116 : memref<1x!tpu.dma_semaphore, #tpu.memory_space<semaphore_mem>> -> memref<!tpu.dma_semaphore, #tpu.memory_space<semaphore_mem>>
      tpu.enqueue_indirect_dma source(%dma_start3A_2115 : memref<10000x128xf32, #tpu.memory_space<hbm>>) target(%dma_start3A_2109 : memref<80x128xf32, #tpu.memory_space<vmem>>) offsets(%dma_start3A_2112 : memref<80xi32, #tpu.memory_space<vmem>>) semaphore(%dma_start3A_2117 : memref<!tpu.dma_semaphore, #tpu.memory_space<semaphore_mem>>)
    }
    %scan3A_238 = arith.constant 7 : i32
    %dma_wait3A_239 = arith.constant 0 : i32
    %dma_wait3A_240 = arith.constant 0 : i32
    %dma_wait3A_241 = arith.constant 0 : i32
    %dma_wait3A_242 = arith.constant 0 : i32
    %dma_wait3A_243 = arith.constant 0 : i32
    %dma_wait3A_244 = arith.constant 0 : i32
    %dma_wait3A_245 = arith.constant 0 : i32
    %dma_wait3A_246 = tpu.memref_slice %arg6[%dma_wait3A_242, %dma_wait3A_244, %dma_wait3A_245] : memref<3x80x128xf32, #tpu.memory_space<vmem>> -> memref<1x80x128xf32, #tpu.memory_space<vmem>>
    %dma_wait3A_247 = tpu.memref_squeeze %dma_wait3A_246 : memref<1x80x128xf32, #tpu.memory_space<vmem>> -> memref<80x128xf32, #tpu.memory_space<vmem>>
    %dma_wait3A_248 = arith.constant 0 : i32
    %dma_wait3A_249 = tpu.memref_slice %arg5[%dma_wait3A_239, %dma_wait3A_240, %dma_wait3A_241, %dma_wait3A_248] : memref<2x2x25x80xi32, #tpu.memory_space<vmem>> -> memref<1x1x1x80xi32, #tpu.memory_space<vmem>>
    %dma_wait3A_250 = tpu.memref_squeeze %dma_wait3A_249 : memref<1x1x1x80xi32, #tpu.memory_space<vmem>> -> memref<80xi32, #tpu.memory_space<vmem>>
    %dma_wait3A_251 = arith.constant 0 : i32
    %dma_wait3A_252 = arith.constant 0 : i32
    %dma_wait3A_253 = tpu.memref_slice %arg3[%dma_wait3A_251, %dma_wait3A_252] : memref<10000x128xf32, #tpu.memory_space<hbm>> -> memref<10000x128xf32, #tpu.memory_space<hbm>>
    %dma_wait3A_254 = tpu.memref_slice %arg8[%dma_wait3A_243] : memref<3x!tpu.dma_semaphore, #tpu.memory_space<semaphore_mem>> -> memref<1x!tpu.dma_semaphore, #tpu.memory_space<semaphore_mem>>
    %dma_wait3A_255 = tpu.memref_squeeze %dma_wait3A_254 : memref<1x!tpu.dma_semaphore, #tpu.memory_space<semaphore_mem>> -> memref<!tpu.dma_semaphore, #tpu.memory_space<semaphore_mem>>
    tpu.wait_indirect_dma semaphore(%dma_wait3A_255 : memref<!tpu.dma_semaphore, #tpu.memory_space<semaphore_mem>>) src(%dma_wait3A_253 : memref<10000x128xf32, #tpu.memory_space<hbm>>) dst(%dma_wait3A_247 : memref<80x128xf32, #tpu.memory_space<vmem>>)
    %dma_start3A_256 = arith.constant 0 : i32
    %dma_start3A_257 = arith.constant 0 : i32
    %dma_start3A_258 = arith.constant 1 : i32
    %dma_start3A_259 = arith.constant 21 : i32
    %dma_start3A_260 = arith.constant 0 : i32
    %dma_start3A_261 = arith.constant 0 : i32
    %dma_start3A_262 = arith.constant 0 : i32
    %dma_start3A_263 = tpu.memref_slice %arg6[%dma_start3A_256, %dma_start3A_261, %dma_start3A_262] : memref<3x80x128xf32, #tpu.memory_space<vmem>> -> memref<1x80x128xf32, #tpu.memory_space<vmem>>
    %dma_start3A_264 = tpu.memref_squeeze %dma_start3A_263 : memref<1x80x128xf32, #tpu.memory_space<vmem>> -> memref<80x128xf32, #tpu.memory_space<vmem>>
    %dma_start3A_265 = arith.constant 0 : i32
    %dma_start3A_266 = tpu.memref_slice %arg5[%dma_start3A_257, %dma_start3A_258, %dma_start3A_259, %dma_start3A_265] : memref<2x2x25x80xi32, #tpu.memory_space<vmem>> -> memref<1x1x1x80xi32, #tpu.memory_space<vmem>>
    %dma_start3A_267 = tpu.memref_squeeze %dma_start3A_266 : memref<1x1x1x80xi32, #tpu.memory_space<vmem>> -> memref<80xi32, #tpu.memory_space<vmem>>
    %dma_start3A_268 = arith.constant 0 : i32
    %dma_start3A_269 = arith.constant 0 : i32
    %dma_start3A_270 = tpu.memref_slice %arg7[%dma_start3A_268, %dma_start3A_269] : memref<10112x128xf32, #tpu.memory_space<vmem_shared>> -> memref<10112x128xf32, #tpu.memory_space<vmem_shared>>
    %dma_start3A_271 = tpu.memref_slice %arg9[%dma_start3A_260] : memref<3x!tpu.dma_semaphore, #tpu.memory_space<semaphore_mem>> -> memref<1x!tpu.dma_semaphore, #tpu.memory_space<semaphore_mem>>
    %dma_start3A_272 = tpu.memref_squeeze %dma_start3A_271 : memref<1x!tpu.dma_semaphore, #tpu.memory_space<semaphore_mem>> -> memref<!tpu.dma_semaphore, #tpu.memory_space<semaphore_mem>>
    tpu.enqueue_indirect_dma source(%dma_start3A_264 : memref<80x128xf32, #tpu.memory_space<vmem>>) target(%dma_start3A_270 : memref<10112x128xf32, #tpu.memory_space<vmem_shared>>) offsets(%dma_start3A_267 : memref<80xi32, #tpu.memory_space<vmem>>) semaphore(%dma_start3A_272 : memref<!tpu.dma_semaphore, #tpu.memory_space<semaphore_mem>>) {add = true}
    %dma_wait3A_273 = arith.constant 0 : i32
    %dma_wait3A_274 = arith.constant 0 : i32
    %dma_wait3A_275 = arith.constant 0 : i32
    %dma_wait3A_276 = arith.constant 1 : i32
    %dma_wait3A_277 = arith.constant 1 : i32
    %dma_wait3A_278 = arith.constant 0 : i32
    %dma_wait3A_279 = arith.constant 0 : i32
    %dma_wait3A_280 = tpu.memref_slice %arg6[%dma_wait3A_276, %dma_wait3A_278, %dma_wait3A_279] : memref<3x80x128xf32, #tpu.memory_space<vmem>> -> memref<1x80x128xf32, #tpu.memory_space<vmem>>
    %dma_wait3A_281 = tpu.memref_squeeze %dma_wait3A_280 : memref<1x80x128xf32, #tpu.memory_space<vmem>> -> memref<80x128xf32, #tpu.memory_space<vmem>>
    %dma_wait3A_282 = arith.constant 0 : i32
    %dma_wait3A_283 = tpu.memref_slice %arg5[%dma_wait3A_273, %dma_wait3A_274, %dma_wait3A_275, %dma_wait3A_282] : memref<2x2x25x80xi32, #tpu.memory_space<vmem>> -> memref<1x1x1x80xi32, #tpu.memory_space<vmem>>
    %dma_wait3A_284 = tpu.memref_squeeze %dma_wait3A_283 : memref<1x1x1x80xi32, #tpu.memory_space<vmem>> -> memref<80xi32, #tpu.memory_space<vmem>>
    %dma_wait3A_285 = arith.constant 0 : i32
    %dma_wait3A_286 = arith.constant 0 : i32
    %dma_wait3A_287 = tpu.memref_slice %arg3[%dma_wait3A_285, %dma_wait3A_286] : memref<10000x128xf32, #tpu.memory_space<hbm>> -> memref<10000x128xf32, #tpu.memory_space<hbm>>
    %dma_wait3A_288 = tpu.memref_slice %arg8[%dma_wait3A_277] : memref<3x!tpu.dma_semaphore, #tpu.memory_space<semaphore_mem>> -> memref<1x!tpu.dma_semaphore, #tpu.memory_space<semaphore_mem>>
    %dma_wait3A_289 = tpu.memref_squeeze %dma_wait3A_288 : memref<1x!tpu.dma_semaphore, #tpu.memory_space<semaphore_mem>> -> memref<!tpu.dma_semaphore, #tpu.memory_space<semaphore_mem>>
    tpu.wait_indirect_dma semaphore(%dma_wait3A_289 : memref<!tpu.dma_semaphore, #tpu.memory_space<semaphore_mem>>) src(%dma_wait3A_287 : memref<10000x128xf32, #tpu.memory_space<hbm>>) dst(%dma_wait3A_281 : memref<80x128xf32, #tpu.memory_space<vmem>>)
    %dma_start3A_290 = arith.constant 1 : i32
    %dma_start3A_291 = arith.constant 0 : i32
    %dma_start3A_292 = arith.constant 1 : i32
    %dma_start3A_293 = arith.constant 22 : i32
    %dma_start3A_294 = arith.constant 1 : i32
    %dma_start3A_295 = arith.constant 0 : i32
    %dma_start3A_296 = arith.constant 0 : i32
    %dma_start3A_297 = tpu.memref_slice %arg6[%dma_start3A_290, %dma_start3A_295, %dma_start3A_296] : memref<3x80x128xf32, #tpu.memory_space<vmem>> -> memref<1x80x128xf32, #tpu.memory_space<vmem>>
    %dma_start3A_298 = tpu.memref_squeeze %dma_start3A_297 : memref<1x80x128xf32, #tpu.memory_space<vmem>> -> memref<80x128xf32, #tpu.memory_space<vmem>>
    %dma_start3A_299 = arith.constant 0 : i32
    %dma_start3A_300 = tpu.memref_slice %arg5[%dma_start3A_291, %dma_start3A_292, %dma_start3A_293, %dma_start3A_299] : memref<2x2x25x80xi32, #tpu.memory_space<vmem>> -> memref<1x1x1x80xi32, #tpu.memory_space<vmem>>
    %dma_start3A_301 = tpu.memref_squeeze %dma_start3A_300 : memref<1x1x1x80xi32, #tpu.memory_space<vmem>> -> memref<80xi32, #tpu.memory_space<vmem>>
    %dma_start3A_302 = arith.constant 0 : i32
    %dma_start3A_303 = arith.constant 0 : i32
    %dma_start3A_304 = tpu.memref_slice %arg7[%dma_start3A_302, %dma_start3A_303] : memref<10112x128xf32, #tpu.memory_space<vmem_shared>> -> memref<10112x128xf32, #tpu.memory_space<vmem_shared>>
    %dma_start3A_305 = tpu.memref_slice %arg9[%dma_start3A_294] : memref<3x!tpu.dma_semaphore, #tpu.memory_space<semaphore_mem>> -> memref<1x!tpu.dma_semaphore, #tpu.memory_space<semaphore_mem>>
    %dma_start3A_306 = tpu.memref_squeeze %dma_start3A_305 : memref<1x!tpu.dma_semaphore, #tpu.memory_space<semaphore_mem>> -> memref<!tpu.dma_semaphore, #tpu.memory_space<semaphore_mem>>
    tpu.enqueue_indirect_dma source(%dma_start3A_298 : memref<80x128xf32, #tpu.memory_space<vmem>>) target(%dma_start3A_304 : memref<10112x128xf32, #tpu.memory_space<vmem_shared>>) offsets(%dma_start3A_301 : memref<80xi32, #tpu.memory_space<vmem>>) semaphore(%dma_start3A_306 : memref<!tpu.dma_semaphore, #tpu.memory_space<semaphore_mem>>) {add = true}
    %dma_wait3A_307 = arith.constant 0 : i32
    %dma_wait3A_308 = arith.constant 0 : i32
    %dma_wait3A_309 = arith.constant 0 : i32
    %dma_wait3A_310 = arith.constant 2 : i32
    %dma_wait3A_311 = arith.constant 2 : i32
    %dma_wait3A_312 = arith.constant 0 : i32
    %dma_wait3A_313 = arith.constant 0 : i32
    %dma_wait3A_314 = tpu.memref_slice %arg6[%dma_wait3A_310, %dma_wait3A_312, %dma_wait3A_313] : memref<3x80x128xf32, #tpu.memory_space<vmem>> -> memref<1x80x128xf32, #tpu.memory_space<vmem>>
    %dma_wait3A_315 = tpu.memref_squeeze %dma_wait3A_314 : memref<1x80x128xf32, #tpu.memory_space<vmem>> -> memref<80x128xf32, #tpu.memory_space<vmem>>
    %dma_wait3A_316 = arith.constant 0 : i32
    %dma_wait3A_317 = tpu.memref_slice %arg5[%dma_wait3A_307, %dma_wait3A_308, %dma_wait3A_309, %dma_wait3A_316] : memref<2x2x25x80xi32, #tpu.memory_space<vmem>> -> memref<1x1x1x80xi32, #tpu.memory_space<vmem>>
    %dma_wait3A_318 = tpu.memref_squeeze %dma_wait3A_317 : memref<1x1x1x80xi32, #tpu.memory_space<vmem>> -> memref<80xi32, #tpu.memory_space<vmem>>
    %dma_wait3A_319 = arith.constant 0 : i32
    %dma_wait3A_320 = arith.constant 0 : i32
    %dma_wait3A_321 = tpu.memref_slice %arg3[%dma_wait3A_319, %dma_wait3A_320] : memref<10000x128xf32, #tpu.memory_space<hbm>> -> memref<10000x128xf32, #tpu.memory_space<hbm>>
    %dma_wait3A_322 = tpu.memref_slice %arg8[%dma_wait3A_311] : memref<3x!tpu.dma_semaphore, #tpu.memory_space<semaphore_mem>> -> memref<1x!tpu.dma_semaphore, #tpu.memory_space<semaphore_mem>>
    %dma_wait3A_323 = tpu.memref_squeeze %dma_wait3A_322 : memref<1x!tpu.dma_semaphore, #tpu.memory_space<semaphore_mem>> -> memref<!tpu.dma_semaphore, #tpu.memory_space<semaphore_mem>>
    tpu.wait_indirect_dma semaphore(%dma_wait3A_323 : memref<!tpu.dma_semaphore, #tpu.memory_space<semaphore_mem>>) src(%dma_wait3A_321 : memref<10000x128xf32, #tpu.memory_space<hbm>>) dst(%dma_wait3A_315 : memref<80x128xf32, #tpu.memory_space<vmem>>)
    %dma_start3A_324 = arith.constant 2 : i32
    %dma_start3A_325 = arith.constant 0 : i32
    %dma_start3A_326 = arith.constant 1 : i32
    %dma_start3A_327 = arith.constant 23 : i32
    %dma_start3A_328 = arith.constant 2 : i32
    %dma_start3A_329 = arith.constant 0 : i32
    %dma_start3A_330 = arith.constant 0 : i32
    %dma_start3A_331 = tpu.memref_slice %arg6[%dma_start3A_324, %dma_start3A_329, %dma_start3A_330] : memref<3x80x128xf32, #tpu.memory_space<vmem>> -> memref<1x80x128xf32, #tpu.memory_space<vmem>>
    %dma_start3A_332 = tpu.memref_squeeze %dma_start3A_331 : memref<1x80x128xf32, #tpu.memory_space<vmem>> -> memref<80x128xf32, #tpu.memory_space<vmem>>
    %dma_start3A_333 = arith.constant 0 : i32
    %dma_start3A_334 = tpu.memref_slice %arg5[%dma_start3A_325, %dma_start3A_326, %dma_start3A_327, %dma_start3A_333] : memref<2x2x25x80xi32, #tpu.memory_space<vmem>> -> memref<1x1x1x80xi32, #tpu.memory_space<vmem>>
    %dma_start3A_335 = tpu.memref_squeeze %dma_start3A_334 : memref<1x1x1x80xi32, #tpu.memory_space<vmem>> -> memref<80xi32, #tpu.memory_space<vmem>>
    %dma_start3A_336 = arith.constant 0 : i32
    %dma_start3A_337 = arith.constant 0 : i32
    %dma_start3A_338 = tpu.memref_slice %arg7[%dma_start3A_336, %dma_start3A_337] : memref<10112x128xf32, #tpu.memory_space<vmem_shared>> -> memref<10112x128xf32, #tpu.memory_space<vmem_shared>>
    %dma_start3A_339 = tpu.memref_slice %arg9[%dma_start3A_328] : memref<3x!tpu.dma_semaphore, #tpu.memory_space<semaphore_mem>> -> memref<1x!tpu.dma_semaphore, #tpu.memory_space<semaphore_mem>>
    %dma_start3A_340 = tpu.memref_squeeze %dma_start3A_339 : memref<1x!tpu.dma_semaphore, #tpu.memory_space<semaphore_mem>> -> memref<!tpu.dma_semaphore, #tpu.memory_space<semaphore_mem>>
    tpu.enqueue_indirect_dma source(%dma_start3A_332 : memref<80x128xf32, #tpu.memory_space<vmem>>) target(%dma_start3A_338 : memref<10112x128xf32, #tpu.memory_space<vmem_shared>>) offsets(%dma_start3A_335 : memref<80xi32, #tpu.memory_space<vmem>>) semaphore(%dma_start3A_340 : memref<!tpu.dma_semaphore, #tpu.memory_space<semaphore_mem>>) {add = true}
    %dma_wait3A_341 = arith.constant 0 : i32
    %dma_wait3A_342 = arith.constant 0 : i32
    %dma_wait3A_343 = arith.constant 1 : i32
    %dma_wait3A_344 = arith.constant 0 : i32
    %dma_wait3A_345 = arith.constant 0 : i32
    %dma_wait3A_346 = arith.constant 0 : i32
    %dma_wait3A_347 = arith.constant 0 : i32
    %dma_wait3A_348 = tpu.memref_slice %arg6[%dma_wait3A_341, %dma_wait3A_346, %dma_wait3A_347] : memref<3x80x128xf32, #tpu.memory_space<vmem>> -> memref<1x80x128xf32, #tpu.memory_space<vmem>>
    %dma_wait3A_349 = tpu.memref_squeeze %dma_wait3A_348 : memref<1x80x128xf32, #tpu.memory_space<vmem>> -> memref<80x128xf32, #tpu.memory_space<vmem>>
    %dma_wait3A_350 = arith.constant 0 : i32
    %dma_wait3A_351 = tpu.memref_slice %arg5[%dma_wait3A_342, %dma_wait3A_343, %dma_wait3A_344, %dma_wait3A_350] : memref<2x2x25x80xi32, #tpu.memory_space<vmem>> -> memref<1x1x1x80xi32, #tpu.memory_space<vmem>>
    %dma_wait3A_352 = tpu.memref_squeeze %dma_wait3A_351 : memref<1x1x1x80xi32, #tpu.memory_space<vmem>> -> memref<80xi32, #tpu.memory_space<vmem>>
    %dma_wait3A_353 = arith.constant 0 : i32
    %dma_wait3A_354 = arith.constant 0 : i32
    %dma_wait3A_355 = tpu.memref_slice %arg7[%dma_wait3A_353, %dma_wait3A_354] : memref<10112x128xf32, #tpu.memory_space<vmem_shared>> -> memref<10112x128xf32, #tpu.memory_space<vmem_shared>>
    %dma_wait3A_356 = tpu.memref_slice %arg9[%dma_wait3A_345] : memref<3x!tpu.dma_semaphore, #tpu.memory_space<semaphore_mem>> -> memref<1x!tpu.dma_semaphore, #tpu.memory_space<semaphore_mem>>
    %dma_wait3A_357 = tpu.memref_squeeze %dma_wait3A_356 : memref<1x!tpu.dma_semaphore, #tpu.memory_space<semaphore_mem>> -> memref<!tpu.dma_semaphore, #tpu.memory_space<semaphore_mem>>
    tpu.wait_indirect_dma semaphore(%dma_wait3A_357 : memref<!tpu.dma_semaphore, #tpu.memory_space<semaphore_mem>>) src(%dma_wait3A_349 : memref<80x128xf32, #tpu.memory_space<vmem>>) dst(%dma_wait3A_355 : memref<10112x128xf32, #tpu.memory_space<vmem_shared>>)
    %dma_start3A_358 = arith.constant 0 : i32
    %dma_start3A_359 = arith.constant 0 : i32
    %dma_start3A_360 = arith.constant 24 : i32
    %dma_start3A_361 = arith.constant 0 : i32
    %dma_start3A_362 = arith.constant 0 : i32
    %dma_start3A_363 = arith.constant 0 : i32
    %dma_start3A_364 = arith.constant 0 : i32
    %dma_start3A_365 = tpu.memref_slice %arg6[%dma_start3A_361, %dma_start3A_363, %dma_start3A_364] : memref<3x80x128xf32, #tpu.memory_space<vmem>> -> memref<1x80x128xf32, #tpu.memory_space<vmem>>
    %dma_start3A_366 = tpu.memref_squeeze %dma_start3A_365 : memref<1x80x128xf32, #tpu.memory_space<vmem>> -> memref<80x128xf32, #tpu.memory_space<vmem>>
    %dma_start3A_367 = arith.constant 0 : i32
    %dma_start3A_368 = tpu.memref_slice %arg5[%dma_start3A_358, %dma_start3A_359, %dma_start3A_360, %dma_start3A_367] : memref<2x2x25x80xi32, #tpu.memory_space<vmem>> -> memref<1x1x1x80xi32, #tpu.memory_space<vmem>>
    %dma_start3A_369 = tpu.memref_squeeze %dma_start3A_368 : memref<1x1x1x80xi32, #tpu.memory_space<vmem>> -> memref<80xi32, #tpu.memory_space<vmem>>
    %dma_start3A_370 = arith.constant 0 : i32
    %dma_start3A_371 = arith.constant 0 : i32
    %dma_start3A_372 = tpu.memref_slice %arg3[%dma_start3A_370, %dma_start3A_371] : memref<10000x128xf32, #tpu.memory_space<hbm>> -> memref<10000x128xf32, #tpu.memory_space<hbm>>
    %dma_start3A_373 = tpu.memref_slice %arg8[%dma_start3A_362] : memref<3x!tpu.dma_semaphore, #tpu.memory_space<semaphore_mem>> -> memref<1x!tpu.dma_semaphore, #tpu.memory_space<semaphore_mem>>
    %dma_start3A_374 = tpu.memref_squeeze %dma_start3A_373 : memref<1x!tpu.dma_semaphore, #tpu.memory_space<semaphore_mem>> -> memref<!tpu.dma_semaphore, #tpu.memory_space<semaphore_mem>>
    tpu.enqueue_indirect_dma source(%dma_start3A_372 : memref<10000x128xf32, #tpu.memory_space<hbm>>) target(%dma_start3A_366 : memref<80x128xf32, #tpu.memory_space<vmem>>) offsets(%dma_start3A_369 : memref<80xi32, #tpu.memory_space<vmem>>) semaphore(%dma_start3A_374 : memref<!tpu.dma_semaphore, #tpu.memory_space<semaphore_mem>>)
    %dma_wait3A_375 = arith.constant 1 : i32
    %dma_wait3A_376 = arith.constant 0 : i32
    %dma_wait3A_377 = arith.constant 1 : i32
    %dma_wait3A_378 = arith.constant 0 : i32
    %dma_wait3A_379 = arith.constant 1 : i32
    %dma_wait3A_380 = arith.constant 0 : i32
    %dma_wait3A_381 = arith.constant 0 : i32
    %dma_wait3A_382 = tpu.memref_slice %arg6[%dma_wait3A_375, %dma_wait3A_380, %dma_wait3A_381] : memref<3x80x128xf32, #tpu.memory_space<vmem>> -> memref<1x80x128xf32, #tpu.memory_space<vmem>>
    %dma_wait3A_383 = tpu.memref_squeeze %dma_wait3A_382 : memref<1x80x128xf32, #tpu.memory_space<vmem>> -> memref<80x128xf32, #tpu.memory_space<vmem>>
    %dma_wait3A_384 = arith.constant 0 : i32
    %dma_wait3A_385 = tpu.memref_slice %arg5[%dma_wait3A_376, %dma_wait3A_377, %dma_wait3A_378, %dma_wait3A_384] : memref<2x2x25x80xi32, #tpu.memory_space<vmem>> -> memref<1x1x1x80xi32, #tpu.memory_space<vmem>>
    %dma_wait3A_386 = tpu.memref_squeeze %dma_wait3A_385 : memref<1x1x1x80xi32, #tpu.memory_space<vmem>> -> memref<80xi32, #tpu.memory_space<vmem>>
    %dma_wait3A_387 = arith.constant 0 : i32
    %dma_wait3A_388 = arith.constant 0 : i32
    %dma_wait3A_389 = tpu.memref_slice %arg7[%dma_wait3A_387, %dma_wait3A_388] : memref<10112x128xf32, #tpu.memory_space<vmem_shared>> -> memref<10112x128xf32, #tpu.memory_space<vmem_shared>>
    %dma_wait3A_390 = tpu.memref_slice %arg9[%dma_wait3A_379] : memref<3x!tpu.dma_semaphore, #tpu.memory_space<semaphore_mem>> -> memref<1x!tpu.dma_semaphore, #tpu.memory_space<semaphore_mem>>
    %dma_wait3A_391 = tpu.memref_squeeze %dma_wait3A_390 : memref<1x!tpu.dma_semaphore, #tpu.memory_space<semaphore_mem>> -> memref<!tpu.dma_semaphore, #tpu.memory_space<semaphore_mem>>
    tpu.wait_indirect_dma semaphore(%dma_wait3A_391 : memref<!tpu.dma_semaphore, #tpu.memory_space<semaphore_mem>>) src(%dma_wait3A_383 : memref<80x128xf32, #tpu.memory_space<vmem>>) dst(%dma_wait3A_389 : memref<10112x128xf32, #tpu.memory_space<vmem_shared>>)
    %dma_wait3A_392 = arith.constant 2 : i32
    %dma_wait3A_393 = arith.constant 0 : i32
    %dma_wait3A_394 = arith.constant 1 : i32
    %dma_wait3A_395 = arith.constant 0 : i32
    %dma_wait3A_396 = arith.constant 2 : i32
    %dma_wait3A_397 = arith.constant 0 : i32
    %dma_wait3A_398 = arith.constant 0 : i32
    %dma_wait3A_399 = tpu.memref_slice %arg6[%dma_wait3A_392, %dma_wait3A_397, %dma_wait3A_398] : memref<3x80x128xf32, #tpu.memory_space<vmem>> -> memref<1x80x128xf32, #tpu.memory_space<vmem>>
    %dma_wait3A_400 = tpu.memref_squeeze %dma_wait3A_399 : memref<1x80x128xf32, #tpu.memory_space<vmem>> -> memref<80x128xf32, #tpu.memory_space<vmem>>
    %dma_wait3A_401 = arith.constant 0 : i32
    %dma_wait3A_402 = tpu.memref_slice %arg5[%dma_wait3A_393, %dma_wait3A_394, %dma_wait3A_395, %dma_wait3A_401] : memref<2x2x25x80xi32, #tpu.memory_space<vmem>> -> memref<1x1x1x80xi32, #tpu.memory_space<vmem>>
    %dma_wait3A_403 = tpu.memref_squeeze %dma_wait3A_402 : memref<1x1x1x80xi32, #tpu.memory_space<vmem>> -> memref<80xi32, #tpu.memory_space<vmem>>
    %dma_wait3A_404 = arith.constant 0 : i32
    %dma_wait3A_405 = arith.constant 0 : i32
    %dma_wait3A_406 = tpu.memref_slice %arg7[%dma_wait3A_404, %dma_wait3A_405] : memref<10112x128xf32, #tpu.memory_space<vmem_shared>> -> memref<10112x128xf32, #tpu.memory_space<vmem_shared>>
    %dma_wait3A_407 = tpu.memref_slice %arg9[%dma_wait3A_396] : memref<3x!tpu.dma_semaphore, #tpu.memory_space<semaphore_mem>> -> memref<1x!tpu.dma_semaphore, #tpu.memory_space<semaphore_mem>>
    %dma_wait3A_408 = tpu.memref_squeeze %dma_wait3A_407 : memref<1x!tpu.dma_semaphore, #tpu.memory_space<semaphore_mem>> -> memref<!tpu.dma_semaphore, #tpu.memory_space<semaphore_mem>>
    tpu.wait_indirect_dma semaphore(%dma_wait3A_408 : memref<!tpu.dma_semaphore, #tpu.memory_space<semaphore_mem>>) src(%dma_wait3A_400 : memref<80x128xf32, #tpu.memory_space<vmem>>) dst(%dma_wait3A_406 : memref<10112x128xf32, #tpu.memory_space<vmem_shared>>)
    %dma_wait3A_409 = arith.constant 0 : i32
    %dma_wait3A_410 = arith.constant 0 : i32
    %dma_wait3A_411 = arith.constant 0 : i32
    %dma_wait3A_412 = arith.constant 0 : i32
    %dma_wait3A_413 = arith.constant 0 : i32
    %dma_wait3A_414 = arith.constant 0 : i32
    %dma_wait3A_415 = arith.constant 0 : i32
    %dma_wait3A_416 = tpu.memref_slice %arg6[%dma_wait3A_412, %dma_wait3A_414, %dma_wait3A_415] : memref<3x80x128xf32, #tpu.memory_space<vmem>> -> memref<1x80x128xf32, #tpu.memory_space<vmem>>
    %dma_wait3A_417 = tpu.memref_squeeze %dma_wait3A_416 : memref<1x80x128xf32, #tpu.memory_space<vmem>> -> memref<80x128xf32, #tpu.memory_space<vmem>>
    %dma_wait3A_418 = arith.constant 0 : i32
    %dma_wait3A_419 = tpu.memref_slice %arg5[%dma_wait3A_409, %dma_wait3A_410, %dma_wait3A_411, %dma_wait3A_418] : memref<2x2x25x80xi32, #tpu.memory_space<vmem>> -> memref<1x1x1x80xi32, #tpu.memory_space<vmem>>
    %dma_wait3A_420 = tpu.memref_squeeze %dma_wait3A_419 : memref<1x1x1x80xi32, #tpu.memory_space<vmem>> -> memref<80xi32, #tpu.memory_space<vmem>>
    %dma_wait3A_421 = arith.constant 0 : i32
    %dma_wait3A_422 = arith.constant 0 : i32
    %dma_wait3A_423 = tpu.memref_slice %arg3[%dma_wait3A_421, %dma_wait3A_422] : memref<10000x128xf32, #tpu.memory_space<hbm>> -> memref<10000x128xf32, #tpu.memory_space<hbm>>
    %dma_wait3A_424 = tpu.memref_slice %arg8[%dma_wait3A_413] : memref<3x!tpu.dma_semaphore, #tpu.memory_space<semaphore_mem>> -> memref<1x!tpu.dma_semaphore, #tpu.memory_space<semaphore_mem>>
    %dma_wait3A_425 = tpu.memref_squeeze %dma_wait3A_424 : memref<1x!tpu.dma_semaphore, #tpu.memory_space<semaphore_mem>> -> memref<!tpu.dma_semaphore, #tpu.memory_space<semaphore_mem>>
    tpu.wait_indirect_dma semaphore(%dma_wait3A_425 : memref<!tpu.dma_semaphore, #tpu.memory_space<semaphore_mem>>) src(%dma_wait3A_423 : memref<10000x128xf32, #tpu.memory_space<hbm>>) dst(%dma_wait3A_417 : memref<80x128xf32, #tpu.memory_space<vmem>>)
    %dma_start3A_426 = arith.constant 0 : i32
    %dma_start3A_427 = arith.constant 0 : i32
    %dma_start3A_428 = arith.constant 1 : i32
    %dma_start3A_429 = arith.constant 24 : i32
    %dma_start3A_430 = arith.constant 0 : i32
    %dma_start3A_431 = arith.constant 0 : i32
    %dma_start3A_432 = arith.constant 0 : i32
    %dma_start3A_433 = tpu.memref_slice %arg6[%dma_start3A_426, %dma_start3A_431, %dma_start3A_432] : memref<3x80x128xf32, #tpu.memory_space<vmem>> -> memref<1x80x128xf32, #tpu.memory_space<vmem>>
    %dma_start3A_434 = tpu.memref_squeeze %dma_start3A_433 : memref<1x80x128xf32, #tpu.memory_space<vmem>> -> memref<80x128xf32, #tpu.memory_space<vmem>>
    %dma_start3A_435 = arith.constant 0 : i32
    %dma_start3A_436 = tpu.memref_slice %arg5[%dma_start3A_427, %dma_start3A_428, %dma_start3A_429, %dma_start3A_435] : memref<2x2x25x80xi32, #tpu.memory_space<vmem>> -> memref<1x1x1x80xi32, #tpu.memory_space<vmem>>
    %dma_start3A_437 = tpu.memref_squeeze %dma_start3A_436 : memref<1x1x1x80xi32, #tpu.memory_space<vmem>> -> memref<80xi32, #tpu.memory_space<vmem>>
    %dma_start3A_438 = arith.constant 0 : i32
    %dma_start3A_439 = arith.constant 0 : i32
    %dma_start3A_440 = tpu.memref_slice %arg7[%dma_start3A_438, %dma_start3A_439] : memref<10112x128xf32, #tpu.memory_space<vmem_shared>> -> memref<10112x128xf32, #tpu.memory_space<vmem_shared>>
    %dma_start3A_441 = tpu.memref_slice %arg9[%dma_start3A_430] : memref<3x!tpu.dma_semaphore, #tpu.memory_space<semaphore_mem>> -> memref<1x!tpu.dma_semaphore, #tpu.memory_space<semaphore_mem>>
    %dma_start3A_442 = tpu.memref_squeeze %dma_start3A_441 : memref<1x!tpu.dma_semaphore, #tpu.memory_space<semaphore_mem>> -> memref<!tpu.dma_semaphore, #tpu.memory_space<semaphore_mem>>
    tpu.enqueue_indirect_dma source(%dma_start3A_434 : memref<80x128xf32, #tpu.memory_space<vmem>>) target(%dma_start3A_440 : memref<10112x128xf32, #tpu.memory_space<vmem_shared>>) offsets(%dma_start3A_437 : memref<80xi32, #tpu.memory_space<vmem>>) semaphore(%dma_start3A_442 : memref<!tpu.dma_semaphore, #tpu.memory_space<semaphore_mem>>) {add = true}
    %dma_wait3A_443 = arith.constant 0 : i32
    %dma_wait3A_444 = arith.constant 0 : i32
    %dma_wait3A_445 = arith.constant 1 : i32
    %dma_wait3A_446 = arith.constant 0 : i32
    %dma_wait3A_447 = arith.constant 0 : i32
    %dma_wait3A_448 = arith.constant 0 : i32
    %dma_wait3A_449 = arith.constant 0 : i32
    %dma_wait3A_450 = tpu.memref_slice %arg6[%dma_wait3A_443, %dma_wait3A_448, %dma_wait3A_449] : memref<3x80x128xf32, #tpu.memory_space<vmem>> -> memref<1x80x128xf32, #tpu.memory_space<vmem>>
    %dma_wait3A_451 = tpu.memref_squeeze %dma_wait3A_450 : memref<1x80x128xf32, #tpu.memory_space<vmem>> -> memref<80x128xf32, #tpu.memory_space<vmem>>
    %dma_wait3A_452 = arith.constant 0 : i32
    %dma_wait3A_453 = tpu.memref_slice %arg5[%dma_wait3A_444, %dma_wait3A_445, %dma_wait3A_446, %dma_wait3A_452] : memref<2x2x25x80xi32, #tpu.memory_space<vmem>> -> memref<1x1x1x80xi32, #tpu.memory_space<vmem>>
    %dma_wait3A_454 = tpu.memref_squeeze %dma_wait3A_453 : memref<1x1x1x80xi32, #tpu.memory_space<vmem>> -> memref<80xi32, #tpu.memory_space<vmem>>
    %dma_wait3A_455 = arith.constant 0 : i32
    %dma_wait3A_456 = arith.constant 0 : i32
    %dma_wait3A_457 = tpu.memref_slice %arg7[%dma_wait3A_455, %dma_wait3A_456] : memref<10112x128xf32, #tpu.memory_space<vmem_shared>> -> memref<10112x128xf32, #tpu.memory_space<vmem_shared>>
    %dma_wait3A_458 = tpu.memref_slice %arg9[%dma_wait3A_447] : memref<3x!tpu.dma_semaphore, #tpu.memory_space<semaphore_mem>> -> memref<1x!tpu.dma_semaphore, #tpu.memory_space<semaphore_mem>>
    %dma_wait3A_459 = tpu.memref_squeeze %dma_wait3A_458 : memref<1x!tpu.dma_semaphore, #tpu.memory_space<semaphore_mem>> -> memref<!tpu.dma_semaphore, #tpu.memory_space<semaphore_mem>>
    tpu.wait_indirect_dma semaphore(%dma_wait3A_459 : memref<!tpu.dma_semaphore, #tpu.memory_space<semaphore_mem>>) src(%dma_wait3A_451 : memref<80x128xf32, #tpu.memory_space<vmem>>) dst(%dma_wait3A_457 : memref<10112x128xf32, #tpu.memory_space<vmem_shared>>)
    %dma_wait3A_460 = arith.constant 0 : i32
    %dma_wait3A_461 = arith.constant 0 : i32
    %dma_wait3A_462 = arith.constant 1 : i32
    %dma_wait3A_463 = arith.constant 0 : i32
    %dma_wait3A_464 = arith.constant 1 : i32
    %dma_wait3A_465 = arith.constant 0 : i32
    %dma_wait3A_466 = arith.constant 0 : i32
    %dma_wait3A_467 = tpu.memref_slice %arg5[%dma_wait3A_462, %dma_wait3A_463, %dma_wait3A_465, %dma_wait3A_466] : memref<2x2x25x80xi32, #tpu.memory_space<vmem>> -> memref<1x1x25x80xi32, #tpu.memory_space<vmem>>
    %dma_wait3A_468 = tpu.memref_squeeze %dma_wait3A_467 : memref<1x1x25x80xi32, #tpu.memory_space<vmem>> -> memref<25x80xi32, #tpu.memory_space<vmem>>
    %dma_wait3A_469 = arith.constant 0 : i32
    %dma_wait3A_470 = arith.constant 0 : i32
    %dma_wait3A_471 = tpu.memref_slice %arg2[%dma_wait3A_460, %add3A, %dma_wait3A_461, %dma_wait3A_469, %dma_wait3A_470] : memref<2x32x5x25x80xi32, #tpu.memory_space<hbm>> -> memref<1x1x1x25x80xi32, #tpu.memory_space<hbm>>
    %dma_wait3A_472 = tpu.memref_squeeze %dma_wait3A_471 : memref<1x1x1x25x80xi32, #tpu.memory_space<hbm>> -> memref<25x80xi32, #tpu.memory_space<hbm>>
    %dma_wait3A_473 = tpu.memref_slice %arg10[%dma_wait3A_464] : memref<2x!tpu.dma_semaphore, #tpu.memory_space<semaphore_mem>> -> memref<1x!tpu.dma_semaphore, #tpu.memory_space<semaphore_mem>>
    %dma_wait3A_474 = tpu.memref_squeeze %dma_wait3A_473 : memref<1x!tpu.dma_semaphore, #tpu.memory_space<semaphore_mem>> -> memref<!tpu.dma_semaphore, #tpu.memory_space<semaphore_mem>>
    %dma_wait3A_475 = arith.constant 0 : i32
    %dma_wait3A_476 = arith.constant 0 : i32
    %dma_wait3A_477 = tpu.memref_slice %arg5[%dma_wait3A_462, %dma_wait3A_463, %dma_wait3A_475, %dma_wait3A_476] : memref<2x2x25x80xi32, #tpu.memory_space<vmem>> -> memref<1x1x25x80xi32, #tpu.memory_space<vmem>>
    %dma_wait3A_478 = tpu.memref_squeeze %dma_wait3A_477 : memref<1x1x25x80xi32, #tpu.memory_space<vmem>> -> memref<25x80xi32, #tpu.memory_space<vmem>>
    %dma_wait3A_479 = arith.constant 0 : i32
    %dma_wait3A_480 = arith.constant 0 : i32
    %dma_wait3A_481 = tpu.memref_slice %arg2[%dma_wait3A_460, %add3A, %dma_wait3A_461, %dma_wait3A_479, %dma_wait3A_480] : memref<2x32x5x25x80xi32, #tpu.memory_space<hbm>> -> memref<1x1x1x25x80xi32, #tpu.memory_space<hbm>>
    %dma_wait3A_482 = tpu.memref_squeeze %dma_wait3A_481 : memref<1x1x1x25x80xi32, #tpu.memory_space<hbm>> -> memref<25x80xi32, #tpu.memory_space<hbm>>
    tpu.wait_dma2 semaphore(%dma_wait3A_474 : memref<!tpu.dma_semaphore, #tpu.memory_space<semaphore_mem>>) src(%dma_wait3A_482 : memref<25x80xi32, #tpu.memory_space<hbm>>) dst(%dma_wait3A_478 : memref<25x80xi32, #tpu.memory_space<vmem>>)
    %dma_wait3A_483 = arith.constant 0 : i32
    %dma_wait3A_484 = arith.constant 0 : i32
    %dma_wait3A_485 = arith.constant 1 : i32
    %dma_wait3A_486 = arith.constant 1 : i32
    %dma_wait3A_487 = arith.constant 1 : i32
    %dma_wait3A_488 = arith.constant 0 : i32
    %dma_wait3A_489 = arith.constant 0 : i32
    %dma_wait3A_490 = tpu.memref_slice %arg5[%dma_wait3A_485, %dma_wait3A_486, %dma_wait3A_488, %dma_wait3A_489] : memref<2x2x25x80xi32, #tpu.memory_space<vmem>> -> memref<1x1x25x80xi32, #tpu.memory_space<vmem>>
    %dma_wait3A_491 = tpu.memref_squeeze %dma_wait3A_490 : memref<1x1x25x80xi32, #tpu.memory_space<vmem>> -> memref<25x80xi32, #tpu.memory_space<vmem>>
    %dma_wait3A_492 = arith.constant 0 : i32
    %dma_wait3A_493 = arith.constant 0 : i32
    %dma_wait3A_494 = tpu.memref_slice %arg2[%dma_wait3A_483, %add3A, %dma_wait3A_484, %dma_wait3A_492, %dma_wait3A_493] : memref<2x32x5x25x80xi32, #tpu.memory_space<hbm>> -> memref<1x1x1x25x80xi32, #tpu.memory_space<hbm>>
    %dma_wait3A_495 = tpu.memref_squeeze %dma_wait3A_494 : memref<1x1x1x25x80xi32, #tpu.memory_space<hbm>> -> memref<25x80xi32, #tpu.memory_space<hbm>>
    %dma_wait3A_496 = tpu.memref_slice %arg10[%dma_wait3A_487] : memref<2x!tpu.dma_semaphore, #tpu.memory_space<semaphore_mem>> -> memref<1x!tpu.dma_semaphore, #tpu.memory_space<semaphore_mem>>
    %dma_wait3A_497 = tpu.memref_squeeze %dma_wait3A_496 : memref<1x!tpu.dma_semaphore, #tpu.memory_space<semaphore_mem>> -> memref<!tpu.dma_semaphore, #tpu.memory_space<semaphore_mem>>
    %dma_wait3A_498 = arith.constant 0 : i32
    %dma_wait3A_499 = arith.constant 0 : i32
    %dma_wait3A_500 = tpu.memref_slice %arg5[%dma_wait3A_485, %dma_wait3A_486, %dma_wait3A_498, %dma_wait3A_499] : memref<2x2x25x80xi32, #tpu.memory_space<vmem>> -> memref<1x1x25x80xi32, #tpu.memory_space<vmem>>
    %dma_wait3A_501 = tpu.memref_squeeze %dma_wait3A_500 : memref<1x1x25x80xi32, #tpu.memory_space<vmem>> -> memref<25x80xi32, #tpu.memory_space<vmem>>
    %dma_wait3A_502 = arith.constant 0 : i32
    %dma_wait3A_503 = arith.constant 0 : i32
    %dma_wait3A_504 = tpu.memref_slice %arg2[%dma_wait3A_483, %add3A, %dma_wait3A_484, %dma_wait3A_502, %dma_wait3A_503] : memref<2x32x5x25x80xi32, #tpu.memory_space<hbm>> -> memref<1x1x1x25x80xi32, #tpu.memory_space<hbm>>
    %dma_wait3A_505 = tpu.memref_squeeze %dma_wait3A_504 : memref<1x1x1x25x80xi32, #tpu.memory_space<hbm>> -> memref<25x80xi32, #tpu.memory_space<hbm>>
    tpu.wait_dma2 semaphore(%dma_wait3A_497 : memref<!tpu.dma_semaphore, #tpu.memory_space<semaphore_mem>>) src(%dma_wait3A_505 : memref<25x80xi32, #tpu.memory_space<hbm>>) dst(%dma_wait3A_501 : memref<25x80xi32, #tpu.memory_space<vmem>>)
    %dma_start3A_506 = arith.constant 0 : i32
    %dma_start3A_507 = arith.constant 2 : i32
    %dma_start3A_508 = arith.constant 0 : i32
    %dma_start3A_509 = arith.constant 0 : i32
    %dma_start3A_510 = arith.constant 0 : i32
    %dma_start3A_511 = arith.constant 0 : i32
    %dma_start3A_512 = arith.constant 0 : i32
    %dma_start3A_513 = tpu.memref_slice %arg5[%dma_start3A_508, %dma_start3A_509, %dma_start3A_511, %dma_start3A_512] : memref<2x2x25x80xi32, #tpu.memory_space<vmem>> -> memref<1x1x25x80xi32, #tpu.memory_space<vmem>>
    %dma_start3A_514 = tpu.memref_squeeze %dma_start3A_513 : memref<1x1x25x80xi32, #tpu.memory_space<vmem>> -> memref<25x80xi32, #tpu.memory_space<vmem>>
    %dma_start3A_515 = arith.constant 0 : i32
    %dma_start3A_516 = arith.constant 0 : i32
    %dma_start3A_517 = tpu.memref_slice %arg2[%dma_start3A_506, %add3A, %dma_start3A_507, %dma_start3A_515, %dma_start3A_516] : memref<2x32x5x25x80xi32, #tpu.memory_space<hbm>> -> memref<1x1x1x25x80xi32, #tpu.memory_space<hbm>>
    %dma_start3A_518 = tpu.memref_squeeze %dma_start3A_517 : memref<1x1x1x25x80xi32, #tpu.memory_space<hbm>> -> memref<25x80xi32, #tpu.memory_space<hbm>>
    %dma_start3A_519 = tpu.memref_slice %arg10[%dma_start3A_510] : memref<2x!tpu.dma_semaphore, #tpu.memory_space<semaphore_mem>> -> memref<1x!tpu.dma_semaphore, #tpu.memory_space<semaphore_mem>>
    %dma_start3A_520 = tpu.memref_squeeze %dma_start3A_519 : memref<1x!tpu.dma_semaphore, #tpu.memory_space<semaphore_mem>> -> memref<!tpu.dma_semaphore, #tpu.memory_space<semaphore_mem>>
    %dma_start3A_521 = arith.constant 0 : i32
    %dma_start3A_522 = arith.constant 0 : i32
    %dma_start3A_523 = tpu.memref_slice %arg5[%dma_start3A_508, %dma_start3A_509, %dma_start3A_521, %dma_start3A_522] : memref<2x2x25x80xi32, #tpu.memory_space<vmem>> -> memref<1x1x25x80xi32, #tpu.memory_space<vmem>>
    %dma_start3A_524 = tpu.memref_squeeze %dma_start3A_523 : memref<1x1x25x80xi32, #tpu.memory_space<vmem>> -> memref<25x80xi32, #tpu.memory_space<vmem>>
    %dma_start3A_525 = arith.constant 0 : i32
    %dma_start3A_526 = arith.constant 0 : i32
    %dma_start3A_527 = tpu.memref_slice %arg2[%dma_start3A_506, %add3A, %dma_start3A_507, %dma_start3A_525, %dma_start3A_526] : memref<2x32x5x25x80xi32, #tpu.memory_space<hbm>> -> memref<1x1x1x25x80xi32, #tpu.memory_space<hbm>>
    %dma_start3A_528 = tpu.memref_squeeze %dma_start3A_527 : memref<1x1x1x25x80xi32, #tpu.memory_space<hbm>> -> memref<25x80xi32, #tpu.memory_space<hbm>>
    tpu.enqueue_dma source(%dma_start3A_528 : memref<25x80xi32, #tpu.memory_space<hbm>>) target(%dma_start3A_524 : memref<25x80xi32, #tpu.memory_space<vmem>>) target_semaphore(%dma_start3A_520 : memref<!tpu.dma_semaphore, #tpu.memory_space<semaphore_mem>>)
    %dma_start3A_529 = arith.constant 1 : i32
    %dma_start3A_530 = arith.constant 2 : i32
    %dma_start3A_531 = arith.constant 0 : i32
    %dma_start3A_532 = arith.constant 1 : i32
    %dma_start3A_533 = arith.constant 0 : i32
    %dma_start3A_534 = arith.constant 0 : i32
    %dma_start3A_535 = arith.constant 0 : i32
    %dma_start3A_536 = tpu.memref_slice %arg5[%dma_start3A_531, %dma_start3A_532, %dma_start3A_534, %dma_start3A_535] : memref<2x2x25x80xi32, #tpu.memory_space<vmem>> -> memref<1x1x25x80xi32, #tpu.memory_space<vmem>>
    %dma_start3A_537 = tpu.memref_squeeze %dma_start3A_536 : memref<1x1x25x80xi32, #tpu.memory_space<vmem>> -> memref<25x80xi32, #tpu.memory_space<vmem>>
    %dma_start3A_538 = arith.constant 0 : i32
    %dma_start3A_539 = arith.constant 0 : i32
    %dma_start3A_540 = tpu.memref_slice %arg2[%dma_start3A_529, %add3A, %dma_start3A_530, %dma_start3A_538, %dma_start3A_539] : memref<2x32x5x25x80xi32, #tpu.memory_space<hbm>> -> memref<1x1x1x25x80xi32, #tpu.memory_space<hbm>>
    %dma_start3A_541 = tpu.memref_squeeze %dma_start3A_540 : memref<1x1x1x25x80xi32, #tpu.memory_space<hbm>> -> memref<25x80xi32, #tpu.memory_space<hbm>>
    %dma_start3A_542 = tpu.memref_slice %arg10[%dma_start3A_533] : memref<2x!tpu.dma_semaphore, #tpu.memory_space<semaphore_mem>> -> memref<1x!tpu.dma_semaphore, #tpu.memory_space<semaphore_mem>>
    %dma_start3A_543 = tpu.memref_squeeze %dma_start3A_542 : memref<1x!tpu.dma_semaphore, #tpu.memory_space<semaphore_mem>> -> memref<!tpu.dma_semaphore, #tpu.memory_space<semaphore_mem>>
    %dma_start3A_544 = arith.constant 0 : i32
    %dma_start3A_545 = arith.constant 0 : i32
    %dma_start3A_546 = tpu.memref_slice %arg5[%dma_start3A_531, %dma_start3A_532, %dma_start3A_544, %dma_start3A_545] : memref<2x2x25x80xi32, #tpu.memory_space<vmem>> -> memref<1x1x25x80xi32, #tpu.memory_space<vmem>>
    %dma_start3A_547 = tpu.memref_squeeze %dma_start3A_546 : memref<1x1x25x80xi32, #tpu.memory_space<vmem>> -> memref<25x80xi32, #tpu.memory_space<vmem>>
    %dma_start3A_548 = arith.constant 0 : i32
    %dma_start3A_549 = arith.constant 0 : i32
    %dma_start3A_550 = tpu.memref_slice %arg2[%dma_start3A_529, %add3A, %dma_start3A_530, %dma_start3A_548, %dma_start3A_549] : memref<2x32x5x25x80xi32, #tpu.memory_space<hbm>> -> memref<1x1x1x25x80xi32, #tpu.memory_space<hbm>>
    %dma_start3A_551 = tpu.memref_squeeze %dma_start3A_550 : memref<1x1x1x25x80xi32, #tpu.memory_space<hbm>> -> memref<25x80xi32, #tpu.memory_space<hbm>>
    tpu.enqueue_dma source(%dma_start3A_551 : memref<25x80xi32, #tpu.memory_space<hbm>>) target(%dma_start3A_547 : memref<25x80xi32, #tpu.memory_space<vmem>>) target_semaphore(%dma_start3A_543 : memref<!tpu.dma_semaphore, #tpu.memory_space<semaphore_mem>>)
    %dma_start3A_552 = arith.constant 1 : i32
    %dma_start3A_553 = arith.constant 0 : i32
    %dma_start3A_554 = arith.constant 0 : i32
    %dma_start3A_555 = arith.constant 0 : i32
    %dma_start3A_556 = arith.constant 0 : i32
    %dma_start3A_557 = arith.constant 0 : i32
    %dma_start3A_558 = arith.constant 0 : i32
    %dma_start3A_559 = tpu.memref_slice %arg6[%dma_start3A_555, %dma_start3A_557, %dma_start3A_558] : memref<3x80x128xf32, #tpu.memory_space<vmem>> -> memref<1x80x128xf32, #tpu.memory_space<vmem>>
    %dma_start3A_560 = tpu.memref_squeeze %dma_start3A_559 : memref<1x80x128xf32, #tpu.memory_space<vmem>> -> memref<80x128xf32, #tpu.memory_space<vmem>>
    %dma_start3A_561 = arith.constant 0 : i32
    %dma_start3A_562 = tpu.memref_slice %arg5[%dma_start3A_552, %dma_start3A_553, %dma_start3A_554, %dma_start3A_561] : memref<2x2x25x80xi32, #tpu.memory_space<vmem>> -> memref<1x1x1x80xi32, #tpu.memory_space<vmem>>
    %dma_start3A_563 = tpu.memref_squeeze %dma_start3A_562 : memref<1x1x1x80xi32, #tpu.memory_space<vmem>> -> memref<80xi32, #tpu.memory_space<vmem>>
    %dma_start3A_564 = arith.constant 0 : i32
    %dma_start3A_565 = arith.constant 0 : i32
    %dma_start3A_566 = tpu.memref_slice %arg3[%dma_start3A_564, %dma_start3A_565] : memref<10000x128xf32, #tpu.memory_space<hbm>> -> memref<10000x128xf32, #tpu.memory_space<hbm>>
    %dma_start3A_567 = tpu.memref_slice %arg8[%dma_start3A_556] : memref<3x!tpu.dma_semaphore, #tpu.memory_space<semaphore_mem>> -> memref<1x!tpu.dma_semaphore, #tpu.memory_space<semaphore_mem>>
    %dma_start3A_568 = tpu.memref_squeeze %dma_start3A_567 : memref<1x!tpu.dma_semaphore, #tpu.memory_space<semaphore_mem>> -> memref<!tpu.dma_semaphore, #tpu.memory_space<semaphore_mem>>
    tpu.enqueue_indirect_dma source(%dma_start3A_566 : memref<10000x128xf32, #tpu.memory_space<hbm>>) target(%dma_start3A_560 : memref<80x128xf32, #tpu.memory_space<vmem>>) offsets(%dma_start3A_563 : memref<80xi32, #tpu.memory_space<vmem>>) semaphore(%dma_start3A_568 : memref<!tpu.dma_semaphore, #tpu.memory_space<semaphore_mem>>)
    %dma_start3A_569 = arith.constant 1 : i32
    %dma_start3A_570 = arith.constant 0 : i32
    %dma_start3A_571 = arith.constant 1 : i32
    %dma_start3A_572 = arith.constant 1 : i32
    %dma_start3A_573 = arith.constant 1 : i32
    %dma_start3A_574 = arith.constant 0 : i32
    %dma_start3A_575 = arith.constant 0 : i32
    %dma_start3A_576 = tpu.memref_slice %arg6[%dma_start3A_572, %dma_start3A_574, %dma_start3A_575] : memref<3x80x128xf32, #tpu.memory_space<vmem>> -> memref<1x80x128xf32, #tpu.memory_space<vmem>>
    %dma_start3A_577 = tpu.memref_squeeze %dma_start3A_576 : memref<1x80x128xf32, #tpu.memory_space<vmem>> -> memref<80x128xf32, #tpu.memory_space<vmem>>
    %dma_start3A_578 = arith.constant 0 : i32
    %dma_start3A_579 = tpu.memref_slice %arg5[%dma_start3A_569, %dma_start3A_570, %dma_start3A_571, %dma_start3A_578] : memref<2x2x25x80xi32, #tpu.memory_space<vmem>> -> memref<1x1x1x80xi32, #tpu.memory_space<vmem>>
    %dma_start3A_580 = tpu.memref_squeeze %dma_start3A_579 : memref<1x1x1x80xi32, #tpu.memory_space<vmem>> -> memref<80xi32, #tpu.memory_space<vmem>>
    %dma_start3A_581 = arith.constant 0 : i32
    %dma_start3A_582 = arith.constant 0 : i32
    %dma_start3A_583 = tpu.memref_slice %arg3[%dma_start3A_581, %dma_start3A_582] : memref<10000x128xf32, #tpu.memory_space<hbm>> -> memref<10000x128xf32, #tpu.memory_space<hbm>>
    %dma_start3A_584 = tpu.memref_slice %arg8[%dma_start3A_573] : memref<3x!tpu.dma_semaphore, #tpu.memory_space<semaphore_mem>> -> memref<1x!tpu.dma_semaphore, #tpu.memory_space<semaphore_mem>>
    %dma_start3A_585 = tpu.memref_squeeze %dma_start3A_584 : memref<1x!tpu.dma_semaphore, #tpu.memory_space<semaphore_mem>> -> memref<!tpu.dma_semaphore, #tpu.memory_space<semaphore_mem>>
    tpu.enqueue_indirect_dma source(%dma_start3A_583 : memref<10000x128xf32, #tpu.memory_space<hbm>>) target(%dma_start3A_577 : memref<80x128xf32, #tpu.memory_space<vmem>>) offsets(%dma_start3A_580 : memref<80xi32, #tpu.memory_space<vmem>>) semaphore(%dma_start3A_585 : memref<!tpu.dma_semaphore, #tpu.memory_space<semaphore_mem>>)
    %dma_start3A_586 = arith.constant 1 : i32
    %dma_start3A_587 = arith.constant 0 : i32
    %dma_start3A_588 = arith.constant 2 : i32
    %dma_start3A_589 = arith.constant 2 : i32
    %dma_start3A_590 = arith.constant 2 : i32
    %dma_start3A_591 = arith.constant 0 : i32
    %dma_start3A_592 = arith.constant 0 : i32
    %dma_start3A_593 = tpu.memref_slice %arg6[%dma_start3A_589, %dma_start3A_591, %dma_start3A_592] : memref<3x80x128xf32, #tpu.memory_space<vmem>> -> memref<1x80x128xf32, #tpu.memory_space<vmem>>
    %dma_start3A_594 = tpu.memref_squeeze %dma_start3A_593 : memref<1x80x128xf32, #tpu.memory_space<vmem>> -> memref<80x128xf32, #tpu.memory_space<vmem>>
    %dma_start3A_595 = arith.constant 0 : i32
    %dma_start3A_596 = tpu.memref_slice %arg5[%dma_start3A_586, %dma_start3A_587, %dma_start3A_588, %dma_start3A_595] : memref<2x2x25x80xi32, #tpu.memory_space<vmem>> -> memref<1x1x1x80xi32, #tpu.memory_space<vmem>>
    %dma_start3A_597 = tpu.memref_squeeze %dma_start3A_596 : memref<1x1x1x80xi32, #tpu.memory_space<vmem>> -> memref<80xi32, #tpu.memory_space<vmem>>
    %dma_start3A_598 = arith.constant 0 : i32
    %dma_start3A_599 = arith.constant 0 : i32
    %dma_start3A_600 = tpu.memref_slice %arg3[%dma_start3A_598, %dma_start3A_599] : memref<10000x128xf32, #tpu.memory_space<hbm>> -> memref<10000x128xf32, #tpu.memory_space<hbm>>
    %dma_start3A_601 = tpu.memref_slice %arg8[%dma_start3A_590] : memref<3x!tpu.dma_semaphore, #tpu.memory_space<semaphore_mem>> -> memref<1x!tpu.dma_semaphore, #tpu.memory_space<semaphore_mem>>
    %dma_start3A_602 = tpu.memref_squeeze %dma_start3A_601 : memref<1x!tpu.dma_semaphore, #tpu.memory_space<semaphore_mem>> -> memref<!tpu.dma_semaphore, #tpu.memory_space<semaphore_mem>>
    tpu.enqueue_indirect_dma source(%dma_start3A_600 : memref<10000x128xf32, #tpu.memory_space<hbm>>) target(%dma_start3A_594 : memref<80x128xf32, #tpu.memory_space<vmem>>) offsets(%dma_start3A_597 : memref<80xi32, #tpu.memory_space<vmem>>) semaphore(%dma_start3A_602 : memref<!tpu.dma_semaphore, #tpu.memory_space<semaphore_mem>>)
    %scan3A_603 = arith.constant 0 : i32
    %scan3A_604 = arith.constant 0 : i32
    %scan3A_605 = arith.constant 7 : i32
    %scan3A_606 = arith.addi %scan3A_604, %scan3A_605 : i32
    %scan3A_607 = arith.constant 1 : i32
    scf.for %scan3A_1899 = %scan3A_604 to %scan3A_606 step %scan3A_607  : i32 {
      %mul3A_1900 = arith.constant 3 : i32
      %mul3A_1901 = arith.muli %scan3A_1899, %mul3A_1900 : i32
      %dma_wait3A_1902 = arith.constant 0 : i32
      %dma_wait3A_1903 = arith.constant 0 : i32
      %dma_wait3A_1904 = arith.constant 0 : i32
      %dma_wait3A_1905 = arith.constant 0 : i32
      %dma_wait3A_1906 = arith.constant 0 : i32
      %dma_wait3A_1907 = arith.constant 0 : i32
      %dma_wait3A_1908 = arith.constant 0 : i32
      %dma_wait3A_1909 = tpu.memref_slice %arg6[%dma_wait3A_1905, %dma_wait3A_1907, %dma_wait3A_1908] : memref<3x80x128xf32, #tpu.memory_space<vmem>> -> memref<1x80x128xf32, #tpu.memory_space<vmem>>
      %dma_wait3A_1910 = tpu.memref_squeeze %dma_wait3A_1909 : memref<1x80x128xf32, #tpu.memory_space<vmem>> -> memref<80x128xf32, #tpu.memory_space<vmem>>
      %dma_wait3A_1911 = arith.constant 0 : i32
      %dma_wait3A_1912 = tpu.memref_slice %arg5[%dma_wait3A_1902, %dma_wait3A_1903, %dma_wait3A_1904, %dma_wait3A_1911] : memref<2x2x25x80xi32, #tpu.memory_space<vmem>> -> memref<1x1x1x80xi32, #tpu.memory_space<vmem>>
      %dma_wait3A_1913 = tpu.memref_squeeze %dma_wait3A_1912 : memref<1x1x1x80xi32, #tpu.memory_space<vmem>> -> memref<80xi32, #tpu.memory_space<vmem>>
      %dma_wait3A_1914 = arith.constant 0 : i32
      %dma_wait3A_1915 = arith.constant 0 : i32
      %dma_wait3A_1916 = tpu.memref_slice %arg3[%dma_wait3A_1914, %dma_wait3A_1915] : memref<10000x128xf32, #tpu.memory_space<hbm>> -> memref<10000x128xf32, #tpu.memory_space<hbm>>
      %dma_wait3A_1917 = tpu.memref_slice %arg8[%dma_wait3A_1906] : memref<3x!tpu.dma_semaphore, #tpu.memory_space<semaphore_mem>> -> memref<1x!tpu.dma_semaphore, #tpu.memory_space<semaphore_mem>>
      %dma_wait3A_1918 = tpu.memref_squeeze %dma_wait3A_1917 : memref<1x!tpu.dma_semaphore, #tpu.memory_space<semaphore_mem>> -> memref<!tpu.dma_semaphore, #tpu.memory_space<semaphore_mem>>
      tpu.wait_indirect_dma semaphore(%dma_wait3A_1918 : memref<!tpu.dma_semaphore, #tpu.memory_space<semaphore_mem>>) src(%dma_wait3A_1916 : memref<10000x128xf32, #tpu.memory_space<hbm>>) dst(%dma_wait3A_1910 : memref<80x128xf32, #tpu.memory_space<vmem>>)
      %add3A_1919 = arith.constant 0 : i32
      %add3A_1920 = arith.addi %mul3A_1901, %add3A_1919 : i32
      %dma_start3A_1921 = arith.constant 0 : i32
      %dma_start3A_1922 = arith.constant 1 : i32
      %dma_start3A_1923 = arith.constant 1 : i32
      %dma_start3A_1924 = arith.constant 0 : i32
      %dma_start3A_1925 = arith.constant 0 : i32
      %dma_start3A_1926 = arith.constant 0 : i32
      %dma_start3A_1927 = tpu.memref_slice %arg6[%dma_start3A_1921, %dma_start3A_1925, %dma_start3A_1926] : memref<3x80x128xf32, #tpu.memory_space<vmem>> -> memref<1x80x128xf32, #tpu.memory_space<vmem>>
      %dma_start3A_1928 = tpu.memref_squeeze %dma_start3A_1927 : memref<1x80x128xf32, #tpu.memory_space<vmem>> -> memref<80x128xf32, #tpu.memory_space<vmem>>
      %dma_start3A_1929 = arith.constant 0 : i32
      %dma_start3A_1930 = tpu.memref_slice %arg5[%dma_start3A_1922, %dma_start3A_1923, %add3A_1920, %dma_start3A_1929] : memref<2x2x25x80xi32, #tpu.memory_space<vmem>> -> memref<1x1x1x80xi32, #tpu.memory_space<vmem>>
      %dma_start3A_1931 = tpu.memref_squeeze %dma_start3A_1930 : memref<1x1x1x80xi32, #tpu.memory_space<vmem>> -> memref<80xi32, #tpu.memory_space<vmem>>
      %dma_start3A_1932 = arith.constant 0 : i32
      %dma_start3A_1933 = arith.constant 0 : i32
      %dma_start3A_1934 = tpu.memref_slice %arg7[%dma_start3A_1932, %dma_start3A_1933] : memref<10112x128xf32, #tpu.memory_space<vmem_shared>> -> memref<10112x128xf32, #tpu.memory_space<vmem_shared>>
      %dma_start3A_1935 = tpu.memref_slice %arg9[%dma_start3A_1924] : memref<3x!tpu.dma_semaphore, #tpu.memory_space<semaphore_mem>> -> memref<1x!tpu.dma_semaphore, #tpu.memory_space<semaphore_mem>>
      %dma_start3A_1936 = tpu.memref_squeeze %dma_start3A_1935 : memref<1x!tpu.dma_semaphore, #tpu.memory_space<semaphore_mem>> -> memref<!tpu.dma_semaphore, #tpu.memory_space<semaphore_mem>>
      tpu.enqueue_indirect_dma source(%dma_start3A_1928 : memref<80x128xf32, #tpu.memory_space<vmem>>) target(%dma_start3A_1934 : memref<10112x128xf32, #tpu.memory_space<vmem_shared>>) offsets(%dma_start3A_1931 : memref<80xi32, #tpu.memory_space<vmem>>) semaphore(%dma_start3A_1936 : memref<!tpu.dma_semaphore, #tpu.memory_space<semaphore_mem>>) {add = true}
      %dma_wait3A_1937 = arith.constant 0 : i32
      %dma_wait3A_1938 = arith.constant 0 : i32
      %dma_wait3A_1939 = arith.constant 0 : i32
      %dma_wait3A_1940 = arith.constant 1 : i32
      %dma_wait3A_1941 = arith.constant 1 : i32
      %dma_wait3A_1942 = arith.constant 0 : i32
      %dma_wait3A_1943 = arith.constant 0 : i32
      %dma_wait3A_1944 = tpu.memref_slice %arg6[%dma_wait3A_1940, %dma_wait3A_1942, %dma_wait3A_1943] : memref<3x80x128xf32, #tpu.memory_space<vmem>> -> memref<1x80x128xf32, #tpu.memory_space<vmem>>
      %dma_wait3A_1945 = tpu.memref_squeeze %dma_wait3A_1944 : memref<1x80x128xf32, #tpu.memory_space<vmem>> -> memref<80x128xf32, #tpu.memory_space<vmem>>
      %dma_wait3A_1946 = arith.constant 0 : i32
      %dma_wait3A_1947 = tpu.memref_slice %arg5[%dma_wait3A_1937, %dma_wait3A_1938, %dma_wait3A_1939, %dma_wait3A_1946] : memref<2x2x25x80xi32, #tpu.memory_space<vmem>> -> memref<1x1x1x80xi32, #tpu.memory_space<vmem>>
      %dma_wait3A_1948 = tpu.memref_squeeze %dma_wait3A_1947 : memref<1x1x1x80xi32, #tpu.memory_space<vmem>> -> memref<80xi32, #tpu.memory_space<vmem>>
      %dma_wait3A_1949 = arith.constant 0 : i32
      %dma_wait3A_1950 = arith.constant 0 : i32
      %dma_wait3A_1951 = tpu.memref_slice %arg3[%dma_wait3A_1949, %dma_wait3A_1950] : memref<10000x128xf32, #tpu.memory_space<hbm>> -> memref<10000x128xf32, #tpu.memory_space<hbm>>
      %dma_wait3A_1952 = tpu.memref_slice %arg8[%dma_wait3A_1941] : memref<3x!tpu.dma_semaphore, #tpu.memory_space<semaphore_mem>> -> memref<1x!tpu.dma_semaphore, #tpu.memory_space<semaphore_mem>>
      %dma_wait3A_1953 = tpu.memref_squeeze %dma_wait3A_1952 : memref<1x!tpu.dma_semaphore, #tpu.memory_space<semaphore_mem>> -> memref<!tpu.dma_semaphore, #tpu.memory_space<semaphore_mem>>
      tpu.wait_indirect_dma semaphore(%dma_wait3A_1953 : memref<!tpu.dma_semaphore, #tpu.memory_space<semaphore_mem>>) src(%dma_wait3A_1951 : memref<10000x128xf32, #tpu.memory_space<hbm>>) dst(%dma_wait3A_1945 : memref<80x128xf32, #tpu.memory_space<vmem>>)
      %add3A_1954 = arith.constant 1 : i32
      %add3A_1955 = arith.addi %mul3A_1901, %add3A_1954 : i32
      %dma_start3A_1956 = arith.constant 1 : i32
      %dma_start3A_1957 = arith.constant 1 : i32
      %dma_start3A_1958 = arith.constant 1 : i32
      %dma_start3A_1959 = arith.constant 1 : i32
      %dma_start3A_1960 = arith.constant 0 : i32
      %dma_start3A_1961 = arith.constant 0 : i32
      %dma_start3A_1962 = tpu.memref_slice %arg6[%dma_start3A_1956, %dma_start3A_1960, %dma_start3A_1961] : memref<3x80x128xf32, #tpu.memory_space<vmem>> -> memref<1x80x128xf32, #tpu.memory_space<vmem>>
      %dma_start3A_1963 = tpu.memref_squeeze %dma_start3A_1962 : memref<1x80x128xf32, #tpu.memory_space<vmem>> -> memref<80x128xf32, #tpu.memory_space<vmem>>
      %dma_start3A_1964 = arith.constant 0 : i32
      %dma_start3A_1965 = tpu.memref_slice %arg5[%dma_start3A_1957, %dma_start3A_1958, %add3A_1955, %dma_start3A_1964] : memref<2x2x25x80xi32, #tpu.memory_space<vmem>> -> memref<1x1x1x80xi32, #tpu.memory_space<vmem>>
      %dma_start3A_1966 = tpu.memref_squeeze %dma_start3A_1965 : memref<1x1x1x80xi32, #tpu.memory_space<vmem>> -> memref<80xi32, #tpu.memory_space<vmem>>
      %dma_start3A_1967 = arith.constant 0 : i32
      %dma_start3A_1968 = arith.constant 0 : i32
      %dma_start3A_1969 = tpu.memref_slice %arg7[%dma_start3A_1967, %dma_start3A_1968] : memref<10112x128xf32, #tpu.memory_space<vmem_shared>> -> memref<10112x128xf32, #tpu.memory_space<vmem_shared>>
      %dma_start3A_1970 = tpu.memref_slice %arg9[%dma_start3A_1959] : memref<3x!tpu.dma_semaphore, #tpu.memory_space<semaphore_mem>> -> memref<1x!tpu.dma_semaphore, #tpu.memory_space<semaphore_mem>>
      %dma_start3A_1971 = tpu.memref_squeeze %dma_start3A_1970 : memref<1x!tpu.dma_semaphore, #tpu.memory_space<semaphore_mem>> -> memref<!tpu.dma_semaphore, #tpu.memory_space<semaphore_mem>>
      tpu.enqueue_indirect_dma source(%dma_start3A_1963 : memref<80x128xf32, #tpu.memory_space<vmem>>) target(%dma_start3A_1969 : memref<10112x128xf32, #tpu.memory_space<vmem_shared>>) offsets(%dma_start3A_1966 : memref<80xi32, #tpu.memory_space<vmem>>) semaphore(%dma_start3A_1971 : memref<!tpu.dma_semaphore, #tpu.memory_space<semaphore_mem>>) {add = true}
      %dma_wait3A_1972 = arith.constant 0 : i32
      %dma_wait3A_1973 = arith.constant 0 : i32
      %dma_wait3A_1974 = arith.constant 0 : i32
      %dma_wait3A_1975 = arith.constant 2 : i32
      %dma_wait3A_1976 = arith.constant 2 : i32
      %dma_wait3A_1977 = arith.constant 0 : i32
      %dma_wait3A_1978 = arith.constant 0 : i32
      %dma_wait3A_1979 = tpu.memref_slice %arg6[%dma_wait3A_1975, %dma_wait3A_1977, %dma_wait3A_1978] : memref<3x80x128xf32, #tpu.memory_space<vmem>> -> memref<1x80x128xf32, #tpu.memory_space<vmem>>
      %dma_wait3A_1980 = tpu.memref_squeeze %dma_wait3A_1979 : memref<1x80x128xf32, #tpu.memory_space<vmem>> -> memref<80x128xf32, #tpu.memory_space<vmem>>
      %dma_wait3A_1981 = arith.constant 0 : i32
      %dma_wait3A_1982 = tpu.memref_slice %arg5[%dma_wait3A_1972, %dma_wait3A_1973, %dma_wait3A_1974, %dma_wait3A_1981] : memref<2x2x25x80xi32, #tpu.memory_space<vmem>> -> memref<1x1x1x80xi32, #tpu.memory_space<vmem>>
      %dma_wait3A_1983 = tpu.memref_squeeze %dma_wait3A_1982 : memref<1x1x1x80xi32, #tpu.memory_space<vmem>> -> memref<80xi32, #tpu.memory_space<vmem>>
      %dma_wait3A_1984 = arith.constant 0 : i32
      %dma_wait3A_1985 = arith.constant 0 : i32
      %dma_wait3A_1986 = tpu.memref_slice %arg3[%dma_wait3A_1984, %dma_wait3A_1985] : memref<10000x128xf32, #tpu.memory_space<hbm>> -> memref<10000x128xf32, #tpu.memory_space<hbm>>
      %dma_wait3A_1987 = tpu.memref_slice %arg8[%dma_wait3A_1976] : memref<3x!tpu.dma_semaphore, #tpu.memory_space<semaphore_mem>> -> memref<1x!tpu.dma_semaphore, #tpu.memory_space<semaphore_mem>>
      %dma_wait3A_1988 = tpu.memref_squeeze %dma_wait3A_1987 : memref<1x!tpu.dma_semaphore, #tpu.memory_space<semaphore_mem>> -> memref<!tpu.dma_semaphore, #tpu.memory_space<semaphore_mem>>
      tpu.wait_indirect_dma semaphore(%dma_wait3A_1988 : memref<!tpu.dma_semaphore, #tpu.memory_space<semaphore_mem>>) src(%dma_wait3A_1986 : memref<10000x128xf32, #tpu.memory_space<hbm>>) dst(%dma_wait3A_1980 : memref<80x128xf32, #tpu.memory_space<vmem>>)
      %add3A_1989 = arith.constant 2 : i32
      %add3A_1990 = arith.addi %mul3A_1901, %add3A_1989 : i32
      %dma_start3A_1991 = arith.constant 2 : i32
      %dma_start3A_1992 = arith.constant 1 : i32
      %dma_start3A_1993 = arith.constant 1 : i32
      %dma_start3A_1994 = arith.constant 2 : i32
      %dma_start3A_1995 = arith.constant 0 : i32
      %dma_start3A_1996 = arith.constant 0 : i32
      %dma_start3A_1997 = tpu.memref_slice %arg6[%dma_start3A_1991, %dma_start3A_1995, %dma_start3A_1996] : memref<3x80x128xf32, #tpu.memory_space<vmem>> -> memref<1x80x128xf32, #tpu.memory_space<vmem>>
      %dma_start3A_1998 = tpu.memref_squeeze %dma_start3A_1997 : memref<1x80x128xf32, #tpu.memory_space<vmem>> -> memref<80x128xf32, #tpu.memory_space<vmem>>
      %dma_start3A_1999 = arith.constant 0 : i32
      %dma_start3A_2000 = tpu.memref_slice %arg5[%dma_start3A_1992, %dma_start3A_1993, %add3A_1990, %dma_start3A_1999] : memref<2x2x25x80xi32, #tpu.memory_space<vmem>> -> memref<1x1x1x80xi32, #tpu.memory_space<vmem>>
      %dma_start3A_2001 = tpu.memref_squeeze %dma_start3A_2000 : memref<1x1x1x80xi32, #tpu.memory_space<vmem>> -> memref<80xi32, #tpu.memory_space<vmem>>
      %dma_start3A_2002 = arith.constant 0 : i32
      %dma_start3A_2003 = arith.constant 0 : i32
      %dma_start3A_2004 = tpu.memref_slice %arg7[%dma_start3A_2002, %dma_start3A_2003] : memref<10112x128xf32, #tpu.memory_space<vmem_shared>> -> memref<10112x128xf32, #tpu.memory_space<vmem_shared>>
      %dma_start3A_2005 = tpu.memref_slice %arg9[%dma_start3A_1994] : memref<3x!tpu.dma_semaphore, #tpu.memory_space<semaphore_mem>> -> memref<1x!tpu.dma_semaphore, #tpu.memory_space<semaphore_mem>>
      %dma_start3A_2006 = tpu.memref_squeeze %dma_start3A_2005 : memref<1x!tpu.dma_semaphore, #tpu.memory_space<semaphore_mem>> -> memref<!tpu.dma_semaphore, #tpu.memory_space<semaphore_mem>>
      tpu.enqueue_indirect_dma source(%dma_start3A_1998 : memref<80x128xf32, #tpu.memory_space<vmem>>) target(%dma_start3A_2004 : memref<10112x128xf32, #tpu.memory_space<vmem_shared>>) offsets(%dma_start3A_2001 : memref<80xi32, #tpu.memory_space<vmem>>) semaphore(%dma_start3A_2006 : memref<!tpu.dma_semaphore, #tpu.memory_space<semaphore_mem>>) {add = true}
      %dma_wait3A_2007 = arith.constant 0 : i32
      %dma_wait3A_2008 = arith.constant 0 : i32
      %dma_wait3A_2009 = arith.constant 1 : i32
      %dma_wait3A_2010 = arith.constant 0 : i32
      %dma_wait3A_2011 = arith.constant 0 : i32
      %dma_wait3A_2012 = arith.constant 0 : i32
      %dma_wait3A_2013 = arith.constant 0 : i32
      %dma_wait3A_2014 = tpu.memref_slice %arg6[%dma_wait3A_2007, %dma_wait3A_2012, %dma_wait3A_2013] : memref<3x80x128xf32, #tpu.memory_space<vmem>> -> memref<1x80x128xf32, #tpu.memory_space<vmem>>
      %dma_wait3A_2015 = tpu.memref_squeeze %dma_wait3A_2014 : memref<1x80x128xf32, #tpu.memory_space<vmem>> -> memref<80x128xf32, #tpu.memory_space<vmem>>
      %dma_wait3A_2016 = arith.constant 0 : i32
      %dma_wait3A_2017 = tpu.memref_slice %arg5[%dma_wait3A_2008, %dma_wait3A_2009, %dma_wait3A_2010, %dma_wait3A_2016] : memref<2x2x25x80xi32, #tpu.memory_space<vmem>> -> memref<1x1x1x80xi32, #tpu.memory_space<vmem>>
      %dma_wait3A_2018 = tpu.memref_squeeze %dma_wait3A_2017 : memref<1x1x1x80xi32, #tpu.memory_space<vmem>> -> memref<80xi32, #tpu.memory_space<vmem>>
      %dma_wait3A_2019 = arith.constant 0 : i32
      %dma_wait3A_2020 = arith.constant 0 : i32
      %dma_wait3A_2021 = tpu.memref_slice %arg7[%dma_wait3A_2019, %dma_wait3A_2020] : memref<10112x128xf32, #tpu.memory_space<vmem_shared>> -> memref<10112x128xf32, #tpu.memory_space<vmem_shared>>
      %dma_wait3A_2022 = tpu.memref_slice %arg9[%dma_wait3A_2011] : memref<3x!tpu.dma_semaphore, #tpu.memory_space<semaphore_mem>> -> memref<1x!tpu.dma_semaphore, #tpu.memory_space<semaphore_mem>>
      %dma_wait3A_2023 = tpu.memref_squeeze %dma_wait3A_2022 : memref<1x!tpu.dma_semaphore, #tpu.memory_space<semaphore_mem>> -> memref<!tpu.dma_semaphore, #tpu.memory_space<semaphore_mem>>
      tpu.wait_indirect_dma semaphore(%dma_wait3A_2023 : memref<!tpu.dma_semaphore, #tpu.memory_space<semaphore_mem>>) src(%dma_wait3A_2015 : memref<80x128xf32, #tpu.memory_space<vmem>>) dst(%dma_wait3A_2021 : memref<10112x128xf32, #tpu.memory_space<vmem_shared>>)
      %add3A_2024 = arith.constant 3 : i32
      %add3A_2025 = arith.addi %mul3A_1901, %add3A_2024 : i32
      %add3A_2026 = arith.constant 0 : i32
      %add3A_2027 = arith.addi %add3A_2025, %add3A_2026 : i32
      %dma_start3A_2028 = arith.constant 1 : i32
      %dma_start3A_2029 = arith.constant 0 : i32
      %dma_start3A_2030 = arith.constant 0 : i32
      %dma_start3A_2031 = arith.constant 0 : i32
      %dma_start3A_2032 = arith.constant 0 : i32
      %dma_start3A_2033 = arith.constant 0 : i32
      %dma_start3A_2034 = tpu.memref_slice %arg6[%dma_start3A_2030, %dma_start3A_2032, %dma_start3A_2033] : memref<3x80x128xf32, #tpu.memory_space<vmem>> -> memref<1x80x128xf32, #tpu.memory_space<vmem>>
      %dma_start3A_2035 = tpu.memref_squeeze %dma_start3A_2034 : memref<1x80x128xf32, #tpu.memory_space<vmem>> -> memref<80x128xf32, #tpu.memory_space<vmem>>
      %dma_start3A_2036 = arith.constant 0 : i32
      %dma_start3A_2037 = tpu.memref_slice %arg5[%dma_start3A_2028, %dma_start3A_2029, %add3A_2027, %dma_start3A_2036] : memref<2x2x25x80xi32, #tpu.memory_space<vmem>> -> memref<1x1x1x80xi32, #tpu.memory_space<vmem>>
      %dma_start3A_2038 = tpu.memref_squeeze %dma_start3A_2037 : memref<1x1x1x80xi32, #tpu.memory_space<vmem>> -> memref<80xi32, #tpu.memory_space<vmem>>
      %dma_start3A_2039 = arith.constant 0 : i32
      %dma_start3A_2040 = arith.constant 0 : i32
      %dma_start3A_2041 = tpu.memref_slice %arg3[%dma_start3A_2039, %dma_start3A_2040] : memref<10000x128xf32, #tpu.memory_space<hbm>> -> memref<10000x128xf32, #tpu.memory_space<hbm>>
      %dma_start3A_2042 = tpu.memref_slice %arg8[%dma_start3A_2031] : memref<3x!tpu.dma_semaphore, #tpu.memory_space<semaphore_mem>> -> memref<1x!tpu.dma_semaphore, #tpu.memory_space<semaphore_mem>>
      %dma_start3A_2043 = tpu.memref_squeeze %dma_start3A_2042 : memref<1x!tpu.dma_semaphore, #tpu.memory_space<semaphore_mem>> -> memref<!tpu.dma_semaphore, #tpu.memory_space<semaphore_mem>>
      tpu.enqueue_indirect_dma source(%dma_start3A_2041 : memref<10000x128xf32, #tpu.memory_space<hbm>>) target(%dma_start3A_2035 : memref<80x128xf32, #tpu.memory_space<vmem>>) offsets(%dma_start3A_2038 : memref<80xi32, #tpu.memory_space<vmem>>) semaphore(%dma_start3A_2043 : memref<!tpu.dma_semaphore, #tpu.memory_space<semaphore_mem>>)
      %dma_wait3A_2044 = arith.constant 1 : i32
      %dma_wait3A_2045 = arith.constant 0 : i32
      %dma_wait3A_2046 = arith.constant 1 : i32
      %dma_wait3A_2047 = arith.constant 0 : i32
      %dma_wait3A_2048 = arith.constant 1 : i32
      %dma_wait3A_2049 = arith.constant 0 : i32
      %dma_wait3A_2050 = arith.constant 0 : i32
      %dma_wait3A_2051 = tpu.memref_slice %arg6[%dma_wait3A_2044, %dma_wait3A_2049, %dma_wait3A_2050] : memref<3x80x128xf32, #tpu.memory_space<vmem>> -> memref<1x80x128xf32, #tpu.memory_space<vmem>>
      %dma_wait3A_2052 = tpu.memref_squeeze %dma_wait3A_2051 : memref<1x80x128xf32, #tpu.memory_space<vmem>> -> memref<80x128xf32, #tpu.memory_space<vmem>>
      %dma_wait3A_2053 = arith.constant 0 : i32
      %dma_wait3A_2054 = tpu.memref_slice %arg5[%dma_wait3A_2045, %dma_wait3A_2046, %dma_wait3A_2047, %dma_wait3A_2053] : memref<2x2x25x80xi32, #tpu.memory_space<vmem>> -> memref<1x1x1x80xi32, #tpu.memory_space<vmem>>
      %dma_wait3A_2055 = tpu.memref_squeeze %dma_wait3A_2054 : memref<1x1x1x80xi32, #tpu.memory_space<vmem>> -> memref<80xi32, #tpu.memory_space<vmem>>
      %dma_wait3A_2056 = arith.constant 0 : i32
      %dma_wait3A_2057 = arith.constant 0 : i32
      %dma_wait3A_2058 = tpu.memref_slice %arg7[%dma_wait3A_2056, %dma_wait3A_2057] : memref<10112x128xf32, #tpu.memory_space<vmem_shared>> -> memref<10112x128xf32, #tpu.memory_space<vmem_shared>>
      %dma_wait3A_2059 = tpu.memref_slice %arg9[%dma_wait3A_2048] : memref<3x!tpu.dma_semaphore, #tpu.memory_space<semaphore_mem>> -> memref<1x!tpu.dma_semaphore, #tpu.memory_space<semaphore_mem>>
      %dma_wait3A_2060 = tpu.memref_squeeze %dma_wait3A_2059 : memref<1x!tpu.dma_semaphore, #tpu.memory_space<semaphore_mem>> -> memref<!tpu.dma_semaphore, #tpu.memory_space<semaphore_mem>>
      tpu.wait_indirect_dma semaphore(%dma_wait3A_2060 : memref<!tpu.dma_semaphore, #tpu.memory_space<semaphore_mem>>) src(%dma_wait3A_2052 : memref<80x128xf32, #tpu.memory_space<vmem>>) dst(%dma_wait3A_2058 : memref<10112x128xf32, #tpu.memory_space<vmem_shared>>)
      %add3A_2061 = arith.constant 3 : i32
      %add3A_2062 = arith.addi %mul3A_1901, %add3A_2061 : i32
      %add3A_2063 = arith.constant 1 : i32
      %add3A_2064 = arith.addi %add3A_2062, %add3A_2063 : i32
      %dma_start3A_2065 = arith.constant 1 : i32
      %dma_start3A_2066 = arith.constant 0 : i32
      %dma_start3A_2067 = arith.constant 1 : i32
      %dma_start3A_2068 = arith.constant 1 : i32
      %dma_start3A_2069 = arith.constant 0 : i32
      %dma_start3A_2070 = arith.constant 0 : i32
      %dma_start3A_2071 = tpu.memref_slice %arg6[%dma_start3A_2067, %dma_start3A_2069, %dma_start3A_2070] : memref<3x80x128xf32, #tpu.memory_space<vmem>> -> memref<1x80x128xf32, #tpu.memory_space<vmem>>
      %dma_start3A_2072 = tpu.memref_squeeze %dma_start3A_2071 : memref<1x80x128xf32, #tpu.memory_space<vmem>> -> memref<80x128xf32, #tpu.memory_space<vmem>>
      %dma_start3A_2073 = arith.constant 0 : i32
      %dma_start3A_2074 = tpu.memref_slice %arg5[%dma_start3A_2065, %dma_start3A_2066, %add3A_2064, %dma_start3A_2073] : memref<2x2x25x80xi32, #tpu.memory_space<vmem>> -> memref<1x1x1x80xi32, #tpu.memory_space<vmem>>
      %dma_start3A_2075 = tpu.memref_squeeze %dma_start3A_2074 : memref<1x1x1x80xi32, #tpu.memory_space<vmem>> -> memref<80xi32, #tpu.memory_space<vmem>>
      %dma_start3A_2076 = arith.constant 0 : i32
      %dma_start3A_2077 = arith.constant 0 : i32
      %dma_start3A_2078 = tpu.memref_slice %arg3[%dma_start3A_2076, %dma_start3A_2077] : memref<10000x128xf32, #tpu.memory_space<hbm>> -> memref<10000x128xf32, #tpu.memory_space<hbm>>
      %dma_start3A_2079 = tpu.memref_slice %arg8[%dma_start3A_2068] : memref<3x!tpu.dma_semaphore, #tpu.memory_space<semaphore_mem>> -> memref<1x!tpu.dma_semaphore, #tpu.memory_space<semaphore_mem>>
      %dma_start3A_2080 = tpu.memref_squeeze %dma_start3A_2079 : memref<1x!tpu.dma_semaphore, #tpu.memory_space<semaphore_mem>> -> memref<!tpu.dma_semaphore, #tpu.memory_space<semaphore_mem>>
      tpu.enqueue_indirect_dma source(%dma_start3A_2078 : memref<10000x128xf32, #tpu.memory_space<hbm>>) target(%dma_start3A_2072 : memref<80x128xf32, #tpu.memory_space<vmem>>) offsets(%dma_start3A_2075 : memref<80xi32, #tpu.memory_space<vmem>>) semaphore(%dma_start3A_2080 : memref<!tpu.dma_semaphore, #tpu.memory_space<semaphore_mem>>)
      %dma_wait3A_2081 = arith.constant 2 : i32
      %dma_wait3A_2082 = arith.constant 0 : i32
      %dma_wait3A_2083 = arith.constant 1 : i32
      %dma_wait3A_2084 = arith.constant 0 : i32
      %dma_wait3A_2085 = arith.constant 2 : i32
      %dma_wait3A_2086 = arith.constant 0 : i32
      %dma_wait3A_2087 = arith.constant 0 : i32
      %dma_wait3A_2088 = tpu.memref_slice %arg6[%dma_wait3A_2081, %dma_wait3A_2086, %dma_wait3A_2087] : memref<3x80x128xf32, #tpu.memory_space<vmem>> -> memref<1x80x128xf32, #tpu.memory_space<vmem>>
      %dma_wait3A_2089 = tpu.memref_squeeze %dma_wait3A_2088 : memref<1x80x128xf32, #tpu.memory_space<vmem>> -> memref<80x128xf32, #tpu.memory_space<vmem>>
      %dma_wait3A_2090 = arith.constant 0 : i32
      %dma_wait3A_2091 = tpu.memref_slice %arg5[%dma_wait3A_2082, %dma_wait3A_2083, %dma_wait3A_2084, %dma_wait3A_2090] : memref<2x2x25x80xi32, #tpu.memory_space<vmem>> -> memref<1x1x1x80xi32, #tpu.memory_space<vmem>>
      %dma_wait3A_2092 = tpu.memref_squeeze %dma_wait3A_2091 : memref<1x1x1x80xi32, #tpu.memory_space<vmem>> -> memref<80xi32, #tpu.memory_space<vmem>>
      %dma_wait3A_2093 = arith.constant 0 : i32
      %dma_wait3A_2094 = arith.constant 0 : i32
      %dma_wait3A_2095 = tpu.memref_slice %arg7[%dma_wait3A_2093, %dma_wait3A_2094] : memref<10112x128xf32, #tpu.memory_space<vmem_shared>> -> memref<10112x128xf32, #tpu.memory_space<vmem_shared>>
      %dma_wait3A_2096 = tpu.memref_slice %arg9[%dma_wait3A_2085] : memref<3x!tpu.dma_semaphore, #tpu.memory_space<semaphore_mem>> -> memref<1x!tpu.dma_semaphore, #tpu.memory_space<semaphore_mem>>
      %dma_wait3A_2097 = tpu.memref_squeeze %dma_wait3A_2096 : memref<1x!tpu.dma_semaphore, #tpu.memory_space<semaphore_mem>> -> memref<!tpu.dma_semaphore, #tpu.memory_space<semaphore_mem>>
      tpu.wait_indirect_dma semaphore(%dma_wait3A_2097 : memref<!tpu.dma_semaphore, #tpu.memory_space<semaphore_mem>>) src(%dma_wait3A_2089 : memref<80x128xf32, #tpu.memory_space<vmem>>) dst(%dma_wait3A_2095 : memref<10112x128xf32, #tpu.memory_space<vmem_shared>>)
      %add3A_2098 = arith.constant 3 : i32
      %add3A_2099 = arith.addi %mul3A_1901, %add3A_2098 : i32
      %add3A_2100 = arith.constant 2 : i32
      %add3A_2101 = arith.addi %add3A_2099, %add3A_2100 : i32
      %dma_start3A_2102 = arith.constant 1 : i32
      %dma_start3A_2103 = arith.constant 0 : i32
      %dma_start3A_2104 = arith.constant 2 : i32
      %dma_start3A_2105 = arith.constant 2 : i32
      %dma_start3A_2106 = arith.constant 0 : i32
      %dma_start3A_2107 = arith.constant 0 : i32
      %dma_start3A_2108 = tpu.memref_slice %arg6[%dma_start3A_2104, %dma_start3A_2106, %dma_start3A_2107] : memref<3x80x128xf32, #tpu.memory_space<vmem>> -> memref<1x80x128xf32, #tpu.memory_space<vmem>>
      %dma_start3A_2109 = tpu.memref_squeeze %dma_start3A_2108 : memref<1x80x128xf32, #tpu.memory_space<vmem>> -> memref<80x128xf32, #tpu.memory_space<vmem>>
      %dma_start3A_2110 = arith.constant 0 : i32
      %dma_start3A_2111 = tpu.memref_slice %arg5[%dma_start3A_2102, %dma_start3A_2103, %add3A_2101, %dma_start3A_2110] : memref<2x2x25x80xi32, #tpu.memory_space<vmem>> -> memref<1x1x1x80xi32, #tpu.memory_space<vmem>>
      %dma_start3A_2112 = tpu.memref_squeeze %dma_start3A_2111 : memref<1x1x1x80xi32, #tpu.memory_space<vmem>> -> memref<80xi32, #tpu.memory_space<vmem>>
      %dma_start3A_2113 = arith.constant 0 : i32
      %dma_start3A_2114 = arith.constant 0 : i32
      %dma_start3A_2115 = tpu.memref_slice %arg3[%dma_start3A_2113, %dma_start3A_2114] : memref<10000x128xf32, #tpu.memory_space<hbm>> -> memref<10000x128xf32, #tpu.memory_space<hbm>>
      %dma_start3A_2116 = tpu.memref_slice %arg8[%dma_start3A_2105] : memref<3x!tpu.dma_semaphore, #tpu.memory_space<semaphore_mem>> -> memref<1x!tpu.dma_semaphore, #tpu.memory_space<semaphore_mem>>
      %dma_start3A_2117 = tpu.memref_squeeze %dma_start3A_2116 : memref<1x!tpu.dma_semaphore, #tpu.memory_space<semaphore_mem>> -> memref<!tpu.dma_semaphore, #tpu.memory_space<semaphore_mem>>
      tpu.enqueue_indirect_dma source(%dma_start3A_2115 : memref<10000x128xf32, #tpu.memory_space<hbm>>) target(%dma_start3A_2109 : memref<80x128xf32, #tpu.memory_space<vmem>>) offsets(%dma_start3A_2112 : memref<80xi32, #tpu.memory_space<vmem>>) semaphore(%dma_start3A_2117 : memref<!tpu.dma_semaphore, #tpu.memory_space<semaphore_mem>>)
    }
    %scan3A_608 = arith.constant 7 : i32
    %dma_wait3A_609 = arith.constant 0 : i32
    %dma_wait3A_610 = arith.constant 0 : i32
    %dma_wait3A_611 = arith.constant 0 : i32
    %dma_wait3A_612 = arith.constant 0 : i32
    %dma_wait3A_613 = arith.constant 0 : i32
    %dma_wait3A_614 = arith.constant 0 : i32
    %dma_wait3A_615 = arith.constant 0 : i32
    %dma_wait3A_616 = tpu.memref_slice %arg6[%dma_wait3A_612, %dma_wait3A_614, %dma_wait3A_615] : memref<3x80x128xf32, #tpu.memory_space<vmem>> -> memref<1x80x128xf32, #tpu.memory_space<vmem>>
    %dma_wait3A_617 = tpu.memref_squeeze %dma_wait3A_616 : memref<1x80x128xf32, #tpu.memory_space<vmem>> -> memref<80x128xf32, #tpu.memory_space<vmem>>
    %dma_wait3A_618 = arith.constant 0 : i32
    %dma_wait3A_619 = tpu.memref_slice %arg5[%dma_wait3A_609, %dma_wait3A_610, %dma_wait3A_611, %dma_wait3A_618] : memref<2x2x25x80xi32, #tpu.memory_space<vmem>> -> memref<1x1x1x80xi32, #tpu.memory_space<vmem>>
    %dma_wait3A_620 = tpu.memref_squeeze %dma_wait3A_619 : memref<1x1x1x80xi32, #tpu.memory_space<vmem>> -> memref<80xi32, #tpu.memory_space<vmem>>
    %dma_wait3A_621 = arith.constant 0 : i32
    %dma_wait3A_622 = arith.constant 0 : i32
    %dma_wait3A_623 = tpu.memref_slice %arg3[%dma_wait3A_621, %dma_wait3A_622] : memref<10000x128xf32, #tpu.memory_space<hbm>> -> memref<10000x128xf32, #tpu.memory_space<hbm>>
    %dma_wait3A_624 = tpu.memref_slice %arg8[%dma_wait3A_613] : memref<3x!tpu.dma_semaphore, #tpu.memory_space<semaphore_mem>> -> memref<1x!tpu.dma_semaphore, #tpu.memory_space<semaphore_mem>>
    %dma_wait3A_625 = tpu.memref_squeeze %dma_wait3A_624 : memref<1x!tpu.dma_semaphore, #tpu.memory_space<semaphore_mem>> -> memref<!tpu.dma_semaphore, #tpu.memory_space<semaphore_mem>>
    tpu.wait_indirect_dma semaphore(%dma_wait3A_625 : memref<!tpu.dma_semaphore, #tpu.memory_space<semaphore_mem>>) src(%dma_wait3A_623 : memref<10000x128xf32, #tpu.memory_space<hbm>>) dst(%dma_wait3A_617 : memref<80x128xf32, #tpu.memory_space<vmem>>)
    %dma_start3A_626 = arith.constant 0 : i32
    %dma_start3A_627 = arith.constant 1 : i32
    %dma_start3A_628 = arith.constant 1 : i32
    %dma_start3A_629 = arith.constant 21 : i32
    %dma_start3A_630 = arith.constant 0 : i32
    %dma_start3A_631 = arith.constant 0 : i32
    %dma_start3A_632 = arith.constant 0 : i32
    %dma_start3A_633 = tpu.memref_slice %arg6[%dma_start3A_626, %dma_start3A_631, %dma_start3A_632] : memref<3x80x128xf32, #tpu.memory_space<vmem>> -> memref<1x80x128xf32, #tpu.memory_space<vmem>>
    %dma_start3A_634 = tpu.memref_squeeze %dma_start3A_633 : memref<1x80x128xf32, #tpu.memory_space<vmem>> -> memref<80x128xf32, #tpu.memory_space<vmem>>
    %dma_start3A_635 = arith.constant 0 : i32
    %dma_start3A_636 = tpu.memref_slice %arg5[%dma_start3A_627, %dma_start3A_628, %dma_start3A_629, %dma_start3A_635] : memref<2x2x25x80xi32, #tpu.memory_space<vmem>> -> memref<1x1x1x80xi32, #tpu.memory_space<vmem>>
    %dma_start3A_637 = tpu.memref_squeeze %dma_start3A_636 : memref<1x1x1x80xi32, #tpu.memory_space<vmem>> -> memref<80xi32, #tpu.memory_space<vmem>>
    %dma_start3A_638 = arith.constant 0 : i32
    %dma_start3A_639 = arith.constant 0 : i32
    %dma_start3A_640 = tpu.memref_slice %arg7[%dma_start3A_638, %dma_start3A_639] : memref<10112x128xf32, #tpu.memory_space<vmem_shared>> -> memref<10112x128xf32, #tpu.memory_space<vmem_shared>>
    %dma_start3A_641 = tpu.memref_slice %arg9[%dma_start3A_630] : memref<3x!tpu.dma_semaphore, #tpu.memory_space<semaphore_mem>> -> memref<1x!tpu.dma_semaphore, #tpu.memory_space<semaphore_mem>>
    %dma_start3A_642 = tpu.memref_squeeze %dma_start3A_641 : memref<1x!tpu.dma_semaphore, #tpu.memory_space<semaphore_mem>> -> memref<!tpu.dma_semaphore, #tpu.memory_space<semaphore_mem>>
    tpu.enqueue_indirect_dma source(%dma_start3A_634 : memref<80x128xf32, #tpu.memory_space<vmem>>) target(%dma_start3A_640 : memref<10112x128xf32, #tpu.memory_space<vmem_shared>>) offsets(%dma_start3A_637 : memref<80xi32, #tpu.memory_space<vmem>>) semaphore(%dma_start3A_642 : memref<!tpu.dma_semaphore, #tpu.memory_space<semaphore_mem>>) {add = true}
    %dma_wait3A_643 = arith.constant 0 : i32
    %dma_wait3A_644 = arith.constant 0 : i32
    %dma_wait3A_645 = arith.constant 0 : i32
    %dma_wait3A_646 = arith.constant 1 : i32
    %dma_wait3A_647 = arith.constant 1 : i32
    %dma_wait3A_648 = arith.constant 0 : i32
    %dma_wait3A_649 = arith.constant 0 : i32
    %dma_wait3A_650 = tpu.memref_slice %arg6[%dma_wait3A_646, %dma_wait3A_648, %dma_wait3A_649] : memref<3x80x128xf32, #tpu.memory_space<vmem>> -> memref<1x80x128xf32, #tpu.memory_space<vmem>>
    %dma_wait3A_651 = tpu.memref_squeeze %dma_wait3A_650 : memref<1x80x128xf32, #tpu.memory_space<vmem>> -> memref<80x128xf32, #tpu.memory_space<vmem>>
    %dma_wait3A_652 = arith.constant 0 : i32
    %dma_wait3A_653 = tpu.memref_slice %arg5[%dma_wait3A_643, %dma_wait3A_644, %dma_wait3A_645, %dma_wait3A_652] : memref<2x2x25x80xi32, #tpu.memory_space<vmem>> -> memref<1x1x1x80xi32, #tpu.memory_space<vmem>>
    %dma_wait3A_654 = tpu.memref_squeeze %dma_wait3A_653 : memref<1x1x1x80xi32, #tpu.memory_space<vmem>> -> memref<80xi32, #tpu.memory_space<vmem>>
    %dma_wait3A_655 = arith.constant 0 : i32
    %dma_wait3A_656 = arith.constant 0 : i32
    %dma_wait3A_657 = tpu.memref_slice %arg3[%dma_wait3A_655, %dma_wait3A_656] : memref<10000x128xf32, #tpu.memory_space<hbm>> -> memref<10000x128xf32, #tpu.memory_space<hbm>>
    %dma_wait3A_658 = tpu.memref_slice %arg8[%dma_wait3A_647] : memref<3x!tpu.dma_semaphore, #tpu.memory_space<semaphore_mem>> -> memref<1x!tpu.dma_semaphore, #tpu.memory_space<semaphore_mem>>
    %dma_wait3A_659 = tpu.memref_squeeze %dma_wait3A_658 : memref<1x!tpu.dma_semaphore, #tpu.memory_space<semaphore_mem>> -> memref<!tpu.dma_semaphore, #tpu.memory_space<semaphore_mem>>
    tpu.wait_indirect_dma semaphore(%dma_wait3A_659 : memref<!tpu.dma_semaphore, #tpu.memory_space<semaphore_mem>>) src(%dma_wait3A_657 : memref<10000x128xf32, #tpu.memory_space<hbm>>) dst(%dma_wait3A_651 : memref<80x128xf32, #tpu.memory_space<vmem>>)
    %dma_start3A_660 = arith.constant 1 : i32
    %dma_start3A_661 = arith.constant 1 : i32
    %dma_start3A_662 = arith.constant 1 : i32
    %dma_start3A_663 = arith.constant 22 : i32
    %dma_start3A_664 = arith.constant 1 : i32
    %dma_start3A_665 = arith.constant 0 : i32
    %dma_start3A_666 = arith.constant 0 : i32
    %dma_start3A_667 = tpu.memref_slice %arg6[%dma_start3A_660, %dma_start3A_665, %dma_start3A_666] : memref<3x80x128xf32, #tpu.memory_space<vmem>> -> memref<1x80x128xf32, #tpu.memory_space<vmem>>
    %dma_start3A_668 = tpu.memref_squeeze %dma_start3A_667 : memref<1x80x128xf32, #tpu.memory_space<vmem>> -> memref<80x128xf32, #tpu.memory_space<vmem>>
    %dma_start3A_669 = arith.constant 0 : i32
    %dma_start3A_670 = tpu.memref_slice %arg5[%dma_start3A_661, %dma_start3A_662, %dma_start3A_663, %dma_start3A_669] : memref<2x2x25x80xi32, #tpu.memory_space<vmem>> -> memref<1x1x1x80xi32, #tpu.memory_space<vmem>>
    %dma_start3A_671 = tpu.memref_squeeze %dma_start3A_670 : memref<1x1x1x80xi32, #tpu.memory_space<vmem>> -> memref<80xi32, #tpu.memory_space<vmem>>
    %dma_start3A_672 = arith.constant 0 : i32
    %dma_start3A_673 = arith.constant 0 : i32
    %dma_start3A_674 = tpu.memref_slice %arg7[%dma_start3A_672, %dma_start3A_673] : memref<10112x128xf32, #tpu.memory_space<vmem_shared>> -> memref<10112x128xf32, #tpu.memory_space<vmem_shared>>
    %dma_start3A_675 = tpu.memref_slice %arg9[%dma_start3A_664] : memref<3x!tpu.dma_semaphore, #tpu.memory_space<semaphore_mem>> -> memref<1x!tpu.dma_semaphore, #tpu.memory_space<semaphore_mem>>
    %dma_start3A_676 = tpu.memref_squeeze %dma_start3A_675 : memref<1x!tpu.dma_semaphore, #tpu.memory_space<semaphore_mem>> -> memref<!tpu.dma_semaphore, #tpu.memory_space<semaphore_mem>>
    tpu.enqueue_indirect_dma source(%dma_start3A_668 : memref<80x128xf32, #tpu.memory_space<vmem>>) target(%dma_start3A_674 : memref<10112x128xf32, #tpu.memory_space<vmem_shared>>) offsets(%dma_start3A_671 : memref<80xi32, #tpu.memory_space<vmem>>) semaphore(%dma_start3A_676 : memref<!tpu.dma_semaphore, #tpu.memory_space<semaphore_mem>>) {add = true}
    %dma_wait3A_677 = arith.constant 0 : i32
    %dma_wait3A_678 = arith.constant 0 : i32
    %dma_wait3A_679 = arith.constant 0 : i32
    %dma_wait3A_680 = arith.constant 2 : i32
    %dma_wait3A_681 = arith.constant 2 : i32
    %dma_wait3A_682 = arith.constant 0 : i32
    %dma_wait3A_683 = arith.constant 0 : i32
    %dma_wait3A_684 = tpu.memref_slice %arg6[%dma_wait3A_680, %dma_wait3A_682, %dma_wait3A_683] : memref<3x80x128xf32, #tpu.memory_space<vmem>> -> memref<1x80x128xf32, #tpu.memory_space<vmem>>
    %dma_wait3A_685 = tpu.memref_squeeze %dma_wait3A_684 : memref<1x80x128xf32, #tpu.memory_space<vmem>> -> memref<80x128xf32, #tpu.memory_space<vmem>>
    %dma_wait3A_686 = arith.constant 0 : i32
    %dma_wait3A_687 = tpu.memref_slice %arg5[%dma_wait3A_677, %dma_wait3A_678, %dma_wait3A_679, %dma_wait3A_686] : memref<2x2x25x80xi32, #tpu.memory_space<vmem>> -> memref<1x1x1x80xi32, #tpu.memory_space<vmem>>
    %dma_wait3A_688 = tpu.memref_squeeze %dma_wait3A_687 : memref<1x1x1x80xi32, #tpu.memory_space<vmem>> -> memref<80xi32, #tpu.memory_space<vmem>>
    %dma_wait3A_689 = arith.constant 0 : i32
    %dma_wait3A_690 = arith.constant 0 : i32
    %dma_wait3A_691 = tpu.memref_slice %arg3[%dma_wait3A_689, %dma_wait3A_690] : memref<10000x128xf32, #tpu.memory_space<hbm>> -> memref<10000x128xf32, #tpu.memory_space<hbm>>
    %dma_wait3A_692 = tpu.memref_slice %arg8[%dma_wait3A_681] : memref<3x!tpu.dma_semaphore, #tpu.memory_space<semaphore_mem>> -> memref<1x!tpu.dma_semaphore, #tpu.memory_space<semaphore_mem>>
    %dma_wait3A_693 = tpu.memref_squeeze %dma_wait3A_692 : memref<1x!tpu.dma_semaphore, #tpu.memory_space<semaphore_mem>> -> memref<!tpu.dma_semaphore, #tpu.memory_space<semaphore_mem>>
    tpu.wait_indirect_dma semaphore(%dma_wait3A_693 : memref<!tpu.dma_semaphore, #tpu.memory_space<semaphore_mem>>) src(%dma_wait3A_691 : memref<10000x128xf32, #tpu.memory_space<hbm>>) dst(%dma_wait3A_685 : memref<80x128xf32, #tpu.memory_space<vmem>>)
    %dma_start3A_694 = arith.constant 2 : i32
    %dma_start3A_695 = arith.constant 1 : i32
    %dma_start3A_696 = arith.constant 1 : i32
    %dma_start3A_697 = arith.constant 23 : i32
    %dma_start3A_698 = arith.constant 2 : i32
    %dma_start3A_699 = arith.constant 0 : i32
    %dma_start3A_700 = arith.constant 0 : i32
    %dma_start3A_701 = tpu.memref_slice %arg6[%dma_start3A_694, %dma_start3A_699, %dma_start3A_700] : memref<3x80x128xf32, #tpu.memory_space<vmem>> -> memref<1x80x128xf32, #tpu.memory_space<vmem>>
    %dma_start3A_702 = tpu.memref_squeeze %dma_start3A_701 : memref<1x80x128xf32, #tpu.memory_space<vmem>> -> memref<80x128xf32, #tpu.memory_space<vmem>>
    %dma_start3A_703 = arith.constant 0 : i32
    %dma_start3A_704 = tpu.memref_slice %arg5[%dma_start3A_695, %dma_start3A_696, %dma_start3A_697, %dma_start3A_703] : memref<2x2x25x80xi32, #tpu.memory_space<vmem>> -> memref<1x1x1x80xi32, #tpu.memory_space<vmem>>
    %dma_start3A_705 = tpu.memref_squeeze %dma_start3A_704 : memref<1x1x1x80xi32, #tpu.memory_space<vmem>> -> memref<80xi32, #tpu.memory_space<vmem>>
    %dma_start3A_706 = arith.constant 0 : i32
    %dma_start3A_707 = arith.constant 0 : i32
    %dma_start3A_708 = tpu.memref_slice %arg7[%dma_start3A_706, %dma_start3A_707] : memref<10112x128xf32, #tpu.memory_space<vmem_shared>> -> memref<10112x128xf32, #tpu.memory_space<vmem_shared>>
    %dma_start3A_709 = tpu.memref_slice %arg9[%dma_start3A_698] : memref<3x!tpu.dma_semaphore, #tpu.memory_space<semaphore_mem>> -> memref<1x!tpu.dma_semaphore, #tpu.memory_space<semaphore_mem>>
    %dma_start3A_710 = tpu.memref_squeeze %dma_start3A_709 : memref<1x!tpu.dma_semaphore, #tpu.memory_space<semaphore_mem>> -> memref<!tpu.dma_semaphore, #tpu.memory_space<semaphore_mem>>
    tpu.enqueue_indirect_dma source(%dma_start3A_702 : memref<80x128xf32, #tpu.memory_space<vmem>>) target(%dma_start3A_708 : memref<10112x128xf32, #tpu.memory_space<vmem_shared>>) offsets(%dma_start3A_705 : memref<80xi32, #tpu.memory_space<vmem>>) semaphore(%dma_start3A_710 : memref<!tpu.dma_semaphore, #tpu.memory_space<semaphore_mem>>) {add = true}
    %dma_wait3A_711 = arith.constant 0 : i32
    %dma_wait3A_712 = arith.constant 0 : i32
    %dma_wait3A_713 = arith.constant 1 : i32
    %dma_wait3A_714 = arith.constant 0 : i32
    %dma_wait3A_715 = arith.constant 0 : i32
    %dma_wait3A_716 = arith.constant 0 : i32
    %dma_wait3A_717 = arith.constant 0 : i32
    %dma_wait3A_718 = tpu.memref_slice %arg6[%dma_wait3A_711, %dma_wait3A_716, %dma_wait3A_717] : memref<3x80x128xf32, #tpu.memory_space<vmem>> -> memref<1x80x128xf32, #tpu.memory_space<vmem>>
    %dma_wait3A_719 = tpu.memref_squeeze %dma_wait3A_718 : memref<1x80x128xf32, #tpu.memory_space<vmem>> -> memref<80x128xf32, #tpu.memory_space<vmem>>
    %dma_wait3A_720 = arith.constant 0 : i32
    %dma_wait3A_721 = tpu.memref_slice %arg5[%dma_wait3A_712, %dma_wait3A_713, %dma_wait3A_714, %dma_wait3A_720] : memref<2x2x25x80xi32, #tpu.memory_space<vmem>> -> memref<1x1x1x80xi32, #tpu.memory_space<vmem>>
    %dma_wait3A_722 = tpu.memref_squeeze %dma_wait3A_721 : memref<1x1x1x80xi32, #tpu.memory_space<vmem>> -> memref<80xi32, #tpu.memory_space<vmem>>
    %dma_wait3A_723 = arith.constant 0 : i32
    %dma_wait3A_724 = arith.constant 0 : i32
    %dma_wait3A_725 = tpu.memref_slice %arg7[%dma_wait3A_723, %dma_wait3A_724] : memref<10112x128xf32, #tpu.memory_space<vmem_shared>> -> memref<10112x128xf32, #tpu.memory_space<vmem_shared>>
    %dma_wait3A_726 = tpu.memref_slice %arg9[%dma_wait3A_715] : memref<3x!tpu.dma_semaphore, #tpu.memory_space<semaphore_mem>> -> memref<1x!tpu.dma_semaphore, #tpu.memory_space<semaphore_mem>>
    %dma_wait3A_727 = tpu.memref_squeeze %dma_wait3A_726 : memref<1x!tpu.dma_semaphore, #tpu.memory_space<semaphore_mem>> -> memref<!tpu.dma_semaphore, #tpu.memory_space<semaphore_mem>>
    tpu.wait_indirect_dma semaphore(%dma_wait3A_727 : memref<!tpu.dma_semaphore, #tpu.memory_space<semaphore_mem>>) src(%dma_wait3A_719 : memref<80x128xf32, #tpu.memory_space<vmem>>) dst(%dma_wait3A_725 : memref<10112x128xf32, #tpu.memory_space<vmem_shared>>)
    %dma_start3A_728 = arith.constant 1 : i32
    %dma_start3A_729 = arith.constant 0 : i32
    %dma_start3A_730 = arith.constant 24 : i32
    %dma_start3A_731 = arith.constant 0 : i32
    %dma_start3A_732 = arith.constant 0 : i32
    %dma_start3A_733 = arith.constant 0 : i32
    %dma_start3A_734 = arith.constant 0 : i32
    %dma_start3A_735 = tpu.memref_slice %arg6[%dma_start3A_731, %dma_start3A_733, %dma_start3A_734] : memref<3x80x128xf32, #tpu.memory_space<vmem>> -> memref<1x80x128xf32, #tpu.memory_space<vmem>>
    %dma_start3A_736 = tpu.memref_squeeze %dma_start3A_735 : memref<1x80x128xf32, #tpu.memory_space<vmem>> -> memref<80x128xf32, #tpu.memory_space<vmem>>
    %dma_start3A_737 = arith.constant 0 : i32
    %dma_start3A_738 = tpu.memref_slice %arg5[%dma_start3A_728, %dma_start3A_729, %dma_start3A_730, %dma_start3A_737] : memref<2x2x25x80xi32, #tpu.memory_space<vmem>> -> memref<1x1x1x80xi32, #tpu.memory_space<vmem>>
    %dma_start3A_739 = tpu.memref_squeeze %dma_start3A_738 : memref<1x1x1x80xi32, #tpu.memory_space<vmem>> -> memref<80xi32, #tpu.memory_space<vmem>>
    %dma_start3A_740 = arith.constant 0 : i32
    %dma_start3A_741 = arith.constant 0 : i32
    %dma_start3A_742 = tpu.memref_slice %arg3[%dma_start3A_740, %dma_start3A_741] : memref<10000x128xf32, #tpu.memory_space<hbm>> -> memref<10000x128xf32, #tpu.memory_space<hbm>>
    %dma_start3A_743 = tpu.memref_slice %arg8[%dma_start3A_732] : memref<3x!tpu.dma_semaphore, #tpu.memory_space<semaphore_mem>> -> memref<1x!tpu.dma_semaphore, #tpu.memory_space<semaphore_mem>>
    %dma_start3A_744 = tpu.memref_squeeze %dma_start3A_743 : memref<1x!tpu.dma_semaphore, #tpu.memory_space<semaphore_mem>> -> memref<!tpu.dma_semaphore, #tpu.memory_space<semaphore_mem>>
    tpu.enqueue_indirect_dma source(%dma_start3A_742 : memref<10000x128xf32, #tpu.memory_space<hbm>>) target(%dma_start3A_736 : memref<80x128xf32, #tpu.memory_space<vmem>>) offsets(%dma_start3A_739 : memref<80xi32, #tpu.memory_space<vmem>>) semaphore(%dma_start3A_744 : memref<!tpu.dma_semaphore, #tpu.memory_space<semaphore_mem>>)
    %dma_wait3A_745 = arith.constant 1 : i32
    %dma_wait3A_746 = arith.constant 0 : i32
    %dma_wait3A_747 = arith.constant 1 : i32
    %dma_wait3A_748 = arith.constant 0 : i32
    %dma_wait3A_749 = arith.constant 1 : i32
    %dma_wait3A_750 = arith.constant 0 : i32
    %dma_wait3A_751 = arith.constant 0 : i32
    %dma_wait3A_752 = tpu.memref_slice %arg6[%dma_wait3A_745, %dma_wait3A_750, %dma_wait3A_751] : memref<3x80x128xf32, #tpu.memory_space<vmem>> -> memref<1x80x128xf32, #tpu.memory_space<vmem>>
    %dma_wait3A_753 = tpu.memref_squeeze %dma_wait3A_752 : memref<1x80x128xf32, #tpu.memory_space<vmem>> -> memref<80x128xf32, #tpu.memory_space<vmem>>
    %dma_wait3A_754 = arith.constant 0 : i32
    %dma_wait3A_755 = tpu.memref_slice %arg5[%dma_wait3A_746, %dma_wait3A_747, %dma_wait3A_748, %dma_wait3A_754] : memref<2x2x25x80xi32, #tpu.memory_space<vmem>> -> memref<1x1x1x80xi32, #tpu.memory_space<vmem>>
    %dma_wait3A_756 = tpu.memref_squeeze %dma_wait3A_755 : memref<1x1x1x80xi32, #tpu.memory_space<vmem>> -> memref<80xi32, #tpu.memory_space<vmem>>
    %dma_wait3A_757 = arith.constant 0 : i32
    %dma_wait3A_758 = arith.constant 0 : i32
    %dma_wait3A_759 = tpu.memref_slice %arg7[%dma_wait3A_757, %dma_wait3A_758] : memref<10112x128xf32, #tpu.memory_space<vmem_shared>> -> memref<10112x128xf32, #tpu.memory_space<vmem_shared>>
    %dma_wait3A_760 = tpu.memref_slice %arg9[%dma_wait3A_749] : memref<3x!tpu.dma_semaphore, #tpu.memory_space<semaphore_mem>> -> memref<1x!tpu.dma_semaphore, #tpu.memory_space<semaphore_mem>>
    %dma_wait3A_761 = tpu.memref_squeeze %dma_wait3A_760 : memref<1x!tpu.dma_semaphore, #tpu.memory_space<semaphore_mem>> -> memref<!tpu.dma_semaphore, #tpu.memory_space<semaphore_mem>>
    tpu.wait_indirect_dma semaphore(%dma_wait3A_761 : memref<!tpu.dma_semaphore, #tpu.memory_space<semaphore_mem>>) src(%dma_wait3A_753 : memref<80x128xf32, #tpu.memory_space<vmem>>) dst(%dma_wait3A_759 : memref<10112x128xf32, #tpu.memory_space<vmem_shared>>)
    %dma_wait3A_762 = arith.constant 2 : i32
    %dma_wait3A_763 = arith.constant 0 : i32
    %dma_wait3A_764 = arith.constant 1 : i32
    %dma_wait3A_765 = arith.constant 0 : i32
    %dma_wait3A_766 = arith.constant 2 : i32
    %dma_wait3A_767 = arith.constant 0 : i32
    %dma_wait3A_768 = arith.constant 0 : i32
    %dma_wait3A_769 = tpu.memref_slice %arg6[%dma_wait3A_762, %dma_wait3A_767, %dma_wait3A_768] : memref<3x80x128xf32, #tpu.memory_space<vmem>> -> memref<1x80x128xf32, #tpu.memory_space<vmem>>
    %dma_wait3A_770 = tpu.memref_squeeze %dma_wait3A_769 : memref<1x80x128xf32, #tpu.memory_space<vmem>> -> memref<80x128xf32, #tpu.memory_space<vmem>>
    %dma_wait3A_771 = arith.constant 0 : i32
    %dma_wait3A_772 = tpu.memref_slice %arg5[%dma_wait3A_763, %dma_wait3A_764, %dma_wait3A_765, %dma_wait3A_771] : memref<2x2x25x80xi32, #tpu.memory_space<vmem>> -> memref<1x1x1x80xi32, #tpu.memory_space<vmem>>
    %dma_wait3A_773 = tpu.memref_squeeze %dma_wait3A_772 : memref<1x1x1x80xi32, #tpu.memory_space<vmem>> -> memref<80xi32, #tpu.memory_space<vmem>>
    %dma_wait3A_774 = arith.constant 0 : i32
    %dma_wait3A_775 = arith.constant 0 : i32
    %dma_wait3A_776 = tpu.memref_slice %arg7[%dma_wait3A_774, %dma_wait3A_775] : memref<10112x128xf32, #tpu.memory_space<vmem_shared>> -> memref<10112x128xf32, #tpu.memory_space<vmem_shared>>
    %dma_wait3A_777 = tpu.memref_slice %arg9[%dma_wait3A_766] : memref<3x!tpu.dma_semaphore, #tpu.memory_space<semaphore_mem>> -> memref<1x!tpu.dma_semaphore, #tpu.memory_space<semaphore_mem>>
    %dma_wait3A_778 = tpu.memref_squeeze %dma_wait3A_777 : memref<1x!tpu.dma_semaphore, #tpu.memory_space<semaphore_mem>> -> memref<!tpu.dma_semaphore, #tpu.memory_space<semaphore_mem>>
    tpu.wait_indirect_dma semaphore(%dma_wait3A_778 : memref<!tpu.dma_semaphore, #tpu.memory_space<semaphore_mem>>) src(%dma_wait3A_770 : memref<80x128xf32, #tpu.memory_space<vmem>>) dst(%dma_wait3A_776 : memref<10112x128xf32, #tpu.memory_space<vmem_shared>>)
    %dma_wait3A_779 = arith.constant 0 : i32
    %dma_wait3A_780 = arith.constant 0 : i32
    %dma_wait3A_781 = arith.constant 0 : i32
    %dma_wait3A_782 = arith.constant 0 : i32
    %dma_wait3A_783 = arith.constant 0 : i32
    %dma_wait3A_784 = arith.constant 0 : i32
    %dma_wait3A_785 = arith.constant 0 : i32
    %dma_wait3A_786 = tpu.memref_slice %arg6[%dma_wait3A_782, %dma_wait3A_784, %dma_wait3A_785] : memref<3x80x128xf32, #tpu.memory_space<vmem>> -> memref<1x80x128xf32, #tpu.memory_space<vmem>>
    %dma_wait3A_787 = tpu.memref_squeeze %dma_wait3A_786 : memref<1x80x128xf32, #tpu.memory_space<vmem>> -> memref<80x128xf32, #tpu.memory_space<vmem>>
    %dma_wait3A_788 = arith.constant 0 : i32
    %dma_wait3A_789 = tpu.memref_slice %arg5[%dma_wait3A_779, %dma_wait3A_780, %dma_wait3A_781, %dma_wait3A_788] : memref<2x2x25x80xi32, #tpu.memory_space<vmem>> -> memref<1x1x1x80xi32, #tpu.memory_space<vmem>>
    %dma_wait3A_790 = tpu.memref_squeeze %dma_wait3A_789 : memref<1x1x1x80xi32, #tpu.memory_space<vmem>> -> memref<80xi32, #tpu.memory_space<vmem>>
    %dma_wait3A_791 = arith.constant 0 : i32
    %dma_wait3A_792 = arith.constant 0 : i32
    %dma_wait3A_793 = tpu.memref_slice %arg3[%dma_wait3A_791, %dma_wait3A_792] : memref<10000x128xf32, #tpu.memory_space<hbm>> -> memref<10000x128xf32, #tpu.memory_space<hbm>>
    %dma_wait3A_794 = tpu.memref_slice %arg8[%dma_wait3A_783] : memref<3x!tpu.dma_semaphore, #tpu.memory_space<semaphore_mem>> -> memref<1x!tpu.dma_semaphore, #tpu.memory_space<semaphore_mem>>
    %dma_wait3A_795 = tpu.memref_squeeze %dma_wait3A_794 : memref<1x!tpu.dma_semaphore, #tpu.memory_space<semaphore_mem>> -> memref<!tpu.dma_semaphore, #tpu.memory_space<semaphore_mem>>
    tpu.wait_indirect_dma semaphore(%dma_wait3A_795 : memref<!tpu.dma_semaphore, #tpu.memory_space<semaphore_mem>>) src(%dma_wait3A_793 : memref<10000x128xf32, #tpu.memory_space<hbm>>) dst(%dma_wait3A_787 : memref<80x128xf32, #tpu.memory_space<vmem>>)
    %dma_start3A_796 = arith.constant 0 : i32
    %dma_start3A_797 = arith.constant 1 : i32
    %dma_start3A_798 = arith.constant 1 : i32
    %dma_start3A_799 = arith.constant 24 : i32
    %dma_start3A_800 = arith.constant 0 : i32
    %dma_start3A_801 = arith.constant 0 : i32
    %dma_start3A_802 = arith.constant 0 : i32
    %dma_start3A_803 = tpu.memref_slice %arg6[%dma_start3A_796, %dma_start3A_801, %dma_start3A_802] : memref<3x80x128xf32, #tpu.memory_space<vmem>> -> memref<1x80x128xf32, #tpu.memory_space<vmem>>
    %dma_start3A_804 = tpu.memref_squeeze %dma_start3A_803 : memref<1x80x128xf32, #tpu.memory_space<vmem>> -> memref<80x128xf32, #tpu.memory_space<vmem>>
    %dma_start3A_805 = arith.constant 0 : i32
    %dma_start3A_806 = tpu.memref_slice %arg5[%dma_start3A_797, %dma_start3A_798, %dma_start3A_799, %dma_start3A_805] : memref<2x2x25x80xi32, #tpu.memory_space<vmem>> -> memref<1x1x1x80xi32, #tpu.memory_space<vmem>>
    %dma_start3A_807 = tpu.memref_squeeze %dma_start3A_806 : memref<1x1x1x80xi32, #tpu.memory_space<vmem>> -> memref<80xi32, #tpu.memory_space<vmem>>
    %dma_start3A_808 = arith.constant 0 : i32
    %dma_start3A_809 = arith.constant 0 : i32
    %dma_start3A_810 = tpu.memref_slice %arg7[%dma_start3A_808, %dma_start3A_809] : memref<10112x128xf32, #tpu.memory_space<vmem_shared>> -> memref<10112x128xf32, #tpu.memory_space<vmem_shared>>
    %dma_start3A_811 = tpu.memref_slice %arg9[%dma_start3A_800] : memref<3x!tpu.dma_semaphore, #tpu.memory_space<semaphore_mem>> -> memref<1x!tpu.dma_semaphore, #tpu.memory_space<semaphore_mem>>
    %dma_start3A_812 = tpu.memref_squeeze %dma_start3A_811 : memref<1x!tpu.dma_semaphore, #tpu.memory_space<semaphore_mem>> -> memref<!tpu.dma_semaphore, #tpu.memory_space<semaphore_mem>>
    tpu.enqueue_indirect_dma source(%dma_start3A_804 : memref<80x128xf32, #tpu.memory_space<vmem>>) target(%dma_start3A_810 : memref<10112x128xf32, #tpu.memory_space<vmem_shared>>) offsets(%dma_start3A_807 : memref<80xi32, #tpu.memory_space<vmem>>) semaphore(%dma_start3A_812 : memref<!tpu.dma_semaphore, #tpu.memory_space<semaphore_mem>>) {add = true}
    %dma_wait3A_813 = arith.constant 0 : i32
    %dma_wait3A_814 = arith.constant 0 : i32
    %dma_wait3A_815 = arith.constant 1 : i32
    %dma_wait3A_816 = arith.constant 0 : i32
    %dma_wait3A_817 = arith.constant 0 : i32
    %dma_wait3A_818 = arith.constant 0 : i32
    %dma_wait3A_819 = arith.constant 0 : i32
    %dma_wait3A_820 = tpu.memref_slice %arg6[%dma_wait3A_813, %dma_wait3A_818, %dma_wait3A_819] : memref<3x80x128xf32, #tpu.memory_space<vmem>> -> memref<1x80x128xf32, #tpu.memory_space<vmem>>
    %dma_wait3A_821 = tpu.memref_squeeze %dma_wait3A_820 : memref<1x80x128xf32, #tpu.memory_space<vmem>> -> memref<80x128xf32, #tpu.memory_space<vmem>>
    %dma_wait3A_822 = arith.constant 0 : i32
    %dma_wait3A_823 = tpu.memref_slice %arg5[%dma_wait3A_814, %dma_wait3A_815, %dma_wait3A_816, %dma_wait3A_822] : memref<2x2x25x80xi32, #tpu.memory_space<vmem>> -> memref<1x1x1x80xi32, #tpu.memory_space<vmem>>
    %dma_wait3A_824 = tpu.memref_squeeze %dma_wait3A_823 : memref<1x1x1x80xi32, #tpu.memory_space<vmem>> -> memref<80xi32, #tpu.memory_space<vmem>>
    %dma_wait3A_825 = arith.constant 0 : i32
    %dma_wait3A_826 = arith.constant 0 : i32
    %dma_wait3A_827 = tpu.memref_slice %arg7[%dma_wait3A_825, %dma_wait3A_826] : memref<10112x128xf32, #tpu.memory_space<vmem_shared>> -> memref<10112x128xf32, #tpu.memory_space<vmem_shared>>
    %dma_wait3A_828 = tpu.memref_slice %arg9[%dma_wait3A_817] : memref<3x!tpu.dma_semaphore, #tpu.memory_space<semaphore_mem>> -> memref<1x!tpu.dma_semaphore, #tpu.memory_space<semaphore_mem>>
    %dma_wait3A_829 = tpu.memref_squeeze %dma_wait3A_828 : memref<1x!tpu.dma_semaphore, #tpu.memory_space<semaphore_mem>> -> memref<!tpu.dma_semaphore, #tpu.memory_space<semaphore_mem>>
    tpu.wait_indirect_dma semaphore(%dma_wait3A_829 : memref<!tpu.dma_semaphore, #tpu.memory_space<semaphore_mem>>) src(%dma_wait3A_821 : memref<80x128xf32, #tpu.memory_space<vmem>>) dst(%dma_wait3A_827 : memref<10112x128xf32, #tpu.memory_space<vmem_shared>>)
    %dma_wait3A_830 = arith.constant 0 : i32
    %dma_wait3A_831 = arith.constant 0 : i32
    %dma_wait3A_832 = arith.constant 0 : i32
    %dma_wait3A_833 = arith.constant 0 : i32
    %dma_wait3A_834 = arith.constant 0 : i32
    %dma_wait3A_835 = arith.constant 0 : i32
    %dma_wait3A_836 = arith.constant 0 : i32
    %dma_wait3A_837 = tpu.memref_slice %arg5[%dma_wait3A_832, %dma_wait3A_833, %dma_wait3A_835, %dma_wait3A_836] : memref<2x2x25x80xi32, #tpu.memory_space<vmem>> -> memref<1x1x25x80xi32, #tpu.memory_space<vmem>>
    %dma_wait3A_838 = tpu.memref_squeeze %dma_wait3A_837 : memref<1x1x25x80xi32, #tpu.memory_space<vmem>> -> memref<25x80xi32, #tpu.memory_space<vmem>>
    %dma_wait3A_839 = arith.constant 0 : i32
    %dma_wait3A_840 = arith.constant 0 : i32
    %dma_wait3A_841 = tpu.memref_slice %arg2[%dma_wait3A_830, %add3A, %dma_wait3A_831, %dma_wait3A_839, %dma_wait3A_840] : memref<2x32x5x25x80xi32, #tpu.memory_space<hbm>> -> memref<1x1x1x25x80xi32, #tpu.memory_space<hbm>>
    %dma_wait3A_842 = tpu.memref_squeeze %dma_wait3A_841 : memref<1x1x1x25x80xi32, #tpu.memory_space<hbm>> -> memref<25x80xi32, #tpu.memory_space<hbm>>
    %dma_wait3A_843 = tpu.memref_slice %arg10[%dma_wait3A_834] : memref<2x!tpu.dma_semaphore, #tpu.memory_space<semaphore_mem>> -> memref<1x!tpu.dma_semaphore, #tpu.memory_space<semaphore_mem>>
    %dma_wait3A_844 = tpu.memref_squeeze %dma_wait3A_843 : memref<1x!tpu.dma_semaphore, #tpu.memory_space<semaphore_mem>> -> memref<!tpu.dma_semaphore, #tpu.memory_space<semaphore_mem>>
    %dma_wait3A_845 = arith.constant 0 : i32
    %dma_wait3A_846 = arith.constant 0 : i32
    %dma_wait3A_847 = tpu.memref_slice %arg5[%dma_wait3A_832, %dma_wait3A_833, %dma_wait3A_845, %dma_wait3A_846] : memref<2x2x25x80xi32, #tpu.memory_space<vmem>> -> memref<1x1x25x80xi32, #tpu.memory_space<vmem>>
    %dma_wait3A_848 = tpu.memref_squeeze %dma_wait3A_847 : memref<1x1x25x80xi32, #tpu.memory_space<vmem>> -> memref<25x80xi32, #tpu.memory_space<vmem>>
    %dma_wait3A_849 = arith.constant 0 : i32
    %dma_wait3A_850 = arith.constant 0 : i32
    %dma_wait3A_851 = tpu.memref_slice %arg2[%dma_wait3A_830, %add3A, %dma_wait3A_831, %dma_wait3A_849, %dma_wait3A_850] : memref<2x32x5x25x80xi32, #tpu.memory_space<hbm>> -> memref<1x1x1x25x80xi32, #tpu.memory_space<hbm>>
    %dma_wait3A_852 = tpu.memref_squeeze %dma_wait3A_851 : memref<1x1x1x25x80xi32, #tpu.memory_space<hbm>> -> memref<25x80xi32, #tpu.memory_space<hbm>>
    tpu.wait_dma2 semaphore(%dma_wait3A_844 : memref<!tpu.dma_semaphore, #tpu.memory_space<semaphore_mem>>) src(%dma_wait3A_852 : memref<25x80xi32, #tpu.memory_space<hbm>>) dst(%dma_wait3A_848 : memref<25x80xi32, #tpu.memory_space<vmem>>)
    %dma_wait3A_853 = arith.constant 0 : i32
    %dma_wait3A_854 = arith.constant 0 : i32
    %dma_wait3A_855 = arith.constant 0 : i32
    %dma_wait3A_856 = arith.constant 1 : i32
    %dma_wait3A_857 = arith.constant 0 : i32
    %dma_wait3A_858 = arith.constant 0 : i32
    %dma_wait3A_859 = arith.constant 0 : i32
    %dma_wait3A_860 = tpu.memref_slice %arg5[%dma_wait3A_855, %dma_wait3A_856, %dma_wait3A_858, %dma_wait3A_859] : memref<2x2x25x80xi32, #tpu.memory_space<vmem>> -> memref<1x1x25x80xi32, #tpu.memory_space<vmem>>
    %dma_wait3A_861 = tpu.memref_squeeze %dma_wait3A_860 : memref<1x1x25x80xi32, #tpu.memory_space<vmem>> -> memref<25x80xi32, #tpu.memory_space<vmem>>
    %dma_wait3A_862 = arith.constant 0 : i32
    %dma_wait3A_863 = arith.constant 0 : i32
    %dma_wait3A_864 = tpu.memref_slice %arg2[%dma_wait3A_853, %add3A, %dma_wait3A_854, %dma_wait3A_862, %dma_wait3A_863] : memref<2x32x5x25x80xi32, #tpu.memory_space<hbm>> -> memref<1x1x1x25x80xi32, #tpu.memory_space<hbm>>
    %dma_wait3A_865 = tpu.memref_squeeze %dma_wait3A_864 : memref<1x1x1x25x80xi32, #tpu.memory_space<hbm>> -> memref<25x80xi32, #tpu.memory_space<hbm>>
    %dma_wait3A_866 = tpu.memref_slice %arg10[%dma_wait3A_857] : memref<2x!tpu.dma_semaphore, #tpu.memory_space<semaphore_mem>> -> memref<1x!tpu.dma_semaphore, #tpu.memory_space<semaphore_mem>>
    %dma_wait3A_867 = tpu.memref_squeeze %dma_wait3A_866 : memref<1x!tpu.dma_semaphore, #tpu.memory_space<semaphore_mem>> -> memref<!tpu.dma_semaphore, #tpu.memory_space<semaphore_mem>>
    %dma_wait3A_868 = arith.constant 0 : i32
    %dma_wait3A_869 = arith.constant 0 : i32
    %dma_wait3A_870 = tpu.memref_slice %arg5[%dma_wait3A_855, %dma_wait3A_856, %dma_wait3A_868, %dma_wait3A_869] : memref<2x2x25x80xi32, #tpu.memory_space<vmem>> -> memref<1x1x25x80xi32, #tpu.memory_space<vmem>>
    %dma_wait3A_871 = tpu.memref_squeeze %dma_wait3A_870 : memref<1x1x25x80xi32, #tpu.memory_space<vmem>> -> memref<25x80xi32, #tpu.memory_space<vmem>>
    %dma_wait3A_872 = arith.constant 0 : i32
    %dma_wait3A_873 = arith.constant 0 : i32
    %dma_wait3A_874 = tpu.memref_slice %arg2[%dma_wait3A_853, %add3A, %dma_wait3A_854, %dma_wait3A_872, %dma_wait3A_873] : memref<2x32x5x25x80xi32, #tpu.memory_space<hbm>> -> memref<1x1x1x25x80xi32, #tpu.memory_space<hbm>>
    %dma_wait3A_875 = tpu.memref_squeeze %dma_wait3A_874 : memref<1x1x1x25x80xi32, #tpu.memory_space<hbm>> -> memref<25x80xi32, #tpu.memory_space<hbm>>
    tpu.wait_dma2 semaphore(%dma_wait3A_867 : memref<!tpu.dma_semaphore, #tpu.memory_space<semaphore_mem>>) src(%dma_wait3A_875 : memref<25x80xi32, #tpu.memory_space<hbm>>) dst(%dma_wait3A_871 : memref<25x80xi32, #tpu.memory_space<vmem>>)
    %dma_start3A_876 = arith.constant 0 : i32
    %dma_start3A_877 = arith.constant 3 : i32
    %dma_start3A_878 = arith.constant 1 : i32
    %dma_start3A_879 = arith.constant 0 : i32
    %dma_start3A_880 = arith.constant 1 : i32
    %dma_start3A_881 = arith.constant 0 : i32
    %dma_start3A_882 = arith.constant 0 : i32
    %dma_start3A_883 = tpu.memref_slice %arg5[%dma_start3A_878, %dma_start3A_879, %dma_start3A_881, %dma_start3A_882] : memref<2x2x25x80xi32, #tpu.memory_space<vmem>> -> memref<1x1x25x80xi32, #tpu.memory_space<vmem>>
    %dma_start3A_884 = tpu.memref_squeeze %dma_start3A_883 : memref<1x1x25x80xi32, #tpu.memory_space<vmem>> -> memref<25x80xi32, #tpu.memory_space<vmem>>
    %dma_start3A_885 = arith.constant 0 : i32
    %dma_start3A_886 = arith.constant 0 : i32
    %dma_start3A_887 = tpu.memref_slice %arg2[%dma_start3A_876, %add3A, %dma_start3A_877, %dma_start3A_885, %dma_start3A_886] : memref<2x32x5x25x80xi32, #tpu.memory_space<hbm>> -> memref<1x1x1x25x80xi32, #tpu.memory_space<hbm>>
    %dma_start3A_888 = tpu.memref_squeeze %dma_start3A_887 : memref<1x1x1x25x80xi32, #tpu.memory_space<hbm>> -> memref<25x80xi32, #tpu.memory_space<hbm>>
    %dma_start3A_889 = tpu.memref_slice %arg10[%dma_start3A_880] : memref<2x!tpu.dma_semaphore, #tpu.memory_space<semaphore_mem>> -> memref<1x!tpu.dma_semaphore, #tpu.memory_space<semaphore_mem>>
    %dma_start3A_890 = tpu.memref_squeeze %dma_start3A_889 : memref<1x!tpu.dma_semaphore, #tpu.memory_space<semaphore_mem>> -> memref<!tpu.dma_semaphore, #tpu.memory_space<semaphore_mem>>
    %dma_start3A_891 = arith.constant 0 : i32
    %dma_start3A_892 = arith.constant 0 : i32
    %dma_start3A_893 = tpu.memref_slice %arg5[%dma_start3A_878, %dma_start3A_879, %dma_start3A_891, %dma_start3A_892] : memref<2x2x25x80xi32, #tpu.memory_space<vmem>> -> memref<1x1x25x80xi32, #tpu.memory_space<vmem>>
    %dma_start3A_894 = tpu.memref_squeeze %dma_start3A_893 : memref<1x1x25x80xi32, #tpu.memory_space<vmem>> -> memref<25x80xi32, #tpu.memory_space<vmem>>
    %dma_start3A_895 = arith.constant 0 : i32
    %dma_start3A_896 = arith.constant 0 : i32
    %dma_start3A_897 = tpu.memref_slice %arg2[%dma_start3A_876, %add3A, %dma_start3A_877, %dma_start3A_895, %dma_start3A_896] : memref<2x32x5x25x80xi32, #tpu.memory_space<hbm>> -> memref<1x1x1x25x80xi32, #tpu.memory_space<hbm>>
    %dma_start3A_898 = tpu.memref_squeeze %dma_start3A_897 : memref<1x1x1x25x80xi32, #tpu.memory_space<hbm>> -> memref<25x80xi32, #tpu.memory_space<hbm>>
    tpu.enqueue_dma source(%dma_start3A_898 : memref<25x80xi32, #tpu.memory_space<hbm>>) target(%dma_start3A_894 : memref<25x80xi32, #tpu.memory_space<vmem>>) target_semaphore(%dma_start3A_890 : memref<!tpu.dma_semaphore, #tpu.memory_space<semaphore_mem>>)
    %dma_start3A_899 = arith.constant 1 : i32
    %dma_start3A_900 = arith.constant 3 : i32
    %dma_start3A_901 = arith.constant 1 : i32
    %dma_start3A_902 = arith.constant 1 : i32
    %dma_start3A_903 = arith.constant 1 : i32
    %dma_start3A_904 = arith.constant 0 : i32
    %dma_start3A_905 = arith.constant 0 : i32
    %dma_start3A_906 = tpu.memref_slice %arg5[%dma_start3A_901, %dma_start3A_902, %dma_start3A_904, %dma_start3A_905] : memref<2x2x25x80xi32, #tpu.memory_space<vmem>> -> memref<1x1x25x80xi32, #tpu.memory_space<vmem>>
    %dma_start3A_907 = tpu.memref_squeeze %dma_start3A_906 : memref<1x1x25x80xi32, #tpu.memory_space<vmem>> -> memref<25x80xi32, #tpu.memory_space<vmem>>
    %dma_start3A_908 = arith.constant 0 : i32
    %dma_start3A_909 = arith.constant 0 : i32
    %dma_start3A_910 = tpu.memref_slice %arg2[%dma_start3A_899, %add3A, %dma_start3A_900, %dma_start3A_908, %dma_start3A_909] : memref<2x32x5x25x80xi32, #tpu.memory_space<hbm>> -> memref<1x1x1x25x80xi32, #tpu.memory_space<hbm>>
    %dma_start3A_911 = tpu.memref_squeeze %dma_start3A_910 : memref<1x1x1x25x80xi32, #tpu.memory_space<hbm>> -> memref<25x80xi32, #tpu.memory_space<hbm>>
    %dma_start3A_912 = tpu.memref_slice %arg10[%dma_start3A_903] : memref<2x!tpu.dma_semaphore, #tpu.memory_space<semaphore_mem>> -> memref<1x!tpu.dma_semaphore, #tpu.memory_space<semaphore_mem>>
    %dma_start3A_913 = tpu.memref_squeeze %dma_start3A_912 : memref<1x!tpu.dma_semaphore, #tpu.memory_space<semaphore_mem>> -> memref<!tpu.dma_semaphore, #tpu.memory_space<semaphore_mem>>
    %dma_start3A_914 = arith.constant 0 : i32
    %dma_start3A_915 = arith.constant 0 : i32
    %dma_start3A_916 = tpu.memref_slice %arg5[%dma_start3A_901, %dma_start3A_902, %dma_start3A_914, %dma_start3A_915] : memref<2x2x25x80xi32, #tpu.memory_space<vmem>> -> memref<1x1x25x80xi32, #tpu.memory_space<vmem>>
    %dma_start3A_917 = tpu.memref_squeeze %dma_start3A_916 : memref<1x1x25x80xi32, #tpu.memory_space<vmem>> -> memref<25x80xi32, #tpu.memory_space<vmem>>
    %dma_start3A_918 = arith.constant 0 : i32
    %dma_start3A_919 = arith.constant 0 : i32
    %dma_start3A_920 = tpu.memref_slice %arg2[%dma_start3A_899, %add3A, %dma_start3A_900, %dma_start3A_918, %dma_start3A_919] : memref<2x32x5x25x80xi32, #tpu.memory_space<hbm>> -> memref<1x1x1x25x80xi32, #tpu.memory_space<hbm>>
    %dma_start3A_921 = tpu.memref_squeeze %dma_start3A_920 : memref<1x1x1x25x80xi32, #tpu.memory_space<hbm>> -> memref<25x80xi32, #tpu.memory_space<hbm>>
    tpu.enqueue_dma source(%dma_start3A_921 : memref<25x80xi32, #tpu.memory_space<hbm>>) target(%dma_start3A_917 : memref<25x80xi32, #tpu.memory_space<vmem>>) target_semaphore(%dma_start3A_913 : memref<!tpu.dma_semaphore, #tpu.memory_space<semaphore_mem>>)
    %dma_start3A_922 = arith.constant 0 : i32
    %dma_start3A_923 = arith.constant 0 : i32
    %dma_start3A_924 = arith.constant 0 : i32
    %dma_start3A_925 = arith.constant 0 : i32
    %dma_start3A_926 = arith.constant 0 : i32
    %dma_start3A_927 = arith.constant 0 : i32
    %dma_start3A_928 = arith.constant 0 : i32
    %dma_start3A_929 = tpu.memref_slice %arg6[%dma_start3A_925, %dma_start3A_927, %dma_start3A_928] : memref<3x80x128xf32, #tpu.memory_space<vmem>> -> memref<1x80x128xf32, #tpu.memory_space<vmem>>
    %dma_start3A_930 = tpu.memref_squeeze %dma_start3A_929 : memref<1x80x128xf32, #tpu.memory_space<vmem>> -> memref<80x128xf32, #tpu.memory_space<vmem>>
    %dma_start3A_931 = arith.constant 0 : i32
    %dma_start3A_932 = tpu.memref_slice %arg5[%dma_start3A_922, %dma_start3A_923, %dma_start3A_924, %dma_start3A_931] : memref<2x2x25x80xi32, #tpu.memory_space<vmem>> -> memref<1x1x1x80xi32, #tpu.memory_space<vmem>>
    %dma_start3A_933 = tpu.memref_squeeze %dma_start3A_932 : memref<1x1x1x80xi32, #tpu.memory_space<vmem>> -> memref<80xi32, #tpu.memory_space<vmem>>
    %dma_start3A_934 = arith.constant 0 : i32
    %dma_start3A_935 = arith.constant 0 : i32
    %dma_start3A_936 = tpu.memref_slice %arg3[%dma_start3A_934, %dma_start3A_935] : memref<10000x128xf32, #tpu.memory_space<hbm>> -> memref<10000x128xf32, #tpu.memory_space<hbm>>
    %dma_start3A_937 = tpu.memref_slice %arg8[%dma_start3A_926] : memref<3x!tpu.dma_semaphore, #tpu.memory_space<semaphore_mem>> -> memref<1x!tpu.dma_semaphore, #tpu.memory_space<semaphore_mem>>
    %dma_start3A_938 = tpu.memref_squeeze %dma_start3A_937 : memref<1x!tpu.dma_semaphore, #tpu.memory_space<semaphore_mem>> -> memref<!tpu.dma_semaphore, #tpu.memory_space<semaphore_mem>>
    tpu.enqueue_indirect_dma source(%dma_start3A_936 : memref<10000x128xf32, #tpu.memory_space<hbm>>) target(%dma_start3A_930 : memref<80x128xf32, #tpu.memory_space<vmem>>) offsets(%dma_start3A_933 : memref<80xi32, #tpu.memory_space<vmem>>) semaphore(%dma_start3A_938 : memref<!tpu.dma_semaphore, #tpu.memory_space<semaphore_mem>>)
    %dma_start3A_939 = arith.constant 0 : i32
    %dma_start3A_940 = arith.constant 0 : i32
    %dma_start3A_941 = arith.constant 1 : i32
    %dma_start3A_942 = arith.constant 1 : i32
    %dma_start3A_943 = arith.constant 1 : i32
    %dma_start3A_944 = arith.constant 0 : i32
    %dma_start3A_945 = arith.constant 0 : i32
    %dma_start3A_946 = tpu.memref_slice %arg6[%dma_start3A_942, %dma_start3A_944, %dma_start3A_945] : memref<3x80x128xf32, #tpu.memory_space<vmem>> -> memref<1x80x128xf32, #tpu.memory_space<vmem>>
    %dma_start3A_947 = tpu.memref_squeeze %dma_start3A_946 : memref<1x80x128xf32, #tpu.memory_space<vmem>> -> memref<80x128xf32, #tpu.memory_space<vmem>>
    %dma_start3A_948 = arith.constant 0 : i32
    %dma_start3A_949 = tpu.memref_slice %arg5[%dma_start3A_939, %dma_start3A_940, %dma_start3A_941, %dma_start3A_948] : memref<2x2x25x80xi32, #tpu.memory_space<vmem>> -> memref<1x1x1x80xi32, #tpu.memory_space<vmem>>
    %dma_start3A_950 = tpu.memref_squeeze %dma_start3A_949 : memref<1x1x1x80xi32, #tpu.memory_space<vmem>> -> memref<80xi32, #tpu.memory_space<vmem>>
    %dma_start3A_951 = arith.constant 0 : i32
    %dma_start3A_952 = arith.constant 0 : i32
    %dma_start3A_953 = tpu.memref_slice %arg3[%dma_start3A_951, %dma_start3A_952] : memref<10000x128xf32, #tpu.memory_space<hbm>> -> memref<10000x128xf32, #tpu.memory_space<hbm>>
    %dma_start3A_954 = tpu.memref_slice %arg8[%dma_start3A_943] : memref<3x!tpu.dma_semaphore, #tpu.memory_space<semaphore_mem>> -> memref<1x!tpu.dma_semaphore, #tpu.memory_space<semaphore_mem>>
    %dma_start3A_955 = tpu.memref_squeeze %dma_start3A_954 : memref<1x!tpu.dma_semaphore, #tpu.memory_space<semaphore_mem>> -> memref<!tpu.dma_semaphore, #tpu.memory_space<semaphore_mem>>
    tpu.enqueue_indirect_dma source(%dma_start3A_953 : memref<10000x128xf32, #tpu.memory_space<hbm>>) target(%dma_start3A_947 : memref<80x128xf32, #tpu.memory_space<vmem>>) offsets(%dma_start3A_950 : memref<80xi32, #tpu.memory_space<vmem>>) semaphore(%dma_start3A_955 : memref<!tpu.dma_semaphore, #tpu.memory_space<semaphore_mem>>)
    %dma_start3A_956 = arith.constant 0 : i32
    %dma_start3A_957 = arith.constant 0 : i32
    %dma_start3A_958 = arith.constant 2 : i32
    %dma_start3A_959 = arith.constant 2 : i32
    %dma_start3A_960 = arith.constant 2 : i32
    %dma_start3A_961 = arith.constant 0 : i32
    %dma_start3A_962 = arith.constant 0 : i32
    %dma_start3A_963 = tpu.memref_slice %arg6[%dma_start3A_959, %dma_start3A_961, %dma_start3A_962] : memref<3x80x128xf32, #tpu.memory_space<vmem>> -> memref<1x80x128xf32, #tpu.memory_space<vmem>>
    %dma_start3A_964 = tpu.memref_squeeze %dma_start3A_963 : memref<1x80x128xf32, #tpu.memory_space<vmem>> -> memref<80x128xf32, #tpu.memory_space<vmem>>
    %dma_start3A_965 = arith.constant 0 : i32
    %dma_start3A_966 = tpu.memref_slice %arg5[%dma_start3A_956, %dma_start3A_957, %dma_start3A_958, %dma_start3A_965] : memref<2x2x25x80xi32, #tpu.memory_space<vmem>> -> memref<1x1x1x80xi32, #tpu.memory_space<vmem>>
    %dma_start3A_967 = tpu.memref_squeeze %dma_start3A_966 : memref<1x1x1x80xi32, #tpu.memory_space<vmem>> -> memref<80xi32, #tpu.memory_space<vmem>>
    %dma_start3A_968 = arith.constant 0 : i32
    %dma_start3A_969 = arith.constant 0 : i32
    %dma_start3A_970 = tpu.memref_slice %arg3[%dma_start3A_968, %dma_start3A_969] : memref<10000x128xf32, #tpu.memory_space<hbm>> -> memref<10000x128xf32, #tpu.memory_space<hbm>>
    %dma_start3A_971 = tpu.memref_slice %arg8[%dma_start3A_960] : memref<3x!tpu.dma_semaphore, #tpu.memory_space<semaphore_mem>> -> memref<1x!tpu.dma_semaphore, #tpu.memory_space<semaphore_mem>>
    %dma_start3A_972 = tpu.memref_squeeze %dma_start3A_971 : memref<1x!tpu.dma_semaphore, #tpu.memory_space<semaphore_mem>> -> memref<!tpu.dma_semaphore, #tpu.memory_space<semaphore_mem>>
    tpu.enqueue_indirect_dma source(%dma_start3A_970 : memref<10000x128xf32, #tpu.memory_space<hbm>>) target(%dma_start3A_964 : memref<80x128xf32, #tpu.memory_space<vmem>>) offsets(%dma_start3A_967 : memref<80xi32, #tpu.memory_space<vmem>>) semaphore(%dma_start3A_972 : memref<!tpu.dma_semaphore, #tpu.memory_space<semaphore_mem>>)
    %scan3A_973 = arith.constant 0 : i32
    %scan3A_974 = arith.constant 0 : i32
    %scan3A_975 = arith.constant 7 : i32
    %scan3A_976 = arith.addi %scan3A_974, %scan3A_975 : i32
    %scan3A_977 = arith.constant 1 : i32
    scf.for %scan3A_1899 = %scan3A_974 to %scan3A_976 step %scan3A_977  : i32 {
      %mul3A_1900 = arith.constant 3 : i32
      %mul3A_1901 = arith.muli %scan3A_1899, %mul3A_1900 : i32
      %dma_wait3A_1902 = arith.constant 0 : i32
      %dma_wait3A_1903 = arith.constant 0 : i32
      %dma_wait3A_1904 = arith.constant 0 : i32
      %dma_wait3A_1905 = arith.constant 0 : i32
      %dma_wait3A_1906 = arith.constant 0 : i32
      %dma_wait3A_1907 = arith.constant 0 : i32
      %dma_wait3A_1908 = arith.constant 0 : i32
      %dma_wait3A_1909 = tpu.memref_slice %arg6[%dma_wait3A_1905, %dma_wait3A_1907, %dma_wait3A_1908] : memref<3x80x128xf32, #tpu.memory_space<vmem>> -> memref<1x80x128xf32, #tpu.memory_space<vmem>>
      %dma_wait3A_1910 = tpu.memref_squeeze %dma_wait3A_1909 : memref<1x80x128xf32, #tpu.memory_space<vmem>> -> memref<80x128xf32, #tpu.memory_space<vmem>>
      %dma_wait3A_1911 = arith.constant 0 : i32
      %dma_wait3A_1912 = tpu.memref_slice %arg5[%dma_wait3A_1902, %dma_wait3A_1903, %dma_wait3A_1904, %dma_wait3A_1911] : memref<2x2x25x80xi32, #tpu.memory_space<vmem>> -> memref<1x1x1x80xi32, #tpu.memory_space<vmem>>
      %dma_wait3A_1913 = tpu.memref_squeeze %dma_wait3A_1912 : memref<1x1x1x80xi32, #tpu.memory_space<vmem>> -> memref<80xi32, #tpu.memory_space<vmem>>
      %dma_wait3A_1914 = arith.constant 0 : i32
      %dma_wait3A_1915 = arith.constant 0 : i32
      %dma_wait3A_1916 = tpu.memref_slice %arg3[%dma_wait3A_1914, %dma_wait3A_1915] : memref<10000x128xf32, #tpu.memory_space<hbm>> -> memref<10000x128xf32, #tpu.memory_space<hbm>>
      %dma_wait3A_1917 = tpu.memref_slice %arg8[%dma_wait3A_1906] : memref<3x!tpu.dma_semaphore, #tpu.memory_space<semaphore_mem>> -> memref<1x!tpu.dma_semaphore, #tpu.memory_space<semaphore_mem>>
      %dma_wait3A_1918 = tpu.memref_squeeze %dma_wait3A_1917 : memref<1x!tpu.dma_semaphore, #tpu.memory_space<semaphore_mem>> -> memref<!tpu.dma_semaphore, #tpu.memory_space<semaphore_mem>>
      tpu.wait_indirect_dma semaphore(%dma_wait3A_1918 : memref<!tpu.dma_semaphore, #tpu.memory_space<semaphore_mem>>) src(%dma_wait3A_1916 : memref<10000x128xf32, #tpu.memory_space<hbm>>) dst(%dma_wait3A_1910 : memref<80x128xf32, #tpu.memory_space<vmem>>)
      %add3A_1919 = arith.constant 0 : i32
      %add3A_1920 = arith.addi %mul3A_1901, %add3A_1919 : i32
      %dma_start3A_1921 = arith.constant 0 : i32
      %dma_start3A_1922 = arith.constant 0 : i32
      %dma_start3A_1923 = arith.constant 1 : i32
      %dma_start3A_1924 = arith.constant 0 : i32
      %dma_start3A_1925 = arith.constant 0 : i32
      %dma_start3A_1926 = arith.constant 0 : i32
      %dma_start3A_1927 = tpu.memref_slice %arg6[%dma_start3A_1921, %dma_start3A_1925, %dma_start3A_1926] : memref<3x80x128xf32, #tpu.memory_space<vmem>> -> memref<1x80x128xf32, #tpu.memory_space<vmem>>
      %dma_start3A_1928 = tpu.memref_squeeze %dma_start3A_1927 : memref<1x80x128xf32, #tpu.memory_space<vmem>> -> memref<80x128xf32, #tpu.memory_space<vmem>>
      %dma_start3A_1929 = arith.constant 0 : i32
      %dma_start3A_1930 = tpu.memref_slice %arg5[%dma_start3A_1922, %dma_start3A_1923, %add3A_1920, %dma_start3A_1929] : memref<2x2x25x80xi32, #tpu.memory_space<vmem>> -> memref<1x1x1x80xi32, #tpu.memory_space<vmem>>
      %dma_start3A_1931 = tpu.memref_squeeze %dma_start3A_1930 : memref<1x1x1x80xi32, #tpu.memory_space<vmem>> -> memref<80xi32, #tpu.memory_space<vmem>>
      %dma_start3A_1932 = arith.constant 0 : i32
      %dma_start3A_1933 = arith.constant 0 : i32
      %dma_start3A_1934 = tpu.memref_slice %arg7[%dma_start3A_1932, %dma_start3A_1933] : memref<10112x128xf32, #tpu.memory_space<vmem_shared>> -> memref<10112x128xf32, #tpu.memory_space<vmem_shared>>
      %dma_start3A_1935 = tpu.memref_slice %arg9[%dma_start3A_1924] : memref<3x!tpu.dma_semaphore, #tpu.memory_space<semaphore_mem>> -> memref<1x!tpu.dma_semaphore, #tpu.memory_space<semaphore_mem>>
      %dma_start3A_1936 = tpu.memref_squeeze %dma_start3A_1935 : memref<1x!tpu.dma_semaphore, #tpu.memory_space<semaphore_mem>> -> memref<!tpu.dma_semaphore, #tpu.memory_space<semaphore_mem>>
      tpu.enqueue_indirect_dma source(%dma_start3A_1928 : memref<80x128xf32, #tpu.memory_space<vmem>>) target(%dma_start3A_1934 : memref<10112x128xf32, #tpu.memory_space<vmem_shared>>) offsets(%dma_start3A_1931 : memref<80xi32, #tpu.memory_space<vmem>>) semaphore(%dma_start3A_1936 : memref<!tpu.dma_semaphore, #tpu.memory_space<semaphore_mem>>) {add = true}
      %dma_wait3A_1937 = arith.constant 0 : i32
      %dma_wait3A_1938 = arith.constant 0 : i32
      %dma_wait3A_1939 = arith.constant 0 : i32
      %dma_wait3A_1940 = arith.constant 1 : i32
      %dma_wait3A_1941 = arith.constant 1 : i32
      %dma_wait3A_1942 = arith.constant 0 : i32
      %dma_wait3A_1943 = arith.constant 0 : i32
      %dma_wait3A_1944 = tpu.memref_slice %arg6[%dma_wait3A_1940, %dma_wait3A_1942, %dma_wait3A_1943] : memref<3x80x128xf32, #tpu.memory_space<vmem>> -> memref<1x80x128xf32, #tpu.memory_space<vmem>>
      %dma_wait3A_1945 = tpu.memref_squeeze %dma_wait3A_1944 : memref<1x80x128xf32, #tpu.memory_space<vmem>> -> memref<80x128xf32, #tpu.memory_space<vmem>>
      %dma_wait3A_1946 = arith.constant 0 : i32
      %dma_wait3A_1947 = tpu.memref_slice %arg5[%dma_wait3A_1937, %dma_wait3A_1938, %dma_wait3A_1939, %dma_wait3A_1946] : memref<2x2x25x80xi32, #tpu.memory_space<vmem>> -> memref<1x1x1x80xi32, #tpu.memory_space<vmem>>
      %dma_wait3A_1948 = tpu.memref_squeeze %dma_wait3A_1947 : memref<1x1x1x80xi32, #tpu.memory_space<vmem>> -> memref<80xi32, #tpu.memory_space<vmem>>
      %dma_wait3A_1949 = arith.constant 0 : i32
      %dma_wait3A_1950 = arith.constant 0 : i32
      %dma_wait3A_1951 = tpu.memref_slice %arg3[%dma_wait3A_1949, %dma_wait3A_1950] : memref<10000x128xf32, #tpu.memory_space<hbm>> -> memref<10000x128xf32, #tpu.memory_space<hbm>>
      %dma_wait3A_1952 = tpu.memref_slice %arg8[%dma_wait3A_1941] : memref<3x!tpu.dma_semaphore, #tpu.memory_space<semaphore_mem>> -> memref<1x!tpu.dma_semaphore, #tpu.memory_space<semaphore_mem>>
      %dma_wait3A_1953 = tpu.memref_squeeze %dma_wait3A_1952 : memref<1x!tpu.dma_semaphore, #tpu.memory_space<semaphore_mem>> -> memref<!tpu.dma_semaphore, #tpu.memory_space<semaphore_mem>>
      tpu.wait_indirect_dma semaphore(%dma_wait3A_1953 : memref<!tpu.dma_semaphore, #tpu.memory_space<semaphore_mem>>) src(%dma_wait3A_1951 : memref<10000x128xf32, #tpu.memory_space<hbm>>) dst(%dma_wait3A_1945 : memref<80x128xf32, #tpu.memory_space<vmem>>)
      %add3A_1954 = arith.constant 1 : i32
      %add3A_1955 = arith.addi %mul3A_1901, %add3A_1954 : i32
      %dma_start3A_1956 = arith.constant 1 : i32
      %dma_start3A_1957 = arith.constant 0 : i32
      %dma_start3A_1958 = arith.constant 1 : i32
      %dma_start3A_1959 = arith.constant 1 : i32
      %dma_start3A_1960 = arith.constant 0 : i32
      %dma_start3A_1961 = arith.constant 0 : i32
      %dma_start3A_1962 = tpu.memref_slice %arg6[%dma_start3A_1956, %dma_start3A_1960, %dma_start3A_1961] : memref<3x80x128xf32, #tpu.memory_space<vmem>> -> memref<1x80x128xf32, #tpu.memory_space<vmem>>
      %dma_start3A_1963 = tpu.memref_squeeze %dma_start3A_1962 : memref<1x80x128xf32, #tpu.memory_space<vmem>> -> memref<80x128xf32, #tpu.memory_space<vmem>>
      %dma_start3A_1964 = arith.constant 0 : i32
      %dma_start3A_1965 = tpu.memref_slice %arg5[%dma_start3A_1957, %dma_start3A_1958, %add3A_1955, %dma_start3A_1964] : memref<2x2x25x80xi32, #tpu.memory_space<vmem>> -> memref<1x1x1x80xi32, #tpu.memory_space<vmem>>
      %dma_start3A_1966 = tpu.memref_squeeze %dma_start3A_1965 : memref<1x1x1x80xi32, #tpu.memory_space<vmem>> -> memref<80xi32, #tpu.memory_space<vmem>>
      %dma_start3A_1967 = arith.constant 0 : i32
      %dma_start3A_1968 = arith.constant 0 : i32
      %dma_start3A_1969 = tpu.memref_slice %arg7[%dma_start3A_1967, %dma_start3A_1968] : memref<10112x128xf32, #tpu.memory_space<vmem_shared>> -> memref<10112x128xf32, #tpu.memory_space<vmem_shared>>
      %dma_start3A_1970 = tpu.memref_slice %arg9[%dma_start3A_1959] : memref<3x!tpu.dma_semaphore, #tpu.memory_space<semaphore_mem>> -> memref<1x!tpu.dma_semaphore, #tpu.memory_space<semaphore_mem>>
      %dma_start3A_1971 = tpu.memref_squeeze %dma_start3A_1970 : memref<1x!tpu.dma_semaphore, #tpu.memory_space<semaphore_mem>> -> memref<!tpu.dma_semaphore, #tpu.memory_space<semaphore_mem>>
      tpu.enqueue_indirect_dma source(%dma_start3A_1963 : memref<80x128xf32, #tpu.memory_space<vmem>>) target(%dma_start3A_1969 : memref<10112x128xf32, #tpu.memory_space<vmem_shared>>) offsets(%dma_start3A_1966 : memref<80xi32, #tpu.memory_space<vmem>>) semaphore(%dma_start3A_1971 : memref<!tpu.dma_semaphore, #tpu.memory_space<semaphore_mem>>) {add = true}
      %dma_wait3A_1972 = arith.constant 0 : i32
      %dma_wait3A_1973 = arith.constant 0 : i32
      %dma_wait3A_1974 = arith.constant 0 : i32
      %dma_wait3A_1975 = arith.constant 2 : i32
      %dma_wait3A_1976 = arith.constant 2 : i32
      %dma_wait3A_1977 = arith.constant 0 : i32
      %dma_wait3A_1978 = arith.constant 0 : i32
      %dma_wait3A_1979 = tpu.memref_slice %arg6[%dma_wait3A_1975, %dma_wait3A_1977, %dma_wait3A_1978] : memref<3x80x128xf32, #tpu.memory_space<vmem>> -> memref<1x80x128xf32, #tpu.memory_space<vmem>>
      %dma_wait3A_1980 = tpu.memref_squeeze %dma_wait3A_1979 : memref<1x80x128xf32, #tpu.memory_space<vmem>> -> memref<80x128xf32, #tpu.memory_space<vmem>>
      %dma_wait3A_1981 = arith.constant 0 : i32
      %dma_wait3A_1982 = tpu.memref_slice %arg5[%dma_wait3A_1972, %dma_wait3A_1973, %dma_wait3A_1974, %dma_wait3A_1981] : memref<2x2x25x80xi32, #tpu.memory_space<vmem>> -> memref<1x1x1x80xi32, #tpu.memory_space<vmem>>
      %dma_wait3A_1983 = tpu.memref_squeeze %dma_wait3A_1982 : memref<1x1x1x80xi32, #tpu.memory_space<vmem>> -> memref<80xi32, #tpu.memory_space<vmem>>
      %dma_wait3A_1984 = arith.constant 0 : i32
      %dma_wait3A_1985 = arith.constant 0 : i32
      %dma_wait3A_1986 = tpu.memref_slice %arg3[%dma_wait3A_1984, %dma_wait3A_1985] : memref<10000x128xf32, #tpu.memory_space<hbm>> -> memref<10000x128xf32, #tpu.memory_space<hbm>>
      %dma_wait3A_1987 = tpu.memref_slice %arg8[%dma_wait3A_1976] : memref<3x!tpu.dma_semaphore, #tpu.memory_space<semaphore_mem>> -> memref<1x!tpu.dma_semaphore, #tpu.memory_space<semaphore_mem>>
      %dma_wait3A_1988 = tpu.memref_squeeze %dma_wait3A_1987 : memref<1x!tpu.dma_semaphore, #tpu.memory_space<semaphore_mem>> -> memref<!tpu.dma_semaphore, #tpu.memory_space<semaphore_mem>>
      tpu.wait_indirect_dma semaphore(%dma_wait3A_1988 : memref<!tpu.dma_semaphore, #tpu.memory_space<semaphore_mem>>) src(%dma_wait3A_1986 : memref<10000x128xf32, #tpu.memory_space<hbm>>) dst(%dma_wait3A_1980 : memref<80x128xf32, #tpu.memory_space<vmem>>)
      %add3A_1989 = arith.constant 2 : i32
      %add3A_1990 = arith.addi %mul3A_1901, %add3A_1989 : i32
      %dma_start3A_1991 = arith.constant 2 : i32
      %dma_start3A_1992 = arith.constant 0 : i32
      %dma_start3A_1993 = arith.constant 1 : i32
      %dma_start3A_1994 = arith.constant 2 : i32
      %dma_start3A_1995 = arith.constant 0 : i32
      %dma_start3A_1996 = arith.constant 0 : i32
      %dma_start3A_1997 = tpu.memref_slice %arg6[%dma_start3A_1991, %dma_start3A_1995, %dma_start3A_1996] : memref<3x80x128xf32, #tpu.memory_space<vmem>> -> memref<1x80x128xf32, #tpu.memory_space<vmem>>
      %dma_start3A_1998 = tpu.memref_squeeze %dma_start3A_1997 : memref<1x80x128xf32, #tpu.memory_space<vmem>> -> memref<80x128xf32, #tpu.memory_space<vmem>>
      %dma_start3A_1999 = arith.constant 0 : i32
      %dma_start3A_2000 = tpu.memref_slice %arg5[%dma_start3A_1992, %dma_start3A_1993, %add3A_1990, %dma_start3A_1999] : memref<2x2x25x80xi32, #tpu.memory_space<vmem>> -> memref<1x1x1x80xi32, #tpu.memory_space<vmem>>
      %dma_start3A_2001 = tpu.memref_squeeze %dma_start3A_2000 : memref<1x1x1x80xi32, #tpu.memory_space<vmem>> -> memref<80xi32, #tpu.memory_space<vmem>>
      %dma_start3A_2002 = arith.constant 0 : i32
      %dma_start3A_2003 = arith.constant 0 : i32
      %dma_start3A_2004 = tpu.memref_slice %arg7[%dma_start3A_2002, %dma_start3A_2003] : memref<10112x128xf32, #tpu.memory_space<vmem_shared>> -> memref<10112x128xf32, #tpu.memory_space<vmem_shared>>
      %dma_start3A_2005 = tpu.memref_slice %arg9[%dma_start3A_1994] : memref<3x!tpu.dma_semaphore, #tpu.memory_space<semaphore_mem>> -> memref<1x!tpu.dma_semaphore, #tpu.memory_space<semaphore_mem>>
      %dma_start3A_2006 = tpu.memref_squeeze %dma_start3A_2005 : memref<1x!tpu.dma_semaphore, #tpu.memory_space<semaphore_mem>> -> memref<!tpu.dma_semaphore, #tpu.memory_space<semaphore_mem>>
      tpu.enqueue_indirect_dma source(%dma_start3A_1998 : memref<80x128xf32, #tpu.memory_space<vmem>>) target(%dma_start3A_2004 : memref<10112x128xf32, #tpu.memory_space<vmem_shared>>) offsets(%dma_start3A_2001 : memref<80xi32, #tpu.memory_space<vmem>>) semaphore(%dma_start3A_2006 : memref<!tpu.dma_semaphore, #tpu.memory_space<semaphore_mem>>) {add = true}
      %dma_wait3A_2007 = arith.constant 0 : i32
      %dma_wait3A_2008 = arith.constant 0 : i32
      %dma_wait3A_2009 = arith.constant 1 : i32
      %dma_wait3A_2010 = arith.constant 0 : i32
      %dma_wait3A_2011 = arith.constant 0 : i32
      %dma_wait3A_2012 = arith.constant 0 : i32
      %dma_wait3A_2013 = arith.constant 0 : i32
      %dma_wait3A_2014 = tpu.memref_slice %arg6[%dma_wait3A_2007, %dma_wait3A_2012, %dma_wait3A_2013] : memref<3x80x128xf32, #tpu.memory_space<vmem>> -> memref<1x80x128xf32, #tpu.memory_space<vmem>>
      %dma_wait3A_2015 = tpu.memref_squeeze %dma_wait3A_2014 : memref<1x80x128xf32, #tpu.memory_space<vmem>> -> memref<80x128xf32, #tpu.memory_space<vmem>>
      %dma_wait3A_2016 = arith.constant 0 : i32
      %dma_wait3A_2017 = tpu.memref_slice %arg5[%dma_wait3A_2008, %dma_wait3A_2009, %dma_wait3A_2010, %dma_wait3A_2016] : memref<2x2x25x80xi32, #tpu.memory_space<vmem>> -> memref<1x1x1x80xi32, #tpu.memory_space<vmem>>
      %dma_wait3A_2018 = tpu.memref_squeeze %dma_wait3A_2017 : memref<1x1x1x80xi32, #tpu.memory_space<vmem>> -> memref<80xi32, #tpu.memory_space<vmem>>
      %dma_wait3A_2019 = arith.constant 0 : i32
      %dma_wait3A_2020 = arith.constant 0 : i32
      %dma_wait3A_2021 = tpu.memref_slice %arg7[%dma_wait3A_2019, %dma_wait3A_2020] : memref<10112x128xf32, #tpu.memory_space<vmem_shared>> -> memref<10112x128xf32, #tpu.memory_space<vmem_shared>>
      %dma_wait3A_2022 = tpu.memref_slice %arg9[%dma_wait3A_2011] : memref<3x!tpu.dma_semaphore, #tpu.memory_space<semaphore_mem>> -> memref<1x!tpu.dma_semaphore, #tpu.memory_space<semaphore_mem>>
      %dma_wait3A_2023 = tpu.memref_squeeze %dma_wait3A_2022 : memref<1x!tpu.dma_semaphore, #tpu.memory_space<semaphore_mem>> -> memref<!tpu.dma_semaphore, #tpu.memory_space<semaphore_mem>>
      tpu.wait_indirect_dma semaphore(%dma_wait3A_2023 : memref<!tpu.dma_semaphore, #tpu.memory_space<semaphore_mem>>) src(%dma_wait3A_2015 : memref<80x128xf32, #tpu.memory_space<vmem>>) dst(%dma_wait3A_2021 : memref<10112x128xf32, #tpu.memory_space<vmem_shared>>)
      %add3A_2024 = arith.constant 3 : i32
      %add3A_2025 = arith.addi %mul3A_1901, %add3A_2024 : i32
      %add3A_2026 = arith.constant 0 : i32
      %add3A_2027 = arith.addi %add3A_2025, %add3A_2026 : i32
      %dma_start3A_2028 = arith.constant 0 : i32
      %dma_start3A_2029 = arith.constant 0 : i32
      %dma_start3A_2030 = arith.constant 0 : i32
      %dma_start3A_2031 = arith.constant 0 : i32
      %dma_start3A_2032 = arith.constant 0 : i32
      %dma_start3A_2033 = arith.constant 0 : i32
      %dma_start3A_2034 = tpu.memref_slice %arg6[%dma_start3A_2030, %dma_start3A_2032, %dma_start3A_2033] : memref<3x80x128xf32, #tpu.memory_space<vmem>> -> memref<1x80x128xf32, #tpu.memory_space<vmem>>
      %dma_start3A_2035 = tpu.memref_squeeze %dma_start3A_2034 : memref<1x80x128xf32, #tpu.memory_space<vmem>> -> memref<80x128xf32, #tpu.memory_space<vmem>>
      %dma_start3A_2036 = arith.constant 0 : i32
      %dma_start3A_2037 = tpu.memref_slice %arg5[%dma_start3A_2028, %dma_start3A_2029, %add3A_2027, %dma_start3A_2036] : memref<2x2x25x80xi32, #tpu.memory_space<vmem>> -> memref<1x1x1x80xi32, #tpu.memory_space<vmem>>
      %dma_start3A_2038 = tpu.memref_squeeze %dma_start3A_2037 : memref<1x1x1x80xi32, #tpu.memory_space<vmem>> -> memref<80xi32, #tpu.memory_space<vmem>>
      %dma_start3A_2039 = arith.constant 0 : i32
      %dma_start3A_2040 = arith.constant 0 : i32
      %dma_start3A_2041 = tpu.memref_slice %arg3[%dma_start3A_2039, %dma_start3A_2040] : memref<10000x128xf32, #tpu.memory_space<hbm>> -> memref<10000x128xf32, #tpu.memory_space<hbm>>
      %dma_start3A_2042 = tpu.memref_slice %arg8[%dma_start3A_2031] : memref<3x!tpu.dma_semaphore, #tpu.memory_space<semaphore_mem>> -> memref<1x!tpu.dma_semaphore, #tpu.memory_space<semaphore_mem>>
      %dma_start3A_2043 = tpu.memref_squeeze %dma_start3A_2042 : memref<1x!tpu.dma_semaphore, #tpu.memory_space<semaphore_mem>> -> memref<!tpu.dma_semaphore, #tpu.memory_space<semaphore_mem>>
      tpu.enqueue_indirect_dma source(%dma_start3A_2041 : memref<10000x128xf32, #tpu.memory_space<hbm>>) target(%dma_start3A_2035 : memref<80x128xf32, #tpu.memory_space<vmem>>) offsets(%dma_start3A_2038 : memref<80xi32, #tpu.memory_space<vmem>>) semaphore(%dma_start3A_2043 : memref<!tpu.dma_semaphore, #tpu.memory_space<semaphore_mem>>)
      %dma_wait3A_2044 = arith.constant 1 : i32
      %dma_wait3A_2045 = arith.constant 0 : i32
      %dma_wait3A_2046 = arith.constant 1 : i32
      %dma_wait3A_2047 = arith.constant 0 : i32
      %dma_wait3A_2048 = arith.constant 1 : i32
      %dma_wait3A_2049 = arith.constant 0 : i32
      %dma_wait3A_2050 = arith.constant 0 : i32
      %dma_wait3A_2051 = tpu.memref_slice %arg6[%dma_wait3A_2044, %dma_wait3A_2049, %dma_wait3A_2050] : memref<3x80x128xf32, #tpu.memory_space<vmem>> -> memref<1x80x128xf32, #tpu.memory_space<vmem>>
      %dma_wait3A_2052 = tpu.memref_squeeze %dma_wait3A_2051 : memref<1x80x128xf32, #tpu.memory_space<vmem>> -> memref<80x128xf32, #tpu.memory_space<vmem>>
      %dma_wait3A_2053 = arith.constant 0 : i32
      %dma_wait3A_2054 = tpu.memref_slice %arg5[%dma_wait3A_2045, %dma_wait3A_2046, %dma_wait3A_2047, %dma_wait3A_2053] : memref<2x2x25x80xi32, #tpu.memory_space<vmem>> -> memref<1x1x1x80xi32, #tpu.memory_space<vmem>>
      %dma_wait3A_2055 = tpu.memref_squeeze %dma_wait3A_2054 : memref<1x1x1x80xi32, #tpu.memory_space<vmem>> -> memref<80xi32, #tpu.memory_space<vmem>>
      %dma_wait3A_2056 = arith.constant 0 : i32
      %dma_wait3A_2057 = arith.constant 0 : i32
      %dma_wait3A_2058 = tpu.memref_slice %arg7[%dma_wait3A_2056, %dma_wait3A_2057] : memref<10112x128xf32, #tpu.memory_space<vmem_shared>> -> memref<10112x128xf32, #tpu.memory_space<vmem_shared>>
      %dma_wait3A_2059 = tpu.memref_slice %arg9[%dma_wait3A_2048] : memref<3x!tpu.dma_semaphore, #tpu.memory_space<semaphore_mem>> -> memref<1x!tpu.dma_semaphore, #tpu.memory_space<semaphore_mem>>
      %dma_wait3A_2060 = tpu.memref_squeeze %dma_wait3A_2059 : memref<1x!tpu.dma_semaphore, #tpu.memory_space<semaphore_mem>> -> memref<!tpu.dma_semaphore, #tpu.memory_space<semaphore_mem>>
      tpu.wait_indirect_dma semaphore(%dma_wait3A_2060 : memref<!tpu.dma_semaphore, #tpu.memory_space<semaphore_mem>>) src(%dma_wait3A_2052 : memref<80x128xf32, #tpu.memory_space<vmem>>) dst(%dma_wait3A_2058 : memref<10112x128xf32, #tpu.memory_space<vmem_shared>>)
      %add3A_2061 = arith.constant 3 : i32
      %add3A_2062 = arith.addi %mul3A_1901, %add3A_2061 : i32
      %add3A_2063 = arith.constant 1 : i32
      %add3A_2064 = arith.addi %add3A_2062, %add3A_2063 : i32
      %dma_start3A_2065 = arith.constant 0 : i32
      %dma_start3A_2066 = arith.constant 0 : i32
      %dma_start3A_2067 = arith.constant 1 : i32
      %dma_start3A_2068 = arith.constant 1 : i32
      %dma_start3A_2069 = arith.constant 0 : i32
      %dma_start3A_2070 = arith.constant 0 : i32
      %dma_start3A_2071 = tpu.memref_slice %arg6[%dma_start3A_2067, %dma_start3A_2069, %dma_start3A_2070] : memref<3x80x128xf32, #tpu.memory_space<vmem>> -> memref<1x80x128xf32, #tpu.memory_space<vmem>>
      %dma_start3A_2072 = tpu.memref_squeeze %dma_start3A_2071 : memref<1x80x128xf32, #tpu.memory_space<vmem>> -> memref<80x128xf32, #tpu.memory_space<vmem>>
      %dma_start3A_2073 = arith.constant 0 : i32
      %dma_start3A_2074 = tpu.memref_slice %arg5[%dma_start3A_2065, %dma_start3A_2066, %add3A_2064, %dma_start3A_2073] : memref<2x2x25x80xi32, #tpu.memory_space<vmem>> -> memref<1x1x1x80xi32, #tpu.memory_space<vmem>>
      %dma_start3A_2075 = tpu.memref_squeeze %dma_start3A_2074 : memref<1x1x1x80xi32, #tpu.memory_space<vmem>> -> memref<80xi32, #tpu.memory_space<vmem>>
      %dma_start3A_2076 = arith.constant 0 : i32
      %dma_start3A_2077 = arith.constant 0 : i32
      %dma_start3A_2078 = tpu.memref_slice %arg3[%dma_start3A_2076, %dma_start3A_2077] : memref<10000x128xf32, #tpu.memory_space<hbm>> -> memref<10000x128xf32, #tpu.memory_space<hbm>>
      %dma_start3A_2079 = tpu.memref_slice %arg8[%dma_start3A_2068] : memref<3x!tpu.dma_semaphore, #tpu.memory_space<semaphore_mem>> -> memref<1x!tpu.dma_semaphore, #tpu.memory_space<semaphore_mem>>
      %dma_start3A_2080 = tpu.memref_squeeze %dma_start3A_2079 : memref<1x!tpu.dma_semaphore, #tpu.memory_space<semaphore_mem>> -> memref<!tpu.dma_semaphore, #tpu.memory_space<semaphore_mem>>
      tpu.enqueue_indirect_dma source(%dma_start3A_2078 : memref<10000x128xf32, #tpu.memory_space<hbm>>) target(%dma_start3A_2072 : memref<80x128xf32, #tpu.memory_space<vmem>>) offsets(%dma_start3A_2075 : memref<80xi32, #tpu.memory_space<vmem>>) semaphore(%dma_start3A_2080 : memref<!tpu.dma_semaphore, #tpu.memory_space<semaphore_mem>>)
      %dma_wait3A_2081 = arith.constant 2 : i32
      %dma_wait3A_2082 = arith.constant 0 : i32
      %dma_wait3A_2083 = arith.constant 1 : i32
      %dma_wait3A_2084 = arith.constant 0 : i32
      %dma_wait3A_2085 = arith.constant 2 : i32
      %dma_wait3A_2086 = arith.constant 0 : i32
      %dma_wait3A_2087 = arith.constant 0 : i32
      %dma_wait3A_2088 = tpu.memref_slice %arg6[%dma_wait3A_2081, %dma_wait3A_2086, %dma_wait3A_2087] : memref<3x80x128xf32, #tpu.memory_space<vmem>> -> memref<1x80x128xf32, #tpu.memory_space<vmem>>
      %dma_wait3A_2089 = tpu.memref_squeeze %dma_wait3A_2088 : memref<1x80x128xf32, #tpu.memory_space<vmem>> -> memref<80x128xf32, #tpu.memory_space<vmem>>
      %dma_wait3A_2090 = arith.constant 0 : i32
      %dma_wait3A_2091 = tpu.memref_slice %arg5[%dma_wait3A_2082, %dma_wait3A_2083, %dma_wait3A_2084, %dma_wait3A_2090] : memref<2x2x25x80xi32, #tpu.memory_space<vmem>> -> memref<1x1x1x80xi32, #tpu.memory_space<vmem>>
      %dma_wait3A_2092 = tpu.memref_squeeze %dma_wait3A_2091 : memref<1x1x1x80xi32, #tpu.memory_space<vmem>> -> memref<80xi32, #tpu.memory_space<vmem>>
      %dma_wait3A_2093 = arith.constant 0 : i32
      %dma_wait3A_2094 = arith.constant 0 : i32
      %dma_wait3A_2095 = tpu.memref_slice %arg7[%dma_wait3A_2093, %dma_wait3A_2094] : memref<10112x128xf32, #tpu.memory_space<vmem_shared>> -> memref<10112x128xf32, #tpu.memory_space<vmem_shared>>
      %dma_wait3A_2096 = tpu.memref_slice %arg9[%dma_wait3A_2085] : memref<3x!tpu.dma_semaphore, #tpu.memory_space<semaphore_mem>> -> memref<1x!tpu.dma_semaphore, #tpu.memory_space<semaphore_mem>>
      %dma_wait3A_2097 = tpu.memref_squeeze %dma_wait3A_2096 : memref<1x!tpu.dma_semaphore, #tpu.memory_space<semaphore_mem>> -> memref<!tpu.dma_semaphore, #tpu.memory_space<semaphore_mem>>
      tpu.wait_indirect_dma semaphore(%dma_wait3A_2097 : memref<!tpu.dma_semaphore, #tpu.memory_space<semaphore_mem>>) src(%dma_wait3A_2089 : memref<80x128xf32, #tpu.memory_space<vmem>>) dst(%dma_wait3A_2095 : memref<10112x128xf32, #tpu.memory_space<vmem_shared>>)
      %add3A_2098 = arith.constant 3 : i32
      %add3A_2099 = arith.addi %mul3A_1901, %add3A_2098 : i32
      %add3A_2100 = arith.constant 2 : i32
      %add3A_2101 = arith.addi %add3A_2099, %add3A_2100 : i32
      %dma_start3A_2102 = arith.constant 0 : i32
      %dma_start3A_2103 = arith.constant 0 : i32
      %dma_start3A_2104 = arith.constant 2 : i32
      %dma_start3A_2105 = arith.constant 2 : i32
      %dma_start3A_2106 = arith.constant 0 : i32
      %dma_start3A_2107 = arith.constant 0 : i32
      %dma_start3A_2108 = tpu.memref_slice %arg6[%dma_start3A_2104, %dma_start3A_2106, %dma_start3A_2107] : memref<3x80x128xf32, #tpu.memory_space<vmem>> -> memref<1x80x128xf32, #tpu.memory_space<vmem>>
      %dma_start3A_2109 = tpu.memref_squeeze %dma_start3A_2108 : memref<1x80x128xf32, #tpu.memory_space<vmem>> -> memref<80x128xf32, #tpu.memory_space<vmem>>
      %dma_start3A_2110 = arith.constant 0 : i32
      %dma_start3A_2111 = tpu.memref_slice %arg5[%dma_start3A_2102, %dma_start3A_2103, %add3A_2101, %dma_start3A_2110] : memref<2x2x25x80xi32, #tpu.memory_space<vmem>> -> memref<1x1x1x80xi32, #tpu.memory_space<vmem>>
      %dma_start3A_2112 = tpu.memref_squeeze %dma_start3A_2111 : memref<1x1x1x80xi32, #tpu.memory_space<vmem>> -> memref<80xi32, #tpu.memory_space<vmem>>
      %dma_start3A_2113 = arith.constant 0 : i32
      %dma_start3A_2114 = arith.constant 0 : i32
      %dma_start3A_2115 = tpu.memref_slice %arg3[%dma_start3A_2113, %dma_start3A_2114] : memref<10000x128xf32, #tpu.memory_space<hbm>> -> memref<10000x128xf32, #tpu.memory_space<hbm>>
      %dma_start3A_2116 = tpu.memref_slice %arg8[%dma_start3A_2105] : memref<3x!tpu.dma_semaphore, #tpu.memory_space<semaphore_mem>> -> memref<1x!tpu.dma_semaphore, #tpu.memory_space<semaphore_mem>>
      %dma_start3A_2117 = tpu.memref_squeeze %dma_start3A_2116 : memref<1x!tpu.dma_semaphore, #tpu.memory_space<semaphore_mem>> -> memref<!tpu.dma_semaphore, #tpu.memory_space<semaphore_mem>>
      tpu.enqueue_indirect_dma source(%dma_start3A_2115 : memref<10000x128xf32, #tpu.memory_space<hbm>>) target(%dma_start3A_2109 : memref<80x128xf32, #tpu.memory_space<vmem>>) offsets(%dma_start3A_2112 : memref<80xi32, #tpu.memory_space<vmem>>) semaphore(%dma_start3A_2117 : memref<!tpu.dma_semaphore, #tpu.memory_space<semaphore_mem>>)
    }
    %scan3A_978 = arith.constant 7 : i32
    %dma_wait3A_979 = arith.constant 0 : i32
    %dma_wait3A_980 = arith.constant 0 : i32
    %dma_wait3A_981 = arith.constant 0 : i32
    %dma_wait3A_982 = arith.constant 0 : i32
    %dma_wait3A_983 = arith.constant 0 : i32
    %dma_wait3A_984 = arith.constant 0 : i32
    %dma_wait3A_985 = arith.constant 0 : i32
    %dma_wait3A_986 = tpu.memref_slice %arg6[%dma_wait3A_982, %dma_wait3A_984, %dma_wait3A_985] : memref<3x80x128xf32, #tpu.memory_space<vmem>> -> memref<1x80x128xf32, #tpu.memory_space<vmem>>
    %dma_wait3A_987 = tpu.memref_squeeze %dma_wait3A_986 : memref<1x80x128xf32, #tpu.memory_space<vmem>> -> memref<80x128xf32, #tpu.memory_space<vmem>>
    %dma_wait3A_988 = arith.constant 0 : i32
    %dma_wait3A_989 = tpu.memref_slice %arg5[%dma_wait3A_979, %dma_wait3A_980, %dma_wait3A_981, %dma_wait3A_988] : memref<2x2x25x80xi32, #tpu.memory_space<vmem>> -> memref<1x1x1x80xi32, #tpu.memory_space<vmem>>
    %dma_wait3A_990 = tpu.memref_squeeze %dma_wait3A_989 : memref<1x1x1x80xi32, #tpu.memory_space<vmem>> -> memref<80xi32, #tpu.memory_space<vmem>>
    %dma_wait3A_991 = arith.constant 0 : i32
    %dma_wait3A_992 = arith.constant 0 : i32
    %dma_wait3A_993 = tpu.memref_slice %arg3[%dma_wait3A_991, %dma_wait3A_992] : memref<10000x128xf32, #tpu.memory_space<hbm>> -> memref<10000x128xf32, #tpu.memory_space<hbm>>
    %dma_wait3A_994 = tpu.memref_slice %arg8[%dma_wait3A_983] : memref<3x!tpu.dma_semaphore, #tpu.memory_space<semaphore_mem>> -> memref<1x!tpu.dma_semaphore, #tpu.memory_space<semaphore_mem>>
    %dma_wait3A_995 = tpu.memref_squeeze %dma_wait3A_994 : memref<1x!tpu.dma_semaphore, #tpu.memory_space<semaphore_mem>> -> memref<!tpu.dma_semaphore, #tpu.memory_space<semaphore_mem>>
    tpu.wait_indirect_dma semaphore(%dma_wait3A_995 : memref<!tpu.dma_semaphore, #tpu.memory_space<semaphore_mem>>) src(%dma_wait3A_993 : memref<10000x128xf32, #tpu.memory_space<hbm>>) dst(%dma_wait3A_987 : memref<80x128xf32, #tpu.memory_space<vmem>>)
    %dma_start3A_996 = arith.constant 0 : i32
    %dma_start3A_997 = arith.constant 0 : i32
    %dma_start3A_998 = arith.constant 1 : i32
    %dma_start3A_999 = arith.constant 21 : i32
    %dma_start3A_1000 = arith.constant 0 : i32
    %dma_start3A_1001 = arith.constant 0 : i32
    %dma_start3A_1002 = arith.constant 0 : i32
    %dma_start3A_1003 = tpu.memref_slice %arg6[%dma_start3A_996, %dma_start3A_1001, %dma_start3A_1002] : memref<3x80x128xf32, #tpu.memory_space<vmem>> -> memref<1x80x128xf32, #tpu.memory_space<vmem>>
    %dma_start3A_1004 = tpu.memref_squeeze %dma_start3A_1003 : memref<1x80x128xf32, #tpu.memory_space<vmem>> -> memref<80x128xf32, #tpu.memory_space<vmem>>
    %dma_start3A_1005 = arith.constant 0 : i32
    %dma_start3A_1006 = tpu.memref_slice %arg5[%dma_start3A_997, %dma_start3A_998, %dma_start3A_999, %dma_start3A_1005] : memref<2x2x25x80xi32, #tpu.memory_space<vmem>> -> memref<1x1x1x80xi32, #tpu.memory_space<vmem>>
    %dma_start3A_1007 = tpu.memref_squeeze %dma_start3A_1006 : memref<1x1x1x80xi32, #tpu.memory_space<vmem>> -> memref<80xi32, #tpu.memory_space<vmem>>
    %dma_start3A_1008 = arith.constant 0 : i32
    %dma_start3A_1009 = arith.constant 0 : i32
    %dma_start3A_1010 = tpu.memref_slice %arg7[%dma_start3A_1008, %dma_start3A_1009] : memref<10112x128xf32, #tpu.memory_space<vmem_shared>> -> memref<10112x128xf32, #tpu.memory_space<vmem_shared>>
    %dma_start3A_1011 = tpu.memref_slice %arg9[%dma_start3A_1000] : memref<3x!tpu.dma_semaphore, #tpu.memory_space<semaphore_mem>> -> memref<1x!tpu.dma_semaphore, #tpu.memory_space<semaphore_mem>>
    %dma_start3A_1012 = tpu.memref_squeeze %dma_start3A_1011 : memref<1x!tpu.dma_semaphore, #tpu.memory_space<semaphore_mem>> -> memref<!tpu.dma_semaphore, #tpu.memory_space<semaphore_mem>>
    tpu.enqueue_indirect_dma source(%dma_start3A_1004 : memref<80x128xf32, #tpu.memory_space<vmem>>) target(%dma_start3A_1010 : memref<10112x128xf32, #tpu.memory_space<vmem_shared>>) offsets(%dma_start3A_1007 : memref<80xi32, #tpu.memory_space<vmem>>) semaphore(%dma_start3A_1012 : memref<!tpu.dma_semaphore, #tpu.memory_space<semaphore_mem>>) {add = true}
    %dma_wait3A_1013 = arith.constant 0 : i32
    %dma_wait3A_1014 = arith.constant 0 : i32
    %dma_wait3A_1015 = arith.constant 0 : i32
    %dma_wait3A_1016 = arith.constant 1 : i32
    %dma_wait3A_1017 = arith.constant 1 : i32
    %dma_wait3A_1018 = arith.constant 0 : i32
    %dma_wait3A_1019 = arith.constant 0 : i32
    %dma_wait3A_1020 = tpu.memref_slice %arg6[%dma_wait3A_1016, %dma_wait3A_1018, %dma_wait3A_1019] : memref<3x80x128xf32, #tpu.memory_space<vmem>> -> memref<1x80x128xf32, #tpu.memory_space<vmem>>
    %dma_wait3A_1021 = tpu.memref_squeeze %dma_wait3A_1020 : memref<1x80x128xf32, #tpu.memory_space<vmem>> -> memref<80x128xf32, #tpu.memory_space<vmem>>
    %dma_wait3A_1022 = arith.constant 0 : i32
    %dma_wait3A_1023 = tpu.memref_slice %arg5[%dma_wait3A_1013, %dma_wait3A_1014, %dma_wait3A_1015, %dma_wait3A_1022] : memref<2x2x25x80xi32, #tpu.memory_space<vmem>> -> memref<1x1x1x80xi32, #tpu.memory_space<vmem>>
    %dma_wait3A_1024 = tpu.memref_squeeze %dma_wait3A_1023 : memref<1x1x1x80xi32, #tpu.memory_space<vmem>> -> memref<80xi32, #tpu.memory_space<vmem>>
    %dma_wait3A_1025 = arith.constant 0 : i32
    %dma_wait3A_1026 = arith.constant 0 : i32
    %dma_wait3A_1027 = tpu.memref_slice %arg3[%dma_wait3A_1025, %dma_wait3A_1026] : memref<10000x128xf32, #tpu.memory_space<hbm>> -> memref<10000x128xf32, #tpu.memory_space<hbm>>
    %dma_wait3A_1028 = tpu.memref_slice %arg8[%dma_wait3A_1017] : memref<3x!tpu.dma_semaphore, #tpu.memory_space<semaphore_mem>> -> memref<1x!tpu.dma_semaphore, #tpu.memory_space<semaphore_mem>>
    %dma_wait3A_1029 = tpu.memref_squeeze %dma_wait3A_1028 : memref<1x!tpu.dma_semaphore, #tpu.memory_space<semaphore_mem>> -> memref<!tpu.dma_semaphore, #tpu.memory_space<semaphore_mem>>
    tpu.wait_indirect_dma semaphore(%dma_wait3A_1029 : memref<!tpu.dma_semaphore, #tpu.memory_space<semaphore_mem>>) src(%dma_wait3A_1027 : memref<10000x128xf32, #tpu.memory_space<hbm>>) dst(%dma_wait3A_1021 : memref<80x128xf32, #tpu.memory_space<vmem>>)
    %dma_start3A_1030 = arith.constant 1 : i32
    %dma_start3A_1031 = arith.constant 0 : i32
    %dma_start3A_1032 = arith.constant 1 : i32
    %dma_start3A_1033 = arith.constant 22 : i32
    %dma_start3A_1034 = arith.constant 1 : i32
    %dma_start3A_1035 = arith.constant 0 : i32
    %dma_start3A_1036 = arith.constant 0 : i32
    %dma_start3A_1037 = tpu.memref_slice %arg6[%dma_start3A_1030, %dma_start3A_1035, %dma_start3A_1036] : memref<3x80x128xf32, #tpu.memory_space<vmem>> -> memref<1x80x128xf32, #tpu.memory_space<vmem>>
    %dma_start3A_1038 = tpu.memref_squeeze %dma_start3A_1037 : memref<1x80x128xf32, #tpu.memory_space<vmem>> -> memref<80x128xf32, #tpu.memory_space<vmem>>
    %dma_start3A_1039 = arith.constant 0 : i32
    %dma_start3A_1040 = tpu.memref_slice %arg5[%dma_start3A_1031, %dma_start3A_1032, %dma_start3A_1033, %dma_start3A_1039] : memref<2x2x25x80xi32, #tpu.memory_space<vmem>> -> memref<1x1x1x80xi32, #tpu.memory_space<vmem>>
    %dma_start3A_1041 = tpu.memref_squeeze %dma_start3A_1040 : memref<1x1x1x80xi32, #tpu.memory_space<vmem>> -> memref<80xi32, #tpu.memory_space<vmem>>
    %dma_start3A_1042 = arith.constant 0 : i32
    %dma_start3A_1043 = arith.constant 0 : i32
    %dma_start3A_1044 = tpu.memref_slice %arg7[%dma_start3A_1042, %dma_start3A_1043] : memref<10112x128xf32, #tpu.memory_space<vmem_shared>> -> memref<10112x128xf32, #tpu.memory_space<vmem_shared>>
    %dma_start3A_1045 = tpu.memref_slice %arg9[%dma_start3A_1034] : memref<3x!tpu.dma_semaphore, #tpu.memory_space<semaphore_mem>> -> memref<1x!tpu.dma_semaphore, #tpu.memory_space<semaphore_mem>>
    %dma_start3A_1046 = tpu.memref_squeeze %dma_start3A_1045 : memref<1x!tpu.dma_semaphore, #tpu.memory_space<semaphore_mem>> -> memref<!tpu.dma_semaphore, #tpu.memory_space<semaphore_mem>>
    tpu.enqueue_indirect_dma source(%dma_start3A_1038 : memref<80x128xf32, #tpu.memory_space<vmem>>) target(%dma_start3A_1044 : memref<10112x128xf32, #tpu.memory_space<vmem_shared>>) offsets(%dma_start3A_1041 : memref<80xi32, #tpu.memory_space<vmem>>) semaphore(%dma_start3A_1046 : memref<!tpu.dma_semaphore, #tpu.memory_space<semaphore_mem>>) {add = true}
    %dma_wait3A_1047 = arith.constant 0 : i32
    %dma_wait3A_1048 = arith.constant 0 : i32
    %dma_wait3A_1049 = arith.constant 0 : i32
    %dma_wait3A_1050 = arith.constant 2 : i32
    %dma_wait3A_1051 = arith.constant 2 : i32
    %dma_wait3A_1052 = arith.constant 0 : i32
    %dma_wait3A_1053 = arith.constant 0 : i32
    %dma_wait3A_1054 = tpu.memref_slice %arg6[%dma_wait3A_1050, %dma_wait3A_1052, %dma_wait3A_1053] : memref<3x80x128xf32, #tpu.memory_space<vmem>> -> memref<1x80x128xf32, #tpu.memory_space<vmem>>
    %dma_wait3A_1055 = tpu.memref_squeeze %dma_wait3A_1054 : memref<1x80x128xf32, #tpu.memory_space<vmem>> -> memref<80x128xf32, #tpu.memory_space<vmem>>
    %dma_wait3A_1056 = arith.constant 0 : i32
    %dma_wait3A_1057 = tpu.memref_slice %arg5[%dma_wait3A_1047, %dma_wait3A_1048, %dma_wait3A_1049, %dma_wait3A_1056] : memref<2x2x25x80xi32, #tpu.memory_space<vmem>> -> memref<1x1x1x80xi32, #tpu.memory_space<vmem>>
    %dma_wait3A_1058 = tpu.memref_squeeze %dma_wait3A_1057 : memref<1x1x1x80xi32, #tpu.memory_space<vmem>> -> memref<80xi32, #tpu.memory_space<vmem>>
    %dma_wait3A_1059 = arith.constant 0 : i32
    %dma_wait3A_1060 = arith.constant 0 : i32
    %dma_wait3A_1061 = tpu.memref_slice %arg3[%dma_wait3A_1059, %dma_wait3A_1060] : memref<10000x128xf32, #tpu.memory_space<hbm>> -> memref<10000x128xf32, #tpu.memory_space<hbm>>
    %dma_wait3A_1062 = tpu.memref_slice %arg8[%dma_wait3A_1051] : memref<3x!tpu.dma_semaphore, #tpu.memory_space<semaphore_mem>> -> memref<1x!tpu.dma_semaphore, #tpu.memory_space<semaphore_mem>>
    %dma_wait3A_1063 = tpu.memref_squeeze %dma_wait3A_1062 : memref<1x!tpu.dma_semaphore, #tpu.memory_space<semaphore_mem>> -> memref<!tpu.dma_semaphore, #tpu.memory_space<semaphore_mem>>
    tpu.wait_indirect_dma semaphore(%dma_wait3A_1063 : memref<!tpu.dma_semaphore, #tpu.memory_space<semaphore_mem>>) src(%dma_wait3A_1061 : memref<10000x128xf32, #tpu.memory_space<hbm>>) dst(%dma_wait3A_1055 : memref<80x128xf32, #tpu.memory_space<vmem>>)
    %dma_start3A_1064 = arith.constant 2 : i32
    %dma_start3A_1065 = arith.constant 0 : i32
    %dma_start3A_1066 = arith.constant 1 : i32
    %dma_start3A_1067 = arith.constant 23 : i32
    %dma_start3A_1068 = arith.constant 2 : i32
    %dma_start3A_1069 = arith.constant 0 : i32
    %dma_start3A_1070 = arith.constant 0 : i32
    %dma_start3A_1071 = tpu.memref_slice %arg6[%dma_start3A_1064, %dma_start3A_1069, %dma_start3A_1070] : memref<3x80x128xf32, #tpu.memory_space<vmem>> -> memref<1x80x128xf32, #tpu.memory_space<vmem>>
    %dma_start3A_1072 = tpu.memref_squeeze %dma_start3A_1071 : memref<1x80x128xf32, #tpu.memory_space<vmem>> -> memref<80x128xf32, #tpu.memory_space<vmem>>
    %dma_start3A_1073 = arith.constant 0 : i32
    %dma_start3A_1074 = tpu.memref_slice %arg5[%dma_start3A_1065, %dma_start3A_1066, %dma_start3A_1067, %dma_start3A_1073] : memref<2x2x25x80xi32, #tpu.memory_space<vmem>> -> memref<1x1x1x80xi32, #tpu.memory_space<vmem>>
    %dma_start3A_1075 = tpu.memref_squeeze %dma_start3A_1074 : memref<1x1x1x80xi32, #tpu.memory_space<vmem>> -> memref<80xi32, #tpu.memory_space<vmem>>
    %dma_start3A_1076 = arith.constant 0 : i32
    %dma_start3A_1077 = arith.constant 0 : i32
    %dma_start3A_1078 = tpu.memref_slice %arg7[%dma_start3A_1076, %dma_start3A_1077] : memref<10112x128xf32, #tpu.memory_space<vmem_shared>> -> memref<10112x128xf32, #tpu.memory_space<vmem_shared>>
    %dma_start3A_1079 = tpu.memref_slice %arg9[%dma_start3A_1068] : memref<3x!tpu.dma_semaphore, #tpu.memory_space<semaphore_mem>> -> memref<1x!tpu.dma_semaphore, #tpu.memory_space<semaphore_mem>>
    %dma_start3A_1080 = tpu.memref_squeeze %dma_start3A_1079 : memref<1x!tpu.dma_semaphore, #tpu.memory_space<semaphore_mem>> -> memref<!tpu.dma_semaphore, #tpu.memory_space<semaphore_mem>>
    tpu.enqueue_indirect_dma source(%dma_start3A_1072 : memref<80x128xf32, #tpu.memory_space<vmem>>) target(%dma_start3A_1078 : memref<10112x128xf32, #tpu.memory_space<vmem_shared>>) offsets(%dma_start3A_1075 : memref<80xi32, #tpu.memory_space<vmem>>) semaphore(%dma_start3A_1080 : memref<!tpu.dma_semaphore, #tpu.memory_space<semaphore_mem>>) {add = true}
    %dma_wait3A_1081 = arith.constant 0 : i32
    %dma_wait3A_1082 = arith.constant 0 : i32
    %dma_wait3A_1083 = arith.constant 1 : i32
    %dma_wait3A_1084 = arith.constant 0 : i32
    %dma_wait3A_1085 = arith.constant 0 : i32
    %dma_wait3A_1086 = arith.constant 0 : i32
    %dma_wait3A_1087 = arith.constant 0 : i32
    %dma_wait3A_1088 = tpu.memref_slice %arg6[%dma_wait3A_1081, %dma_wait3A_1086, %dma_wait3A_1087] : memref<3x80x128xf32, #tpu.memory_space<vmem>> -> memref<1x80x128xf32, #tpu.memory_space<vmem>>
    %dma_wait3A_1089 = tpu.memref_squeeze %dma_wait3A_1088 : memref<1x80x128xf32, #tpu.memory_space<vmem>> -> memref<80x128xf32, #tpu.memory_space<vmem>>
    %dma_wait3A_1090 = arith.constant 0 : i32
    %dma_wait3A_1091 = tpu.memref_slice %arg5[%dma_wait3A_1082, %dma_wait3A_1083, %dma_wait3A_1084, %dma_wait3A_1090] : memref<2x2x25x80xi32, #tpu.memory_space<vmem>> -> memref<1x1x1x80xi32, #tpu.memory_space<vmem>>
    %dma_wait3A_1092 = tpu.memref_squeeze %dma_wait3A_1091 : memref<1x1x1x80xi32, #tpu.memory_space<vmem>> -> memref<80xi32, #tpu.memory_space<vmem>>
    %dma_wait3A_1093 = arith.constant 0 : i32
    %dma_wait3A_1094 = arith.constant 0 : i32
    %dma_wait3A_1095 = tpu.memref_slice %arg7[%dma_wait3A_1093, %dma_wait3A_1094] : memref<10112x128xf32, #tpu.memory_space<vmem_shared>> -> memref<10112x128xf32, #tpu.memory_space<vmem_shared>>
    %dma_wait3A_1096 = tpu.memref_slice %arg9[%dma_wait3A_1085] : memref<3x!tpu.dma_semaphore, #tpu.memory_space<semaphore_mem>> -> memref<1x!tpu.dma_semaphore, #tpu.memory_space<semaphore_mem>>
    %dma_wait3A_1097 = tpu.memref_squeeze %dma_wait3A_1096 : memref<1x!tpu.dma_semaphore, #tpu.memory_space<semaphore_mem>> -> memref<!tpu.dma_semaphore, #tpu.memory_space<semaphore_mem>>
    tpu.wait_indirect_dma semaphore(%dma_wait3A_1097 : memref<!tpu.dma_semaphore, #tpu.memory_space<semaphore_mem>>) src(%dma_wait3A_1089 : memref<80x128xf32, #tpu.memory_space<vmem>>) dst(%dma_wait3A_1095 : memref<10112x128xf32, #tpu.memory_space<vmem_shared>>)
    %dma_start3A_1098 = arith.constant 0 : i32
    %dma_start3A_1099 = arith.constant 0 : i32
    %dma_start3A_1100 = arith.constant 24 : i32
    %dma_start3A_1101 = arith.constant 0 : i32
    %dma_start3A_1102 = arith.constant 0 : i32
    %dma_start3A_1103 = arith.constant 0 : i32
    %dma_start3A_1104 = arith.constant 0 : i32
    %dma_start3A_1105 = tpu.memref_slice %arg6[%dma_start3A_1101, %dma_start3A_1103, %dma_start3A_1104] : memref<3x80x128xf32, #tpu.memory_space<vmem>> -> memref<1x80x128xf32, #tpu.memory_space<vmem>>
    %dma_start3A_1106 = tpu.memref_squeeze %dma_start3A_1105 : memref<1x80x128xf32, #tpu.memory_space<vmem>> -> memref<80x128xf32, #tpu.memory_space<vmem>>
    %dma_start3A_1107 = arith.constant 0 : i32
    %dma_start3A_1108 = tpu.memref_slice %arg5[%dma_start3A_1098, %dma_start3A_1099, %dma_start3A_1100, %dma_start3A_1107] : memref<2x2x25x80xi32, #tpu.memory_space<vmem>> -> memref<1x1x1x80xi32, #tpu.memory_space<vmem>>
    %dma_start3A_1109 = tpu.memref_squeeze %dma_start3A_1108 : memref<1x1x1x80xi32, #tpu.memory_space<vmem>> -> memref<80xi32, #tpu.memory_space<vmem>>
    %dma_start3A_1110 = arith.constant 0 : i32
    %dma_start3A_1111 = arith.constant 0 : i32
    %dma_start3A_1112 = tpu.memref_slice %arg3[%dma_start3A_1110, %dma_start3A_1111] : memref<10000x128xf32, #tpu.memory_space<hbm>> -> memref<10000x128xf32, #tpu.memory_space<hbm>>
    %dma_start3A_1113 = tpu.memref_slice %arg8[%dma_start3A_1102] : memref<3x!tpu.dma_semaphore, #tpu.memory_space<semaphore_mem>> -> memref<1x!tpu.dma_semaphore, #tpu.memory_space<semaphore_mem>>
    %dma_start3A_1114 = tpu.memref_squeeze %dma_start3A_1113 : memref<1x!tpu.dma_semaphore, #tpu.memory_space<semaphore_mem>> -> memref<!tpu.dma_semaphore, #tpu.memory_space<semaphore_mem>>
    tpu.enqueue_indirect_dma source(%dma_start3A_1112 : memref<10000x128xf32, #tpu.memory_space<hbm>>) target(%dma_start3A_1106 : memref<80x128xf32, #tpu.memory_space<vmem>>) offsets(%dma_start3A_1109 : memref<80xi32, #tpu.memory_space<vmem>>) semaphore(%dma_start3A_1114 : memref<!tpu.dma_semaphore, #tpu.memory_space<semaphore_mem>>)
    %dma_wait3A_1115 = arith.constant 1 : i32
    %dma_wait3A_1116 = arith.constant 0 : i32
    %dma_wait3A_1117 = arith.constant 1 : i32
    %dma_wait3A_1118 = arith.constant 0 : i32
    %dma_wait3A_1119 = arith.constant 1 : i32
    %dma_wait3A_1120 = arith.constant 0 : i32
    %dma_wait3A_1121 = arith.constant 0 : i32
    %dma_wait3A_1122 = tpu.memref_slice %arg6[%dma_wait3A_1115, %dma_wait3A_1120, %dma_wait3A_1121] : memref<3x80x128xf32, #tpu.memory_space<vmem>> -> memref<1x80x128xf32, #tpu.memory_space<vmem>>
    %dma_wait3A_1123 = tpu.memref_squeeze %dma_wait3A_1122 : memref<1x80x128xf32, #tpu.memory_space<vmem>> -> memref<80x128xf32, #tpu.memory_space<vmem>>
    %dma_wait3A_1124 = arith.constant 0 : i32
    %dma_wait3A_1125 = tpu.memref_slice %arg5[%dma_wait3A_1116, %dma_wait3A_1117, %dma_wait3A_1118, %dma_wait3A_1124] : memref<2x2x25x80xi32, #tpu.memory_space<vmem>> -> memref<1x1x1x80xi32, #tpu.memory_space<vmem>>
    %dma_wait3A_1126 = tpu.memref_squeeze %dma_wait3A_1125 : memref<1x1x1x80xi32, #tpu.memory_space<vmem>> -> memref<80xi32, #tpu.memory_space<vmem>>
    %dma_wait3A_1127 = arith.constant 0 : i32
    %dma_wait3A_1128 = arith.constant 0 : i32
    %dma_wait3A_1129 = tpu.memref_slice %arg7[%dma_wait3A_1127, %dma_wait3A_1128] : memref<10112x128xf32, #tpu.memory_space<vmem_shared>> -> memref<10112x128xf32, #tpu.memory_space<vmem_shared>>
    %dma_wait3A_1130 = tpu.memref_slice %arg9[%dma_wait3A_1119] : memref<3x!tpu.dma_semaphore, #tpu.memory_space<semaphore_mem>> -> memref<1x!tpu.dma_semaphore, #tpu.memory_space<semaphore_mem>>
    %dma_wait3A_1131 = tpu.memref_squeeze %dma_wait3A_1130 : memref<1x!tpu.dma_semaphore, #tpu.memory_space<semaphore_mem>> -> memref<!tpu.dma_semaphore, #tpu.memory_space<semaphore_mem>>
    tpu.wait_indirect_dma semaphore(%dma_wait3A_1131 : memref<!tpu.dma_semaphore, #tpu.memory_space<semaphore_mem>>) src(%dma_wait3A_1123 : memref<80x128xf32, #tpu.memory_space<vmem>>) dst(%dma_wait3A_1129 : memref<10112x128xf32, #tpu.memory_space<vmem_shared>>)
    %dma_wait3A_1132 = arith.constant 2 : i32
    %dma_wait3A_1133 = arith.constant 0 : i32
    %dma_wait3A_1134 = arith.constant 1 : i32
    %dma_wait3A_1135 = arith.constant 0 : i32
    %dma_wait3A_1136 = arith.constant 2 : i32
    %dma_wait3A_1137 = arith.constant 0 : i32
    %dma_wait3A_1138 = arith.constant 0 : i32
    %dma_wait3A_1139 = tpu.memref_slice %arg6[%dma_wait3A_1132, %dma_wait3A_1137, %dma_wait3A_1138] : memref<3x80x128xf32, #tpu.memory_space<vmem>> -> memref<1x80x128xf32, #tpu.memory_space<vmem>>
    %dma_wait3A_1140 = tpu.memref_squeeze %dma_wait3A_1139 : memref<1x80x128xf32, #tpu.memory_space<vmem>> -> memref<80x128xf32, #tpu.memory_space<vmem>>
    %dma_wait3A_1141 = arith.constant 0 : i32
    %dma_wait3A_1142 = tpu.memref_slice %arg5[%dma_wait3A_1133, %dma_wait3A_1134, %dma_wait3A_1135, %dma_wait3A_1141] : memref<2x2x25x80xi32, #tpu.memory_space<vmem>> -> memref<1x1x1x80xi32, #tpu.memory_space<vmem>>
    %dma_wait3A_1143 = tpu.memref_squeeze %dma_wait3A_1142 : memref<1x1x1x80xi32, #tpu.memory_space<vmem>> -> memref<80xi32, #tpu.memory_space<vmem>>
    %dma_wait3A_1144 = arith.constant 0 : i32
    %dma_wait3A_1145 = arith.constant 0 : i32
    %dma_wait3A_1146 = tpu.memref_slice %arg7[%dma_wait3A_1144, %dma_wait3A_1145] : memref<10112x128xf32, #tpu.memory_space<vmem_shared>> -> memref<10112x128xf32, #tpu.memory_space<vmem_shared>>
    %dma_wait3A_1147 = tpu.memref_slice %arg9[%dma_wait3A_1136] : memref<3x!tpu.dma_semaphore, #tpu.memory_space<semaphore_mem>> -> memref<1x!tpu.dma_semaphore, #tpu.memory_space<semaphore_mem>>
    %dma_wait3A_1148 = tpu.memref_squeeze %dma_wait3A_1147 : memref<1x!tpu.dma_semaphore, #tpu.memory_space<semaphore_mem>> -> memref<!tpu.dma_semaphore, #tpu.memory_space<semaphore_mem>>
    tpu.wait_indirect_dma semaphore(%dma_wait3A_1148 : memref<!tpu.dma_semaphore, #tpu.memory_space<semaphore_mem>>) src(%dma_wait3A_1140 : memref<80x128xf32, #tpu.memory_space<vmem>>) dst(%dma_wait3A_1146 : memref<10112x128xf32, #tpu.memory_space<vmem_shared>>)
    %dma_wait3A_1149 = arith.constant 0 : i32
    %dma_wait3A_1150 = arith.constant 0 : i32
    %dma_wait3A_1151 = arith.constant 0 : i32
    %dma_wait3A_1152 = arith.constant 0 : i32
    %dma_wait3A_1153 = arith.constant 0 : i32
    %dma_wait3A_1154 = arith.constant 0 : i32
    %dma_wait3A_1155 = arith.constant 0 : i32
    %dma_wait3A_1156 = tpu.memref_slice %arg6[%dma_wait3A_1152, %dma_wait3A_1154, %dma_wait3A_1155] : memref<3x80x128xf32, #tpu.memory_space<vmem>> -> memref<1x80x128xf32, #tpu.memory_space<vmem>>
    %dma_wait3A_1157 = tpu.memref_squeeze %dma_wait3A_1156 : memref<1x80x128xf32, #tpu.memory_space<vmem>> -> memref<80x128xf32, #tpu.memory_space<vmem>>
    %dma_wait3A_1158 = arith.constant 0 : i32
    %dma_wait3A_1159 = tpu.memref_slice %arg5[%dma_wait3A_1149, %dma_wait3A_1150, %dma_wait3A_1151, %dma_wait3A_1158] : memref<2x2x25x80xi32, #tpu.memory_space<vmem>> -> memref<1x1x1x80xi32, #tpu.memory_space<vmem>>
    %dma_wait3A_1160 = tpu.memref_squeeze %dma_wait3A_1159 : memref<1x1x1x80xi32, #tpu.memory_space<vmem>> -> memref<80xi32, #tpu.memory_space<vmem>>
    %dma_wait3A_1161 = arith.constant 0 : i32
    %dma_wait3A_1162 = arith.constant 0 : i32
    %dma_wait3A_1163 = tpu.memref_slice %arg3[%dma_wait3A_1161, %dma_wait3A_1162] : memref<10000x128xf32, #tpu.memory_space<hbm>> -> memref<10000x128xf32, #tpu.memory_space<hbm>>
    %dma_wait3A_1164 = tpu.memref_slice %arg8[%dma_wait3A_1153] : memref<3x!tpu.dma_semaphore, #tpu.memory_space<semaphore_mem>> -> memref<1x!tpu.dma_semaphore, #tpu.memory_space<semaphore_mem>>
    %dma_wait3A_1165 = tpu.memref_squeeze %dma_wait3A_1164 : memref<1x!tpu.dma_semaphore, #tpu.memory_space<semaphore_mem>> -> memref<!tpu.dma_semaphore, #tpu.memory_space<semaphore_mem>>
    tpu.wait_indirect_dma semaphore(%dma_wait3A_1165 : memref<!tpu.dma_semaphore, #tpu.memory_space<semaphore_mem>>) src(%dma_wait3A_1163 : memref<10000x128xf32, #tpu.memory_space<hbm>>) dst(%dma_wait3A_1157 : memref<80x128xf32, #tpu.memory_space<vmem>>)
    %dma_start3A_1166 = arith.constant 0 : i32
    %dma_start3A_1167 = arith.constant 0 : i32
    %dma_start3A_1168 = arith.constant 1 : i32
    %dma_start3A_1169 = arith.constant 24 : i32
    %dma_start3A_1170 = arith.constant 0 : i32
    %dma_start3A_1171 = arith.constant 0 : i32
    %dma_start3A_1172 = arith.constant 0 : i32
    %dma_start3A_1173 = tpu.memref_slice %arg6[%dma_start3A_1166, %dma_start3A_1171, %dma_start3A_1172] : memref<3x80x128xf32, #tpu.memory_space<vmem>> -> memref<1x80x128xf32, #tpu.memory_space<vmem>>
    %dma_start3A_1174 = tpu.memref_squeeze %dma_start3A_1173 : memref<1x80x128xf32, #tpu.memory_space<vmem>> -> memref<80x128xf32, #tpu.memory_space<vmem>>
    %dma_start3A_1175 = arith.constant 0 : i32
    %dma_start3A_1176 = tpu.memref_slice %arg5[%dma_start3A_1167, %dma_start3A_1168, %dma_start3A_1169, %dma_start3A_1175] : memref<2x2x25x80xi32, #tpu.memory_space<vmem>> -> memref<1x1x1x80xi32, #tpu.memory_space<vmem>>
    %dma_start3A_1177 = tpu.memref_squeeze %dma_start3A_1176 : memref<1x1x1x80xi32, #tpu.memory_space<vmem>> -> memref<80xi32, #tpu.memory_space<vmem>>
    %dma_start3A_1178 = arith.constant 0 : i32
    %dma_start3A_1179 = arith.constant 0 : i32
    %dma_start3A_1180 = tpu.memref_slice %arg7[%dma_start3A_1178, %dma_start3A_1179] : memref<10112x128xf32, #tpu.memory_space<vmem_shared>> -> memref<10112x128xf32, #tpu.memory_space<vmem_shared>>
    %dma_start3A_1181 = tpu.memref_slice %arg9[%dma_start3A_1170] : memref<3x!tpu.dma_semaphore, #tpu.memory_space<semaphore_mem>> -> memref<1x!tpu.dma_semaphore, #tpu.memory_space<semaphore_mem>>
    %dma_start3A_1182 = tpu.memref_squeeze %dma_start3A_1181 : memref<1x!tpu.dma_semaphore, #tpu.memory_space<semaphore_mem>> -> memref<!tpu.dma_semaphore, #tpu.memory_space<semaphore_mem>>
    tpu.enqueue_indirect_dma source(%dma_start3A_1174 : memref<80x128xf32, #tpu.memory_space<vmem>>) target(%dma_start3A_1180 : memref<10112x128xf32, #tpu.memory_space<vmem_shared>>) offsets(%dma_start3A_1177 : memref<80xi32, #tpu.memory_space<vmem>>) semaphore(%dma_start3A_1182 : memref<!tpu.dma_semaphore, #tpu.memory_space<semaphore_mem>>) {add = true}
    %dma_wait3A_1183 = arith.constant 0 : i32
    %dma_wait3A_1184 = arith.constant 0 : i32
    %dma_wait3A_1185 = arith.constant 1 : i32
    %dma_wait3A_1186 = arith.constant 0 : i32
    %dma_wait3A_1187 = arith.constant 0 : i32
    %dma_wait3A_1188 = arith.constant 0 : i32
    %dma_wait3A_1189 = arith.constant 0 : i32
    %dma_wait3A_1190 = tpu.memref_slice %arg6[%dma_wait3A_1183, %dma_wait3A_1188, %dma_wait3A_1189] : memref<3x80x128xf32, #tpu.memory_space<vmem>> -> memref<1x80x128xf32, #tpu.memory_space<vmem>>
    %dma_wait3A_1191 = tpu.memref_squeeze %dma_wait3A_1190 : memref<1x80x128xf32, #tpu.memory_space<vmem>> -> memref<80x128xf32, #tpu.memory_space<vmem>>
    %dma_wait3A_1192 = arith.constant 0 : i32
    %dma_wait3A_1193 = tpu.memref_slice %arg5[%dma_wait3A_1184, %dma_wait3A_1185, %dma_wait3A_1186, %dma_wait3A_1192] : memref<2x2x25x80xi32, #tpu.memory_space<vmem>> -> memref<1x1x1x80xi32, #tpu.memory_space<vmem>>
    %dma_wait3A_1194 = tpu.memref_squeeze %dma_wait3A_1193 : memref<1x1x1x80xi32, #tpu.memory_space<vmem>> -> memref<80xi32, #tpu.memory_space<vmem>>
    %dma_wait3A_1195 = arith.constant 0 : i32
    %dma_wait3A_1196 = arith.constant 0 : i32
    %dma_wait3A_1197 = tpu.memref_slice %arg7[%dma_wait3A_1195, %dma_wait3A_1196] : memref<10112x128xf32, #tpu.memory_space<vmem_shared>> -> memref<10112x128xf32, #tpu.memory_space<vmem_shared>>
    %dma_wait3A_1198 = tpu.memref_slice %arg9[%dma_wait3A_1187] : memref<3x!tpu.dma_semaphore, #tpu.memory_space<semaphore_mem>> -> memref<1x!tpu.dma_semaphore, #tpu.memory_space<semaphore_mem>>
    %dma_wait3A_1199 = tpu.memref_squeeze %dma_wait3A_1198 : memref<1x!tpu.dma_semaphore, #tpu.memory_space<semaphore_mem>> -> memref<!tpu.dma_semaphore, #tpu.memory_space<semaphore_mem>>
    tpu.wait_indirect_dma semaphore(%dma_wait3A_1199 : memref<!tpu.dma_semaphore, #tpu.memory_space<semaphore_mem>>) src(%dma_wait3A_1191 : memref<80x128xf32, #tpu.memory_space<vmem>>) dst(%dma_wait3A_1197 : memref<10112x128xf32, #tpu.memory_space<vmem_shared>>)
    %dma_wait3A_1200 = arith.constant 0 : i32
    %dma_wait3A_1201 = arith.constant 0 : i32
    %dma_wait3A_1202 = arith.constant 1 : i32
    %dma_wait3A_1203 = arith.constant 0 : i32
    %dma_wait3A_1204 = arith.constant 1 : i32
    %dma_wait3A_1205 = arith.constant 0 : i32
    %dma_wait3A_1206 = arith.constant 0 : i32
    %dma_wait3A_1207 = tpu.memref_slice %arg5[%dma_wait3A_1202, %dma_wait3A_1203, %dma_wait3A_1205, %dma_wait3A_1206] : memref<2x2x25x80xi32, #tpu.memory_space<vmem>> -> memref<1x1x25x80xi32, #tpu.memory_space<vmem>>
    %dma_wait3A_1208 = tpu.memref_squeeze %dma_wait3A_1207 : memref<1x1x25x80xi32, #tpu.memory_space<vmem>> -> memref<25x80xi32, #tpu.memory_space<vmem>>
    %dma_wait3A_1209 = arith.constant 0 : i32
    %dma_wait3A_1210 = arith.constant 0 : i32
    %dma_wait3A_1211 = tpu.memref_slice %arg2[%dma_wait3A_1200, %add3A, %dma_wait3A_1201, %dma_wait3A_1209, %dma_wait3A_1210] : memref<2x32x5x25x80xi32, #tpu.memory_space<hbm>> -> memref<1x1x1x25x80xi32, #tpu.memory_space<hbm>>
    %dma_wait3A_1212 = tpu.memref_squeeze %dma_wait3A_1211 : memref<1x1x1x25x80xi32, #tpu.memory_space<hbm>> -> memref<25x80xi32, #tpu.memory_space<hbm>>
    %dma_wait3A_1213 = tpu.memref_slice %arg10[%dma_wait3A_1204] : memref<2x!tpu.dma_semaphore, #tpu.memory_space<semaphore_mem>> -> memref<1x!tpu.dma_semaphore, #tpu.memory_space<semaphore_mem>>
    %dma_wait3A_1214 = tpu.memref_squeeze %dma_wait3A_1213 : memref<1x!tpu.dma_semaphore, #tpu.memory_space<semaphore_mem>> -> memref<!tpu.dma_semaphore, #tpu.memory_space<semaphore_mem>>
    %dma_wait3A_1215 = arith.constant 0 : i32
    %dma_wait3A_1216 = arith.constant 0 : i32
    %dma_wait3A_1217 = tpu.memref_slice %arg5[%dma_wait3A_1202, %dma_wait3A_1203, %dma_wait3A_1215, %dma_wait3A_1216] : memref<2x2x25x80xi32, #tpu.memory_space<vmem>> -> memref<1x1x25x80xi32, #tpu.memory_space<vmem>>
    %dma_wait3A_1218 = tpu.memref_squeeze %dma_wait3A_1217 : memref<1x1x25x80xi32, #tpu.memory_space<vmem>> -> memref<25x80xi32, #tpu.memory_space<vmem>>
    %dma_wait3A_1219 = arith.constant 0 : i32
    %dma_wait3A_1220 = arith.constant 0 : i32
    %dma_wait3A_1221 = tpu.memref_slice %arg2[%dma_wait3A_1200, %add3A, %dma_wait3A_1201, %dma_wait3A_1219, %dma_wait3A_1220] : memref<2x32x5x25x80xi32, #tpu.memory_space<hbm>> -> memref<1x1x1x25x80xi32, #tpu.memory_space<hbm>>
    %dma_wait3A_1222 = tpu.memref_squeeze %dma_wait3A_1221 : memref<1x1x1x25x80xi32, #tpu.memory_space<hbm>> -> memref<25x80xi32, #tpu.memory_space<hbm>>
    tpu.wait_dma2 semaphore(%dma_wait3A_1214 : memref<!tpu.dma_semaphore, #tpu.memory_space<semaphore_mem>>) src(%dma_wait3A_1222 : memref<25x80xi32, #tpu.memory_space<hbm>>) dst(%dma_wait3A_1218 : memref<25x80xi32, #tpu.memory_space<vmem>>)
    %dma_wait3A_1223 = arith.constant 0 : i32
    %dma_wait3A_1224 = arith.constant 0 : i32
    %dma_wait3A_1225 = arith.constant 1 : i32
    %dma_wait3A_1226 = arith.constant 1 : i32
    %dma_wait3A_1227 = arith.constant 1 : i32
    %dma_wait3A_1228 = arith.constant 0 : i32
    %dma_wait3A_1229 = arith.constant 0 : i32
    %dma_wait3A_1230 = tpu.memref_slice %arg5[%dma_wait3A_1225, %dma_wait3A_1226, %dma_wait3A_1228, %dma_wait3A_1229] : memref<2x2x25x80xi32, #tpu.memory_space<vmem>> -> memref<1x1x25x80xi32, #tpu.memory_space<vmem>>
    %dma_wait3A_1231 = tpu.memref_squeeze %dma_wait3A_1230 : memref<1x1x25x80xi32, #tpu.memory_space<vmem>> -> memref<25x80xi32, #tpu.memory_space<vmem>>
    %dma_wait3A_1232 = arith.constant 0 : i32
    %dma_wait3A_1233 = arith.constant 0 : i32
    %dma_wait3A_1234 = tpu.memref_slice %arg2[%dma_wait3A_1223, %add3A, %dma_wait3A_1224, %dma_wait3A_1232, %dma_wait3A_1233] : memref<2x32x5x25x80xi32, #tpu.memory_space<hbm>> -> memref<1x1x1x25x80xi32, #tpu.memory_space<hbm>>
    %dma_wait3A_1235 = tpu.memref_squeeze %dma_wait3A_1234 : memref<1x1x1x25x80xi32, #tpu.memory_space<hbm>> -> memref<25x80xi32, #tpu.memory_space<hbm>>
    %dma_wait3A_1236 = tpu.memref_slice %arg10[%dma_wait3A_1227] : memref<2x!tpu.dma_semaphore, #tpu.memory_space<semaphore_mem>> -> memref<1x!tpu.dma_semaphore, #tpu.memory_space<semaphore_mem>>
    %dma_wait3A_1237 = tpu.memref_squeeze %dma_wait3A_1236 : memref<1x!tpu.dma_semaphore, #tpu.memory_space<semaphore_mem>> -> memref<!tpu.dma_semaphore, #tpu.memory_space<semaphore_mem>>
    %dma_wait3A_1238 = arith.constant 0 : i32
    %dma_wait3A_1239 = arith.constant 0 : i32
    %dma_wait3A_1240 = tpu.memref_slice %arg5[%dma_wait3A_1225, %dma_wait3A_1226, %dma_wait3A_1238, %dma_wait3A_1239] : memref<2x2x25x80xi32, #tpu.memory_space<vmem>> -> memref<1x1x25x80xi32, #tpu.memory_space<vmem>>
    %dma_wait3A_1241 = tpu.memref_squeeze %dma_wait3A_1240 : memref<1x1x25x80xi32, #tpu.memory_space<vmem>> -> memref<25x80xi32, #tpu.memory_space<vmem>>
    %dma_wait3A_1242 = arith.constant 0 : i32
    %dma_wait3A_1243 = arith.constant 0 : i32
    %dma_wait3A_1244 = tpu.memref_slice %arg2[%dma_wait3A_1223, %add3A, %dma_wait3A_1224, %dma_wait3A_1242, %dma_wait3A_1243] : memref<2x32x5x25x80xi32, #tpu.memory_space<hbm>> -> memref<1x1x1x25x80xi32, #tpu.memory_space<hbm>>
    %dma_wait3A_1245 = tpu.memref_squeeze %dma_wait3A_1244 : memref<1x1x1x25x80xi32, #tpu.memory_space<hbm>> -> memref<25x80xi32, #tpu.memory_space<hbm>>
    tpu.wait_dma2 semaphore(%dma_wait3A_1237 : memref<!tpu.dma_semaphore, #tpu.memory_space<semaphore_mem>>) src(%dma_wait3A_1245 : memref<25x80xi32, #tpu.memory_space<hbm>>) dst(%dma_wait3A_1241 : memref<25x80xi32, #tpu.memory_space<vmem>>)
    %dma_start3A_1246 = arith.constant 0 : i32
    %dma_start3A_1247 = arith.constant 4 : i32
    %dma_start3A_1248 = arith.constant 0 : i32
    %dma_start3A_1249 = arith.constant 0 : i32
    %dma_start3A_1250 = arith.constant 0 : i32
    %dma_start3A_1251 = arith.constant 0 : i32
    %dma_start3A_1252 = arith.constant 0 : i32
    %dma_start3A_1253 = tpu.memref_slice %arg5[%dma_start3A_1248, %dma_start3A_1249, %dma_start3A_1251, %dma_start3A_1252] : memref<2x2x25x80xi32, #tpu.memory_space<vmem>> -> memref<1x1x25x80xi32, #tpu.memory_space<vmem>>
    %dma_start3A_1254 = tpu.memref_squeeze %dma_start3A_1253 : memref<1x1x25x80xi32, #tpu.memory_space<vmem>> -> memref<25x80xi32, #tpu.memory_space<vmem>>
    %dma_start3A_1255 = arith.constant 0 : i32
    %dma_start3A_1256 = arith.constant 0 : i32
    %dma_start3A_1257 = tpu.memref_slice %arg2[%dma_start3A_1246, %add3A, %dma_start3A_1247, %dma_start3A_1255, %dma_start3A_1256] : memref<2x32x5x25x80xi32, #tpu.memory_space<hbm>> -> memref<1x1x1x25x80xi32, #tpu.memory_space<hbm>>
    %dma_start3A_1258 = tpu.memref_squeeze %dma_start3A_1257 : memref<1x1x1x25x80xi32, #tpu.memory_space<hbm>> -> memref<25x80xi32, #tpu.memory_space<hbm>>
    %dma_start3A_1259 = tpu.memref_slice %arg10[%dma_start3A_1250] : memref<2x!tpu.dma_semaphore, #tpu.memory_space<semaphore_mem>> -> memref<1x!tpu.dma_semaphore, #tpu.memory_space<semaphore_mem>>
    %dma_start3A_1260 = tpu.memref_squeeze %dma_start3A_1259 : memref<1x!tpu.dma_semaphore, #tpu.memory_space<semaphore_mem>> -> memref<!tpu.dma_semaphore, #tpu.memory_space<semaphore_mem>>
    %dma_start3A_1261 = arith.constant 0 : i32
    %dma_start3A_1262 = arith.constant 0 : i32
    %dma_start3A_1263 = tpu.memref_slice %arg5[%dma_start3A_1248, %dma_start3A_1249, %dma_start3A_1261, %dma_start3A_1262] : memref<2x2x25x80xi32, #tpu.memory_space<vmem>> -> memref<1x1x25x80xi32, #tpu.memory_space<vmem>>
    %dma_start3A_1264 = tpu.memref_squeeze %dma_start3A_1263 : memref<1x1x25x80xi32, #tpu.memory_space<vmem>> -> memref<25x80xi32, #tpu.memory_space<vmem>>
    %dma_start3A_1265 = arith.constant 0 : i32
    %dma_start3A_1266 = arith.constant 0 : i32
    %dma_start3A_1267 = tpu.memref_slice %arg2[%dma_start3A_1246, %add3A, %dma_start3A_1247, %dma_start3A_1265, %dma_start3A_1266] : memref<2x32x5x25x80xi32, #tpu.memory_space<hbm>> -> memref<1x1x1x25x80xi32, #tpu.memory_space<hbm>>
    %dma_start3A_1268 = tpu.memref_squeeze %dma_start3A_1267 : memref<1x1x1x25x80xi32, #tpu.memory_space<hbm>> -> memref<25x80xi32, #tpu.memory_space<hbm>>
    tpu.enqueue_dma source(%dma_start3A_1268 : memref<25x80xi32, #tpu.memory_space<hbm>>) target(%dma_start3A_1264 : memref<25x80xi32, #tpu.memory_space<vmem>>) target_semaphore(%dma_start3A_1260 : memref<!tpu.dma_semaphore, #tpu.memory_space<semaphore_mem>>)
    %dma_start3A_1269 = arith.constant 1 : i32
    %dma_start3A_1270 = arith.constant 4 : i32
    %dma_start3A_1271 = arith.constant 0 : i32
    %dma_start3A_1272 = arith.constant 1 : i32
    %dma_start3A_1273 = arith.constant 0 : i32
    %dma_start3A_1274 = arith.constant 0 : i32
    %dma_start3A_1275 = arith.constant 0 : i32
    %dma_start3A_1276 = tpu.memref_slice %arg5[%dma_start3A_1271, %dma_start3A_1272, %dma_start3A_1274, %dma_start3A_1275] : memref<2x2x25x80xi32, #tpu.memory_space<vmem>> -> memref<1x1x25x80xi32, #tpu.memory_space<vmem>>
    %dma_start3A_1277 = tpu.memref_squeeze %dma_start3A_1276 : memref<1x1x25x80xi32, #tpu.memory_space<vmem>> -> memref<25x80xi32, #tpu.memory_space<vmem>>
    %dma_start3A_1278 = arith.constant 0 : i32
    %dma_start3A_1279 = arith.constant 0 : i32
    %dma_start3A_1280 = tpu.memref_slice %arg2[%dma_start3A_1269, %add3A, %dma_start3A_1270, %dma_start3A_1278, %dma_start3A_1279] : memref<2x32x5x25x80xi32, #tpu.memory_space<hbm>> -> memref<1x1x1x25x80xi32, #tpu.memory_space<hbm>>
    %dma_start3A_1281 = tpu.memref_squeeze %dma_start3A_1280 : memref<1x1x1x25x80xi32, #tpu.memory_space<hbm>> -> memref<25x80xi32, #tpu.memory_space<hbm>>
    %dma_start3A_1282 = tpu.memref_slice %arg10[%dma_start3A_1273] : memref<2x!tpu.dma_semaphore, #tpu.memory_space<semaphore_mem>> -> memref<1x!tpu.dma_semaphore, #tpu.memory_space<semaphore_mem>>
    %dma_start3A_1283 = tpu.memref_squeeze %dma_start3A_1282 : memref<1x!tpu.dma_semaphore, #tpu.memory_space<semaphore_mem>> -> memref<!tpu.dma_semaphore, #tpu.memory_space<semaphore_mem>>
    %dma_start3A_1284 = arith.constant 0 : i32
    %dma_start3A_1285 = arith.constant 0 : i32
    %dma_start3A_1286 = tpu.memref_slice %arg5[%dma_start3A_1271, %dma_start3A_1272, %dma_start3A_1284, %dma_start3A_1285] : memref<2x2x25x80xi32, #tpu.memory_space<vmem>> -> memref<1x1x25x80xi32, #tpu.memory_space<vmem>>
    %dma_start3A_1287 = tpu.memref_squeeze %dma_start3A_1286 : memref<1x1x25x80xi32, #tpu.memory_space<vmem>> -> memref<25x80xi32, #tpu.memory_space<vmem>>
    %dma_start3A_1288 = arith.constant 0 : i32
    %dma_start3A_1289 = arith.constant 0 : i32
    %dma_start3A_1290 = tpu.memref_slice %arg2[%dma_start3A_1269, %add3A, %dma_start3A_1270, %dma_start3A_1288, %dma_start3A_1289] : memref<2x32x5x25x80xi32, #tpu.memory_space<hbm>> -> memref<1x1x1x25x80xi32, #tpu.memory_space<hbm>>
    %dma_start3A_1291 = tpu.memref_squeeze %dma_start3A_1290 : memref<1x1x1x25x80xi32, #tpu.memory_space<hbm>> -> memref<25x80xi32, #tpu.memory_space<hbm>>
    tpu.enqueue_dma source(%dma_start3A_1291 : memref<25x80xi32, #tpu.memory_space<hbm>>) target(%dma_start3A_1287 : memref<25x80xi32, #tpu.memory_space<vmem>>) target_semaphore(%dma_start3A_1283 : memref<!tpu.dma_semaphore, #tpu.memory_space<semaphore_mem>>)
    %dma_start3A_1292 = arith.constant 1 : i32
    %dma_start3A_1293 = arith.constant 0 : i32
    %dma_start3A_1294 = arith.constant 0 : i32
    %dma_start3A_1295 = arith.constant 0 : i32
    %dma_start3A_1296 = arith.constant 0 : i32
    %dma_start3A_1297 = arith.constant 0 : i32
    %dma_start3A_1298 = arith.constant 0 : i32
    %dma_start3A_1299 = tpu.memref_slice %arg6[%dma_start3A_1295, %dma_start3A_1297, %dma_start3A_1298] : memref<3x80x128xf32, #tpu.memory_space<vmem>> -> memref<1x80x128xf32, #tpu.memory_space<vmem>>
    %dma_start3A_1300 = tpu.memref_squeeze %dma_start3A_1299 : memref<1x80x128xf32, #tpu.memory_space<vmem>> -> memref<80x128xf32, #tpu.memory_space<vmem>>
    %dma_start3A_1301 = arith.constant 0 : i32
    %dma_start3A_1302 = tpu.memref_slice %arg5[%dma_start3A_1292, %dma_start3A_1293, %dma_start3A_1294, %dma_start3A_1301] : memref<2x2x25x80xi32, #tpu.memory_space<vmem>> -> memref<1x1x1x80xi32, #tpu.memory_space<vmem>>
    %dma_start3A_1303 = tpu.memref_squeeze %dma_start3A_1302 : memref<1x1x1x80xi32, #tpu.memory_space<vmem>> -> memref<80xi32, #tpu.memory_space<vmem>>
    %dma_start3A_1304 = arith.constant 0 : i32
    %dma_start3A_1305 = arith.constant 0 : i32
    %dma_start3A_1306 = tpu.memref_slice %arg3[%dma_start3A_1304, %dma_start3A_1305] : memref<10000x128xf32, #tpu.memory_space<hbm>> -> memref<10000x128xf32, #tpu.memory_space<hbm>>
    %dma_start3A_1307 = tpu.memref_slice %arg8[%dma_start3A_1296] : memref<3x!tpu.dma_semaphore, #tpu.memory_space<semaphore_mem>> -> memref<1x!tpu.dma_semaphore, #tpu.memory_space<semaphore_mem>>
    %dma_start3A_1308 = tpu.memref_squeeze %dma_start3A_1307 : memref<1x!tpu.dma_semaphore, #tpu.memory_space<semaphore_mem>> -> memref<!tpu.dma_semaphore, #tpu.memory_space<semaphore_mem>>
    tpu.enqueue_indirect_dma source(%dma_start3A_1306 : memref<10000x128xf32, #tpu.memory_space<hbm>>) target(%dma_start3A_1300 : memref<80x128xf32, #tpu.memory_space<vmem>>) offsets(%dma_start3A_1303 : memref<80xi32, #tpu.memory_space<vmem>>) semaphore(%dma_start3A_1308 : memref<!tpu.dma_semaphore, #tpu.memory_space<semaphore_mem>>)
    %dma_start3A_1309 = arith.constant 1 : i32
    %dma_start3A_1310 = arith.constant 0 : i32
    %dma_start3A_1311 = arith.constant 1 : i32
    %dma_start3A_1312 = arith.constant 1 : i32
    %dma_start3A_1313 = arith.constant 1 : i32
    %dma_start3A_1314 = arith.constant 0 : i32
    %dma_start3A_1315 = arith.constant 0 : i32
    %dma_start3A_1316 = tpu.memref_slice %arg6[%dma_start3A_1312, %dma_start3A_1314, %dma_start3A_1315] : memref<3x80x128xf32, #tpu.memory_space<vmem>> -> memref<1x80x128xf32, #tpu.memory_space<vmem>>
    %dma_start3A_1317 = tpu.memref_squeeze %dma_start3A_1316 : memref<1x80x128xf32, #tpu.memory_space<vmem>> -> memref<80x128xf32, #tpu.memory_space<vmem>>
    %dma_start3A_1318 = arith.constant 0 : i32
    %dma_start3A_1319 = tpu.memref_slice %arg5[%dma_start3A_1309, %dma_start3A_1310, %dma_start3A_1311, %dma_start3A_1318] : memref<2x2x25x80xi32, #tpu.memory_space<vmem>> -> memref<1x1x1x80xi32, #tpu.memory_space<vmem>>
    %dma_start3A_1320 = tpu.memref_squeeze %dma_start3A_1319 : memref<1x1x1x80xi32, #tpu.memory_space<vmem>> -> memref<80xi32, #tpu.memory_space<vmem>>
    %dma_start3A_1321 = arith.constant 0 : i32
    %dma_start3A_1322 = arith.constant 0 : i32
    %dma_start3A_1323 = tpu.memref_slice %arg3[%dma_start3A_1321, %dma_start3A_1322] : memref<10000x128xf32, #tpu.memory_space<hbm>> -> memref<10000x128xf32, #tpu.memory_space<hbm>>
    %dma_start3A_1324 = tpu.memref_slice %arg8[%dma_start3A_1313] : memref<3x!tpu.dma_semaphore, #tpu.memory_space<semaphore_mem>> -> memref<1x!tpu.dma_semaphore, #tpu.memory_space<semaphore_mem>>
    %dma_start3A_1325 = tpu.memref_squeeze %dma_start3A_1324 : memref<1x!tpu.dma_semaphore, #tpu.memory_space<semaphore_mem>> -> memref<!tpu.dma_semaphore, #tpu.memory_space<semaphore_mem>>
    tpu.enqueue_indirect_dma source(%dma_start3A_1323 : memref<10000x128xf32, #tpu.memory_space<hbm>>) target(%dma_start3A_1317 : memref<80x128xf32, #tpu.memory_space<vmem>>) offsets(%dma_start3A_1320 : memref<80xi32, #tpu.memory_space<vmem>>) semaphore(%dma_start3A_1325 : memref<!tpu.dma_semaphore, #tpu.memory_space<semaphore_mem>>)
    %dma_start3A_1326 = arith.constant 1 : i32
    %dma_start3A_1327 = arith.constant 0 : i32
    %dma_start3A_1328 = arith.constant 2 : i32
    %dma_start3A_1329 = arith.constant 2 : i32
    %dma_start3A_1330 = arith.constant 2 : i32
    %dma_start3A_1331 = arith.constant 0 : i32
    %dma_start3A_1332 = arith.constant 0 : i32
    %dma_start3A_1333 = tpu.memref_slice %arg6[%dma_start3A_1329, %dma_start3A_1331, %dma_start3A_1332] : memref<3x80x128xf32, #tpu.memory_space<vmem>> -> memref<1x80x128xf32, #tpu.memory_space<vmem>>
    %dma_start3A_1334 = tpu.memref_squeeze %dma_start3A_1333 : memref<1x80x128xf32, #tpu.memory_space<vmem>> -> memref<80x128xf32, #tpu.memory_space<vmem>>
    %dma_start3A_1335 = arith.constant 0 : i32
    %dma_start3A_1336 = tpu.memref_slice %arg5[%dma_start3A_1326, %dma_start3A_1327, %dma_start3A_1328, %dma_start3A_1335] : memref<2x2x25x80xi32, #tpu.memory_space<vmem>> -> memref<1x1x1x80xi32, #tpu.memory_space<vmem>>
    %dma_start3A_1337 = tpu.memref_squeeze %dma_start3A_1336 : memref<1x1x1x80xi32, #tpu.memory_space<vmem>> -> memref<80xi32, #tpu.memory_space<vmem>>
    %dma_start3A_1338 = arith.constant 0 : i32
    %dma_start3A_1339 = arith.constant 0 : i32
    %dma_start3A_1340 = tpu.memref_slice %arg3[%dma_start3A_1338, %dma_start3A_1339] : memref<10000x128xf32, #tpu.memory_space<hbm>> -> memref<10000x128xf32, #tpu.memory_space<hbm>>
    %dma_start3A_1341 = tpu.memref_slice %arg8[%dma_start3A_1330] : memref<3x!tpu.dma_semaphore, #tpu.memory_space<semaphore_mem>> -> memref<1x!tpu.dma_semaphore, #tpu.memory_space<semaphore_mem>>
    %dma_start3A_1342 = tpu.memref_squeeze %dma_start3A_1341 : memref<1x!tpu.dma_semaphore, #tpu.memory_space<semaphore_mem>> -> memref<!tpu.dma_semaphore, #tpu.memory_space<semaphore_mem>>
    tpu.enqueue_indirect_dma source(%dma_start3A_1340 : memref<10000x128xf32, #tpu.memory_space<hbm>>) target(%dma_start3A_1334 : memref<80x128xf32, #tpu.memory_space<vmem>>) offsets(%dma_start3A_1337 : memref<80xi32, #tpu.memory_space<vmem>>) semaphore(%dma_start3A_1342 : memref<!tpu.dma_semaphore, #tpu.memory_space<semaphore_mem>>)
    %scan3A_1343 = arith.constant 0 : i32
    %scan3A_1344 = arith.constant 0 : i32
    %scan3A_1345 = arith.constant 7 : i32
    %scan3A_1346 = arith.addi %scan3A_1344, %scan3A_1345 : i32
    %scan3A_1347 = arith.constant 1 : i32
    scf.for %scan3A_1899 = %scan3A_1344 to %scan3A_1346 step %scan3A_1347  : i32 {
      %mul3A_1900 = arith.constant 3 : i32
      %mul3A_1901 = arith.muli %scan3A_1899, %mul3A_1900 : i32
      %dma_wait3A_1902 = arith.constant 0 : i32
      %dma_wait3A_1903 = arith.constant 0 : i32
      %dma_wait3A_1904 = arith.constant 0 : i32
      %dma_wait3A_1905 = arith.constant 0 : i32
      %dma_wait3A_1906 = arith.constant 0 : i32
      %dma_wait3A_1907 = arith.constant 0 : i32
      %dma_wait3A_1908 = arith.constant 0 : i32
      %dma_wait3A_1909 = tpu.memref_slice %arg6[%dma_wait3A_1905, %dma_wait3A_1907, %dma_wait3A_1908] : memref<3x80x128xf32, #tpu.memory_space<vmem>> -> memref<1x80x128xf32, #tpu.memory_space<vmem>>
      %dma_wait3A_1910 = tpu.memref_squeeze %dma_wait3A_1909 : memref<1x80x128xf32, #tpu.memory_space<vmem>> -> memref<80x128xf32, #tpu.memory_space<vmem>>
      %dma_wait3A_1911 = arith.constant 0 : i32
      %dma_wait3A_1912 = tpu.memref_slice %arg5[%dma_wait3A_1902, %dma_wait3A_1903, %dma_wait3A_1904, %dma_wait3A_1911] : memref<2x2x25x80xi32, #tpu.memory_space<vmem>> -> memref<1x1x1x80xi32, #tpu.memory_space<vmem>>
      %dma_wait3A_1913 = tpu.memref_squeeze %dma_wait3A_1912 : memref<1x1x1x80xi32, #tpu.memory_space<vmem>> -> memref<80xi32, #tpu.memory_space<vmem>>
      %dma_wait3A_1914 = arith.constant 0 : i32
      %dma_wait3A_1915 = arith.constant 0 : i32
      %dma_wait3A_1916 = tpu.memref_slice %arg3[%dma_wait3A_1914, %dma_wait3A_1915] : memref<10000x128xf32, #tpu.memory_space<hbm>> -> memref<10000x128xf32, #tpu.memory_space<hbm>>
      %dma_wait3A_1917 = tpu.memref_slice %arg8[%dma_wait3A_1906] : memref<3x!tpu.dma_semaphore, #tpu.memory_space<semaphore_mem>> -> memref<1x!tpu.dma_semaphore, #tpu.memory_space<semaphore_mem>>
      %dma_wait3A_1918 = tpu.memref_squeeze %dma_wait3A_1917 : memref<1x!tpu.dma_semaphore, #tpu.memory_space<semaphore_mem>> -> memref<!tpu.dma_semaphore, #tpu.memory_space<semaphore_mem>>
      tpu.wait_indirect_dma semaphore(%dma_wait3A_1918 : memref<!tpu.dma_semaphore, #tpu.memory_space<semaphore_mem>>) src(%dma_wait3A_1916 : memref<10000x128xf32, #tpu.memory_space<hbm>>) dst(%dma_wait3A_1910 : memref<80x128xf32, #tpu.memory_space<vmem>>)
      %add3A_1919 = arith.constant 0 : i32
      %add3A_1920 = arith.addi %mul3A_1901, %add3A_1919 : i32
      %dma_start3A_1921 = arith.constant 0 : i32
      %dma_start3A_1922 = arith.constant 1 : i32
      %dma_start3A_1923 = arith.constant 1 : i32
      %dma_start3A_1924 = arith.constant 0 : i32
      %dma_start3A_1925 = arith.constant 0 : i32
      %dma_start3A_1926 = arith.constant 0 : i32
      %dma_start3A_1927 = tpu.memref_slice %arg6[%dma_start3A_1921, %dma_start3A_1925, %dma_start3A_1926] : memref<3x80x128xf32, #tpu.memory_space<vmem>> -> memref<1x80x128xf32, #tpu.memory_space<vmem>>
      %dma_start3A_1928 = tpu.memref_squeeze %dma_start3A_1927 : memref<1x80x128xf32, #tpu.memory_space<vmem>> -> memref<80x128xf32, #tpu.memory_space<vmem>>
      %dma_start3A_1929 = arith.constant 0 : i32
      %dma_start3A_1930 = tpu.memref_slice %arg5[%dma_start3A_1922, %dma_start3A_1923, %add3A_1920, %dma_start3A_1929] : memref<2x2x25x80xi32, #tpu.memory_space<vmem>> -> memref<1x1x1x80xi32, #tpu.memory_space<vmem>>
      %dma_start3A_1931 = tpu.memref_squeeze %dma_start3A_1930 : memref<1x1x1x80xi32, #tpu.memory_space<vmem>> -> memref<80xi32, #tpu.memory_space<vmem>>
      %dma_start3A_1932 = arith.constant 0 : i32
      %dma_start3A_1933 = arith.constant 0 : i32
      %dma_start3A_1934 = tpu.memref_slice %arg7[%dma_start3A_1932, %dma_start3A_1933] : memref<10112x128xf32, #tpu.memory_space<vmem_shared>> -> memref<10112x128xf32, #tpu.memory_space<vmem_shared>>
      %dma_start3A_1935 = tpu.memref_slice %arg9[%dma_start3A_1924] : memref<3x!tpu.dma_semaphore, #tpu.memory_space<semaphore_mem>> -> memref<1x!tpu.dma_semaphore, #tpu.memory_space<semaphore_mem>>
      %dma_start3A_1936 = tpu.memref_squeeze %dma_start3A_1935 : memref<1x!tpu.dma_semaphore, #tpu.memory_space<semaphore_mem>> -> memref<!tpu.dma_semaphore, #tpu.memory_space<semaphore_mem>>
      tpu.enqueue_indirect_dma source(%dma_start3A_1928 : memref<80x128xf32, #tpu.memory_space<vmem>>) target(%dma_start3A_1934 : memref<10112x128xf32, #tpu.memory_space<vmem_shared>>) offsets(%dma_start3A_1931 : memref<80xi32, #tpu.memory_space<vmem>>) semaphore(%dma_start3A_1936 : memref<!tpu.dma_semaphore, #tpu.memory_space<semaphore_mem>>) {add = true}
      %dma_wait3A_1937 = arith.constant 0 : i32
      %dma_wait3A_1938 = arith.constant 0 : i32
      %dma_wait3A_1939 = arith.constant 0 : i32
      %dma_wait3A_1940 = arith.constant 1 : i32
      %dma_wait3A_1941 = arith.constant 1 : i32
      %dma_wait3A_1942 = arith.constant 0 : i32
      %dma_wait3A_1943 = arith.constant 0 : i32
      %dma_wait3A_1944 = tpu.memref_slice %arg6[%dma_wait3A_1940, %dma_wait3A_1942, %dma_wait3A_1943] : memref<3x80x128xf32, #tpu.memory_space<vmem>> -> memref<1x80x128xf32, #tpu.memory_space<vmem>>
      %dma_wait3A_1945 = tpu.memref_squeeze %dma_wait3A_1944 : memref<1x80x128xf32, #tpu.memory_space<vmem>> -> memref<80x128xf32, #tpu.memory_space<vmem>>
      %dma_wait3A_1946 = arith.constant 0 : i32
      %dma_wait3A_1947 = tpu.memref_slice %arg5[%dma_wait3A_1937, %dma_wait3A_1938, %dma_wait3A_1939, %dma_wait3A_1946] : memref<2x2x25x80xi32, #tpu.memory_space<vmem>> -> memref<1x1x1x80xi32, #tpu.memory_space<vmem>>
      %dma_wait3A_1948 = tpu.memref_squeeze %dma_wait3A_1947 : memref<1x1x1x80xi32, #tpu.memory_space<vmem>> -> memref<80xi32, #tpu.memory_space<vmem>>
      %dma_wait3A_1949 = arith.constant 0 : i32
      %dma_wait3A_1950 = arith.constant 0 : i32
      %dma_wait3A_1951 = tpu.memref_slice %arg3[%dma_wait3A_1949, %dma_wait3A_1950] : memref<10000x128xf32, #tpu.memory_space<hbm>> -> memref<10000x128xf32, #tpu.memory_space<hbm>>
      %dma_wait3A_1952 = tpu.memref_slice %arg8[%dma_wait3A_1941] : memref<3x!tpu.dma_semaphore, #tpu.memory_space<semaphore_mem>> -> memref<1x!tpu.dma_semaphore, #tpu.memory_space<semaphore_mem>>
      %dma_wait3A_1953 = tpu.memref_squeeze %dma_wait3A_1952 : memref<1x!tpu.dma_semaphore, #tpu.memory_space<semaphore_mem>> -> memref<!tpu.dma_semaphore, #tpu.memory_space<semaphore_mem>>
      tpu.wait_indirect_dma semaphore(%dma_wait3A_1953 : memref<!tpu.dma_semaphore, #tpu.memory_space<semaphore_mem>>) src(%dma_wait3A_1951 : memref<10000x128xf32, #tpu.memory_space<hbm>>) dst(%dma_wait3A_1945 : memref<80x128xf32, #tpu.memory_space<vmem>>)
      %add3A_1954 = arith.constant 1 : i32
      %add3A_1955 = arith.addi %mul3A_1901, %add3A_1954 : i32
      %dma_start3A_1956 = arith.constant 1 : i32
      %dma_start3A_1957 = arith.constant 1 : i32
      %dma_start3A_1958 = arith.constant 1 : i32
      %dma_start3A_1959 = arith.constant 1 : i32
      %dma_start3A_1960 = arith.constant 0 : i32
      %dma_start3A_1961 = arith.constant 0 : i32
      %dma_start3A_1962 = tpu.memref_slice %arg6[%dma_start3A_1956, %dma_start3A_1960, %dma_start3A_1961] : memref<3x80x128xf32, #tpu.memory_space<vmem>> -> memref<1x80x128xf32, #tpu.memory_space<vmem>>
      %dma_start3A_1963 = tpu.memref_squeeze %dma_start3A_1962 : memref<1x80x128xf32, #tpu.memory_space<vmem>> -> memref<80x128xf32, #tpu.memory_space<vmem>>
      %dma_start3A_1964 = arith.constant 0 : i32
      %dma_start3A_1965 = tpu.memref_slice %arg5[%dma_start3A_1957, %dma_start3A_1958, %add3A_1955, %dma_start3A_1964] : memref<2x2x25x80xi32, #tpu.memory_space<vmem>> -> memref<1x1x1x80xi32, #tpu.memory_space<vmem>>
      %dma_start3A_1966 = tpu.memref_squeeze %dma_start3A_1965 : memref<1x1x1x80xi32, #tpu.memory_space<vmem>> -> memref<80xi32, #tpu.memory_space<vmem>>
      %dma_start3A_1967 = arith.constant 0 : i32
      %dma_start3A_1968 = arith.constant 0 : i32
      %dma_start3A_1969 = tpu.memref_slice %arg7[%dma_start3A_1967, %dma_start3A_1968] : memref<10112x128xf32, #tpu.memory_space<vmem_shared>> -> memref<10112x128xf32, #tpu.memory_space<vmem_shared>>
      %dma_start3A_1970 = tpu.memref_slice %arg9[%dma_start3A_1959] : memref<3x!tpu.dma_semaphore, #tpu.memory_space<semaphore_mem>> -> memref<1x!tpu.dma_semaphore, #tpu.memory_space<semaphore_mem>>
      %dma_start3A_1971 = tpu.memref_squeeze %dma_start3A_1970 : memref<1x!tpu.dma_semaphore, #tpu.memory_space<semaphore_mem>> -> memref<!tpu.dma_semaphore, #tpu.memory_space<semaphore_mem>>
      tpu.enqueue_indirect_dma source(%dma_start3A_1963 : memref<80x128xf32, #tpu.memory_space<vmem>>) target(%dma_start3A_1969 : memref<10112x128xf32, #tpu.memory_space<vmem_shared>>) offsets(%dma_start3A_1966 : memref<80xi32, #tpu.memory_space<vmem>>) semaphore(%dma_start3A_1971 : memref<!tpu.dma_semaphore, #tpu.memory_space<semaphore_mem>>) {add = true}
      %dma_wait3A_1972 = arith.constant 0 : i32
      %dma_wait3A_1973 = arith.constant 0 : i32
      %dma_wait3A_1974 = arith.constant 0 : i32
      %dma_wait3A_1975 = arith.constant 2 : i32
      %dma_wait3A_1976 = arith.constant 2 : i32
      %dma_wait3A_1977 = arith.constant 0 : i32
      %dma_wait3A_1978 = arith.constant 0 : i32
      %dma_wait3A_1979 = tpu.memref_slice %arg6[%dma_wait3A_1975, %dma_wait3A_1977, %dma_wait3A_1978] : memref<3x80x128xf32, #tpu.memory_space<vmem>> -> memref<1x80x128xf32, #tpu.memory_space<vmem>>
      %dma_wait3A_1980 = tpu.memref_squeeze %dma_wait3A_1979 : memref<1x80x128xf32, #tpu.memory_space<vmem>> -> memref<80x128xf32, #tpu.memory_space<vmem>>
      %dma_wait3A_1981 = arith.constant 0 : i32
      %dma_wait3A_1982 = tpu.memref_slice %arg5[%dma_wait3A_1972, %dma_wait3A_1973, %dma_wait3A_1974, %dma_wait3A_1981] : memref<2x2x25x80xi32, #tpu.memory_space<vmem>> -> memref<1x1x1x80xi32, #tpu.memory_space<vmem>>
      %dma_wait3A_1983 = tpu.memref_squeeze %dma_wait3A_1982 : memref<1x1x1x80xi32, #tpu.memory_space<vmem>> -> memref<80xi32, #tpu.memory_space<vmem>>
      %dma_wait3A_1984 = arith.constant 0 : i32
      %dma_wait3A_1985 = arith.constant 0 : i32
      %dma_wait3A_1986 = tpu.memref_slice %arg3[%dma_wait3A_1984, %dma_wait3A_1985] : memref<10000x128xf32, #tpu.memory_space<hbm>> -> memref<10000x128xf32, #tpu.memory_space<hbm>>
      %dma_wait3A_1987 = tpu.memref_slice %arg8[%dma_wait3A_1976] : memref<3x!tpu.dma_semaphore, #tpu.memory_space<semaphore_mem>> -> memref<1x!tpu.dma_semaphore, #tpu.memory_space<semaphore_mem>>
      %dma_wait3A_1988 = tpu.memref_squeeze %dma_wait3A_1987 : memref<1x!tpu.dma_semaphore, #tpu.memory_space<semaphore_mem>> -> memref<!tpu.dma_semaphore, #tpu.memory_space<semaphore_mem>>
      tpu.wait_indirect_dma semaphore(%dma_wait3A_1988 : memref<!tpu.dma_semaphore, #tpu.memory_space<semaphore_mem>>) src(%dma_wait3A_1986 : memref<10000x128xf32, #tpu.memory_space<hbm>>) dst(%dma_wait3A_1980 : memref<80x128xf32, #tpu.memory_space<vmem>>)
      %add3A_1989 = arith.constant 2 : i32
      %add3A_1990 = arith.addi %mul3A_1901, %add3A_1989 : i32
      %dma_start3A_1991 = arith.constant 2 : i32
      %dma_start3A_1992 = arith.constant 1 : i32
      %dma_start3A_1993 = arith.constant 1 : i32
      %dma_start3A_1994 = arith.constant 2 : i32
      %dma_start3A_1995 = arith.constant 0 : i32
      %dma_start3A_1996 = arith.constant 0 : i32
      %dma_start3A_1997 = tpu.memref_slice %arg6[%dma_start3A_1991, %dma_start3A_1995, %dma_start3A_1996] : memref<3x80x128xf32, #tpu.memory_space<vmem>> -> memref<1x80x128xf32, #tpu.memory_space<vmem>>
      %dma_start3A_1998 = tpu.memref_squeeze %dma_start3A_1997 : memref<1x80x128xf32, #tpu.memory_space<vmem>> -> memref<80x128xf32, #tpu.memory_space<vmem>>
      %dma_start3A_1999 = arith.constant 0 : i32
      %dma_start3A_2000 = tpu.memref_slice %arg5[%dma_start3A_1992, %dma_start3A_1993, %add3A_1990, %dma_start3A_1999] : memref<2x2x25x80xi32, #tpu.memory_space<vmem>> -> memref<1x1x1x80xi32, #tpu.memory_space<vmem>>
      %dma_start3A_2001 = tpu.memref_squeeze %dma_start3A_2000 : memref<1x1x1x80xi32, #tpu.memory_space<vmem>> -> memref<80xi32, #tpu.memory_space<vmem>>
      %dma_start3A_2002 = arith.constant 0 : i32
      %dma_start3A_2003 = arith.constant 0 : i32
      %dma_start3A_2004 = tpu.memref_slice %arg7[%dma_start3A_2002, %dma_start3A_2003] : memref<10112x128xf32, #tpu.memory_space<vmem_shared>> -> memref<10112x128xf32, #tpu.memory_space<vmem_shared>>
      %dma_start3A_2005 = tpu.memref_slice %arg9[%dma_start3A_1994] : memref<3x!tpu.dma_semaphore, #tpu.memory_space<semaphore_mem>> -> memref<1x!tpu.dma_semaphore, #tpu.memory_space<semaphore_mem>>
      %dma_start3A_2006 = tpu.memref_squeeze %dma_start3A_2005 : memref<1x!tpu.dma_semaphore, #tpu.memory_space<semaphore_mem>> -> memref<!tpu.dma_semaphore, #tpu.memory_space<semaphore_mem>>
      tpu.enqueue_indirect_dma source(%dma_start3A_1998 : memref<80x128xf32, #tpu.memory_space<vmem>>) target(%dma_start3A_2004 : memref<10112x128xf32, #tpu.memory_space<vmem_shared>>) offsets(%dma_start3A_2001 : memref<80xi32, #tpu.memory_space<vmem>>) semaphore(%dma_start3A_2006 : memref<!tpu.dma_semaphore, #tpu.memory_space<semaphore_mem>>) {add = true}
      %dma_wait3A_2007 = arith.constant 0 : i32
      %dma_wait3A_2008 = arith.constant 0 : i32
      %dma_wait3A_2009 = arith.constant 1 : i32
      %dma_wait3A_2010 = arith.constant 0 : i32
      %dma_wait3A_2011 = arith.constant 0 : i32
      %dma_wait3A_2012 = arith.constant 0 : i32
      %dma_wait3A_2013 = arith.constant 0 : i32
      %dma_wait3A_2014 = tpu.memref_slice %arg6[%dma_wait3A_2007, %dma_wait3A_2012, %dma_wait3A_2013] : memref<3x80x128xf32, #tpu.memory_space<vmem>> -> memref<1x80x128xf32, #tpu.memory_space<vmem>>
      %dma_wait3A_2015 = tpu.memref_squeeze %dma_wait3A_2014 : memref<1x80x128xf32, #tpu.memory_space<vmem>> -> memref<80x128xf32, #tpu.memory_space<vmem>>
      %dma_wait3A_2016 = arith.constant 0 : i32
      %dma_wait3A_2017 = tpu.memref_slice %arg5[%dma_wait3A_2008, %dma_wait3A_2009, %dma_wait3A_2010, %dma_wait3A_2016] : memref<2x2x25x80xi32, #tpu.memory_space<vmem>> -> memref<1x1x1x80xi32, #tpu.memory_space<vmem>>
      %dma_wait3A_2018 = tpu.memref_squeeze %dma_wait3A_2017 : memref<1x1x1x80xi32, #tpu.memory_space<vmem>> -> memref<80xi32, #tpu.memory_space<vmem>>
      %dma_wait3A_2019 = arith.constant 0 : i32
      %dma_wait3A_2020 = arith.constant 0 : i32
      %dma_wait3A_2021 = tpu.memref_slice %arg7[%dma_wait3A_2019, %dma_wait3A_2020] : memref<10112x128xf32, #tpu.memory_space<vmem_shared>> -> memref<10112x128xf32, #tpu.memory_space<vmem_shared>>
      %dma_wait3A_2022 = tpu.memref_slice %arg9[%dma_wait3A_2011] : memref<3x!tpu.dma_semaphore, #tpu.memory_space<semaphore_mem>> -> memref<1x!tpu.dma_semaphore, #tpu.memory_space<semaphore_mem>>
      %dma_wait3A_2023 = tpu.memref_squeeze %dma_wait3A_2022 : memref<1x!tpu.dma_semaphore, #tpu.memory_space<semaphore_mem>> -> memref<!tpu.dma_semaphore, #tpu.memory_space<semaphore_mem>>
      tpu.wait_indirect_dma semaphore(%dma_wait3A_2023 : memref<!tpu.dma_semaphore, #tpu.memory_space<semaphore_mem>>) src(%dma_wait3A_2015 : memref<80x128xf32, #tpu.memory_space<vmem>>) dst(%dma_wait3A_2021 : memref<10112x128xf32, #tpu.memory_space<vmem_shared>>)
      %add3A_2024 = arith.constant 3 : i32
      %add3A_2025 = arith.addi %mul3A_1901, %add3A_2024 : i32
      %add3A_2026 = arith.constant 0 : i32
      %add3A_2027 = arith.addi %add3A_2025, %add3A_2026 : i32
      %dma_start3A_2028 = arith.constant 1 : i32
      %dma_start3A_2029 = arith.constant 0 : i32
      %dma_start3A_2030 = arith.constant 0 : i32
      %dma_start3A_2031 = arith.constant 0 : i32
      %dma_start3A_2032 = arith.constant 0 : i32
      %dma_start3A_2033 = arith.constant 0 : i32
      %dma_start3A_2034 = tpu.memref_slice %arg6[%dma_start3A_2030, %dma_start3A_2032, %dma_start3A_2033] : memref<3x80x128xf32, #tpu.memory_space<vmem>> -> memref<1x80x128xf32, #tpu.memory_space<vmem>>
      %dma_start3A_2035 = tpu.memref_squeeze %dma_start3A_2034 : memref<1x80x128xf32, #tpu.memory_space<vmem>> -> memref<80x128xf32, #tpu.memory_space<vmem>>
      %dma_start3A_2036 = arith.constant 0 : i32
      %dma_start3A_2037 = tpu.memref_slice %arg5[%dma_start3A_2028, %dma_start3A_2029, %add3A_2027, %dma_start3A_2036] : memref<2x2x25x80xi32, #tpu.memory_space<vmem>> -> memref<1x1x1x80xi32, #tpu.memory_space<vmem>>
      %dma_start3A_2038 = tpu.memref_squeeze %dma_start3A_2037 : memref<1x1x1x80xi32, #tpu.memory_space<vmem>> -> memref<80xi32, #tpu.memory_space<vmem>>
      %dma_start3A_2039 = arith.constant 0 : i32
      %dma_start3A_2040 = arith.constant 0 : i32
      %dma_start3A_2041 = tpu.memref_slice %arg3[%dma_start3A_2039, %dma_start3A_2040] : memref<10000x128xf32, #tpu.memory_space<hbm>> -> memref<10000x128xf32, #tpu.memory_space<hbm>>
      %dma_start3A_2042 = tpu.memref_slice %arg8[%dma_start3A_2031] : memref<3x!tpu.dma_semaphore, #tpu.memory_space<semaphore_mem>> -> memref<1x!tpu.dma_semaphore, #tpu.memory_space<semaphore_mem>>
      %dma_start3A_2043 = tpu.memref_squeeze %dma_start3A_2042 : memref<1x!tpu.dma_semaphore, #tpu.memory_space<semaphore_mem>> -> memref<!tpu.dma_semaphore, #tpu.memory_space<semaphore_mem>>
      tpu.enqueue_indirect_dma source(%dma_start3A_2041 : memref<10000x128xf32, #tpu.memory_space<hbm>>) target(%dma_start3A_2035 : memref<80x128xf32, #tpu.memory_space<vmem>>) offsets(%dma_start3A_2038 : memref<80xi32, #tpu.memory_space<vmem>>) semaphore(%dma_start3A_2043 : memref<!tpu.dma_semaphore, #tpu.memory_space<semaphore_mem>>)
      %dma_wait3A_2044 = arith.constant 1 : i32
      %dma_wait3A_2045 = arith.constant 0 : i32
      %dma_wait3A_2046 = arith.constant 1 : i32
      %dma_wait3A_2047 = arith.constant 0 : i32
      %dma_wait3A_2048 = arith.constant 1 : i32
      %dma_wait3A_2049 = arith.constant 0 : i32
      %dma_wait3A_2050 = arith.constant 0 : i32
      %dma_wait3A_2051 = tpu.memref_slice %arg6[%dma_wait3A_2044, %dma_wait3A_2049, %dma_wait3A_2050] : memref<3x80x128xf32, #tpu.memory_space<vmem>> -> memref<1x80x128xf32, #tpu.memory_space<vmem>>
      %dma_wait3A_2052 = tpu.memref_squeeze %dma_wait3A_2051 : memref<1x80x128xf32, #tpu.memory_space<vmem>> -> memref<80x128xf32, #tpu.memory_space<vmem>>
      %dma_wait3A_2053 = arith.constant 0 : i32
      %dma_wait3A_2054 = tpu.memref_slice %arg5[%dma_wait3A_2045, %dma_wait3A_2046, %dma_wait3A_2047, %dma_wait3A_2053] : memref<2x2x25x80xi32, #tpu.memory_space<vmem>> -> memref<1x1x1x80xi32, #tpu.memory_space<vmem>>
      %dma_wait3A_2055 = tpu.memref_squeeze %dma_wait3A_2054 : memref<1x1x1x80xi32, #tpu.memory_space<vmem>> -> memref<80xi32, #tpu.memory_space<vmem>>
      %dma_wait3A_2056 = arith.constant 0 : i32
      %dma_wait3A_2057 = arith.constant 0 : i32
      %dma_wait3A_2058 = tpu.memref_slice %arg7[%dma_wait3A_2056, %dma_wait3A_2057] : memref<10112x128xf32, #tpu.memory_space<vmem_shared>> -> memref<10112x128xf32, #tpu.memory_space<vmem_shared>>
      %dma_wait3A_2059 = tpu.memref_slice %arg9[%dma_wait3A_2048] : memref<3x!tpu.dma_semaphore, #tpu.memory_space<semaphore_mem>> -> memref<1x!tpu.dma_semaphore, #tpu.memory_space<semaphore_mem>>
      %dma_wait3A_2060 = tpu.memref_squeeze %dma_wait3A_2059 : memref<1x!tpu.dma_semaphore, #tpu.memory_space<semaphore_mem>> -> memref<!tpu.dma_semaphore, #tpu.memory_space<semaphore_mem>>
      tpu.wait_indirect_dma semaphore(%dma_wait3A_2060 : memref<!tpu.dma_semaphore, #tpu.memory_space<semaphore_mem>>) src(%dma_wait3A_2052 : memref<80x128xf32, #tpu.memory_space<vmem>>) dst(%dma_wait3A_2058 : memref<10112x128xf32, #tpu.memory_space<vmem_shared>>)
      %add3A_2061 = arith.constant 3 : i32
      %add3A_2062 = arith.addi %mul3A_1901, %add3A_2061 : i32
      %add3A_2063 = arith.constant 1 : i32
      %add3A_2064 = arith.addi %add3A_2062, %add3A_2063 : i32
      %dma_start3A_2065 = arith.constant 1 : i32
      %dma_start3A_2066 = arith.constant 0 : i32
      %dma_start3A_2067 = arith.constant 1 : i32
      %dma_start3A_2068 = arith.constant 1 : i32
      %dma_start3A_2069 = arith.constant 0 : i32
      %dma_start3A_2070 = arith.constant 0 : i32
      %dma_start3A_2071 = tpu.memref_slice %arg6[%dma_start3A_2067, %dma_start3A_2069, %dma_start3A_2070] : memref<3x80x128xf32, #tpu.memory_space<vmem>> -> memref<1x80x128xf32, #tpu.memory_space<vmem>>
      %dma_start3A_2072 = tpu.memref_squeeze %dma_start3A_2071 : memref<1x80x128xf32, #tpu.memory_space<vmem>> -> memref<80x128xf32, #tpu.memory_space<vmem>>
      %dma_start3A_2073 = arith.constant 0 : i32
      %dma_start3A_2074 = tpu.memref_slice %arg5[%dma_start3A_2065, %dma_start3A_2066, %add3A_2064, %dma_start3A_2073] : memref<2x2x25x80xi32, #tpu.memory_space<vmem>> -> memref<1x1x1x80xi32, #tpu.memory_space<vmem>>
      %dma_start3A_2075 = tpu.memref_squeeze %dma_start3A_2074 : memref<1x1x1x80xi32, #tpu.memory_space<vmem>> -> memref<80xi32, #tpu.memory_space<vmem>>
      %dma_start3A_2076 = arith.constant 0 : i32
      %dma_start3A_2077 = arith.constant 0 : i32
      %dma_start3A_2078 = tpu.memref_slice %arg3[%dma_start3A_2076, %dma_start3A_2077] : memref<10000x128xf32, #tpu.memory_space<hbm>> -> memref<10000x128xf32, #tpu.memory_space<hbm>>
      %dma_start3A_2079 = tpu.memref_slice %arg8[%dma_start3A_2068] : memref<3x!tpu.dma_semaphore, #tpu.memory_space<semaphore_mem>> -> memref<1x!tpu.dma_semaphore, #tpu.memory_space<semaphore_mem>>
      %dma_start3A_2080 = tpu.memref_squeeze %dma_start3A_2079 : memref<1x!tpu.dma_semaphore, #tpu.memory_space<semaphore_mem>> -> memref<!tpu.dma_semaphore, #tpu.memory_space<semaphore_mem>>
      tpu.enqueue_indirect_dma source(%dma_start3A_2078 : memref<10000x128xf32, #tpu.memory_space<hbm>>) target(%dma_start3A_2072 : memref<80x128xf32, #tpu.memory_space<vmem>>) offsets(%dma_start3A_2075 : memref<80xi32, #tpu.memory_space<vmem>>) semaphore(%dma_start3A_2080 : memref<!tpu.dma_semaphore, #tpu.memory_space<semaphore_mem>>)
      %dma_wait3A_2081 = arith.constant 2 : i32
      %dma_wait3A_2082 = arith.constant 0 : i32
      %dma_wait3A_2083 = arith.constant 1 : i32
      %dma_wait3A_2084 = arith.constant 0 : i32
      %dma_wait3A_2085 = arith.constant 2 : i32
      %dma_wait3A_2086 = arith.constant 0 : i32
      %dma_wait3A_2087 = arith.constant 0 : i32
      %dma_wait3A_2088 = tpu.memref_slice %arg6[%dma_wait3A_2081, %dma_wait3A_2086, %dma_wait3A_2087] : memref<3x80x128xf32, #tpu.memory_space<vmem>> -> memref<1x80x128xf32, #tpu.memory_space<vmem>>
      %dma_wait3A_2089 = tpu.memref_squeeze %dma_wait3A_2088 : memref<1x80x128xf32, #tpu.memory_space<vmem>> -> memref<80x128xf32, #tpu.memory_space<vmem>>
      %dma_wait3A_2090 = arith.constant 0 : i32
      %dma_wait3A_2091 = tpu.memref_slice %arg5[%dma_wait3A_2082, %dma_wait3A_2083, %dma_wait3A_2084, %dma_wait3A_2090] : memref<2x2x25x80xi32, #tpu.memory_space<vmem>> -> memref<1x1x1x80xi32, #tpu.memory_space<vmem>>
      %dma_wait3A_2092 = tpu.memref_squeeze %dma_wait3A_2091 : memref<1x1x1x80xi32, #tpu.memory_space<vmem>> -> memref<80xi32, #tpu.memory_space<vmem>>
      %dma_wait3A_2093 = arith.constant 0 : i32
      %dma_wait3A_2094 = arith.constant 0 : i32
      %dma_wait3A_2095 = tpu.memref_slice %arg7[%dma_wait3A_2093, %dma_wait3A_2094] : memref<10112x128xf32, #tpu.memory_space<vmem_shared>> -> memref<10112x128xf32, #tpu.memory_space<vmem_shared>>
      %dma_wait3A_2096 = tpu.memref_slice %arg9[%dma_wait3A_2085] : memref<3x!tpu.dma_semaphore, #tpu.memory_space<semaphore_mem>> -> memref<1x!tpu.dma_semaphore, #tpu.memory_space<semaphore_mem>>
      %dma_wait3A_2097 = tpu.memref_squeeze %dma_wait3A_2096 : memref<1x!tpu.dma_semaphore, #tpu.memory_space<semaphore_mem>> -> memref<!tpu.dma_semaphore, #tpu.memory_space<semaphore_mem>>
      tpu.wait_indirect_dma semaphore(%dma_wait3A_2097 : memref<!tpu.dma_semaphore, #tpu.memory_space<semaphore_mem>>) src(%dma_wait3A_2089 : memref<80x128xf32, #tpu.memory_space<vmem>>) dst(%dma_wait3A_2095 : memref<10112x128xf32, #tpu.memory_space<vmem_shared>>)
      %add3A_2098 = arith.constant 3 : i32
      %add3A_2099 = arith.addi %mul3A_1901, %add3A_2098 : i32
      %add3A_2100 = arith.constant 2 : i32
      %add3A_2101 = arith.addi %add3A_2099, %add3A_2100 : i32
      %dma_start3A_2102 = arith.constant 1 : i32
      %dma_start3A_2103 = arith.constant 0 : i32
      %dma_start3A_2104 = arith.constant 2 : i32
      %dma_start3A_2105 = arith.constant 2 : i32
      %dma_start3A_2106 = arith.constant 0 : i32
      %dma_start3A_2107 = arith.constant 0 : i32
      %dma_start3A_2108 = tpu.memref_slice %arg6[%dma_start3A_2104, %dma_start3A_2106, %dma_start3A_2107] : memref<3x80x128xf32, #tpu.memory_space<vmem>> -> memref<1x80x128xf32, #tpu.memory_space<vmem>>
      %dma_start3A_2109 = tpu.memref_squeeze %dma_start3A_2108 : memref<1x80x128xf32, #tpu.memory_space<vmem>> -> memref<80x128xf32, #tpu.memory_space<vmem>>
      %dma_start3A_2110 = arith.constant 0 : i32
      %dma_start3A_2111 = tpu.memref_slice %arg5[%dma_start3A_2102, %dma_start3A_2103, %add3A_2101, %dma_start3A_2110] : memref<2x2x25x80xi32, #tpu.memory_space<vmem>> -> memref<1x1x1x80xi32, #tpu.memory_space<vmem>>
      %dma_start3A_2112 = tpu.memref_squeeze %dma_start3A_2111 : memref<1x1x1x80xi32, #tpu.memory_space<vmem>> -> memref<80xi32, #tpu.memory_space<vmem>>
      %dma_start3A_2113 = arith.constant 0 : i32
      %dma_start3A_2114 = arith.constant 0 : i32
      %dma_start3A_2115 = tpu.memref_slice %arg3[%dma_start3A_2113, %dma_start3A_2114] : memref<10000x128xf32, #tpu.memory_space<hbm>> -> memref<10000x128xf32, #tpu.memory_space<hbm>>
      %dma_start3A_2116 = tpu.memref_slice %arg8[%dma_start3A_2105] : memref<3x!tpu.dma_semaphore, #tpu.memory_space<semaphore_mem>> -> memref<1x!tpu.dma_semaphore, #tpu.memory_space<semaphore_mem>>
      %dma_start3A_2117 = tpu.memref_squeeze %dma_start3A_2116 : memref<1x!tpu.dma_semaphore, #tpu.memory_space<semaphore_mem>> -> memref<!tpu.dma_semaphore, #tpu.memory_space<semaphore_mem>>
      tpu.enqueue_indirect_dma source(%dma_start3A_2115 : memref<10000x128xf32, #tpu.memory_space<hbm>>) target(%dma_start3A_2109 : memref<80x128xf32, #tpu.memory_space<vmem>>) offsets(%dma_start3A_2112 : memref<80xi32, #tpu.memory_space<vmem>>) semaphore(%dma_start3A_2117 : memref<!tpu.dma_semaphore, #tpu.memory_space<semaphore_mem>>)
    }
    %scan3A_1348 = arith.constant 7 : i32
    %dma_wait3A_1349 = arith.constant 0 : i32
    %dma_wait3A_1350 = arith.constant 0 : i32
    %dma_wait3A_1351 = arith.constant 0 : i32
    %dma_wait3A_1352 = arith.constant 0 : i32
    %dma_wait3A_1353 = arith.constant 0 : i32
    %dma_wait3A_1354 = arith.constant 0 : i32
    %dma_wait3A_1355 = arith.constant 0 : i32
    %dma_wait3A_1356 = tpu.memref_slice %arg6[%dma_wait3A_1352, %dma_wait3A_1354, %dma_wait3A_1355] : memref<3x80x128xf32, #tpu.memory_space<vmem>> -> memref<1x80x128xf32, #tpu.memory_space<vmem>>
    %dma_wait3A_1357 = tpu.memref_squeeze %dma_wait3A_1356 : memref<1x80x128xf32, #tpu.memory_space<vmem>> -> memref<80x128xf32, #tpu.memory_space<vmem>>
    %dma_wait3A_1358 = arith.constant 0 : i32
    %dma_wait3A_1359 = tpu.memref_slice %arg5[%dma_wait3A_1349, %dma_wait3A_1350, %dma_wait3A_1351, %dma_wait3A_1358] : memref<2x2x25x80xi32, #tpu.memory_space<vmem>> -> memref<1x1x1x80xi32, #tpu.memory_space<vmem>>
    %dma_wait3A_1360 = tpu.memref_squeeze %dma_wait3A_1359 : memref<1x1x1x80xi32, #tpu.memory_space<vmem>> -> memref<80xi32, #tpu.memory_space<vmem>>
    %dma_wait3A_1361 = arith.constant 0 : i32
    %dma_wait3A_1362 = arith.constant 0 : i32
    %dma_wait3A_1363 = tpu.memref_slice %arg3[%dma_wait3A_1361, %dma_wait3A_1362] : memref<10000x128xf32, #tpu.memory_space<hbm>> -> memref<10000x128xf32, #tpu.memory_space<hbm>>
    %dma_wait3A_1364 = tpu.memref_slice %arg8[%dma_wait3A_1353] : memref<3x!tpu.dma_semaphore, #tpu.memory_space<semaphore_mem>> -> memref<1x!tpu.dma_semaphore, #tpu.memory_space<semaphore_mem>>
    %dma_wait3A_1365 = tpu.memref_squeeze %dma_wait3A_1364 : memref<1x!tpu.dma_semaphore, #tpu.memory_space<semaphore_mem>> -> memref<!tpu.dma_semaphore, #tpu.memory_space<semaphore_mem>>
    tpu.wait_indirect_dma semaphore(%dma_wait3A_1365 : memref<!tpu.dma_semaphore, #tpu.memory_space<semaphore_mem>>) src(%dma_wait3A_1363 : memref<10000x128xf32, #tpu.memory_space<hbm>>) dst(%dma_wait3A_1357 : memref<80x128xf32, #tpu.memory_space<vmem>>)
    %dma_start3A_1366 = arith.constant 0 : i32
    %dma_start3A_1367 = arith.constant 1 : i32
    %dma_start3A_1368 = arith.constant 1 : i32
    %dma_start3A_1369 = arith.constant 21 : i32
    %dma_start3A_1370 = arith.constant 0 : i32
    %dma_start3A_1371 = arith.constant 0 : i32
    %dma_start3A_1372 = arith.constant 0 : i32
    %dma_start3A_1373 = tpu.memref_slice %arg6[%dma_start3A_1366, %dma_start3A_1371, %dma_start3A_1372] : memref<3x80x128xf32, #tpu.memory_space<vmem>> -> memref<1x80x128xf32, #tpu.memory_space<vmem>>
    %dma_start3A_1374 = tpu.memref_squeeze %dma_start3A_1373 : memref<1x80x128xf32, #tpu.memory_space<vmem>> -> memref<80x128xf32, #tpu.memory_space<vmem>>
    %dma_start3A_1375 = arith.constant 0 : i32
    %dma_start3A_1376 = tpu.memref_slice %arg5[%dma_start3A_1367, %dma_start3A_1368, %dma_start3A_1369, %dma_start3A_1375] : memref<2x2x25x80xi32, #tpu.memory_space<vmem>> -> memref<1x1x1x80xi32, #tpu.memory_space<vmem>>
    %dma_start3A_1377 = tpu.memref_squeeze %dma_start3A_1376 : memref<1x1x1x80xi32, #tpu.memory_space<vmem>> -> memref<80xi32, #tpu.memory_space<vmem>>
    %dma_start3A_1378 = arith.constant 0 : i32
    %dma_start3A_1379 = arith.constant 0 : i32
    %dma_start3A_1380 = tpu.memref_slice %arg7[%dma_start3A_1378, %dma_start3A_1379] : memref<10112x128xf32, #tpu.memory_space<vmem_shared>> -> memref<10112x128xf32, #tpu.memory_space<vmem_shared>>
    %dma_start3A_1381 = tpu.memref_slice %arg9[%dma_start3A_1370] : memref<3x!tpu.dma_semaphore, #tpu.memory_space<semaphore_mem>> -> memref<1x!tpu.dma_semaphore, #tpu.memory_space<semaphore_mem>>
    %dma_start3A_1382 = tpu.memref_squeeze %dma_start3A_1381 : memref<1x!tpu.dma_semaphore, #tpu.memory_space<semaphore_mem>> -> memref<!tpu.dma_semaphore, #tpu.memory_space<semaphore_mem>>
    tpu.enqueue_indirect_dma source(%dma_start3A_1374 : memref<80x128xf32, #tpu.memory_space<vmem>>) target(%dma_start3A_1380 : memref<10112x128xf32, #tpu.memory_space<vmem_shared>>) offsets(%dma_start3A_1377 : memref<80xi32, #tpu.memory_space<vmem>>) semaphore(%dma_start3A_1382 : memref<!tpu.dma_semaphore, #tpu.memory_space<semaphore_mem>>) {add = true}
    %dma_wait3A_1383 = arith.constant 0 : i32
    %dma_wait3A_1384 = arith.constant 0 : i32
    %dma_wait3A_1385 = arith.constant 0 : i32
    %dma_wait3A_1386 = arith.constant 1 : i32
    %dma_wait3A_1387 = arith.constant 1 : i32
    %dma_wait3A_1388 = arith.constant 0 : i32
    %dma_wait3A_1389 = arith.constant 0 : i32
    %dma_wait3A_1390 = tpu.memref_slice %arg6[%dma_wait3A_1386, %dma_wait3A_1388, %dma_wait3A_1389] : memref<3x80x128xf32, #tpu.memory_space<vmem>> -> memref<1x80x128xf32, #tpu.memory_space<vmem>>
    %dma_wait3A_1391 = tpu.memref_squeeze %dma_wait3A_1390 : memref<1x80x128xf32, #tpu.memory_space<vmem>> -> memref<80x128xf32, #tpu.memory_space<vmem>>
    %dma_wait3A_1392 = arith.constant 0 : i32
    %dma_wait3A_1393 = tpu.memref_slice %arg5[%dma_wait3A_1383, %dma_wait3A_1384, %dma_wait3A_1385, %dma_wait3A_1392] : memref<2x2x25x80xi32, #tpu.memory_space<vmem>> -> memref<1x1x1x80xi32, #tpu.memory_space<vmem>>
    %dma_wait3A_1394 = tpu.memref_squeeze %dma_wait3A_1393 : memref<1x1x1x80xi32, #tpu.memory_space<vmem>> -> memref<80xi32, #tpu.memory_space<vmem>>
    %dma_wait3A_1395 = arith.constant 0 : i32
    %dma_wait3A_1396 = arith.constant 0 : i32
    %dma_wait3A_1397 = tpu.memref_slice %arg3[%dma_wait3A_1395, %dma_wait3A_1396] : memref<10000x128xf32, #tpu.memory_space<hbm>> -> memref<10000x128xf32, #tpu.memory_space<hbm>>
    %dma_wait3A_1398 = tpu.memref_slice %arg8[%dma_wait3A_1387] : memref<3x!tpu.dma_semaphore, #tpu.memory_space<semaphore_mem>> -> memref<1x!tpu.dma_semaphore, #tpu.memory_space<semaphore_mem>>
    %dma_wait3A_1399 = tpu.memref_squeeze %dma_wait3A_1398 : memref<1x!tpu.dma_semaphore, #tpu.memory_space<semaphore_mem>> -> memref<!tpu.dma_semaphore, #tpu.memory_space<semaphore_mem>>
    tpu.wait_indirect_dma semaphore(%dma_wait3A_1399 : memref<!tpu.dma_semaphore, #tpu.memory_space<semaphore_mem>>) src(%dma_wait3A_1397 : memref<10000x128xf32, #tpu.memory_space<hbm>>) dst(%dma_wait3A_1391 : memref<80x128xf32, #tpu.memory_space<vmem>>)
    %dma_start3A_1400 = arith.constant 1 : i32
    %dma_start3A_1401 = arith.constant 1 : i32
    %dma_start3A_1402 = arith.constant 1 : i32
    %dma_start3A_1403 = arith.constant 22 : i32
    %dma_start3A_1404 = arith.constant 1 : i32
    %dma_start3A_1405 = arith.constant 0 : i32
    %dma_start3A_1406 = arith.constant 0 : i32
    %dma_start3A_1407 = tpu.memref_slice %arg6[%dma_start3A_1400, %dma_start3A_1405, %dma_start3A_1406] : memref<3x80x128xf32, #tpu.memory_space<vmem>> -> memref<1x80x128xf32, #tpu.memory_space<vmem>>
    %dma_start3A_1408 = tpu.memref_squeeze %dma_start3A_1407 : memref<1x80x128xf32, #tpu.memory_space<vmem>> -> memref<80x128xf32, #tpu.memory_space<vmem>>
    %dma_start3A_1409 = arith.constant 0 : i32
    %dma_start3A_1410 = tpu.memref_slice %arg5[%dma_start3A_1401, %dma_start3A_1402, %dma_start3A_1403, %dma_start3A_1409] : memref<2x2x25x80xi32, #tpu.memory_space<vmem>> -> memref<1x1x1x80xi32, #tpu.memory_space<vmem>>
    %dma_start3A_1411 = tpu.memref_squeeze %dma_start3A_1410 : memref<1x1x1x80xi32, #tpu.memory_space<vmem>> -> memref<80xi32, #tpu.memory_space<vmem>>
    %dma_start3A_1412 = arith.constant 0 : i32
    %dma_start3A_1413 = arith.constant 0 : i32
    %dma_start3A_1414 = tpu.memref_slice %arg7[%dma_start3A_1412, %dma_start3A_1413] : memref<10112x128xf32, #tpu.memory_space<vmem_shared>> -> memref<10112x128xf32, #tpu.memory_space<vmem_shared>>
    %dma_start3A_1415 = tpu.memref_slice %arg9[%dma_start3A_1404] : memref<3x!tpu.dma_semaphore, #tpu.memory_space<semaphore_mem>> -> memref<1x!tpu.dma_semaphore, #tpu.memory_space<semaphore_mem>>
    %dma_start3A_1416 = tpu.memref_squeeze %dma_start3A_1415 : memref<1x!tpu.dma_semaphore, #tpu.memory_space<semaphore_mem>> -> memref<!tpu.dma_semaphore, #tpu.memory_space<semaphore_mem>>
    tpu.enqueue_indirect_dma source(%dma_start3A_1408 : memref<80x128xf32, #tpu.memory_space<vmem>>) target(%dma_start3A_1414 : memref<10112x128xf32, #tpu.memory_space<vmem_shared>>) offsets(%dma_start3A_1411 : memref<80xi32, #tpu.memory_space<vmem>>) semaphore(%dma_start3A_1416 : memref<!tpu.dma_semaphore, #tpu.memory_space<semaphore_mem>>) {add = true}
    %dma_wait3A_1417 = arith.constant 0 : i32
    %dma_wait3A_1418 = arith.constant 0 : i32
    %dma_wait3A_1419 = arith.constant 0 : i32
    %dma_wait3A_1420 = arith.constant 2 : i32
    %dma_wait3A_1421 = arith.constant 2 : i32
    %dma_wait3A_1422 = arith.constant 0 : i32
    %dma_wait3A_1423 = arith.constant 0 : i32
    %dma_wait3A_1424 = tpu.memref_slice %arg6[%dma_wait3A_1420, %dma_wait3A_1422, %dma_wait3A_1423] : memref<3x80x128xf32, #tpu.memory_space<vmem>> -> memref<1x80x128xf32, #tpu.memory_space<vmem>>
    %dma_wait3A_1425 = tpu.memref_squeeze %dma_wait3A_1424 : memref<1x80x128xf32, #tpu.memory_space<vmem>> -> memref<80x128xf32, #tpu.memory_space<vmem>>
    %dma_wait3A_1426 = arith.constant 0 : i32
    %dma_wait3A_1427 = tpu.memref_slice %arg5[%dma_wait3A_1417, %dma_wait3A_1418, %dma_wait3A_1419, %dma_wait3A_1426] : memref<2x2x25x80xi32, #tpu.memory_space<vmem>> -> memref<1x1x1x80xi32, #tpu.memory_space<vmem>>
    %dma_wait3A_1428 = tpu.memref_squeeze %dma_wait3A_1427 : memref<1x1x1x80xi32, #tpu.memory_space<vmem>> -> memref<80xi32, #tpu.memory_space<vmem>>
    %dma_wait3A_1429 = arith.constant 0 : i32
    %dma_wait3A_1430 = arith.constant 0 : i32
    %dma_wait3A_1431 = tpu.memref_slice %arg3[%dma_wait3A_1429, %dma_wait3A_1430] : memref<10000x128xf32, #tpu.memory_space<hbm>> -> memref<10000x128xf32, #tpu.memory_space<hbm>>
    %dma_wait3A_1432 = tpu.memref_slice %arg8[%dma_wait3A_1421] : memref<3x!tpu.dma_semaphore, #tpu.memory_space<semaphore_mem>> -> memref<1x!tpu.dma_semaphore, #tpu.memory_space<semaphore_mem>>
    %dma_wait3A_1433 = tpu.memref_squeeze %dma_wait3A_1432 : memref<1x!tpu.dma_semaphore, #tpu.memory_space<semaphore_mem>> -> memref<!tpu.dma_semaphore, #tpu.memory_space<semaphore_mem>>
    tpu.wait_indirect_dma semaphore(%dma_wait3A_1433 : memref<!tpu.dma_semaphore, #tpu.memory_space<semaphore_mem>>) src(%dma_wait3A_1431 : memref<10000x128xf32, #tpu.memory_space<hbm>>) dst(%dma_wait3A_1425 : memref<80x128xf32, #tpu.memory_space<vmem>>)
    %dma_start3A_1434 = arith.constant 2 : i32
    %dma_start3A_1435 = arith.constant 1 : i32
    %dma_start3A_1436 = arith.constant 1 : i32
    %dma_start3A_1437 = arith.constant 23 : i32
    %dma_start3A_1438 = arith.constant 2 : i32
    %dma_start3A_1439 = arith.constant 0 : i32
    %dma_start3A_1440 = arith.constant 0 : i32
    %dma_start3A_1441 = tpu.memref_slice %arg6[%dma_start3A_1434, %dma_start3A_1439, %dma_start3A_1440] : memref<3x80x128xf32, #tpu.memory_space<vmem>> -> memref<1x80x128xf32, #tpu.memory_space<vmem>>
    %dma_start3A_1442 = tpu.memref_squeeze %dma_start3A_1441 : memref<1x80x128xf32, #tpu.memory_space<vmem>> -> memref<80x128xf32, #tpu.memory_space<vmem>>
    %dma_start3A_1443 = arith.constant 0 : i32
    %dma_start3A_1444 = tpu.memref_slice %arg5[%dma_start3A_1435, %dma_start3A_1436, %dma_start3A_1437, %dma_start3A_1443] : memref<2x2x25x80xi32, #tpu.memory_space<vmem>> -> memref<1x1x1x80xi32, #tpu.memory_space<vmem>>
    %dma_start3A_1445 = tpu.memref_squeeze %dma_start3A_1444 : memref<1x1x1x80xi32, #tpu.memory_space<vmem>> -> memref<80xi32, #tpu.memory_space<vmem>>
    %dma_start3A_1446 = arith.constant 0 : i32
    %dma_start3A_1447 = arith.constant 0 : i32
    %dma_start3A_1448 = tpu.memref_slice %arg7[%dma_start3A_1446, %dma_start3A_1447] : memref<10112x128xf32, #tpu.memory_space<vmem_shared>> -> memref<10112x128xf32, #tpu.memory_space<vmem_shared>>
    %dma_start3A_1449 = tpu.memref_slice %arg9[%dma_start3A_1438] : memref<3x!tpu.dma_semaphore, #tpu.memory_space<semaphore_mem>> -> memref<1x!tpu.dma_semaphore, #tpu.memory_space<semaphore_mem>>
    %dma_start3A_1450 = tpu.memref_squeeze %dma_start3A_1449 : memref<1x!tpu.dma_semaphore, #tpu.memory_space<semaphore_mem>> -> memref<!tpu.dma_semaphore, #tpu.memory_space<semaphore_mem>>
    tpu.enqueue_indirect_dma source(%dma_start3A_1442 : memref<80x128xf32, #tpu.memory_space<vmem>>) target(%dma_start3A_1448 : memref<10112x128xf32, #tpu.memory_space<vmem_shared>>) offsets(%dma_start3A_1445 : memref<80xi32, #tpu.memory_space<vmem>>) semaphore(%dma_start3A_1450 : memref<!tpu.dma_semaphore, #tpu.memory_space<semaphore_mem>>) {add = true}
    %dma_wait3A_1451 = arith.constant 0 : i32
    %dma_wait3A_1452 = arith.constant 0 : i32
    %dma_wait3A_1453 = arith.constant 1 : i32
    %dma_wait3A_1454 = arith.constant 0 : i32
    %dma_wait3A_1455 = arith.constant 0 : i32
    %dma_wait3A_1456 = arith.constant 0 : i32
    %dma_wait3A_1457 = arith.constant 0 : i32
    %dma_wait3A_1458 = tpu.memref_slice %arg6[%dma_wait3A_1451, %dma_wait3A_1456, %dma_wait3A_1457] : memref<3x80x128xf32, #tpu.memory_space<vmem>> -> memref<1x80x128xf32, #tpu.memory_space<vmem>>
    %dma_wait3A_1459 = tpu.memref_squeeze %dma_wait3A_1458 : memref<1x80x128xf32, #tpu.memory_space<vmem>> -> memref<80x128xf32, #tpu.memory_space<vmem>>
    %dma_wait3A_1460 = arith.constant 0 : i32
    %dma_wait3A_1461 = tpu.memref_slice %arg5[%dma_wait3A_1452, %dma_wait3A_1453, %dma_wait3A_1454, %dma_wait3A_1460] : memref<2x2x25x80xi32, #tpu.memory_space<vmem>> -> memref<1x1x1x80xi32, #tpu.memory_space<vmem>>
    %dma_wait3A_1462 = tpu.memref_squeeze %dma_wait3A_1461 : memref<1x1x1x80xi32, #tpu.memory_space<vmem>> -> memref<80xi32, #tpu.memory_space<vmem>>
    %dma_wait3A_1463 = arith.constant 0 : i32
    %dma_wait3A_1464 = arith.constant 0 : i32
    %dma_wait3A_1465 = tpu.memref_slice %arg7[%dma_wait3A_1463, %dma_wait3A_1464] : memref<10112x128xf32, #tpu.memory_space<vmem_shared>> -> memref<10112x128xf32, #tpu.memory_space<vmem_shared>>
    %dma_wait3A_1466 = tpu.memref_slice %arg9[%dma_wait3A_1455] : memref<3x!tpu.dma_semaphore, #tpu.memory_space<semaphore_mem>> -> memref<1x!tpu.dma_semaphore, #tpu.memory_space<semaphore_mem>>
    %dma_wait3A_1467 = tpu.memref_squeeze %dma_wait3A_1466 : memref<1x!tpu.dma_semaphore, #tpu.memory_space<semaphore_mem>> -> memref<!tpu.dma_semaphore, #tpu.memory_space<semaphore_mem>>
    tpu.wait_indirect_dma semaphore(%dma_wait3A_1467 : memref<!tpu.dma_semaphore, #tpu.memory_space<semaphore_mem>>) src(%dma_wait3A_1459 : memref<80x128xf32, #tpu.memory_space<vmem>>) dst(%dma_wait3A_1465 : memref<10112x128xf32, #tpu.memory_space<vmem_shared>>)
    %dma_start3A_1468 = arith.constant 1 : i32
    %dma_start3A_1469 = arith.constant 0 : i32
    %dma_start3A_1470 = arith.constant 24 : i32
    %dma_start3A_1471 = arith.constant 0 : i32
    %dma_start3A_1472 = arith.constant 0 : i32
    %dma_start3A_1473 = arith.constant 0 : i32
    %dma_start3A_1474 = arith.constant 0 : i32
    %dma_start3A_1475 = tpu.memref_slice %arg6[%dma_start3A_1471, %dma_start3A_1473, %dma_start3A_1474] : memref<3x80x128xf32, #tpu.memory_space<vmem>> -> memref<1x80x128xf32, #tpu.memory_space<vmem>>
    %dma_start3A_1476 = tpu.memref_squeeze %dma_start3A_1475 : memref<1x80x128xf32, #tpu.memory_space<vmem>> -> memref<80x128xf32, #tpu.memory_space<vmem>>
    %dma_start3A_1477 = arith.constant 0 : i32
    %dma_start3A_1478 = tpu.memref_slice %arg5[%dma_start3A_1468, %dma_start3A_1469, %dma_start3A_1470, %dma_start3A_1477] : memref<2x2x25x80xi32, #tpu.memory_space<vmem>> -> memref<1x1x1x80xi32, #tpu.memory_space<vmem>>
    %dma_start3A_1479 = tpu.memref_squeeze %dma_start3A_1478 : memref<1x1x1x80xi32, #tpu.memory_space<vmem>> -> memref<80xi32, #tpu.memory_space<vmem>>
    %dma_start3A_1480 = arith.constant 0 : i32
    %dma_start3A_1481 = arith.constant 0 : i32
    %dma_start3A_1482 = tpu.memref_slice %arg3[%dma_start3A_1480, %dma_start3A_1481] : memref<10000x128xf32, #tpu.memory_space<hbm>> -> memref<10000x128xf32, #tpu.memory_space<hbm>>
    %dma_start3A_1483 = tpu.memref_slice %arg8[%dma_start3A_1472] : memref<3x!tpu.dma_semaphore, #tpu.memory_space<semaphore_mem>> -> memref<1x!tpu.dma_semaphore, #tpu.memory_space<semaphore_mem>>
    %dma_start3A_1484 = tpu.memref_squeeze %dma_start3A_1483 : memref<1x!tpu.dma_semaphore, #tpu.memory_space<semaphore_mem>> -> memref<!tpu.dma_semaphore, #tpu.memory_space<semaphore_mem>>
    tpu.enqueue_indirect_dma source(%dma_start3A_1482 : memref<10000x128xf32, #tpu.memory_space<hbm>>) target(%dma_start3A_1476 : memref<80x128xf32, #tpu.memory_space<vmem>>) offsets(%dma_start3A_1479 : memref<80xi32, #tpu.memory_space<vmem>>) semaphore(%dma_start3A_1484 : memref<!tpu.dma_semaphore, #tpu.memory_space<semaphore_mem>>)
    %dma_wait3A_1485 = arith.constant 1 : i32
    %dma_wait3A_1486 = arith.constant 0 : i32
    %dma_wait3A_1487 = arith.constant 1 : i32
    %dma_wait3A_1488 = arith.constant 0 : i32
    %dma_wait3A_1489 = arith.constant 1 : i32
    %dma_wait3A_1490 = arith.constant 0 : i32
    %dma_wait3A_1491 = arith.constant 0 : i32
    %dma_wait3A_1492 = tpu.memref_slice %arg6[%dma_wait3A_1485, %dma_wait3A_1490, %dma_wait3A_1491] : memref<3x80x128xf32, #tpu.memory_space<vmem>> -> memref<1x80x128xf32, #tpu.memory_space<vmem>>
    %dma_wait3A_1493 = tpu.memref_squeeze %dma_wait3A_1492 : memref<1x80x128xf32, #tpu.memory_space<vmem>> -> memref<80x128xf32, #tpu.memory_space<vmem>>
    %dma_wait3A_1494 = arith.constant 0 : i32
    %dma_wait3A_1495 = tpu.memref_slice %arg5[%dma_wait3A_1486, %dma_wait3A_1487, %dma_wait3A_1488, %dma_wait3A_1494] : memref<2x2x25x80xi32, #tpu.memory_space<vmem>> -> memref<1x1x1x80xi32, #tpu.memory_space<vmem>>
    %dma_wait3A_1496 = tpu.memref_squeeze %dma_wait3A_1495 : memref<1x1x1x80xi32, #tpu.memory_space<vmem>> -> memref<80xi32, #tpu.memory_space<vmem>>
    %dma_wait3A_1497 = arith.constant 0 : i32
    %dma_wait3A_1498 = arith.constant 0 : i32
    %dma_wait3A_1499 = tpu.memref_slice %arg7[%dma_wait3A_1497, %dma_wait3A_1498] : memref<10112x128xf32, #tpu.memory_space<vmem_shared>> -> memref<10112x128xf32, #tpu.memory_space<vmem_shared>>
    %dma_wait3A_1500 = tpu.memref_slice %arg9[%dma_wait3A_1489] : memref<3x!tpu.dma_semaphore, #tpu.memory_space<semaphore_mem>> -> memref<1x!tpu.dma_semaphore, #tpu.memory_space<semaphore_mem>>
    %dma_wait3A_1501 = tpu.memref_squeeze %dma_wait3A_1500 : memref<1x!tpu.dma_semaphore, #tpu.memory_space<semaphore_mem>> -> memref<!tpu.dma_semaphore, #tpu.memory_space<semaphore_mem>>
    tpu.wait_indirect_dma semaphore(%dma_wait3A_1501 : memref<!tpu.dma_semaphore, #tpu.memory_space<semaphore_mem>>) src(%dma_wait3A_1493 : memref<80x128xf32, #tpu.memory_space<vmem>>) dst(%dma_wait3A_1499 : memref<10112x128xf32, #tpu.memory_space<vmem_shared>>)
    %dma_wait3A_1502 = arith.constant 2 : i32
    %dma_wait3A_1503 = arith.constant 0 : i32
    %dma_wait3A_1504 = arith.constant 1 : i32
    %dma_wait3A_1505 = arith.constant 0 : i32
    %dma_wait3A_1506 = arith.constant 2 : i32
    %dma_wait3A_1507 = arith.constant 0 : i32
    %dma_wait3A_1508 = arith.constant 0 : i32
    %dma_wait3A_1509 = tpu.memref_slice %arg6[%dma_wait3A_1502, %dma_wait3A_1507, %dma_wait3A_1508] : memref<3x80x128xf32, #tpu.memory_space<vmem>> -> memref<1x80x128xf32, #tpu.memory_space<vmem>>
    %dma_wait3A_1510 = tpu.memref_squeeze %dma_wait3A_1509 : memref<1x80x128xf32, #tpu.memory_space<vmem>> -> memref<80x128xf32, #tpu.memory_space<vmem>>
    %dma_wait3A_1511 = arith.constant 0 : i32
    %dma_wait3A_1512 = tpu.memref_slice %arg5[%dma_wait3A_1503, %dma_wait3A_1504, %dma_wait3A_1505, %dma_wait3A_1511] : memref<2x2x25x80xi32, #tpu.memory_space<vmem>> -> memref<1x1x1x80xi32, #tpu.memory_space<vmem>>
    %dma_wait3A_1513 = tpu.memref_squeeze %dma_wait3A_1512 : memref<1x1x1x80xi32, #tpu.memory_space<vmem>> -> memref<80xi32, #tpu.memory_space<vmem>>
    %dma_wait3A_1514 = arith.constant 0 : i32
    %dma_wait3A_1515 = arith.constant 0 : i32
    %dma_wait3A_1516 = tpu.memref_slice %arg7[%dma_wait3A_1514, %dma_wait3A_1515] : memref<10112x128xf32, #tpu.memory_space<vmem_shared>> -> memref<10112x128xf32, #tpu.memory_space<vmem_shared>>
    %dma_wait3A_1517 = tpu.memref_slice %arg9[%dma_wait3A_1506] : memref<3x!tpu.dma_semaphore, #tpu.memory_space<semaphore_mem>> -> memref<1x!tpu.dma_semaphore, #tpu.memory_space<semaphore_mem>>
    %dma_wait3A_1518 = tpu.memref_squeeze %dma_wait3A_1517 : memref<1x!tpu.dma_semaphore, #tpu.memory_space<semaphore_mem>> -> memref<!tpu.dma_semaphore, #tpu.memory_space<semaphore_mem>>
    tpu.wait_indirect_dma semaphore(%dma_wait3A_1518 : memref<!tpu.dma_semaphore, #tpu.memory_space<semaphore_mem>>) src(%dma_wait3A_1510 : memref<80x128xf32, #tpu.memory_space<vmem>>) dst(%dma_wait3A_1516 : memref<10112x128xf32, #tpu.memory_space<vmem_shared>>)
    %dma_wait3A_1519 = arith.constant 0 : i32
    %dma_wait3A_1520 = arith.constant 0 : i32
    %dma_wait3A_1521 = arith.constant 0 : i32
    %dma_wait3A_1522 = arith.constant 0 : i32
    %dma_wait3A_1523 = arith.constant 0 : i32
    %dma_wait3A_1524 = arith.constant 0 : i32
    %dma_wait3A_1525 = arith.constant 0 : i32
    %dma_wait3A_1526 = tpu.memref_slice %arg6[%dma_wait3A_1522, %dma_wait3A_1524, %dma_wait3A_1525] : memref<3x80x128xf32, #tpu.memory_space<vmem>> -> memref<1x80x128xf32, #tpu.memory_space<vmem>>
    %dma_wait3A_1527 = tpu.memref_squeeze %dma_wait3A_1526 : memref<1x80x128xf32, #tpu.memory_space<vmem>> -> memref<80x128xf32, #tpu.memory_space<vmem>>
    %dma_wait3A_1528 = arith.constant 0 : i32
    %dma_wait3A_1529 = tpu.memref_slice %arg5[%dma_wait3A_1519, %dma_wait3A_1520, %dma_wait3A_1521, %dma_wait3A_1528] : memref<2x2x25x80xi32, #tpu.memory_space<vmem>> -> memref<1x1x1x80xi32, #tpu.memory_space<vmem>>
    %dma_wait3A_1530 = tpu.memref_squeeze %dma_wait3A_1529 : memref<1x1x1x80xi32, #tpu.memory_space<vmem>> -> memref<80xi32, #tpu.memory_space<vmem>>
    %dma_wait3A_1531 = arith.constant 0 : i32
    %dma_wait3A_1532 = arith.constant 0 : i32
    %dma_wait3A_1533 = tpu.memref_slice %arg3[%dma_wait3A_1531, %dma_wait3A_1532] : memref<10000x128xf32, #tpu.memory_space<hbm>> -> memref<10000x128xf32, #tpu.memory_space<hbm>>
    %dma_wait3A_1534 = tpu.memref_slice %arg8[%dma_wait3A_1523] : memref<3x!tpu.dma_semaphore, #tpu.memory_space<semaphore_mem>> -> memref<1x!tpu.dma_semaphore, #tpu.memory_space<semaphore_mem>>
    %dma_wait3A_1535 = tpu.memref_squeeze %dma_wait3A_1534 : memref<1x!tpu.dma_semaphore, #tpu.memory_space<semaphore_mem>> -> memref<!tpu.dma_semaphore, #tpu.memory_space<semaphore_mem>>
    tpu.wait_indirect_dma semaphore(%dma_wait3A_1535 : memref<!tpu.dma_semaphore, #tpu.memory_space<semaphore_mem>>) src(%dma_wait3A_1533 : memref<10000x128xf32, #tpu.memory_space<hbm>>) dst(%dma_wait3A_1527 : memref<80x128xf32, #tpu.memory_space<vmem>>)
    %dma_start3A_1536 = arith.constant 0 : i32
    %dma_start3A_1537 = arith.constant 1 : i32
    %dma_start3A_1538 = arith.constant 1 : i32
    %dma_start3A_1539 = arith.constant 24 : i32
    %dma_start3A_1540 = arith.constant 0 : i32
    %dma_start3A_1541 = arith.constant 0 : i32
    %dma_start3A_1542 = arith.constant 0 : i32
    %dma_start3A_1543 = tpu.memref_slice %arg6[%dma_start3A_1536, %dma_start3A_1541, %dma_start3A_1542] : memref<3x80x128xf32, #tpu.memory_space<vmem>> -> memref<1x80x128xf32, #tpu.memory_space<vmem>>
    %dma_start3A_1544 = tpu.memref_squeeze %dma_start3A_1543 : memref<1x80x128xf32, #tpu.memory_space<vmem>> -> memref<80x128xf32, #tpu.memory_space<vmem>>
    %dma_start3A_1545 = arith.constant 0 : i32
    %dma_start3A_1546 = tpu.memref_slice %arg5[%dma_start3A_1537, %dma_start3A_1538, %dma_start3A_1539, %dma_start3A_1545] : memref<2x2x25x80xi32, #tpu.memory_space<vmem>> -> memref<1x1x1x80xi32, #tpu.memory_space<vmem>>
    %dma_start3A_1547 = tpu.memref_squeeze %dma_start3A_1546 : memref<1x1x1x80xi32, #tpu.memory_space<vmem>> -> memref<80xi32, #tpu.memory_space<vmem>>
    %dma_start3A_1548 = arith.constant 0 : i32
    %dma_start3A_1549 = arith.constant 0 : i32
    %dma_start3A_1550 = tpu.memref_slice %arg7[%dma_start3A_1548, %dma_start3A_1549] : memref<10112x128xf32, #tpu.memory_space<vmem_shared>> -> memref<10112x128xf32, #tpu.memory_space<vmem_shared>>
    %dma_start3A_1551 = tpu.memref_slice %arg9[%dma_start3A_1540] : memref<3x!tpu.dma_semaphore, #tpu.memory_space<semaphore_mem>> -> memref<1x!tpu.dma_semaphore, #tpu.memory_space<semaphore_mem>>
    %dma_start3A_1552 = tpu.memref_squeeze %dma_start3A_1551 : memref<1x!tpu.dma_semaphore, #tpu.memory_space<semaphore_mem>> -> memref<!tpu.dma_semaphore, #tpu.memory_space<semaphore_mem>>
    tpu.enqueue_indirect_dma source(%dma_start3A_1544 : memref<80x128xf32, #tpu.memory_space<vmem>>) target(%dma_start3A_1550 : memref<10112x128xf32, #tpu.memory_space<vmem_shared>>) offsets(%dma_start3A_1547 : memref<80xi32, #tpu.memory_space<vmem>>) semaphore(%dma_start3A_1552 : memref<!tpu.dma_semaphore, #tpu.memory_space<semaphore_mem>>) {add = true}
    %dma_wait3A_1553 = arith.constant 0 : i32
    %dma_wait3A_1554 = arith.constant 0 : i32
    %dma_wait3A_1555 = arith.constant 1 : i32
    %dma_wait3A_1556 = arith.constant 0 : i32
    %dma_wait3A_1557 = arith.constant 0 : i32
    %dma_wait3A_1558 = arith.constant 0 : i32
    %dma_wait3A_1559 = arith.constant 0 : i32
    %dma_wait3A_1560 = tpu.memref_slice %arg6[%dma_wait3A_1553, %dma_wait3A_1558, %dma_wait3A_1559] : memref<3x80x128xf32, #tpu.memory_space<vmem>> -> memref<1x80x128xf32, #tpu.memory_space<vmem>>
    %dma_wait3A_1561 = tpu.memref_squeeze %dma_wait3A_1560 : memref<1x80x128xf32, #tpu.memory_space<vmem>> -> memref<80x128xf32, #tpu.memory_space<vmem>>
    %dma_wait3A_1562 = arith.constant 0 : i32
    %dma_wait3A_1563 = tpu.memref_slice %arg5[%dma_wait3A_1554, %dma_wait3A_1555, %dma_wait3A_1556, %dma_wait3A_1562] : memref<2x2x25x80xi32, #tpu.memory_space<vmem>> -> memref<1x1x1x80xi32, #tpu.memory_space<vmem>>
    %dma_wait3A_1564 = tpu.memref_squeeze %dma_wait3A_1563 : memref<1x1x1x80xi32, #tpu.memory_space<vmem>> -> memref<80xi32, #tpu.memory_space<vmem>>
    %dma_wait3A_1565 = arith.constant 0 : i32
    %dma_wait3A_1566 = arith.constant 0 : i32
    %dma_wait3A_1567 = tpu.memref_slice %arg7[%dma_wait3A_1565, %dma_wait3A_1566] : memref<10112x128xf32, #tpu.memory_space<vmem_shared>> -> memref<10112x128xf32, #tpu.memory_space<vmem_shared>>
    %dma_wait3A_1568 = tpu.memref_slice %arg9[%dma_wait3A_1557] : memref<3x!tpu.dma_semaphore, #tpu.memory_space<semaphore_mem>> -> memref<1x!tpu.dma_semaphore, #tpu.memory_space<semaphore_mem>>
    %dma_wait3A_1569 = tpu.memref_squeeze %dma_wait3A_1568 : memref<1x!tpu.dma_semaphore, #tpu.memory_space<semaphore_mem>> -> memref<!tpu.dma_semaphore, #tpu.memory_space<semaphore_mem>>
    tpu.wait_indirect_dma semaphore(%dma_wait3A_1569 : memref<!tpu.dma_semaphore, #tpu.memory_space<semaphore_mem>>) src(%dma_wait3A_1561 : memref<80x128xf32, #tpu.memory_space<vmem>>) dst(%dma_wait3A_1567 : memref<10112x128xf32, #tpu.memory_space<vmem_shared>>)
    %dma_wait3A_1570 = arith.constant 0 : i32
    %dma_wait3A_1571 = arith.constant 0 : i32
    %dma_wait3A_1572 = arith.constant 0 : i32
    %dma_wait3A_1573 = arith.constant 0 : i32
    %dma_wait3A_1574 = arith.constant 0 : i32
    %dma_wait3A_1575 = arith.constant 0 : i32
    %dma_wait3A_1576 = arith.constant 0 : i32
    %dma_wait3A_1577 = tpu.memref_slice %arg5[%dma_wait3A_1572, %dma_wait3A_1573, %dma_wait3A_1575, %dma_wait3A_1576] : memref<2x2x25x80xi32, #tpu.memory_space<vmem>> -> memref<1x1x25x80xi32, #tpu.memory_space<vmem>>
    %dma_wait3A_1578 = tpu.memref_squeeze %dma_wait3A_1577 : memref<1x1x25x80xi32, #tpu.memory_space<vmem>> -> memref<25x80xi32, #tpu.memory_space<vmem>>
    %dma_wait3A_1579 = arith.constant 0 : i32
    %dma_wait3A_1580 = arith.constant 0 : i32
    %dma_wait3A_1581 = tpu.memref_slice %arg2[%dma_wait3A_1570, %add3A, %dma_wait3A_1571, %dma_wait3A_1579, %dma_wait3A_1580] : memref<2x32x5x25x80xi32, #tpu.memory_space<hbm>> -> memref<1x1x1x25x80xi32, #tpu.memory_space<hbm>>
    %dma_wait3A_1582 = tpu.memref_squeeze %dma_wait3A_1581 : memref<1x1x1x25x80xi32, #tpu.memory_space<hbm>> -> memref<25x80xi32, #tpu.memory_space<hbm>>
    %dma_wait3A_1583 = tpu.memref_slice %arg10[%dma_wait3A_1574] : memref<2x!tpu.dma_semaphore, #tpu.memory_space<semaphore_mem>> -> memref<1x!tpu.dma_semaphore, #tpu.memory_space<semaphore_mem>>
    %dma_wait3A_1584 = tpu.memref_squeeze %dma_wait3A_1583 : memref<1x!tpu.dma_semaphore, #tpu.memory_space<semaphore_mem>> -> memref<!tpu.dma_semaphore, #tpu.memory_space<semaphore_mem>>
    %dma_wait3A_1585 = arith.constant 0 : i32
    %dma_wait3A_1586 = arith.constant 0 : i32
    %dma_wait3A_1587 = tpu.memref_slice %arg5[%dma_wait3A_1572, %dma_wait3A_1573, %dma_wait3A_1585, %dma_wait3A_1586] : memref<2x2x25x80xi32, #tpu.memory_space<vmem>> -> memref<1x1x25x80xi32, #tpu.memory_space<vmem>>
    %dma_wait3A_1588 = tpu.memref_squeeze %dma_wait3A_1587 : memref<1x1x25x80xi32, #tpu.memory_space<vmem>> -> memref<25x80xi32, #tpu.memory_space<vmem>>
    %dma_wait3A_1589 = arith.constant 0 : i32
    %dma_wait3A_1590 = arith.constant 0 : i32
    %dma_wait3A_1591 = tpu.memref_slice %arg2[%dma_wait3A_1570, %add3A, %dma_wait3A_1571, %dma_wait3A_1589, %dma_wait3A_1590] : memref<2x32x5x25x80xi32, #tpu.memory_space<hbm>> -> memref<1x1x1x25x80xi32, #tpu.memory_space<hbm>>
    %dma_wait3A_1592 = tpu.memref_squeeze %dma_wait3A_1591 : memref<1x1x1x25x80xi32, #tpu.memory_space<hbm>> -> memref<25x80xi32, #tpu.memory_space<hbm>>
    tpu.wait_dma2 semaphore(%dma_wait3A_1584 : memref<!tpu.dma_semaphore, #tpu.memory_space<semaphore_mem>>) src(%dma_wait3A_1592 : memref<25x80xi32, #tpu.memory_space<hbm>>) dst(%dma_wait3A_1588 : memref<25x80xi32, #tpu.memory_space<vmem>>)
    %dma_wait3A_1593 = arith.constant 0 : i32
    %dma_wait3A_1594 = arith.constant 0 : i32
    %dma_wait3A_1595 = arith.constant 0 : i32
    %dma_wait3A_1596 = arith.constant 1 : i32
    %dma_wait3A_1597 = arith.constant 0 : i32
    %dma_wait3A_1598 = arith.constant 0 : i32
    %dma_wait3A_1599 = arith.constant 0 : i32
    %dma_wait3A_1600 = tpu.memref_slice %arg5[%dma_wait3A_1595, %dma_wait3A_1596, %dma_wait3A_1598, %dma_wait3A_1599] : memref<2x2x25x80xi32, #tpu.memory_space<vmem>> -> memref<1x1x25x80xi32, #tpu.memory_space<vmem>>
    %dma_wait3A_1601 = tpu.memref_squeeze %dma_wait3A_1600 : memref<1x1x25x80xi32, #tpu.memory_space<vmem>> -> memref<25x80xi32, #tpu.memory_space<vmem>>
    %dma_wait3A_1602 = arith.constant 0 : i32
    %dma_wait3A_1603 = arith.constant 0 : i32
    %dma_wait3A_1604 = tpu.memref_slice %arg2[%dma_wait3A_1593, %add3A, %dma_wait3A_1594, %dma_wait3A_1602, %dma_wait3A_1603] : memref<2x32x5x25x80xi32, #tpu.memory_space<hbm>> -> memref<1x1x1x25x80xi32, #tpu.memory_space<hbm>>
    %dma_wait3A_1605 = tpu.memref_squeeze %dma_wait3A_1604 : memref<1x1x1x25x80xi32, #tpu.memory_space<hbm>> -> memref<25x80xi32, #tpu.memory_space<hbm>>
    %dma_wait3A_1606 = tpu.memref_slice %arg10[%dma_wait3A_1597] : memref<2x!tpu.dma_semaphore, #tpu.memory_space<semaphore_mem>> -> memref<1x!tpu.dma_semaphore, #tpu.memory_space<semaphore_mem>>
    %dma_wait3A_1607 = tpu.memref_squeeze %dma_wait3A_1606 : memref<1x!tpu.dma_semaphore, #tpu.memory_space<semaphore_mem>> -> memref<!tpu.dma_semaphore, #tpu.memory_space<semaphore_mem>>
    %dma_wait3A_1608 = arith.constant 0 : i32
    %dma_wait3A_1609 = arith.constant 0 : i32
    %dma_wait3A_1610 = tpu.memref_slice %arg5[%dma_wait3A_1595, %dma_wait3A_1596, %dma_wait3A_1608, %dma_wait3A_1609] : memref<2x2x25x80xi32, #tpu.memory_space<vmem>> -> memref<1x1x25x80xi32, #tpu.memory_space<vmem>>
    %dma_wait3A_1611 = tpu.memref_squeeze %dma_wait3A_1610 : memref<1x1x25x80xi32, #tpu.memory_space<vmem>> -> memref<25x80xi32, #tpu.memory_space<vmem>>
    %dma_wait3A_1612 = arith.constant 0 : i32
    %dma_wait3A_1613 = arith.constant 0 : i32
    %dma_wait3A_1614 = tpu.memref_slice %arg2[%dma_wait3A_1593, %add3A, %dma_wait3A_1594, %dma_wait3A_1612, %dma_wait3A_1613] : memref<2x32x5x25x80xi32, #tpu.memory_space<hbm>> -> memref<1x1x1x25x80xi32, #tpu.memory_space<hbm>>
    %dma_wait3A_1615 = tpu.memref_squeeze %dma_wait3A_1614 : memref<1x1x1x25x80xi32, #tpu.memory_space<hbm>> -> memref<25x80xi32, #tpu.memory_space<hbm>>
    tpu.wait_dma2 semaphore(%dma_wait3A_1607 : memref<!tpu.dma_semaphore, #tpu.memory_space<semaphore_mem>>) src(%dma_wait3A_1615 : memref<25x80xi32, #tpu.memory_space<hbm>>) dst(%dma_wait3A_1611 : memref<25x80xi32, #tpu.memory_space<vmem>>)
    %dma_start3A_1616 = arith.constant 0 : i32
    %dma_start3A_1617 = arith.constant 0 : i32
    %dma_start3A_1618 = arith.constant 0 : i32
    %dma_start3A_1619 = arith.constant 0 : i32
    %dma_start3A_1620 = arith.constant 0 : i32
    %dma_start3A_1621 = arith.constant 0 : i32
    %dma_start3A_1622 = arith.constant 0 : i32
    %dma_start3A_1623 = tpu.memref_slice %arg6[%dma_start3A_1619, %dma_start3A_1621, %dma_start3A_1622] : memref<3x80x128xf32, #tpu.memory_space<vmem>> -> memref<1x80x128xf32, #tpu.memory_space<vmem>>
    %dma_start3A_1624 = tpu.memref_squeeze %dma_start3A_1623 : memref<1x80x128xf32, #tpu.memory_space<vmem>> -> memref<80x128xf32, #tpu.memory_space<vmem>>
    %dma_start3A_1625 = arith.constant 0 : i32
    %dma_start3A_1626 = tpu.memref_slice %arg5[%dma_start3A_1616, %dma_start3A_1617, %dma_start3A_1618, %dma_start3A_1625] : memref<2x2x25x80xi32, #tpu.memory_space<vmem>> -> memref<1x1x1x80xi32, #tpu.memory_space<vmem>>
    %dma_start3A_1627 = tpu.memref_squeeze %dma_start3A_1626 : memref<1x1x1x80xi32, #tpu.memory_space<vmem>> -> memref<80xi32, #tpu.memory_space<vmem>>
    %dma_start3A_1628 = arith.constant 0 : i32
    %dma_start3A_1629 = arith.constant 0 : i32
    %dma_start3A_1630 = tpu.memref_slice %arg3[%dma_start3A_1628, %dma_start3A_1629] : memref<10000x128xf32, #tpu.memory_space<hbm>> -> memref<10000x128xf32, #tpu.memory_space<hbm>>
    %dma_start3A_1631 = tpu.memref_slice %arg8[%dma_start3A_1620] : memref<3x!tpu.dma_semaphore, #tpu.memory_space<semaphore_mem>> -> memref<1x!tpu.dma_semaphore, #tpu.memory_space<semaphore_mem>>
    %dma_start3A_1632 = tpu.memref_squeeze %dma_start3A_1631 : memref<1x!tpu.dma_semaphore, #tpu.memory_space<semaphore_mem>> -> memref<!tpu.dma_semaphore, #tpu.memory_space<semaphore_mem>>
    tpu.enqueue_indirect_dma source(%dma_start3A_1630 : memref<10000x128xf32, #tpu.memory_space<hbm>>) target(%dma_start3A_1624 : memref<80x128xf32, #tpu.memory_space<vmem>>) offsets(%dma_start3A_1627 : memref<80xi32, #tpu.memory_space<vmem>>) semaphore(%dma_start3A_1632 : memref<!tpu.dma_semaphore, #tpu.memory_space<semaphore_mem>>)
    %dma_start3A_1633 = arith.constant 0 : i32
    %dma_start3A_1634 = arith.constant 0 : i32
    %dma_start3A_1635 = arith.constant 1 : i32
    %dma_start3A_1636 = arith.constant 1 : i32
    %dma_start3A_1637 = arith.constant 1 : i32
    %dma_start3A_1638 = arith.constant 0 : i32
    %dma_start3A_1639 = arith.constant 0 : i32
    %dma_start3A_1640 = tpu.memref_slice %arg6[%dma_start3A_1636, %dma_start3A_1638, %dma_start3A_1639] : memref<3x80x128xf32, #tpu.memory_space<vmem>> -> memref<1x80x128xf32, #tpu.memory_space<vmem>>
    %dma_start3A_1641 = tpu.memref_squeeze %dma_start3A_1640 : memref<1x80x128xf32, #tpu.memory_space<vmem>> -> memref<80x128xf32, #tpu.memory_space<vmem>>
    %dma_start3A_1642 = arith.constant 0 : i32
    %dma_start3A_1643 = tpu.memref_slice %arg5[%dma_start3A_1633, %dma_start3A_1634, %dma_start3A_1635, %dma_start3A_1642] : memref<2x2x25x80xi32, #tpu.memory_space<vmem>> -> memref<1x1x1x80xi32, #tpu.memory_space<vmem>>
    %dma_start3A_1644 = tpu.memref_squeeze %dma_start3A_1643 : memref<1x1x1x80xi32, #tpu.memory_space<vmem>> -> memref<80xi32, #tpu.memory_space<vmem>>
    %dma_start3A_1645 = arith.constant 0 : i32
    %dma_start3A_1646 = arith.constant 0 : i32
    %dma_start3A_1647 = tpu.memref_slice %arg3[%dma_start3A_1645, %dma_start3A_1646] : memref<10000x128xf32, #tpu.memory_space<hbm>> -> memref<10000x128xf32, #tpu.memory_space<hbm>>
    %dma_start3A_1648 = tpu.memref_slice %arg8[%dma_start3A_1637] : memref<3x!tpu.dma_semaphore, #tpu.memory_space<semaphore_mem>> -> memref<1x!tpu.dma_semaphore, #tpu.memory_space<semaphore_mem>>
    %dma_start3A_1649 = tpu.memref_squeeze %dma_start3A_1648 : memref<1x!tpu.dma_semaphore, #tpu.memory_space<semaphore_mem>> -> memref<!tpu.dma_semaphore, #tpu.memory_space<semaphore_mem>>
    tpu.enqueue_indirect_dma source(%dma_start3A_1647 : memref<10000x128xf32, #tpu.memory_space<hbm>>) target(%dma_start3A_1641 : memref<80x128xf32, #tpu.memory_space<vmem>>) offsets(%dma_start3A_1644 : memref<80xi32, #tpu.memory_space<vmem>>) semaphore(%dma_start3A_1649 : memref<!tpu.dma_semaphore, #tpu.memory_space<semaphore_mem>>)
    %dma_start3A_1650 = arith.constant 0 : i32
    %dma_start3A_1651 = arith.constant 0 : i32
    %dma_start3A_1652 = arith.constant 2 : i32
    %dma_start3A_1653 = arith.constant 2 : i32
    %dma_start3A_1654 = arith.constant 2 : i32
    %dma_start3A_1655 = arith.constant 0 : i32
    %dma_start3A_1656 = arith.constant 0 : i32
    %dma_start3A_1657 = tpu.memref_slice %arg6[%dma_start3A_1653, %dma_start3A_1655, %dma_start3A_1656] : memref<3x80x128xf32, #tpu.memory_space<vmem>> -> memref<1x80x128xf32, #tpu.memory_space<vmem>>
    %dma_start3A_1658 = tpu.memref_squeeze %dma_start3A_1657 : memref<1x80x128xf32, #tpu.memory_space<vmem>> -> memref<80x128xf32, #tpu.memory_space<vmem>>
    %dma_start3A_1659 = arith.constant 0 : i32
    %dma_start3A_1660 = tpu.memref_slice %arg5[%dma_start3A_1650, %dma_start3A_1651, %dma_start3A_1652, %dma_start3A_1659] : memref<2x2x25x80xi32, #tpu.memory_space<vmem>> -> memref<1x1x1x80xi32, #tpu.memory_space<vmem>>
    %dma_start3A_1661 = tpu.memref_squeeze %dma_start3A_1660 : memref<1x1x1x80xi32, #tpu.memory_space<vmem>> -> memref<80xi32, #tpu.memory_space<vmem>>
    %dma_start3A_1662 = arith.constant 0 : i32
    %dma_start3A_1663 = arith.constant 0 : i32
    %dma_start3A_1664 = tpu.memref_slice %arg3[%dma_start3A_1662, %dma_start3A_1663] : memref<10000x128xf32, #tpu.memory_space<hbm>> -> memref<10000x128xf32, #tpu.memory_space<hbm>>
    %dma_start3A_1665 = tpu.memref_slice %arg8[%dma_start3A_1654] : memref<3x!tpu.dma_semaphore, #tpu.memory_space<semaphore_mem>> -> memref<1x!tpu.dma_semaphore, #tpu.memory_space<semaphore_mem>>
    %dma_start3A_1666 = tpu.memref_squeeze %dma_start3A_1665 : memref<1x!tpu.dma_semaphore, #tpu.memory_space<semaphore_mem>> -> memref<!tpu.dma_semaphore, #tpu.memory_space<semaphore_mem>>
    tpu.enqueue_indirect_dma source(%dma_start3A_1664 : memref<10000x128xf32, #tpu.memory_space<hbm>>) target(%dma_start3A_1658 : memref<80x128xf32, #tpu.memory_space<vmem>>) offsets(%dma_start3A_1661 : memref<80xi32, #tpu.memory_space<vmem>>) semaphore(%dma_start3A_1666 : memref<!tpu.dma_semaphore, #tpu.memory_space<semaphore_mem>>)
    %scan3A_1667 = arith.constant 0 : i32
    %scan3A_1668 = arith.constant 0 : i32
    %scan3A_1669 = arith.constant 7 : i32
    %scan3A_1670 = arith.addi %scan3A_1668, %scan3A_1669 : i32
    %scan3A_1671 = arith.constant 1 : i32
    scf.for %scan3A_1899 = %scan3A_1668 to %scan3A_1670 step %scan3A_1671  : i32 {
      %mul3A_1900 = arith.constant 3 : i32
      %mul3A_1901 = arith.muli %scan3A_1899, %mul3A_1900 : i32
      %dma_wait3A_1902 = arith.constant 0 : i32
      %dma_wait3A_1903 = arith.constant 0 : i32
      %dma_wait3A_1904 = arith.constant 0 : i32
      %dma_wait3A_1905 = arith.constant 0 : i32
      %dma_wait3A_1906 = arith.constant 0 : i32
      %dma_wait3A_1907 = arith.constant 0 : i32
      %dma_wait3A_1908 = arith.constant 0 : i32
      %dma_wait3A_1909 = tpu.memref_slice %arg6[%dma_wait3A_1905, %dma_wait3A_1907, %dma_wait3A_1908] : memref<3x80x128xf32, #tpu.memory_space<vmem>> -> memref<1x80x128xf32, #tpu.memory_space<vmem>>
      %dma_wait3A_1910 = tpu.memref_squeeze %dma_wait3A_1909 : memref<1x80x128xf32, #tpu.memory_space<vmem>> -> memref<80x128xf32, #tpu.memory_space<vmem>>
      %dma_wait3A_1911 = arith.constant 0 : i32
      %dma_wait3A_1912 = tpu.memref_slice %arg5[%dma_wait3A_1902, %dma_wait3A_1903, %dma_wait3A_1904, %dma_wait3A_1911] : memref<2x2x25x80xi32, #tpu.memory_space<vmem>> -> memref<1x1x1x80xi32, #tpu.memory_space<vmem>>
      %dma_wait3A_1913 = tpu.memref_squeeze %dma_wait3A_1912 : memref<1x1x1x80xi32, #tpu.memory_space<vmem>> -> memref<80xi32, #tpu.memory_space<vmem>>
      %dma_wait3A_1914 = arith.constant 0 : i32
      %dma_wait3A_1915 = arith.constant 0 : i32
      %dma_wait3A_1916 = tpu.memref_slice %arg3[%dma_wait3A_1914, %dma_wait3A_1915] : memref<10000x128xf32, #tpu.memory_space<hbm>> -> memref<10000x128xf32, #tpu.memory_space<hbm>>
      %dma_wait3A_1917 = tpu.memref_slice %arg8[%dma_wait3A_1906] : memref<3x!tpu.dma_semaphore, #tpu.memory_space<semaphore_mem>> -> memref<1x!tpu.dma_semaphore, #tpu.memory_space<semaphore_mem>>
      %dma_wait3A_1918 = tpu.memref_squeeze %dma_wait3A_1917 : memref<1x!tpu.dma_semaphore, #tpu.memory_space<semaphore_mem>> -> memref<!tpu.dma_semaphore, #tpu.memory_space<semaphore_mem>>
      tpu.wait_indirect_dma semaphore(%dma_wait3A_1918 : memref<!tpu.dma_semaphore, #tpu.memory_space<semaphore_mem>>) src(%dma_wait3A_1916 : memref<10000x128xf32, #tpu.memory_space<hbm>>) dst(%dma_wait3A_1910 : memref<80x128xf32, #tpu.memory_space<vmem>>)
      %add3A_1919 = arith.constant 0 : i32
      %add3A_1920 = arith.addi %mul3A_1901, %add3A_1919 : i32
      %dma_start3A_1921 = arith.constant 0 : i32
      %dma_start3A_1922 = arith.constant 0 : i32
      %dma_start3A_1923 = arith.constant 1 : i32
      %dma_start3A_1924 = arith.constant 0 : i32
      %dma_start3A_1925 = arith.constant 0 : i32
      %dma_start3A_1926 = arith.constant 0 : i32
      %dma_start3A_1927 = tpu.memref_slice %arg6[%dma_start3A_1921, %dma_start3A_1925, %dma_start3A_1926] : memref<3x80x128xf32, #tpu.memory_space<vmem>> -> memref<1x80x128xf32, #tpu.memory_space<vmem>>
      %dma_start3A_1928 = tpu.memref_squeeze %dma_start3A_1927 : memref<1x80x128xf32, #tpu.memory_space<vmem>> -> memref<80x128xf32, #tpu.memory_space<vmem>>
      %dma_start3A_1929 = arith.constant 0 : i32
      %dma_start3A_1930 = tpu.memref_slice %arg5[%dma_start3A_1922, %dma_start3A_1923, %add3A_1920, %dma_start3A_1929] : memref<2x2x25x80xi32, #tpu.memory_space<vmem>> -> memref<1x1x1x80xi32, #tpu.memory_space<vmem>>
      %dma_start3A_1931 = tpu.memref_squeeze %dma_start3A_1930 : memref<1x1x1x80xi32, #tpu.memory_space<vmem>> -> memref<80xi32, #tpu.memory_space<vmem>>
      %dma_start3A_1932 = arith.constant 0 : i32
      %dma_start3A_1933 = arith.constant 0 : i32
      %dma_start3A_1934 = tpu.memref_slice %arg7[%dma_start3A_1932, %dma_start3A_1933] : memref<10112x128xf32, #tpu.memory_space<vmem_shared>> -> memref<10112x128xf32, #tpu.memory_space<vmem_shared>>
      %dma_start3A_1935 = tpu.memref_slice %arg9[%dma_start3A_1924] : memref<3x!tpu.dma_semaphore, #tpu.memory_space<semaphore_mem>> -> memref<1x!tpu.dma_semaphore, #tpu.memory_space<semaphore_mem>>
      %dma_start3A_1936 = tpu.memref_squeeze %dma_start3A_1935 : memref<1x!tpu.dma_semaphore, #tpu.memory_space<semaphore_mem>> -> memref<!tpu.dma_semaphore, #tpu.memory_space<semaphore_mem>>
      tpu.enqueue_indirect_dma source(%dma_start3A_1928 : memref<80x128xf32, #tpu.memory_space<vmem>>) target(%dma_start3A_1934 : memref<10112x128xf32, #tpu.memory_space<vmem_shared>>) offsets(%dma_start3A_1931 : memref<80xi32, #tpu.memory_space<vmem>>) semaphore(%dma_start3A_1936 : memref<!tpu.dma_semaphore, #tpu.memory_space<semaphore_mem>>) {add = true}
      %dma_wait3A_1937 = arith.constant 0 : i32
      %dma_wait3A_1938 = arith.constant 0 : i32
      %dma_wait3A_1939 = arith.constant 0 : i32
      %dma_wait3A_1940 = arith.constant 1 : i32
      %dma_wait3A_1941 = arith.constant 1 : i32
      %dma_wait3A_1942 = arith.constant 0 : i32
      %dma_wait3A_1943 = arith.constant 0 : i32
      %dma_wait3A_1944 = tpu.memref_slice %arg6[%dma_wait3A_1940, %dma_wait3A_1942, %dma_wait3A_1943] : memref<3x80x128xf32, #tpu.memory_space<vmem>> -> memref<1x80x128xf32, #tpu.memory_space<vmem>>
      %dma_wait3A_1945 = tpu.memref_squeeze %dma_wait3A_1944 : memref<1x80x128xf32, #tpu.memory_space<vmem>> -> memref<80x128xf32, #tpu.memory_space<vmem>>
      %dma_wait3A_1946 = arith.constant 0 : i32
      %dma_wait3A_1947 = tpu.memref_slice %arg5[%dma_wait3A_1937, %dma_wait3A_1938, %dma_wait3A_1939, %dma_wait3A_1946] : memref<2x2x25x80xi32, #tpu.memory_space<vmem>> -> memref<1x1x1x80xi32, #tpu.memory_space<vmem>>
      %dma_wait3A_1948 = tpu.memref_squeeze %dma_wait3A_1947 : memref<1x1x1x80xi32, #tpu.memory_space<vmem>> -> memref<80xi32, #tpu.memory_space<vmem>>
      %dma_wait3A_1949 = arith.constant 0 : i32
      %dma_wait3A_1950 = arith.constant 0 : i32
      %dma_wait3A_1951 = tpu.memref_slice %arg3[%dma_wait3A_1949, %dma_wait3A_1950] : memref<10000x128xf32, #tpu.memory_space<hbm>> -> memref<10000x128xf32, #tpu.memory_space<hbm>>
      %dma_wait3A_1952 = tpu.memref_slice %arg8[%dma_wait3A_1941] : memref<3x!tpu.dma_semaphore, #tpu.memory_space<semaphore_mem>> -> memref<1x!tpu.dma_semaphore, #tpu.memory_space<semaphore_mem>>
      %dma_wait3A_1953 = tpu.memref_squeeze %dma_wait3A_1952 : memref<1x!tpu.dma_semaphore, #tpu.memory_space<semaphore_mem>> -> memref<!tpu.dma_semaphore, #tpu.memory_space<semaphore_mem>>
      tpu.wait_indirect_dma semaphore(%dma_wait3A_1953 : memref<!tpu.dma_semaphore, #tpu.memory_space<semaphore_mem>>) src(%dma_wait3A_1951 : memref<10000x128xf32, #tpu.memory_space<hbm>>) dst(%dma_wait3A_1945 : memref<80x128xf32, #tpu.memory_space<vmem>>)
      %add3A_1954 = arith.constant 1 : i32
      %add3A_1955 = arith.addi %mul3A_1901, %add3A_1954 : i32
      %dma_start3A_1956 = arith.constant 1 : i32
      %dma_start3A_1957 = arith.constant 0 : i32
      %dma_start3A_1958 = arith.constant 1 : i32
      %dma_start3A_1959 = arith.constant 1 : i32
      %dma_start3A_1960 = arith.constant 0 : i32
      %dma_start3A_1961 = arith.constant 0 : i32
      %dma_start3A_1962 = tpu.memref_slice %arg6[%dma_start3A_1956, %dma_start3A_1960, %dma_start3A_1961] : memref<3x80x128xf32, #tpu.memory_space<vmem>> -> memref<1x80x128xf32, #tpu.memory_space<vmem>>
      %dma_start3A_1963 = tpu.memref_squeeze %dma_start3A_1962 : memref<1x80x128xf32, #tpu.memory_space<vmem>> -> memref<80x128xf32, #tpu.memory_space<vmem>>
      %dma_start3A_1964 = arith.constant 0 : i32
      %dma_start3A_1965 = tpu.memref_slice %arg5[%dma_start3A_1957, %dma_start3A_1958, %add3A_1955, %dma_start3A_1964] : memref<2x2x25x80xi32, #tpu.memory_space<vmem>> -> memref<1x1x1x80xi32, #tpu.memory_space<vmem>>
      %dma_start3A_1966 = tpu.memref_squeeze %dma_start3A_1965 : memref<1x1x1x80xi32, #tpu.memory_space<vmem>> -> memref<80xi32, #tpu.memory_space<vmem>>
      %dma_start3A_1967 = arith.constant 0 : i32
      %dma_start3A_1968 = arith.constant 0 : i32
      %dma_start3A_1969 = tpu.memref_slice %arg7[%dma_start3A_1967, %dma_start3A_1968] : memref<10112x128xf32, #tpu.memory_space<vmem_shared>> -> memref<10112x128xf32, #tpu.memory_space<vmem_shared>>
      %dma_start3A_1970 = tpu.memref_slice %arg9[%dma_start3A_1959] : memref<3x!tpu.dma_semaphore, #tpu.memory_space<semaphore_mem>> -> memref<1x!tpu.dma_semaphore, #tpu.memory_space<semaphore_mem>>
      %dma_start3A_1971 = tpu.memref_squeeze %dma_start3A_1970 : memref<1x!tpu.dma_semaphore, #tpu.memory_space<semaphore_mem>> -> memref<!tpu.dma_semaphore, #tpu.memory_space<semaphore_mem>>
      tpu.enqueue_indirect_dma source(%dma_start3A_1963 : memref<80x128xf32, #tpu.memory_space<vmem>>) target(%dma_start3A_1969 : memref<10112x128xf32, #tpu.memory_space<vmem_shared>>) offsets(%dma_start3A_1966 : memref<80xi32, #tpu.memory_space<vmem>>) semaphore(%dma_start3A_1971 : memref<!tpu.dma_semaphore, #tpu.memory_space<semaphore_mem>>) {add = true}
      %dma_wait3A_1972 = arith.constant 0 : i32
      %dma_wait3A_1973 = arith.constant 0 : i32
      %dma_wait3A_1974 = arith.constant 0 : i32
      %dma_wait3A_1975 = arith.constant 2 : i32
      %dma_wait3A_1976 = arith.constant 2 : i32
      %dma_wait3A_1977 = arith.constant 0 : i32
      %dma_wait3A_1978 = arith.constant 0 : i32
      %dma_wait3A_1979 = tpu.memref_slice %arg6[%dma_wait3A_1975, %dma_wait3A_1977, %dma_wait3A_1978] : memref<3x80x128xf32, #tpu.memory_space<vmem>> -> memref<1x80x128xf32, #tpu.memory_space<vmem>>
      %dma_wait3A_1980 = tpu.memref_squeeze %dma_wait3A_1979 : memref<1x80x128xf32, #tpu.memory_space<vmem>> -> memref<80x128xf32, #tpu.memory_space<vmem>>
      %dma_wait3A_1981 = arith.constant 0 : i32
      %dma_wait3A_1982 = tpu.memref_slice %arg5[%dma_wait3A_1972, %dma_wait3A_1973, %dma_wait3A_1974, %dma_wait3A_1981] : memref<2x2x25x80xi32, #tpu.memory_space<vmem>> -> memref<1x1x1x80xi32, #tpu.memory_space<vmem>>
      %dma_wait3A_1983 = tpu.memref_squeeze %dma_wait3A_1982 : memref<1x1x1x80xi32, #tpu.memory_space<vmem>> -> memref<80xi32, #tpu.memory_space<vmem>>
      %dma_wait3A_1984 = arith.constant 0 : i32
      %dma_wait3A_1985 = arith.constant 0 : i32
      %dma_wait3A_1986 = tpu.memref_slice %arg3[%dma_wait3A_1984, %dma_wait3A_1985] : memref<10000x128xf32, #tpu.memory_space<hbm>> -> memref<10000x128xf32, #tpu.memory_space<hbm>>
      %dma_wait3A_1987 = tpu.memref_slice %arg8[%dma_wait3A_1976] : memref<3x!tpu.dma_semaphore, #tpu.memory_space<semaphore_mem>> -> memref<1x!tpu.dma_semaphore, #tpu.memory_space<semaphore_mem>>
      %dma_wait3A_1988 = tpu.memref_squeeze %dma_wait3A_1987 : memref<1x!tpu.dma_semaphore, #tpu.memory_space<semaphore_mem>> -> memref<!tpu.dma_semaphore, #tpu.memory_space<semaphore_mem>>
      tpu.wait_indirect_dma semaphore(%dma_wait3A_1988 : memref<!tpu.dma_semaphore, #tpu.memory_space<semaphore_mem>>) src(%dma_wait3A_1986 : memref<10000x128xf32, #tpu.memory_space<hbm>>) dst(%dma_wait3A_1980 : memref<80x128xf32, #tpu.memory_space<vmem>>)
      %add3A_1989 = arith.constant 2 : i32
      %add3A_1990 = arith.addi %mul3A_1901, %add3A_1989 : i32
      %dma_start3A_1991 = arith.constant 2 : i32
      %dma_start3A_1992 = arith.constant 0 : i32
      %dma_start3A_1993 = arith.constant 1 : i32
      %dma_start3A_1994 = arith.constant 2 : i32
      %dma_start3A_1995 = arith.constant 0 : i32
      %dma_start3A_1996 = arith.constant 0 : i32
      %dma_start3A_1997 = tpu.memref_slice %arg6[%dma_start3A_1991, %dma_start3A_1995, %dma_start3A_1996] : memref<3x80x128xf32, #tpu.memory_space<vmem>> -> memref<1x80x128xf32, #tpu.memory_space<vmem>>
      %dma_start3A_1998 = tpu.memref_squeeze %dma_start3A_1997 : memref<1x80x128xf32, #tpu.memory_space<vmem>> -> memref<80x128xf32, #tpu.memory_space<vmem>>
      %dma_start3A_1999 = arith.constant 0 : i32
      %dma_start3A_2000 = tpu.memref_slice %arg5[%dma_start3A_1992, %dma_start3A_1993, %add3A_1990, %dma_start3A_1999] : memref<2x2x25x80xi32, #tpu.memory_space<vmem>> -> memref<1x1x1x80xi32, #tpu.memory_space<vmem>>
      %dma_start3A_2001 = tpu.memref_squeeze %dma_start3A_2000 : memref<1x1x1x80xi32, #tpu.memory_space<vmem>> -> memref<80xi32, #tpu.memory_space<vmem>>
      %dma_start3A_2002 = arith.constant 0 : i32
      %dma_start3A_2003 = arith.constant 0 : i32
      %dma_start3A_2004 = tpu.memref_slice %arg7[%dma_start3A_2002, %dma_start3A_2003] : memref<10112x128xf32, #tpu.memory_space<vmem_shared>> -> memref<10112x128xf32, #tpu.memory_space<vmem_shared>>
      %dma_start3A_2005 = tpu.memref_slice %arg9[%dma_start3A_1994] : memref<3x!tpu.dma_semaphore, #tpu.memory_space<semaphore_mem>> -> memref<1x!tpu.dma_semaphore, #tpu.memory_space<semaphore_mem>>
      %dma_start3A_2006 = tpu.memref_squeeze %dma_start3A_2005 : memref<1x!tpu.dma_semaphore, #tpu.memory_space<semaphore_mem>> -> memref<!tpu.dma_semaphore, #tpu.memory_space<semaphore_mem>>
      tpu.enqueue_indirect_dma source(%dma_start3A_1998 : memref<80x128xf32, #tpu.memory_space<vmem>>) target(%dma_start3A_2004 : memref<10112x128xf32, #tpu.memory_space<vmem_shared>>) offsets(%dma_start3A_2001 : memref<80xi32, #tpu.memory_space<vmem>>) semaphore(%dma_start3A_2006 : memref<!tpu.dma_semaphore, #tpu.memory_space<semaphore_mem>>) {add = true}
      %dma_wait3A_2007 = arith.constant 0 : i32
      %dma_wait3A_2008 = arith.constant 0 : i32
      %dma_wait3A_2009 = arith.constant 1 : i32
      %dma_wait3A_2010 = arith.constant 0 : i32
      %dma_wait3A_2011 = arith.constant 0 : i32
      %dma_wait3A_2012 = arith.constant 0 : i32
      %dma_wait3A_2013 = arith.constant 0 : i32
      %dma_wait3A_2014 = tpu.memref_slice %arg6[%dma_wait3A_2007, %dma_wait3A_2012, %dma_wait3A_2013] : memref<3x80x128xf32, #tpu.memory_space<vmem>> -> memref<1x80x128xf32, #tpu.memory_space<vmem>>
      %dma_wait3A_2015 = tpu.memref_squeeze %dma_wait3A_2014 : memref<1x80x128xf32, #tpu.memory_space<vmem>> -> memref<80x128xf32, #tpu.memory_space<vmem>>
      %dma_wait3A_2016 = arith.constant 0 : i32
      %dma_wait3A_2017 = tpu.memref_slice %arg5[%dma_wait3A_2008, %dma_wait3A_2009, %dma_wait3A_2010, %dma_wait3A_2016] : memref<2x2x25x80xi32, #tpu.memory_space<vmem>> -> memref<1x1x1x80xi32, #tpu.memory_space<vmem>>
      %dma_wait3A_2018 = tpu.memref_squeeze %dma_wait3A_2017 : memref<1x1x1x80xi32, #tpu.memory_space<vmem>> -> memref<80xi32, #tpu.memory_space<vmem>>
      %dma_wait3A_2019 = arith.constant 0 : i32
      %dma_wait3A_2020 = arith.constant 0 : i32
      %dma_wait3A_2021 = tpu.memref_slice %arg7[%dma_wait3A_2019, %dma_wait3A_2020] : memref<10112x128xf32, #tpu.memory_space<vmem_shared>> -> memref<10112x128xf32, #tpu.memory_space<vmem_shared>>
      %dma_wait3A_2022 = tpu.memref_slice %arg9[%dma_wait3A_2011] : memref<3x!tpu.dma_semaphore, #tpu.memory_space<semaphore_mem>> -> memref<1x!tpu.dma_semaphore, #tpu.memory_space<semaphore_mem>>
      %dma_wait3A_2023 = tpu.memref_squeeze %dma_wait3A_2022 : memref<1x!tpu.dma_semaphore, #tpu.memory_space<semaphore_mem>> -> memref<!tpu.dma_semaphore, #tpu.memory_space<semaphore_mem>>
      tpu.wait_indirect_dma semaphore(%dma_wait3A_2023 : memref<!tpu.dma_semaphore, #tpu.memory_space<semaphore_mem>>) src(%dma_wait3A_2015 : memref<80x128xf32, #tpu.memory_space<vmem>>) dst(%dma_wait3A_2021 : memref<10112x128xf32, #tpu.memory_space<vmem_shared>>)
      %add3A_2024 = arith.constant 3 : i32
      %add3A_2025 = arith.addi %mul3A_1901, %add3A_2024 : i32
      %add3A_2026 = arith.constant 0 : i32
      %add3A_2027 = arith.addi %add3A_2025, %add3A_2026 : i32
      %dma_start3A_2028 = arith.constant 0 : i32
      %dma_start3A_2029 = arith.constant 0 : i32
      %dma_start3A_2030 = arith.constant 0 : i32
      %dma_start3A_2031 = arith.constant 0 : i32
      %dma_start3A_2032 = arith.constant 0 : i32
      %dma_start3A_2033 = arith.constant 0 : i32
      %dma_start3A_2034 = tpu.memref_slice %arg6[%dma_start3A_2030, %dma_start3A_2032, %dma_start3A_2033] : memref<3x80x128xf32, #tpu.memory_space<vmem>> -> memref<1x80x128xf32, #tpu.memory_space<vmem>>
      %dma_start3A_2035 = tpu.memref_squeeze %dma_start3A_2034 : memref<1x80x128xf32, #tpu.memory_space<vmem>> -> memref<80x128xf32, #tpu.memory_space<vmem>>
      %dma_start3A_2036 = arith.constant 0 : i32
      %dma_start3A_2037 = tpu.memref_slice %arg5[%dma_start3A_2028, %dma_start3A_2029, %add3A_2027, %dma_start3A_2036] : memref<2x2x25x80xi32, #tpu.memory_space<vmem>> -> memref<1x1x1x80xi32, #tpu.memory_space<vmem>>
      %dma_start3A_2038 = tpu.memref_squeeze %dma_start3A_2037 : memref<1x1x1x80xi32, #tpu.memory_space<vmem>> -> memref<80xi32, #tpu.memory_space<vmem>>
      %dma_start3A_2039 = arith.constant 0 : i32
      %dma_start3A_2040 = arith.constant 0 : i32
      %dma_start3A_2041 = tpu.memref_slice %arg3[%dma_start3A_2039, %dma_start3A_2040] : memref<10000x128xf32, #tpu.memory_space<hbm>> -> memref<10000x128xf32, #tpu.memory_space<hbm>>
      %dma_start3A_2042 = tpu.memref_slice %arg8[%dma_start3A_2031] : memref<3x!tpu.dma_semaphore, #tpu.memory_space<semaphore_mem>> -> memref<1x!tpu.dma_semaphore, #tpu.memory_space<semaphore_mem>>
      %dma_start3A_2043 = tpu.memref_squeeze %dma_start3A_2042 : memref<1x!tpu.dma_semaphore, #tpu.memory_space<semaphore_mem>> -> memref<!tpu.dma_semaphore, #tpu.memory_space<semaphore_mem>>
      tpu.enqueue_indirect_dma source(%dma_start3A_2041 : memref<10000x128xf32, #tpu.memory_space<hbm>>) target(%dma_start3A_2035 : memref<80x128xf32, #tpu.memory_space<vmem>>) offsets(%dma_start3A_2038 : memref<80xi32, #tpu.memory_space<vmem>>) semaphore(%dma_start3A_2043 : memref<!tpu.dma_semaphore, #tpu.memory_space<semaphore_mem>>)
      %dma_wait3A_2044 = arith.constant 1 : i32
      %dma_wait3A_2045 = arith.constant 0 : i32
      %dma_wait3A_2046 = arith.constant 1 : i32
      %dma_wait3A_2047 = arith.constant 0 : i32
      %dma_wait3A_2048 = arith.constant 1 : i32
      %dma_wait3A_2049 = arith.constant 0 : i32
      %dma_wait3A_2050 = arith.constant 0 : i32
      %dma_wait3A_2051 = tpu.memref_slice %arg6[%dma_wait3A_2044, %dma_wait3A_2049, %dma_wait3A_2050] : memref<3x80x128xf32, #tpu.memory_space<vmem>> -> memref<1x80x128xf32, #tpu.memory_space<vmem>>
      %dma_wait3A_2052 = tpu.memref_squeeze %dma_wait3A_2051 : memref<1x80x128xf32, #tpu.memory_space<vmem>> -> memref<80x128xf32, #tpu.memory_space<vmem>>
      %dma_wait3A_2053 = arith.constant 0 : i32
      %dma_wait3A_2054 = tpu.memref_slice %arg5[%dma_wait3A_2045, %dma_wait3A_2046, %dma_wait3A_2047, %dma_wait3A_2053] : memref<2x2x25x80xi32, #tpu.memory_space<vmem>> -> memref<1x1x1x80xi32, #tpu.memory_space<vmem>>
      %dma_wait3A_2055 = tpu.memref_squeeze %dma_wait3A_2054 : memref<1x1x1x80xi32, #tpu.memory_space<vmem>> -> memref<80xi32, #tpu.memory_space<vmem>>
      %dma_wait3A_2056 = arith.constant 0 : i32
      %dma_wait3A_2057 = arith.constant 0 : i32
      %dma_wait3A_2058 = tpu.memref_slice %arg7[%dma_wait3A_2056, %dma_wait3A_2057] : memref<10112x128xf32, #tpu.memory_space<vmem_shared>> -> memref<10112x128xf32, #tpu.memory_space<vmem_shared>>
      %dma_wait3A_2059 = tpu.memref_slice %arg9[%dma_wait3A_2048] : memref<3x!tpu.dma_semaphore, #tpu.memory_space<semaphore_mem>> -> memref<1x!tpu.dma_semaphore, #tpu.memory_space<semaphore_mem>>
      %dma_wait3A_2060 = tpu.memref_squeeze %dma_wait3A_2059 : memref<1x!tpu.dma_semaphore, #tpu.memory_space<semaphore_mem>> -> memref<!tpu.dma_semaphore, #tpu.memory_space<semaphore_mem>>
      tpu.wait_indirect_dma semaphore(%dma_wait3A_2060 : memref<!tpu.dma_semaphore, #tpu.memory_space<semaphore_mem>>) src(%dma_wait3A_2052 : memref<80x128xf32, #tpu.memory_space<vmem>>) dst(%dma_wait3A_2058 : memref<10112x128xf32, #tpu.memory_space<vmem_shared>>)
      %add3A_2061 = arith.constant 3 : i32
      %add3A_2062 = arith.addi %mul3A_1901, %add3A_2061 : i32
      %add3A_2063 = arith.constant 1 : i32
      %add3A_2064 = arith.addi %add3A_2062, %add3A_2063 : i32
      %dma_start3A_2065 = arith.constant 0 : i32
      %dma_start3A_2066 = arith.constant 0 : i32
      %dma_start3A_2067 = arith.constant 1 : i32
      %dma_start3A_2068 = arith.constant 1 : i32
      %dma_start3A_2069 = arith.constant 0 : i32
      %dma_start3A_2070 = arith.constant 0 : i32
      %dma_start3A_2071 = tpu.memref_slice %arg6[%dma_start3A_2067, %dma_start3A_2069, %dma_start3A_2070] : memref<3x80x128xf32, #tpu.memory_space<vmem>> -> memref<1x80x128xf32, #tpu.memory_space<vmem>>
      %dma_start3A_2072 = tpu.memref_squeeze %dma_start3A_2071 : memref<1x80x128xf32, #tpu.memory_space<vmem>> -> memref<80x128xf32, #tpu.memory_space<vmem>>
      %dma_start3A_2073 = arith.constant 0 : i32
      %dma_start3A_2074 = tpu.memref_slice %arg5[%dma_start3A_2065, %dma_start3A_2066, %add3A_2064, %dma_start3A_2073] : memref<2x2x25x80xi32, #tpu.memory_space<vmem>> -> memref<1x1x1x80xi32, #tpu.memory_space<vmem>>
      %dma_start3A_2075 = tpu.memref_squeeze %dma_start3A_2074 : memref<1x1x1x80xi32, #tpu.memory_space<vmem>> -> memref<80xi32, #tpu.memory_space<vmem>>
      %dma_start3A_2076 = arith.constant 0 : i32
      %dma_start3A_2077 = arith.constant 0 : i32
      %dma_start3A_2078 = tpu.memref_slice %arg3[%dma_start3A_2076, %dma_start3A_2077] : memref<10000x128xf32, #tpu.memory_space<hbm>> -> memref<10000x128xf32, #tpu.memory_space<hbm>>
      %dma_start3A_2079 = tpu.memref_slice %arg8[%dma_start3A_2068] : memref<3x!tpu.dma_semaphore, #tpu.memory_space<semaphore_mem>> -> memref<1x!tpu.dma_semaphore, #tpu.memory_space<semaphore_mem>>
      %dma_start3A_2080 = tpu.memref_squeeze %dma_start3A_2079 : memref<1x!tpu.dma_semaphore, #tpu.memory_space<semaphore_mem>> -> memref<!tpu.dma_semaphore, #tpu.memory_space<semaphore_mem>>
      tpu.enqueue_indirect_dma source(%dma_start3A_2078 : memref<10000x128xf32, #tpu.memory_space<hbm>>) target(%dma_start3A_2072 : memref<80x128xf32, #tpu.memory_space<vmem>>) offsets(%dma_start3A_2075 : memref<80xi32, #tpu.memory_space<vmem>>) semaphore(%dma_start3A_2080 : memref<!tpu.dma_semaphore, #tpu.memory_space<semaphore_mem>>)
      %dma_wait3A_2081 = arith.constant 2 : i32
      %dma_wait3A_2082 = arith.constant 0 : i32
      %dma_wait3A_2083 = arith.constant 1 : i32
      %dma_wait3A_2084 = arith.constant 0 : i32
      %dma_wait3A_2085 = arith.constant 2 : i32
      %dma_wait3A_2086 = arith.constant 0 : i32
      %dma_wait3A_2087 = arith.constant 0 : i32
      %dma_wait3A_2088 = tpu.memref_slice %arg6[%dma_wait3A_2081, %dma_wait3A_2086, %dma_wait3A_2087] : memref<3x80x128xf32, #tpu.memory_space<vmem>> -> memref<1x80x128xf32, #tpu.memory_space<vmem>>
      %dma_wait3A_2089 = tpu.memref_squeeze %dma_wait3A_2088 : memref<1x80x128xf32, #tpu.memory_space<vmem>> -> memref<80x128xf32, #tpu.memory_space<vmem>>
      %dma_wait3A_2090 = arith.constant 0 : i32
      %dma_wait3A_2091 = tpu.memref_slice %arg5[%dma_wait3A_2082, %dma_wait3A_2083, %dma_wait3A_2084, %dma_wait3A_2090] : memref<2x2x25x80xi32, #tpu.memory_space<vmem>> -> memref<1x1x1x80xi32, #tpu.memory_space<vmem>>
      %dma_wait3A_2092 = tpu.memref_squeeze %dma_wait3A_2091 : memref<1x1x1x80xi32, #tpu.memory_space<vmem>> -> memref<80xi32, #tpu.memory_space<vmem>>
      %dma_wait3A_2093 = arith.constant 0 : i32
      %dma_wait3A_2094 = arith.constant 0 : i32
      %dma_wait3A_2095 = tpu.memref_slice %arg7[%dma_wait3A_2093, %dma_wait3A_2094] : memref<10112x128xf32, #tpu.memory_space<vmem_shared>> -> memref<10112x128xf32, #tpu.memory_space<vmem_shared>>
      %dma_wait3A_2096 = tpu.memref_slice %arg9[%dma_wait3A_2085] : memref<3x!tpu.dma_semaphore, #tpu.memory_space<semaphore_mem>> -> memref<1x!tpu.dma_semaphore, #tpu.memory_space<semaphore_mem>>
      %dma_wait3A_2097 = tpu.memref_squeeze %dma_wait3A_2096 : memref<1x!tpu.dma_semaphore, #tpu.memory_space<semaphore_mem>> -> memref<!tpu.dma_semaphore, #tpu.memory_space<semaphore_mem>>
      tpu.wait_indirect_dma semaphore(%dma_wait3A_2097 : memref<!tpu.dma_semaphore, #tpu.memory_space<semaphore_mem>>) src(%dma_wait3A_2089 : memref<80x128xf32, #tpu.memory_space<vmem>>) dst(%dma_wait3A_2095 : memref<10112x128xf32, #tpu.memory_space<vmem_shared>>)
      %add3A_2098 = arith.constant 3 : i32
      %add3A_2099 = arith.addi %mul3A_1901, %add3A_2098 : i32
      %add3A_2100 = arith.constant 2 : i32
      %add3A_2101 = arith.addi %add3A_2099, %add3A_2100 : i32
      %dma_start3A_2102 = arith.constant 0 : i32
      %dma_start3A_2103 = arith.constant 0 : i32
      %dma_start3A_2104 = arith.constant 2 : i32
      %dma_start3A_2105 = arith.constant 2 : i32
      %dma_start3A_2106 = arith.constant 0 : i32
      %dma_start3A_2107 = arith.constant 0 : i32
      %dma_start3A_2108 = tpu.memref_slice %arg6[%dma_start3A_2104, %dma_start3A_2106, %dma_start3A_2107] : memref<3x80x128xf32, #tpu.memory_space<vmem>> -> memref<1x80x128xf32, #tpu.memory_space<vmem>>
      %dma_start3A_2109 = tpu.memref_squeeze %dma_start3A_2108 : memref<1x80x128xf32, #tpu.memory_space<vmem>> -> memref<80x128xf32, #tpu.memory_space<vmem>>
      %dma_start3A_2110 = arith.constant 0 : i32
      %dma_start3A_2111 = tpu.memref_slice %arg5[%dma_start3A_2102, %dma_start3A_2103, %add3A_2101, %dma_start3A_2110] : memref<2x2x25x80xi32, #tpu.memory_space<vmem>> -> memref<1x1x1x80xi32, #tpu.memory_space<vmem>>
      %dma_start3A_2112 = tpu.memref_squeeze %dma_start3A_2111 : memref<1x1x1x80xi32, #tpu.memory_space<vmem>> -> memref<80xi32, #tpu.memory_space<vmem>>
      %dma_start3A_2113 = arith.constant 0 : i32
      %dma_start3A_2114 = arith.constant 0 : i32
      %dma_start3A_2115 = tpu.memref_slice %arg3[%dma_start3A_2113, %dma_start3A_2114] : memref<10000x128xf32, #tpu.memory_space<hbm>> -> memref<10000x128xf32, #tpu.memory_space<hbm>>
      %dma_start3A_2116 = tpu.memref_slice %arg8[%dma_start3A_2105] : memref<3x!tpu.dma_semaphore, #tpu.memory_space<semaphore_mem>> -> memref<1x!tpu.dma_semaphore, #tpu.memory_space<semaphore_mem>>
      %dma_start3A_2117 = tpu.memref_squeeze %dma_start3A_2116 : memref<1x!tpu.dma_semaphore, #tpu.memory_space<semaphore_mem>> -> memref<!tpu.dma_semaphore, #tpu.memory_space<semaphore_mem>>
      tpu.enqueue_indirect_dma source(%dma_start3A_2115 : memref<10000x128xf32, #tpu.memory_space<hbm>>) target(%dma_start3A_2109 : memref<80x128xf32, #tpu.memory_space<vmem>>) offsets(%dma_start3A_2112 : memref<80xi32, #tpu.memory_space<vmem>>) semaphore(%dma_start3A_2117 : memref<!tpu.dma_semaphore, #tpu.memory_space<semaphore_mem>>)
    }
    %scan3A_1672 = arith.constant 7 : i32
    %dma_wait3A_1673 = arith.constant 0 : i32
    %dma_wait3A_1674 = arith.constant 0 : i32
    %dma_wait3A_1675 = arith.constant 0 : i32
    %dma_wait3A_1676 = arith.constant 0 : i32
    %dma_wait3A_1677 = arith.constant 0 : i32
    %dma_wait3A_1678 = arith.constant 0 : i32
    %dma_wait3A_1679 = arith.constant 0 : i32
    %dma_wait3A_1680 = tpu.memref_slice %arg6[%dma_wait3A_1676, %dma_wait3A_1678, %dma_wait3A_1679] : memref<3x80x128xf32, #tpu.memory_space<vmem>> -> memref<1x80x128xf32, #tpu.memory_space<vmem>>
    %dma_wait3A_1681 = tpu.memref_squeeze %dma_wait3A_1680 : memref<1x80x128xf32, #tpu.memory_space<vmem>> -> memref<80x128xf32, #tpu.memory_space<vmem>>
    %dma_wait3A_1682 = arith.constant 0 : i32
    %dma_wait3A_1683 = tpu.memref_slice %arg5[%dma_wait3A_1673, %dma_wait3A_1674, %dma_wait3A_1675, %dma_wait3A_1682] : memref<2x2x25x80xi32, #tpu.memory_space<vmem>> -> memref<1x1x1x80xi32, #tpu.memory_space<vmem>>
    %dma_wait3A_1684 = tpu.memref_squeeze %dma_wait3A_1683 : memref<1x1x1x80xi32, #tpu.memory_space<vmem>> -> memref<80xi32, #tpu.memory_space<vmem>>
    %dma_wait3A_1685 = arith.constant 0 : i32
    %dma_wait3A_1686 = arith.constant 0 : i32
    %dma_wait3A_1687 = tpu.memref_slice %arg3[%dma_wait3A_1685, %dma_wait3A_1686] : memref<10000x128xf32, #tpu.memory_space<hbm>> -> memref<10000x128xf32, #tpu.memory_space<hbm>>
    %dma_wait3A_1688 = tpu.memref_slice %arg8[%dma_wait3A_1677] : memref<3x!tpu.dma_semaphore, #tpu.memory_space<semaphore_mem>> -> memref<1x!tpu.dma_semaphore, #tpu.memory_space<semaphore_mem>>
    %dma_wait3A_1689 = tpu.memref_squeeze %dma_wait3A_1688 : memref<1x!tpu.dma_semaphore, #tpu.memory_space<semaphore_mem>> -> memref<!tpu.dma_semaphore, #tpu.memory_space<semaphore_mem>>
    tpu.wait_indirect_dma semaphore(%dma_wait3A_1689 : memref<!tpu.dma_semaphore, #tpu.memory_space<semaphore_mem>>) src(%dma_wait3A_1687 : memref<10000x128xf32, #tpu.memory_space<hbm>>) dst(%dma_wait3A_1681 : memref<80x128xf32, #tpu.memory_space<vmem>>)
    %dma_start3A_1690 = arith.constant 0 : i32
    %dma_start3A_1691 = arith.constant 0 : i32
    %dma_start3A_1692 = arith.constant 1 : i32
    %dma_start3A_1693 = arith.constant 21 : i32
    %dma_start3A_1694 = arith.constant 0 : i32
    %dma_start3A_1695 = arith.constant 0 : i32
    %dma_start3A_1696 = arith.constant 0 : i32
    %dma_start3A_1697 = tpu.memref_slice %arg6[%dma_start3A_1690, %dma_start3A_1695, %dma_start3A_1696] : memref<3x80x128xf32, #tpu.memory_space<vmem>> -> memref<1x80x128xf32, #tpu.memory_space<vmem>>
    %dma_start3A_1698 = tpu.memref_squeeze %dma_start3A_1697 : memref<1x80x128xf32, #tpu.memory_space<vmem>> -> memref<80x128xf32, #tpu.memory_space<vmem>>
    %dma_start3A_1699 = arith.constant 0 : i32
    %dma_start3A_1700 = tpu.memref_slice %arg5[%dma_start3A_1691, %dma_start3A_1692, %dma_start3A_1693, %dma_start3A_1699] : memref<2x2x25x80xi32, #tpu.memory_space<vmem>> -> memref<1x1x1x80xi32, #tpu.memory_space<vmem>>
    %dma_start3A_1701 = tpu.memref_squeeze %dma_start3A_1700 : memref<1x1x1x80xi32, #tpu.memory_space<vmem>> -> memref<80xi32, #tpu.memory_space<vmem>>
    %dma_start3A_1702 = arith.constant 0 : i32
    %dma_start3A_1703 = arith.constant 0 : i32
    %dma_start3A_1704 = tpu.memref_slice %arg7[%dma_start3A_1702, %dma_start3A_1703] : memref<10112x128xf32, #tpu.memory_space<vmem_shared>> -> memref<10112x128xf32, #tpu.memory_space<vmem_shared>>
    %dma_start3A_1705 = tpu.memref_slice %arg9[%dma_start3A_1694] : memref<3x!tpu.dma_semaphore, #tpu.memory_space<semaphore_mem>> -> memref<1x!tpu.dma_semaphore, #tpu.memory_space<semaphore_mem>>
    %dma_start3A_1706 = tpu.memref_squeeze %dma_start3A_1705 : memref<1x!tpu.dma_semaphore, #tpu.memory_space<semaphore_mem>> -> memref<!tpu.dma_semaphore, #tpu.memory_space<semaphore_mem>>
    tpu.enqueue_indirect_dma source(%dma_start3A_1698 : memref<80x128xf32, #tpu.memory_space<vmem>>) target(%dma_start3A_1704 : memref<10112x128xf32, #tpu.memory_space<vmem_shared>>) offsets(%dma_start3A_1701 : memref<80xi32, #tpu.memory_space<vmem>>) semaphore(%dma_start3A_1706 : memref<!tpu.dma_semaphore, #tpu.memory_space<semaphore_mem>>) {add = true}
    %dma_wait3A_1707 = arith.constant 0 : i32
    %dma_wait3A_1708 = arith.constant 0 : i32
    %dma_wait3A_1709 = arith.constant 0 : i32
    %dma_wait3A_1710 = arith.constant 1 : i32
    %dma_wait3A_1711 = arith.constant 1 : i32
    %dma_wait3A_1712 = arith.constant 0 : i32
    %dma_wait3A_1713 = arith.constant 0 : i32
    %dma_wait3A_1714 = tpu.memref_slice %arg6[%dma_wait3A_1710, %dma_wait3A_1712, %dma_wait3A_1713] : memref<3x80x128xf32, #tpu.memory_space<vmem>> -> memref<1x80x128xf32, #tpu.memory_space<vmem>>
    %dma_wait3A_1715 = tpu.memref_squeeze %dma_wait3A_1714 : memref<1x80x128xf32, #tpu.memory_space<vmem>> -> memref<80x128xf32, #tpu.memory_space<vmem>>
    %dma_wait3A_1716 = arith.constant 0 : i32
    %dma_wait3A_1717 = tpu.memref_slice %arg5[%dma_wait3A_1707, %dma_wait3A_1708, %dma_wait3A_1709, %dma_wait3A_1716] : memref<2x2x25x80xi32, #tpu.memory_space<vmem>> -> memref<1x1x1x80xi32, #tpu.memory_space<vmem>>
    %dma_wait3A_1718 = tpu.memref_squeeze %dma_wait3A_1717 : memref<1x1x1x80xi32, #tpu.memory_space<vmem>> -> memref<80xi32, #tpu.memory_space<vmem>>
    %dma_wait3A_1719 = arith.constant 0 : i32
    %dma_wait3A_1720 = arith.constant 0 : i32
    %dma_wait3A_1721 = tpu.memref_slice %arg3[%dma_wait3A_1719, %dma_wait3A_1720] : memref<10000x128xf32, #tpu.memory_space<hbm>> -> memref<10000x128xf32, #tpu.memory_space<hbm>>
    %dma_wait3A_1722 = tpu.memref_slice %arg8[%dma_wait3A_1711] : memref<3x!tpu.dma_semaphore, #tpu.memory_space<semaphore_mem>> -> memref<1x!tpu.dma_semaphore, #tpu.memory_space<semaphore_mem>>
    %dma_wait3A_1723 = tpu.memref_squeeze %dma_wait3A_1722 : memref<1x!tpu.dma_semaphore, #tpu.memory_space<semaphore_mem>> -> memref<!tpu.dma_semaphore, #tpu.memory_space<semaphore_mem>>
    tpu.wait_indirect_dma semaphore(%dma_wait3A_1723 : memref<!tpu.dma_semaphore, #tpu.memory_space<semaphore_mem>>) src(%dma_wait3A_1721 : memref<10000x128xf32, #tpu.memory_space<hbm>>) dst(%dma_wait3A_1715 : memref<80x128xf32, #tpu.memory_space<vmem>>)
    %dma_start3A_1724 = arith.constant 1 : i32
    %dma_start3A_1725 = arith.constant 0 : i32
    %dma_start3A_1726 = arith.constant 1 : i32
    %dma_start3A_1727 = arith.constant 22 : i32
    %dma_start3A_1728 = arith.constant 1 : i32
    %dma_start3A_1729 = arith.constant 0 : i32
    %dma_start3A_1730 = arith.constant 0 : i32
    %dma_start3A_1731 = tpu.memref_slice %arg6[%dma_start3A_1724, %dma_start3A_1729, %dma_start3A_1730] : memref<3x80x128xf32, #tpu.memory_space<vmem>> -> memref<1x80x128xf32, #tpu.memory_space<vmem>>
    %dma_start3A_1732 = tpu.memref_squeeze %dma_start3A_1731 : memref<1x80x128xf32, #tpu.memory_space<vmem>> -> memref<80x128xf32, #tpu.memory_space<vmem>>
    %dma_start3A_1733 = arith.constant 0 : i32
    %dma_start3A_1734 = tpu.memref_slice %arg5[%dma_start3A_1725, %dma_start3A_1726, %dma_start3A_1727, %dma_start3A_1733] : memref<2x2x25x80xi32, #tpu.memory_space<vmem>> -> memref<1x1x1x80xi32, #tpu.memory_space<vmem>>
    %dma_start3A_1735 = tpu.memref_squeeze %dma_start3A_1734 : memref<1x1x1x80xi32, #tpu.memory_space<vmem>> -> memref<80xi32, #tpu.memory_space<vmem>>
    %dma_start3A_1736 = arith.constant 0 : i32
    %dma_start3A_1737 = arith.constant 0 : i32
    %dma_start3A_1738 = tpu.memref_slice %arg7[%dma_start3A_1736, %dma_start3A_1737] : memref<10112x128xf32, #tpu.memory_space<vmem_shared>> -> memref<10112x128xf32, #tpu.memory_space<vmem_shared>>
    %dma_start3A_1739 = tpu.memref_slice %arg9[%dma_start3A_1728] : memref<3x!tpu.dma_semaphore, #tpu.memory_space<semaphore_mem>> -> memref<1x!tpu.dma_semaphore, #tpu.memory_space<semaphore_mem>>
    %dma_start3A_1740 = tpu.memref_squeeze %dma_start3A_1739 : memref<1x!tpu.dma_semaphore, #tpu.memory_space<semaphore_mem>> -> memref<!tpu.dma_semaphore, #tpu.memory_space<semaphore_mem>>
    tpu.enqueue_indirect_dma source(%dma_start3A_1732 : memref<80x128xf32, #tpu.memory_space<vmem>>) target(%dma_start3A_1738 : memref<10112x128xf32, #tpu.memory_space<vmem_shared>>) offsets(%dma_start3A_1735 : memref<80xi32, #tpu.memory_space<vmem>>) semaphore(%dma_start3A_1740 : memref<!tpu.dma_semaphore, #tpu.memory_space<semaphore_mem>>) {add = true}
    %dma_wait3A_1741 = arith.constant 0 : i32
    %dma_wait3A_1742 = arith.constant 0 : i32
    %dma_wait3A_1743 = arith.constant 0 : i32
    %dma_wait3A_1744 = arith.constant 2 : i32
    %dma_wait3A_1745 = arith.constant 2 : i32
    %dma_wait3A_1746 = arith.constant 0 : i32
    %dma_wait3A_1747 = arith.constant 0 : i32
    %dma_wait3A_1748 = tpu.memref_slice %arg6[%dma_wait3A_1744, %dma_wait3A_1746, %dma_wait3A_1747] : memref<3x80x128xf32, #tpu.memory_space<vmem>> -> memref<1x80x128xf32, #tpu.memory_space<vmem>>
    %dma_wait3A_1749 = tpu.memref_squeeze %dma_wait3A_1748 : memref<1x80x128xf32, #tpu.memory_space<vmem>> -> memref<80x128xf32, #tpu.memory_space<vmem>>
    %dma_wait3A_1750 = arith.constant 0 : i32
    %dma_wait3A_1751 = tpu.memref_slice %arg5[%dma_wait3A_1741, %dma_wait3A_1742, %dma_wait3A_1743, %dma_wait3A_1750] : memref<2x2x25x80xi32, #tpu.memory_space<vmem>> -> memref<1x1x1x80xi32, #tpu.memory_space<vmem>>
    %dma_wait3A_1752 = tpu.memref_squeeze %dma_wait3A_1751 : memref<1x1x1x80xi32, #tpu.memory_space<vmem>> -> memref<80xi32, #tpu.memory_space<vmem>>
    %dma_wait3A_1753 = arith.constant 0 : i32
    %dma_wait3A_1754 = arith.constant 0 : i32
    %dma_wait3A_1755 = tpu.memref_slice %arg3[%dma_wait3A_1753, %dma_wait3A_1754] : memref<10000x128xf32, #tpu.memory_space<hbm>> -> memref<10000x128xf32, #tpu.memory_space<hbm>>
    %dma_wait3A_1756 = tpu.memref_slice %arg8[%dma_wait3A_1745] : memref<3x!tpu.dma_semaphore, #tpu.memory_space<semaphore_mem>> -> memref<1x!tpu.dma_semaphore, #tpu.memory_space<semaphore_mem>>
    %dma_wait3A_1757 = tpu.memref_squeeze %dma_wait3A_1756 : memref<1x!tpu.dma_semaphore, #tpu.memory_space<semaphore_mem>> -> memref<!tpu.dma_semaphore, #tpu.memory_space<semaphore_mem>>
    tpu.wait_indirect_dma semaphore(%dma_wait3A_1757 : memref<!tpu.dma_semaphore, #tpu.memory_space<semaphore_mem>>) src(%dma_wait3A_1755 : memref<10000x128xf32, #tpu.memory_space<hbm>>) dst(%dma_wait3A_1749 : memref<80x128xf32, #tpu.memory_space<vmem>>)
    %dma_start3A_1758 = arith.constant 2 : i32
    %dma_start3A_1759 = arith.constant 0 : i32
    %dma_start3A_1760 = arith.constant 1 : i32
    %dma_start3A_1761 = arith.constant 23 : i32
    %dma_start3A_1762 = arith.constant 2 : i32
    %dma_start3A_1763 = arith.constant 0 : i32
    %dma_start3A_1764 = arith.constant 0 : i32
    %dma_start3A_1765 = tpu.memref_slice %arg6[%dma_start3A_1758, %dma_start3A_1763, %dma_start3A_1764] : memref<3x80x128xf32, #tpu.memory_space<vmem>> -> memref<1x80x128xf32, #tpu.memory_space<vmem>>
    %dma_start3A_1766 = tpu.memref_squeeze %dma_start3A_1765 : memref<1x80x128xf32, #tpu.memory_space<vmem>> -> memref<80x128xf32, #tpu.memory_space<vmem>>
    %dma_start3A_1767 = arith.constant 0 : i32
    %dma_start3A_1768 = tpu.memref_slice %arg5[%dma_start3A_1759, %dma_start3A_1760, %dma_start3A_1761, %dma_start3A_1767] : memref<2x2x25x80xi32, #tpu.memory_space<vmem>> -> memref<1x1x1x80xi32, #tpu.memory_space<vmem>>
    %dma_start3A_1769 = tpu.memref_squeeze %dma_start3A_1768 : memref<1x1x1x80xi32, #tpu.memory_space<vmem>> -> memref<80xi32, #tpu.memory_space<vmem>>
    %dma_start3A_1770 = arith.constant 0 : i32
    %dma_start3A_1771 = arith.constant 0 : i32
    %dma_start3A_1772 = tpu.memref_slice %arg7[%dma_start3A_1770, %dma_start3A_1771] : memref<10112x128xf32, #tpu.memory_space<vmem_shared>> -> memref<10112x128xf32, #tpu.memory_space<vmem_shared>>
    %dma_start3A_1773 = tpu.memref_slice %arg9[%dma_start3A_1762] : memref<3x!tpu.dma_semaphore, #tpu.memory_space<semaphore_mem>> -> memref<1x!tpu.dma_semaphore, #tpu.memory_space<semaphore_mem>>
    %dma_start3A_1774 = tpu.memref_squeeze %dma_start3A_1773 : memref<1x!tpu.dma_semaphore, #tpu.memory_space<semaphore_mem>> -> memref<!tpu.dma_semaphore, #tpu.memory_space<semaphore_mem>>
    tpu.enqueue_indirect_dma source(%dma_start3A_1766 : memref<80x128xf32, #tpu.memory_space<vmem>>) target(%dma_start3A_1772 : memref<10112x128xf32, #tpu.memory_space<vmem_shared>>) offsets(%dma_start3A_1769 : memref<80xi32, #tpu.memory_space<vmem>>) semaphore(%dma_start3A_1774 : memref<!tpu.dma_semaphore, #tpu.memory_space<semaphore_mem>>) {add = true}
    %dma_wait3A_1775 = arith.constant 0 : i32
    %dma_wait3A_1776 = arith.constant 0 : i32
    %dma_wait3A_1777 = arith.constant 1 : i32
    %dma_wait3A_1778 = arith.constant 0 : i32
    %dma_wait3A_1779 = arith.constant 0 : i32
    %dma_wait3A_1780 = arith.constant 0 : i32
    %dma_wait3A_1781 = arith.constant 0 : i32
    %dma_wait3A_1782 = tpu.memref_slice %arg6[%dma_wait3A_1775, %dma_wait3A_1780, %dma_wait3A_1781] : memref<3x80x128xf32, #tpu.memory_space<vmem>> -> memref<1x80x128xf32, #tpu.memory_space<vmem>>
    %dma_wait3A_1783 = tpu.memref_squeeze %dma_wait3A_1782 : memref<1x80x128xf32, #tpu.memory_space<vmem>> -> memref<80x128xf32, #tpu.memory_space<vmem>>
    %dma_wait3A_1784 = arith.constant 0 : i32
    %dma_wait3A_1785 = tpu.memref_slice %arg5[%dma_wait3A_1776, %dma_wait3A_1777, %dma_wait3A_1778, %dma_wait3A_1784] : memref<2x2x25x80xi32, #tpu.memory_space<vmem>> -> memref<1x1x1x80xi32, #tpu.memory_space<vmem>>
    %dma_wait3A_1786 = tpu.memref_squeeze %dma_wait3A_1785 : memref<1x1x1x80xi32, #tpu.memory_space<vmem>> -> memref<80xi32, #tpu.memory_space<vmem>>
    %dma_wait3A_1787 = arith.constant 0 : i32
    %dma_wait3A_1788 = arith.constant 0 : i32
    %dma_wait3A_1789 = tpu.memref_slice %arg7[%dma_wait3A_1787, %dma_wait3A_1788] : memref<10112x128xf32, #tpu.memory_space<vmem_shared>> -> memref<10112x128xf32, #tpu.memory_space<vmem_shared>>
    %dma_wait3A_1790 = tpu.memref_slice %arg9[%dma_wait3A_1779] : memref<3x!tpu.dma_semaphore, #tpu.memory_space<semaphore_mem>> -> memref<1x!tpu.dma_semaphore, #tpu.memory_space<semaphore_mem>>
    %dma_wait3A_1791 = tpu.memref_squeeze %dma_wait3A_1790 : memref<1x!tpu.dma_semaphore, #tpu.memory_space<semaphore_mem>> -> memref<!tpu.dma_semaphore, #tpu.memory_space<semaphore_mem>>
    tpu.wait_indirect_dma semaphore(%dma_wait3A_1791 : memref<!tpu.dma_semaphore, #tpu.memory_space<semaphore_mem>>) src(%dma_wait3A_1783 : memref<80x128xf32, #tpu.memory_space<vmem>>) dst(%dma_wait3A_1789 : memref<10112x128xf32, #tpu.memory_space<vmem_shared>>)
    %dma_start3A_1792 = arith.constant 0 : i32
    %dma_start3A_1793 = arith.constant 0 : i32
    %dma_start3A_1794 = arith.constant 24 : i32
    %dma_start3A_1795 = arith.constant 0 : i32
    %dma_start3A_1796 = arith.constant 0 : i32
    %dma_start3A_1797 = arith.constant 0 : i32
    %dma_start3A_1798 = arith.constant 0 : i32
    %dma_start3A_1799 = tpu.memref_slice %arg6[%dma_start3A_1795, %dma_start3A_1797, %dma_start3A_1798] : memref<3x80x128xf32, #tpu.memory_space<vmem>> -> memref<1x80x128xf32, #tpu.memory_space<vmem>>
    %dma_start3A_1800 = tpu.memref_squeeze %dma_start3A_1799 : memref<1x80x128xf32, #tpu.memory_space<vmem>> -> memref<80x128xf32, #tpu.memory_space<vmem>>
    %dma_start3A_1801 = arith.constant 0 : i32
    %dma_start3A_1802 = tpu.memref_slice %arg5[%dma_start3A_1792, %dma_start3A_1793, %dma_start3A_1794, %dma_start3A_1801] : memref<2x2x25x80xi32, #tpu.memory_space<vmem>> -> memref<1x1x1x80xi32, #tpu.memory_space<vmem>>
    %dma_start3A_1803 = tpu.memref_squeeze %dma_start3A_1802 : memref<1x1x1x80xi32, #tpu.memory_space<vmem>> -> memref<80xi32, #tpu.memory_space<vmem>>
    %dma_start3A_1804 = arith.constant 0 : i32
    %dma_start3A_1805 = arith.constant 0 : i32
    %dma_start3A_1806 = tpu.memref_slice %arg3[%dma_start3A_1804, %dma_start3A_1805] : memref<10000x128xf32, #tpu.memory_space<hbm>> -> memref<10000x128xf32, #tpu.memory_space<hbm>>
    %dma_start3A_1807 = tpu.memref_slice %arg8[%dma_start3A_1796] : memref<3x!tpu.dma_semaphore, #tpu.memory_space<semaphore_mem>> -> memref<1x!tpu.dma_semaphore, #tpu.memory_space<semaphore_mem>>
    %dma_start3A_1808 = tpu.memref_squeeze %dma_start3A_1807 : memref<1x!tpu.dma_semaphore, #tpu.memory_space<semaphore_mem>> -> memref<!tpu.dma_semaphore, #tpu.memory_space<semaphore_mem>>
    tpu.enqueue_indirect_dma source(%dma_start3A_1806 : memref<10000x128xf32, #tpu.memory_space<hbm>>) target(%dma_start3A_1800 : memref<80x128xf32, #tpu.memory_space<vmem>>) offsets(%dma_start3A_1803 : memref<80xi32, #tpu.memory_space<vmem>>) semaphore(%dma_start3A_1808 : memref<!tpu.dma_semaphore, #tpu.memory_space<semaphore_mem>>)
    %dma_wait3A_1809 = arith.constant 1 : i32
    %dma_wait3A_1810 = arith.constant 0 : i32
    %dma_wait3A_1811 = arith.constant 1 : i32
    %dma_wait3A_1812 = arith.constant 0 : i32
    %dma_wait3A_1813 = arith.constant 1 : i32
    %dma_wait3A_1814 = arith.constant 0 : i32
    %dma_wait3A_1815 = arith.constant 0 : i32
    %dma_wait3A_1816 = tpu.memref_slice %arg6[%dma_wait3A_1809, %dma_wait3A_1814, %dma_wait3A_1815] : memref<3x80x128xf32, #tpu.memory_space<vmem>> -> memref<1x80x128xf32, #tpu.memory_space<vmem>>
    %dma_wait3A_1817 = tpu.memref_squeeze %dma_wait3A_1816 : memref<1x80x128xf32, #tpu.memory_space<vmem>> -> memref<80x128xf32, #tpu.memory_space<vmem>>
    %dma_wait3A_1818 = arith.constant 0 : i32
    %dma_wait3A_1819 = tpu.memref_slice %arg5[%dma_wait3A_1810, %dma_wait3A_1811, %dma_wait3A_1812, %dma_wait3A_1818] : memref<2x2x25x80xi32, #tpu.memory_space<vmem>> -> memref<1x1x1x80xi32, #tpu.memory_space<vmem>>
    %dma_wait3A_1820 = tpu.memref_squeeze %dma_wait3A_1819 : memref<1x1x1x80xi32, #tpu.memory_space<vmem>> -> memref<80xi32, #tpu.memory_space<vmem>>
    %dma_wait3A_1821 = arith.constant 0 : i32
    %dma_wait3A_1822 = arith.constant 0 : i32
    %dma_wait3A_1823 = tpu.memref_slice %arg7[%dma_wait3A_1821, %dma_wait3A_1822] : memref<10112x128xf32, #tpu.memory_space<vmem_shared>> -> memref<10112x128xf32, #tpu.memory_space<vmem_shared>>
    %dma_wait3A_1824 = tpu.memref_slice %arg9[%dma_wait3A_1813] : memref<3x!tpu.dma_semaphore, #tpu.memory_space<semaphore_mem>> -> memref<1x!tpu.dma_semaphore, #tpu.memory_space<semaphore_mem>>
    %dma_wait3A_1825 = tpu.memref_squeeze %dma_wait3A_1824 : memref<1x!tpu.dma_semaphore, #tpu.memory_space<semaphore_mem>> -> memref<!tpu.dma_semaphore, #tpu.memory_space<semaphore_mem>>
    tpu.wait_indirect_dma semaphore(%dma_wait3A_1825 : memref<!tpu.dma_semaphore, #tpu.memory_space<semaphore_mem>>) src(%dma_wait3A_1817 : memref<80x128xf32, #tpu.memory_space<vmem>>) dst(%dma_wait3A_1823 : memref<10112x128xf32, #tpu.memory_space<vmem_shared>>)
    %dma_wait3A_1826 = arith.constant 2 : i32
    %dma_wait3A_1827 = arith.constant 0 : i32
    %dma_wait3A_1828 = arith.constant 1 : i32
    %dma_wait3A_1829 = arith.constant 0 : i32
    %dma_wait3A_1830 = arith.constant 2 : i32
    %dma_wait3A_1831 = arith.constant 0 : i32
    %dma_wait3A_1832 = arith.constant 0 : i32
    %dma_wait3A_1833 = tpu.memref_slice %arg6[%dma_wait3A_1826, %dma_wait3A_1831, %dma_wait3A_1832] : memref<3x80x128xf32, #tpu.memory_space<vmem>> -> memref<1x80x128xf32, #tpu.memory_space<vmem>>
    %dma_wait3A_1834 = tpu.memref_squeeze %dma_wait3A_1833 : memref<1x80x128xf32, #tpu.memory_space<vmem>> -> memref<80x128xf32, #tpu.memory_space<vmem>>
    %dma_wait3A_1835 = arith.constant 0 : i32
    %dma_wait3A_1836 = tpu.memref_slice %arg5[%dma_wait3A_1827, %dma_wait3A_1828, %dma_wait3A_1829, %dma_wait3A_1835] : memref<2x2x25x80xi32, #tpu.memory_space<vmem>> -> memref<1x1x1x80xi32, #tpu.memory_space<vmem>>
    %dma_wait3A_1837 = tpu.memref_squeeze %dma_wait3A_1836 : memref<1x1x1x80xi32, #tpu.memory_space<vmem>> -> memref<80xi32, #tpu.memory_space<vmem>>
    %dma_wait3A_1838 = arith.constant 0 : i32
    %dma_wait3A_1839 = arith.constant 0 : i32
    %dma_wait3A_1840 = tpu.memref_slice %arg7[%dma_wait3A_1838, %dma_wait3A_1839] : memref<10112x128xf32, #tpu.memory_space<vmem_shared>> -> memref<10112x128xf32, #tpu.memory_space<vmem_shared>>
    %dma_wait3A_1841 = tpu.memref_slice %arg9[%dma_wait3A_1830] : memref<3x!tpu.dma_semaphore, #tpu.memory_space<semaphore_mem>> -> memref<1x!tpu.dma_semaphore, #tpu.memory_space<semaphore_mem>>
    %dma_wait3A_1842 = tpu.memref_squeeze %dma_wait3A_1841 : memref<1x!tpu.dma_semaphore, #tpu.memory_space<semaphore_mem>> -> memref<!tpu.dma_semaphore, #tpu.memory_space<semaphore_mem>>
    tpu.wait_indirect_dma semaphore(%dma_wait3A_1842 : memref<!tpu.dma_semaphore, #tpu.memory_space<semaphore_mem>>) src(%dma_wait3A_1834 : memref<80x128xf32, #tpu.memory_space<vmem>>) dst(%dma_wait3A_1840 : memref<10112x128xf32, #tpu.memory_space<vmem_shared>>)
    %dma_wait3A_1843 = arith.constant 0 : i32
    %dma_wait3A_1844 = arith.constant 0 : i32
    %dma_wait3A_1845 = arith.constant 0 : i32
    %dma_wait3A_1846 = arith.constant 0 : i32
    %dma_wait3A_1847 = arith.constant 0 : i32
    %dma_wait3A_1848 = arith.constant 0 : i32
    %dma_wait3A_1849 = arith.constant 0 : i32
    %dma_wait3A_1850 = tpu.memref_slice %arg6[%dma_wait3A_1846, %dma_wait3A_1848, %dma_wait3A_1849] : memref<3x80x128xf32, #tpu.memory_space<vmem>> -> memref<1x80x128xf32, #tpu.memory_space<vmem>>
    %dma_wait3A_1851 = tpu.memref_squeeze %dma_wait3A_1850 : memref<1x80x128xf32, #tpu.memory_space<vmem>> -> memref<80x128xf32, #tpu.memory_space<vmem>>
    %dma_wait3A_1852 = arith.constant 0 : i32
    %dma_wait3A_1853 = tpu.memref_slice %arg5[%dma_wait3A_1843, %dma_wait3A_1844, %dma_wait3A_1845, %dma_wait3A_1852] : memref<2x2x25x80xi32, #tpu.memory_space<vmem>> -> memref<1x1x1x80xi32, #tpu.memory_space<vmem>>
    %dma_wait3A_1854 = tpu.memref_squeeze %dma_wait3A_1853 : memref<1x1x1x80xi32, #tpu.memory_space<vmem>> -> memref<80xi32, #tpu.memory_space<vmem>>
    %dma_wait3A_1855 = arith.constant 0 : i32
    %dma_wait3A_1856 = arith.constant 0 : i32
    %dma_wait3A_1857 = tpu.memref_slice %arg3[%dma_wait3A_1855, %dma_wait3A_1856] : memref<10000x128xf32, #tpu.memory_space<hbm>> -> memref<10000x128xf32, #tpu.memory_space<hbm>>
    %dma_wait3A_1858 = tpu.memref_slice %arg8[%dma_wait3A_1847] : memref<3x!tpu.dma_semaphore, #tpu.memory_space<semaphore_mem>> -> memref<1x!tpu.dma_semaphore, #tpu.memory_space<semaphore_mem>>
    %dma_wait3A_1859 = tpu.memref_squeeze %dma_wait3A_1858 : memref<1x!tpu.dma_semaphore, #tpu.memory_space<semaphore_mem>> -> memref<!tpu.dma_semaphore, #tpu.memory_space<semaphore_mem>>
    tpu.wait_indirect_dma semaphore(%dma_wait3A_1859 : memref<!tpu.dma_semaphore, #tpu.memory_space<semaphore_mem>>) src(%dma_wait3A_1857 : memref<10000x128xf32, #tpu.memory_space<hbm>>) dst(%dma_wait3A_1851 : memref<80x128xf32, #tpu.memory_space<vmem>>)
    %dma_start3A_1860 = arith.constant 0 : i32
    %dma_start3A_1861 = arith.constant 0 : i32
    %dma_start3A_1862 = arith.constant 1 : i32
    %dma_start3A_1863 = arith.constant 24 : i32
    %dma_start3A_1864 = arith.constant 0 : i32
    %dma_start3A_1865 = arith.constant 0 : i32
    %dma_start3A_1866 = arith.constant 0 : i32
    %dma_start3A_1867 = tpu.memref_slice %arg6[%dma_start3A_1860, %dma_start3A_1865, %dma_start3A_1866] : memref<3x80x128xf32, #tpu.memory_space<vmem>> -> memref<1x80x128xf32, #tpu.memory_space<vmem>>
    %dma_start3A_1868 = tpu.memref_squeeze %dma_start3A_1867 : memref<1x80x128xf32, #tpu.memory_space<vmem>> -> memref<80x128xf32, #tpu.memory_space<vmem>>
    %dma_start3A_1869 = arith.constant 0 : i32
    %dma_start3A_1870 = tpu.memref_slice %arg5[%dma_start3A_1861, %dma_start3A_1862, %dma_start3A_1863, %dma_start3A_1869] : memref<2x2x25x80xi32, #tpu.memory_space<vmem>> -> memref<1x1x1x80xi32, #tpu.memory_space<vmem>>
    %dma_start3A_1871 = tpu.memref_squeeze %dma_start3A_1870 : memref<1x1x1x80xi32, #tpu.memory_space<vmem>> -> memref<80xi32, #tpu.memory_space<vmem>>
    %dma_start3A_1872 = arith.constant 0 : i32
    %dma_start3A_1873 = arith.constant 0 : i32
    %dma_start3A_1874 = tpu.memref_slice %arg7[%dma_start3A_1872, %dma_start3A_1873] : memref<10112x128xf32, #tpu.memory_space<vmem_shared>> -> memref<10112x128xf32, #tpu.memory_space<vmem_shared>>
    %dma_start3A_1875 = tpu.memref_slice %arg9[%dma_start3A_1864] : memref<3x!tpu.dma_semaphore, #tpu.memory_space<semaphore_mem>> -> memref<1x!tpu.dma_semaphore, #tpu.memory_space<semaphore_mem>>
    %dma_start3A_1876 = tpu.memref_squeeze %dma_start3A_1875 : memref<1x!tpu.dma_semaphore, #tpu.memory_space<semaphore_mem>> -> memref<!tpu.dma_semaphore, #tpu.memory_space<semaphore_mem>>
    tpu.enqueue_indirect_dma source(%dma_start3A_1868 : memref<80x128xf32, #tpu.memory_space<vmem>>) target(%dma_start3A_1874 : memref<10112x128xf32, #tpu.memory_space<vmem_shared>>) offsets(%dma_start3A_1871 : memref<80xi32, #tpu.memory_space<vmem>>) semaphore(%dma_start3A_1876 : memref<!tpu.dma_semaphore, #tpu.memory_space<semaphore_mem>>) {add = true}
    %dma_wait3A_1877 = arith.constant 0 : i32
    %dma_wait3A_1878 = arith.constant 0 : i32
    %dma_wait3A_1879 = arith.constant 1 : i32
    %dma_wait3A_1880 = arith.constant 0 : i32
    %dma_wait3A_1881 = arith.constant 0 : i32
    %dma_wait3A_1882 = arith.constant 0 : i32
    %dma_wait3A_1883 = arith.constant 0 : i32
    %dma_wait3A_1884 = tpu.memref_slice %arg6[%dma_wait3A_1877, %dma_wait3A_1882, %dma_wait3A_1883] : memref<3x80x128xf32, #tpu.memory_space<vmem>> -> memref<1x80x128xf32, #tpu.memory_space<vmem>>
    %dma_wait3A_1885 = tpu.memref_squeeze %dma_wait3A_1884 : memref<1x80x128xf32, #tpu.memory_space<vmem>> -> memref<80x128xf32, #tpu.memory_space<vmem>>
    %dma_wait3A_1886 = arith.constant 0 : i32
    %dma_wait3A_1887 = tpu.memref_slice %arg5[%dma_wait3A_1878, %dma_wait3A_1879, %dma_wait3A_1880, %dma_wait3A_1886] : memref<2x2x25x80xi32, #tpu.memory_space<vmem>> -> memref<1x1x1x80xi32, #tpu.memory_space<vmem>>
    %dma_wait3A_1888 = tpu.memref_squeeze %dma_wait3A_1887 : memref<1x1x1x80xi32, #tpu.memory_space<vmem>> -> memref<80xi32, #tpu.memory_space<vmem>>
    %dma_wait3A_1889 = arith.constant 0 : i32
    %dma_wait3A_1890 = arith.constant 0 : i32
    %dma_wait3A_1891 = tpu.memref_slice %arg7[%dma_wait3A_1889, %dma_wait3A_1890] : memref<10112x128xf32, #tpu.memory_space<vmem_shared>> -> memref<10112x128xf32, #tpu.memory_space<vmem_shared>>
    %dma_wait3A_1892 = tpu.memref_slice %arg9[%dma_wait3A_1881] : memref<3x!tpu.dma_semaphore, #tpu.memory_space<semaphore_mem>> -> memref<1x!tpu.dma_semaphore, #tpu.memory_space<semaphore_mem>>
    %dma_wait3A_1893 = tpu.memref_squeeze %dma_wait3A_1892 : memref<1x!tpu.dma_semaphore, #tpu.memory_space<semaphore_mem>> -> memref<!tpu.dma_semaphore, #tpu.memory_space<semaphore_mem>>
    tpu.wait_indirect_dma semaphore(%dma_wait3A_1893 : memref<!tpu.dma_semaphore, #tpu.memory_space<semaphore_mem>>) src(%dma_wait3A_1885 : memref<80x128xf32, #tpu.memory_space<vmem>>) dst(%dma_wait3A_1891 : memref<10112x128xf32, #tpu.memory_space<vmem_shared>>)
    %barrier3A_1894 = arith.constant 0 : index
    tpu.barrier barrier_id(%barrier3A_1894)
    %mul3A_1895 = arith.constant 632 : i32
    %mul3A_1896 = arith.muli %arg1, %mul3A_1895 : i32
    %mul3A_1897 = arith.constant 632 : i32
    %mul3A_1898 = arith.muli %arg1, %mul3A_1897 : i32
    "tpu.region"() ({
      %run_scoped3A_1899 = tpu.sem_alloc : memref<!tpu.dma_semaphore, #tpu.memory_space<semaphore_mem>>
      %dma_start3A_1900 = arith.constant 0 : i32
      %dma_start3A_1901 = tpu.memref_slice %arg4[%arg0, %mul3A_1898, %dma_start3A_1900] : memref<2x10112x128xf32, #tpu.memory_space<hbm>> -> memref<1x632x128xf32, #tpu.memory_space<hbm>>
      %dma_start3A_1902 = tpu.memref_squeeze %dma_start3A_1901 : memref<1x632x128xf32, #tpu.memory_space<hbm>> -> memref<632x128xf32, #tpu.memory_space<hbm>>
      %dma_start3A_1903 = arith.constant 0 : i32
      %dma_start3A_1904 = tpu.memref_slice %arg7[%mul3A_1896, %dma_start3A_1903] : memref<10112x128xf32, #tpu.memory_space<vmem_shared>> -> memref<632x128xf32, #tpu.memory_space<vmem_shared>>
      tpu.enqueue_dma source(%dma_start3A_1904 : memref<632x128xf32, #tpu.memory_space<vmem_shared>>) target(%dma_start3A_1902 : memref<632x128xf32, #tpu.memory_space<hbm>>) target_semaphore(%run_scoped3A_1899 : memref<!tpu.dma_semaphore, #tpu.memory_space<semaphore_mem>>)
      %dma_wait3A_1905 = arith.constant 0 : i32
      %dma_wait3A_1906 = tpu.memref_slice %arg4[%arg0, %mul3A_1898, %dma_wait3A_1905] : memref<2x10112x128xf32, #tpu.memory_space<hbm>> -> memref<1x632x128xf32, #tpu.memory_space<hbm>>
      %dma_wait3A_1907 = tpu.memref_squeeze %dma_wait3A_1906 : memref<1x632x128xf32, #tpu.memory_space<hbm>> -> memref<632x128xf32, #tpu.memory_space<hbm>>
      %dma_wait3A_1908 = arith.constant 0 : i32
      %dma_wait3A_1909 = tpu.memref_slice %arg7[%mul3A_1896, %dma_wait3A_1908] : memref<10112x128xf32, #tpu.memory_space<vmem_shared>> -> memref<632x128xf32, #tpu.memory_space<vmem_shared>>
      tpu.wait_dma2 semaphore(%run_scoped3A_1899 : memref<!tpu.dma_semaphore, #tpu.memory_space<semaphore_mem>>) src(%dma_wait3A_1909 : memref<632x128xf32, #tpu.memory_space<vmem_shared>>) dst(%dma_wait3A_1907 : memref<632x128xf32, #tpu.memory_space<hbm>>)
      tpu.yield
    }) : () -> ()
    return
  }
}

module attributes {stable_mosaic.version = 14 : i64} {
  func.func @_mm_body(%arg0: i32, %arg1: memref<2000x128xf32, #tpu.memory_space<vmem>>, %arg2: memref<2x2000x128xf32, #tpu.memory_space<vmem>>, %arg3: memref<128x128xf32, #tpu.memory_space<vmem>>, %arg4: memref<1x128xf32, #tpu.memory_space<vmem>>, %arg5: memref<2000x128xf32, #tpu.memory_space<vmem>>) attributes {dimension_semantics = [#tpu.dimension_semantics<arbitrary>], iteration_bounds = array<i64: 5>, scalar_prefetch = 0 : i64, scratch_operands = 0 : i64, tpu.core_type = #tpu.core_type<tc>, window_params = [{transform_indices = @transform_0, window_bounds = array<i64: 2000, 128>}, {transform_indices = @transform_1, window_bounds = array<i64: 2, 2000, 128>}, {pipeline_mode = #tpu.pipeline_mode<synchronous>, transform_indices = @transform_2, window_bounds = array<i64: 128, 128>}, {pipeline_mode = #tpu.pipeline_mode<synchronous>, transform_indices = @transform_3, window_bounds = array<i64: 1, 128>}, {transform_indices = @transform_4, window_bounds = array<i64: 2000, 128>}]} {
    %get3A = arith.constant 0 : index
    %get3A_0 = arith.constant 0 : index
    %get3A_1 = vector.load %arg1[%get3A, %get3A_0] : memref<2000x128xf32, #tpu.memory_space<vmem>>, vector<2000x128xf32>
    %get3A_2 = arith.constant 0 : index
    %get3A_3 = arith.constant 0 : index
    %get3A_4 = arith.constant 0 : index
    %get3A_5 = vector.load %arg2[%get3A_2, %get3A_3, %get3A_4] : memref<2x2000x128xf32, #tpu.memory_space<vmem>>, vector<1x2000x128xf32>
    %get3A_6 = vector.shape_cast %get3A_5 : vector<1x2000x128xf32> to vector<2000x128xf32>
    %add3A = arith.addf %get3A_1, %get3A_6 : vector<2000x128xf32>
    %get3A_7 = arith.constant 1 : index
    %get3A_8 = arith.constant 0 : index
    %get3A_9 = arith.constant 0 : index
    %get3A_10 = vector.load %arg2[%get3A_7, %get3A_8, %get3A_9] : memref<2x2000x128xf32, #tpu.memory_space<vmem>>, vector<1x2000x128xf32>
    %get3A_11 = vector.shape_cast %get3A_10 : vector<1x2000x128xf32> to vector<2000x128xf32>
    %add3A_12 = arith.addf %add3A, %get3A_11 : vector<2000x128xf32>
    %get3A_13 = arith.constant 0 : index
    %get3A_14 = arith.constant 0 : index
    %get3A_15 = vector.load %arg3[%get3A_13, %get3A_14] : memref<128x128xf32, #tpu.memory_space<vmem>>, vector<128x128xf32>
    %dot_general3A = arith.constant dense<0.000000e+00> : vector<2000x128xf32>
    %dot_general3A_16 = tpu.matmul %add3A_12, %get3A_15, %dot_general3A {dimension_numbers = #tpu.dot_dimension_numbers<[1], [0], [0], [1], [0, 0, 1, 1], [], []>, transpose_lhs_hint = false} : vector<2000x128xf32>, vector<128x128xf32>, vector<2000x128xf32> -> vector<2000x128xf32>
    %get3A_17 = arith.constant 0 : index
    %get3A_18 = arith.constant 0 : index
    %get3A_19 = vector.load %arg4[%get3A_17, %get3A_18] : memref<1x128xf32, #tpu.memory_space<vmem>>, vector<1x128xf32>
    %add3A_20 = vector.broadcast %get3A_19 : vector<1x128xf32> to vector<2000x128xf32>
    %add3A_21 = arith.addf %dot_general3A_16, %add3A_20 : vector<2000x128xf32>
    %max3A = arith.constant 0.000000e+00 : f32
    %max3A_22 = vector.broadcast %max3A : f32 to vector<2000x128xf32>
    %max3A_23 = arith.maximumf %add3A_21, %max3A_22 : vector<2000x128xf32>
    %swap3A = arith.constant 0 : index
    %swap3A_24 = arith.constant 0 : index
    %swap3A_25 = vector.load %arg5[%swap3A, %swap3A_24] : memref<2000x128xf32, #tpu.memory_space<vmem>>, vector<2000x128xf32>
    tpu.vector_store %arg5[%swap3A, %swap3A_24], %max3A_23 {strides = array<i32>} : memref<2000x128xf32, #tpu.memory_space<vmem>>, vector<2000x128xf32>,
    return
  }
  func.func @transform_0(%arg0: i32) -> (i32, i32) {
    %c0_i32 = arith.constant 0 : i32
    %c0_i32_0 = arith.constant 0 : i32
    return %arg0, %c0_i32 : i32, i32
  }
  func.func @transform_1(%arg0: i32) -> (i32, i32, i32) {
    %c0_i32 = arith.constant 0 : i32
    %c0_i32_0 = arith.constant 0 : i32
    %c0_i32_1 = arith.constant 0 : i32
    return %c0_i32, %arg0, %c0_i32_0 : i32, i32, i32
  }
  func.func @transform_2(%arg0: i32) -> (i32, i32) {
    %c0_i32 = arith.constant 0 : i32
    %c0_i32_0 = arith.constant 0 : i32
    %c0_i32_1 = arith.constant 0 : i32
    return %c0_i32, %c0_i32_0 : i32, i32
  }
  func.func @transform_3(%arg0: i32) -> (i32, i32) {
    %c0_i32 = arith.constant 0 : i32
    %c0_i32_0 = arith.constant 0 : i32
    %c0_i32_1 = arith.constant 0 : i32
    return %c0_i32, %c0_i32_0 : i32, i32
  }
  func.func @transform_4(%arg0: i32) -> (i32, i32) {
    %c0_i32 = arith.constant 0 : i32
    %c0_i32_0 = arith.constant 0 : i32
    return %arg0, %c0_i32 : i32, i32
  }
}

</mosaic_0001>

<sc_bundles>
// kernel: kernel.4.cloned.1.call-start
scs
__scs_entry_jumppad:
0x0: {  	(pc) =	sbr.rel $0x88, $3  }
0x1: {  	(tag) =	ssettag $0x0;
	lr =	simm.s32 $0x1  }
0x2: {  	[smem:$0x3F9D] =	sst lr;
	_ =	strace $0xD0000000  }
0x3: {  	_ = 	snop  }
0x4: {  	_ = 	snop  }
0x5: {  	_ = 	snop  }
0x6: {  	_ = 	snop  }
0x7: {  	_ = 	snop  }
__scs_overlays_trampoline_lowered:
0x8: {  	[smem:$0x3FAC] =	sst s0  }
0x9: {  	[smem:$0x3FAD] =	sst s1  }
0xa: {  	[smem:$0x3FAE] =	sst s2  }
0xb: {  	[smem:$0x3FAF] =	sst s3  }
0xc: {  	[smem:$0x3FB0] =	sst s4  }
0xd: {  	[smem:$0x3FB1] =	sst s5  }
0xe: {  	[smem:$0x3FB2] =	sst s6  }
0xf: {  	[smem:$0x3FB3] =	sst s7  }
0x10: {  	[smem:$0x3FB4] =	sst s8  }
0x11: {  	[smem:$0x3FB5] =	sst s9;
	s0 =	simm.s32 @!p0 $0x0  }
0x12: {  	s1 =	sld [smem:$0x3F9B];
	s0 =	simm.s32 @p0 $0x1  }
0x13: {  	[smem:$0x3FB6] =	sst s0;
	s0 =	simm.s32 @!p1 $0x0  }
0x14: {  	s2 =	sld [smem:$0x3F9A];
	s0 =	simm.s32 @p1 $0x1  }
0x15: {  	[smem:$0x3FB7] =	sst s0;
	s0 =	simm.s32 @!p2 $0x0  }
0x16: {  	s3 =	sld [smem:$0x3FDB];
	s0 =	simm.s32 @p2 $0x1  }
0x17: {  	s4 =	simm.s32 $0x1BF5;
	[smem:$0x3FB9] =	sst s0  }
0x18: {  	s0 =	sld [smem:$0x3F9C];
	_ =	swait.ge [sflag:s4], $0x0  }
0x19: {  	s7 =	sld [smem:$0x3F9D]  }
0x1a: {  	s8 =	sadd.s32 $0xFFFFE003, lr  }
0x1b: {  	s9 =	sadd.s32 $0xFFFFFEF7, lr;
	s5 =	simm.s32 $0xFFFFFFFF;
	p2 =	slt.u32 s8, $0xFFFFF086  }
0x1c: {  	p1 =	slt.u32 s9, $0xF7A;
	s5 =	simm.s32 @!p2 $0x0  }
0x1d: {  	s5 =	simm.s32 @p1 $0x1;
	p0 =	seq.s32 s7, s2  }
0x1e: {  	s7 =	smul.u32 @!p0 $0xF7A, s2;
	p2 =	seq.s32 @!p0 s5, $0x0  }
0x1f: {  	s9 =	smul.u32 $0xF7A, s1;
	s8 =	simm.s32 @!p0 $0x1BF5;
	p2 =	por !p2, p0  }
0x20: {  	[sflag:s8] =	ssyncset.s32 @!p0 $0xFFFFF086;
	s6 =	sadd.s32 @!p0 s3, s7;
	s7 =	simm.s32 @!p0 $0x108  }
0x21: {  	s3 =	sadd.s32 s3, s9;
	s6 =	sadd.s32 @!p0 $0x88, s6;
	s7 =	simm.s32 @p2 $0x1082  }
0x22: {  	[simem:s7], [sflag:s8] =	dma.local @!p0 [hbm:s6], $0xF7A  }
0x23: {  	s9 =	sor.u32 $0xD0000000, s2;
	s6 =	simm.s32 $0x108;
	_ =	swait.ge @!p0 [sflag:s8], $0x0  }
0x24: {  	s3 =	sadd.s32 $0x88, s3;
	s6 =	simm.s32 @!p1 $0x1082;
	[sflag:s4] =	ssyncset.s32 $0xFFFFF086  }
0x25: {  	[simem:s6], [sflag:s4] =	dma.local [hbm:s3], $0xF7A  }
0x26: {  	[smem:$0x3F9D] =	sst s1;
	(tag) =	ssettag s2;
	_ =	strace s9  }
0x27: {  	s1 =	sld [smem:$0x3FAD]  }
0x28: {  	s2 =	sld [smem:$0x3FAE]  }
0x29: {  	s4 =	sld [smem:$0x3FB0]  }
0x2a: {  	p0 =	seq.s32 s5, $0x0;
	s5 =	sld [smem:$0x3FB1]  }
0x2b: {  	s6 =	sld [smem:$0x3FB2]  }
0x2c: {  	s7 =	sld [smem:$0x3FB3]  }
0x2d: {  	s3 =	simm.s32 $0x108;
	s8 =	sld [smem:$0x3FB4]  }
0x2e: {  	s3 =	simm.s32 @!p0 $0x1082;
	s9 =	sld [smem:$0x3FB5]  }
0x2f: {  	lr =	sadd.s32 s0, s3;
	s0 =	sld [smem:$0x3FAC]  }
0x30: {  	s3 =	sld [smem:$0x3FAF]  }
0x31: {  	[smem:$0x3FB8] =	sst s10  }
0x32: {  	s10 =	sld [smem:$0x3FB6];
	_ =	sdelay $0x3  }
0x33: {  	p0 =	seq.s32 s10, $0x1;
	s10 =	sld [smem:$0x3FB8];
	_ =	sdelay $0x3  }
0x34: {  	[smem:$0x3FB8] =	sst s10  }
0x35: {  	s10 =	sld [smem:$0x3FB7];
	_ =	sdelay $0x3  }
0x36: {  	p1 =	seq.s32 s10, $0x1;
	s10 =	sld [smem:$0x3FB8];
	_ =	sdelay $0x3  }
0x37: {  	[smem:$0x3FB8] =	sst s10  }
0x38: {  	s10 =	sld [smem:$0x3FB9]  }
0x39: {  	_ = 	snop;
	(pc) =	sbr.ind lr, $3  }
0x3a: {  	_ = 	snop  }
0x3b: {  	_ = 	snop  }
0x3c: {  	p2 =	seq.s32 s10, $0x1;
	s10 =	sld [smem:$0x3FB8]  }
0x3d: {  	_ =	shalt  }
0x3e: {  	_ =	shalt  }
0x3f: {  	_ =	shalt  }
0x40: {  	_ =	shalt  }
0x41: {  	_ =	shalt  }
0x42: {  	_ =	shalt  }
0x43: {  	_ =	shalt  }
0x44: {  	_ =	shalt  }
0x45: {  	_ =	shalt  }
0x46: {  	_ =	shalt  }
0x47: {  	_ =	shalt  }
0x48: {  	_ =	shalt  }
0x49: {  	_ =	shalt  }
0x4a: {  	_ =	shalt  }
0x4b: {  	_ =	shalt  }
0x4c: {  	_ =	shalt  }
0x4d: {  	_ =	shalt  }
0x4e: {  	_ =	shalt  }
0x4f: {  	_ =	shalt  }
0x50: {  	_ =	shalt  }
0x51: {  	_ =	shalt  }
0x52: {  	_ =	shalt  }
0x53: {  	_ =	shalt  }
0x54: {  	_ =	shalt  }
0x55: {  	_ =	shalt  }
0x56: {  	_ =	shalt  }
0x57: {  	_ =	shalt  }
0x58: {  	_ =	shalt  }
0x59: {  	_ =	shalt  }
0x5a: {  	_ =	shalt  }
0x5b: {  	_ =	shalt  }
0x5c: {  	_ =	shalt  }
0x5d: {  	_ =	shalt  }
0x5e: {  	_ =	shalt  }
0x5f: {  	_ =	shalt  }
0x60: {  	_ =	shalt  }
0x61: {  	_ =	shalt  }
0x62: {  	_ =	shalt  }
0x63: {  	_ =	shalt  }
0x64: {  	_ =	shalt  }
0x65: {  	_ =	shalt  }
0x66: {  	_ =	shalt  }
0x67: {  	_ =	shalt  }
0x68: {  	_ =	shalt  }
0x69: {  	_ =	shalt  }
0x6a: {  	_ =	shalt  }
0x6b: {  	_ =	shalt  }
0x6c: {  	_ =	shalt  }
0x6d: {  	_ =	shalt  }
0x6e: {  	_ =	shalt  }
0x6f: {  	_ =	shalt  }
0x70: {  	_ =	shalt  }
0x71: {  	_ =	shalt  }
0x72: {  	_ =	shalt  }
0x73: {  	_ =	shalt  }
0x74: {  	_ =	shalt  }
0x75: {  	_ =	shalt  }
0x76: {  	_ =	shalt  }
0x77: {  	_ =	shalt  }
0x78: {  	_ =	shalt  }
0x79: {  	_ =	shalt  }
0x7a: {  	_ =	shalt  }
0x7b: {  	_ =	shalt  }
0x7c: {  	_ =	shalt  }
0x7d: {  	_ =	shalt  }
0x7e: {  	_ =	shalt  }
0x7f: {  	_ =	shalt  }
0x80: {  	_ =	shalt  }
0x81: {  	_ =	shalt  }
0x82: {  	_ =	shalt  }
0x83: {  	_ =	shalt  }
0x84: {  	_ =	shalt  }
0x85: {  	_ =	shalt  }
0x86: {  	_ =	shalt  }
0x87: {  	_ =	shalt  }
.Lfunc_end0:
.L_simem_size_0:
called_computation_lowered:
.L_overlay_start_0:
0x88: {  	s2 =	sld [smem:$0x3FD9]  }
0x89: {  	s3 =	sld [smem:$0x3FFE];
	_ =	sdelay $0x1  }
0x8a: {  	s1 =	srdreg.scid  }
0x8b: {  	s0 =	sand.u32 $0x1, s1  }
0x8c: {  	s17 =	sshll.u32 s0, $0xA;
	s2 =	sadd.s32 s3, s2  }
0x8d: {  	s2 =	sadd.s32 s2, s17  }
0x8e: {  	[smem:$0x3FC4] =	sst s2  }
0x8f: {  	_ = 	snop  }
0x90: {  	s2 =	sld [smem:$0x3FC9];
	(tm) =	ssettm $0x1  }
0x91: {  	s18 =	sld [smem:$0x3FFB];
	_ =	sdelay $0x3  }
0x92: {  	_ =	strace s18  }
0x93: {  	s3 =	sld [smem:$0x3FFC];
	_ =	sdelay $0x3  }
0x94: {  	_ =	strace s3  }
0x95: {  	s3 =	sld [smem:$0x3FFD];
	_ =	sdelay $0x3  }
0x96: {  	_ =	strace s3  }
0x97: {  	_ =	strace $0x8FFFFFFF  }
0x98: {  	s19 =	sld [smem:$0x3FDB];
	_ =	sdelay $0x1  }
0x99: {  	s4 =	simm.s32 $_scs_section_size  }
0x9a: {  	s5 =	simm.s32 $_size__tile_overlayer_lowered;
	s6 =	simm.s32 $_tile_overlayer_lowered  }
0x9b: {  	s22 =	simm.s32 $0x1BFF;
	s21 =	sshll.u32 s6, $0x1;
	s3 =	sadd.s32 s4, s19  }
0x9c: {  	s7 =	simm.s32 $0x0;
	s20 =	sshll.u32 s5, $0x1;
	s5 =	sadd.s32 s21, s3  }
0x9d: {  	[timem:s7], [sflag:s22] =	dma.local [hbm:s5], s20  }
0x9e: {  	_ =	swait.ge [sflag:s22], s20  }
0x9f: {  	s4 =	ssub.s32 $0x0, s20;
	[sflag:s22] =	ssyncset.done $0x0  }
0xa0: {  	[sflag:s22] =	ssyncadd.s32 s4;
	_ =	sdelay $0x1  }
0xa1: {  	s23 =	simm.s32 $0x1B8B  }
0xa2: {  	_ =	swait.ge [sflag:s23], $0x1  }
0xa3: {  	[sflag:s23] =	ssyncset.done $0x0  }
0xa4: {  	s25 =	simm.s32 $0x1B8E;
	s24 =	sld [smem:$0x3FFE];
	[sflag:s23] =	ssyncadd.s32 $0xFFFFFFFF  }
0xa5: {  	s26 =	simm.s32 $execute0_lowered;
	[smem:$0x3FD2] =	sst s25  }
0xa6: {  	s5 =	sshll.u32 s26, $0x1;
	_ =	strace $0x80000046;
	[dreg:$0x1] =	wrdreg $0xFFFFFFFF  }
0xa7: {  	s28 =	simm.s32 $_size_execute0_lowered;
	s3 =	sadd.s32 s3, s5;
	[dreg:$0x0] =	wrdreg $0x0  }
0xa8: {  	s5 =	sshll.u32 s28, $0x1;
	[dreg:$0x2] =	wrdreg s3  }
0xa9: {  	[dreg:$0x3] =	wrdreg s5  }
0xaa: {  	[dreg:$0x4] =	wrdreg $0xC0  }
0xab: {  	_ =	task [dreg:s7], $0x5FFFF  }
0xac: {  	[dreg:$0x1] =	wrdreg $0xFFFFFFFF  }
0xad: {  	[dreg:$0x0] =	wrdreg $0x60  }
0xae: {  	[dreg:$0x2] =	wrdreg s24  }
0xaf: {  	[dreg:$0x3] =	wrdreg s2  }
0xb0: {  	[dreg:$0x4] =	wrdreg $0xB8000  }
0xb1: {  	[dreg:$0x5] =	wrdreg $0x9  }
0xb2: {  	_ =	task.clear_ibuf [dreg:s7], $0x6FFFF;
	_ =	strace $0x90000046  }
0xb3: {  	s29 =	simm.s32 $0x9;
	_ =	strace $0x80000048  }
0xb4: {  	_ =	swait.ge [sflag:s29], $0x1  }
0xb5: {  	[sflag:s29] =	ssyncadd.s32 $0xFFFFFFFF  }
0xb6: {  	_ =	strace $0x90000048  }
0xb7: {  	_ =	sfence  }
0xb8: {  	s30 =	sld [smem:$0x0];
	_ =	sdelay $0x2  }
0xb9: {  	s31 =	sshll.u32 s1, $0xD;
	s1 =	sshrl.u32 s1, $0x2  }
0xba: {  	s3 =	sand.u32 $0x4000, s31;
	s1 =	sadd.s32 s1, s30  }
0xbb: {  	s0 =	sor.u32 s3, s0;
	s1 =	sshll.u32 s1, $0x11  }
0xbc: {  	s0 =	sor.u32 s1, s0  }
0xbd: {  	s0 =	sadd.s32 $0x8F2B, s0  }
0xbe: {  	[sflag:s0] =	ssyncadd.remote.s32 $0x1  }
0xbf: {  	_ =	sfence.sel $0xFFFF  }
0xc0: {  	[dreg:$0x0] =	wrdreg $0xFFFFFFFF;
	(pc) =	sbr.abs _section_cstart, $3  }
0xc1: {  	[dreg:$0x1] =	wrdreg $0xFFFFFFFF  }
0xc2: {  	_ =	task.clear_ibuf [dreg:s7], $0x2FFFF;
	_ =	strace $0x9FFFFFFF  }
0xc3: {  	(tm) =	ssettm $0x7FFFFFFF  }
tec
execute0_lowered:
.L_overlay_start_1:
0x0: {  	(tag) =	ssettag $0x1  }
0x1: {  	s5 =	rddreg [dreg:$0x0]  }
0x2: {  	s0 =	srdreg.scid;
	s2 =	rddreg [dreg:$0x1]  }
0x3: {  	s8 =	stileid.u32;
	s3 =	rddreg [dreg:$0x2];
	s4 =	simm.s32 $0x0  }
0x4: {  	s28 =	simm.s32 $0x50;
	s30 =	simm.s32 $0x6800;
	s29 =	simm.s32 $0x8  }
0x5: {  	s31 =	simm.s32 $0x0;
	s0 =	sand.u32 $0x1, s0;
	s25 =	smul.u32 $0x4F000, s8  }
0x6: {  	s7 =	smul.u32 $0x13C00, s8;
	[smem:$0x7FF] =	sst s4;
	s1 =	sshll.u32 s0, $0x4  }
0x7: {  	s6 =	smul.u32 $0x13C000, s0;
	_ =	strace $0x80000047;
	s9 =	sshrl.u32 s25, $0x2  }
0x8: {  	s0 =	ssub.s32 $0x2, s0;
	s1 =	sor.u32 s8, s1;
	s12 =	sadd.s32 s9, s3  }
0x9: {  	s26 =	sshrl.u32 s0, $0x1;
	s14 =	sadd.s32 $0x2800, s12;
	[dreg:$0x17] =	wrdreg s12  }
0xa: {  	s1 =	smul.u32 $0x5000, s1;
	s15 =	sadd.s32 $0x5000, s12;
	[dreg:$0x8] =	wrdreg s14  }
0xb: {  	s6 =	sadd.s32 s7, s6;
	s16 =	sadd.s32 $0x7800, s12;
	[dreg:$0x9] =	wrdreg s15  }
0xc: {  	s0 =	ssub.s32 s0, s26;
	s17 =	sadd.s32 $0xA000, s12;
	[dreg:$0xa] =	wrdreg s16  }
0xd: {  	s7 =	simm.s32 $0x9;
	s18 =	sadd.s32 $0xC800, s12;
	[dreg:$0xb] =	wrdreg s17  }
0xe: {  	s9 =	simm.s32 $0x1;
	s19 =	sadd.s32 $0xF000, s12;
	[dreg:$0xc] =	wrdreg s18  }
0xf: {  	s20 =	sadd.s32 $0x11800, s12;
	s1 =	sshrl.u32 s1, $0x3;
	[dreg:$0xd] =	wrdreg s19  }
0x10: {  	s0 =	smax.u32 s0, $0x1;
	[dreg:$0xe] =	wrdreg s20;
	s1 =	sadd.s32 s1, s5  }
0x11: {  	s6 =	sshrl.u32 s6, $0x3;
	[dreg:$0x16] =	wrdreg s0;
	s8 =	sadd.s32 $0x1200, s1  }
0x12: {  	s12 =	simm.s32 $0x3;
	s10 =	sadd.s32 $0x15200, s1;
	[dreg:$0x4] =	wrdreg s8  }
0x13: {  	s17 =	simm.s32 $0x1000;
	s11 =	sadd.s32 $0x1400, s1;
	[dreg:$0x5] =	wrdreg s10  }
0x14: {  	s15 =	simm.s32 $0x80;
	s13 =	sadd.s32 $0x15400, s1;
	[dreg:$0x6] =	wrdreg s11  }
0x15: {  	s0 =	simm.s32 $0x2000;
	s21 =	sadd.s32 $0x1600, s1;
	[dreg:$0x7] =	wrdreg s13  }
0x16: {  	s14 =	simm.s32 $0x4;
	s22 =	sadd.s32 $0x15600, s1;
	[dreg:$0xf] =	wrdreg s21  }
0x17: {  	s16 =	simm.s32 $0x5;
	s23 =	sadd.s32 $0x1800, s1;
	[dreg:$0x10] =	wrdreg s22  }
0x18: {  	s18 =	simm.s32 $0x6;
	s24 =	sadd.s32 $0x15800, s1;
	[dreg:$0x11] =	wrdreg s23  }
0x19: {  	s19 =	simm.s32 $0x3100;
	s25 =	sadd.s32 $0x1A00, s1;
	[dreg:$0x12] =	wrdreg s24  }
0x1a: {  	s5 =	sadd.s32 s6, s5;
	s1 =	sadd.s32 $0x15A00, s1;
	[dreg:$0x13] =	wrdreg s25  }
0x1b: {  	s20 =	simm.s32 $0x2180;
	s26 =	sadd.s32 $0x29200, s5;
	[dreg:$0x14] =	wrdreg s1  }
0x1c: {  	s6 =	simm.s32 $0x4000;
	s5 =	simm.s32 $0x3000;
	[dreg:$0x15] =	wrdreg s26  }
0x1d: {  	s26 =	simm.s32 $0x7;
	s13 =	simm.s32 $0x100;
	s1 =	simm.s32 $0x9000  }
0x1e: {  	s10 =	simm.s32 $0x2;
	s25 =	simm.s32 $0x2100;
	s21 =	simm.s32 $0x2200  }
0x1f: {  	v0 =	vimm.f32 $0.0e+00;
	s22 =	simm.s32 $0x2280;
	s23 =	simm.s32 $0x3180;
	s24 =	simm.s32 $0x3200  }
.LBB2_1:
0x20: {  	s11 =	rddreg [dreg:$0x4]  }
0x21: {  	[tilespmem:s4], [sflag:$0x7] =	stream.linear.gather [hbm4b:s11+s4], $0xC80, $0x38;
	[tilespmem:$0x1F400] =	vst v63  }
0x22: {  	s8 =	rddreg [dreg:$0x5]  }
0x23: {  	[tilespmem:s17], [sflag:$0x7] =	stream.linear.gather [hbm4b:s8+s4], $0xC80, $0x38;
	[tilespmem:$0x1F400] =	vst v63  }
0x24: {  	_ =	swait.ge [sflag:s26], $0xC80  }
0x25: {  	[sflag:s26] =	ssyncset.done $0x0  }
0x26: {  	[sflag:s26] =	ssyncadd.s32 $0xFFFFF380  }
0x27: {  	_ =	swait.ge [sflag:s26], $0xC80  }
0x28: {  	[sflag:s26] =	ssyncset.done $0x0  }
0x29: {  	[sflag:s26] =	ssyncadd.s32 $0xFFFFF380  }
0x2a: {  	[tilespmem:s30], [sflag:$0x2] =	stream.indirect.gather [hbm4b:s2+s28], $0x80, s15, s28, $0xb8;
	[tilespmem:$0x1F400] =	vst v63  }
0x2b: {  	_ = 	snop  }
0x2c: {  	[tilespmem:s1], [sflag:$0x3] =	stream.indirect.gather [hbm4b:s2+s28], $0x80, s13, s28, $0xb8;
	[tilespmem:$0x1F400] =	vst v63  }
0x2d: {  	s8 =	rddreg [dreg:$0x6]  }
0x2e: {  	[tilespmem:s0], [sflag:$0x8] =	stream.linear.gather [hbm4b:s8+s4], $0xC80, $0x38;
	[tilespmem:$0x1F400] =	vst v63  }
0x2f: {  	s13 =	rddreg [dreg:$0x7]  }
0x30: {  	[tilespmem:s5], [sflag:$0x8] =	stream.linear.gather [hbm4b:s13+s4], $0xC80, $0x38;
	[tilespmem:$0x1F400] =	vst v63  }
0x31: {  	s11 =	simm.s32 $0x0;
	s13 =	simm.s32 $0x200  }
.LBB2_2:
0x32: {  	p0 =	sne.s32 s13, $0x9E00;
	[tilespmem:s11+$0x4070] =	vst v0  }
0x33: {  	[tilespmem:s11+$0x4000] =	vst v0  }
0x34: {  	[tilespmem:s11+$0x4010] =	vst v0  }
.Ltmp0:
0x35: {  	[tilespmem:s11+$0x4020] =	vst v0;
	(pc) =	sbr.rel @p0 .LBB2_2-.Ltmp0, $4  }
0x36: {  	[tilespmem:s11+$0x4030] =	vst v0  }
0x37: {  	[tilespmem:s11+$0x4040] =	vst v0  }
0x38: {  	[tilespmem:s11+$0x4050] =	vst v0  }
0x39: {  	[tilespmem:s11+$0x4060] =	vst v0;
	s11 =	sshra.s32 s13, $0x2;
	s13 =	sadd.s32 $0x200, s13  }
0x3a: {  	[tilespmem:s11+$0x4070] =	vst v0  }
0x3b: {  	[tilespmem:s11+$0x4000] =	vst v0  }
0x3c: {  	[tilespmem:s11+$0x4010] =	vst v0  }
0x3d: {  	[tilespmem:s11+$0x4020] =	vst v0  }
0x3e: {  	[tilespmem:s11+$0x4030] =	vst v0  }
0x3f: {  	[tilespmem:s11+$0x4040] =	vst v0  }
0x40: {  	[tilespmem:s11+$0x4050] =	vst v0  }
0x41: {  	[tilespmem:s11+$0x4060] =	vst v0;
	s0 =	rddreg [dreg:$0x17]  }
0x42: {  	[spmem:s0] =	stream.linear.scatter [tilespmem:s6], [sflag:$0x9], $0x2800, $0x38;
	[tilespmem:$0x1F400] =	vst v63  }
0x43: {  	_ =	swait.ge [sflag:s7], $0x2800  }
0x44: {  	[sflag:s7] =	ssyncset.done $0x0  }
0x45: {  	s0 =	rddreg [dreg:$0x8];
	[sflag:s7] =	ssyncadd.s32 $0xFFFFD800  }
0x46: {  	[spmem:s0] =	stream.linear.scatter [tilespmem:s6], [sflag:$0x9], $0x2800, $0x38;
	[tilespmem:$0x1F400] =	vst v63  }
0x47: {  	_ =	swait.ge [sflag:s7], $0x2800  }
0x48: {  	[sflag:s7] =	ssyncset.done $0x0  }
0x49: {  	s5 =	rddreg [dreg:$0x9];
	[sflag:s7] =	ssyncadd.s32 $0xFFFFD800  }
0x4a: {  	[spmem:s5] =	stream.linear.scatter [tilespmem:s6], [sflag:$0x9], $0x2800, $0x38;
	[tilespmem:$0x1F400] =	vst v63  }
0x4b: {  	_ =	swait.ge [sflag:s7], $0x2800  }
0x4c: {  	[sflag:s7] =	ssyncset.done $0x0  }
0x4d: {  	s8 =	rddreg [dreg:$0xa];
	[sflag:s7] =	ssyncadd.s32 $0xFFFFD800  }
0x4e: {  	[spmem:s8] =	stream.linear.scatter [tilespmem:s6], [sflag:$0x9], $0x2800, $0x38;
	[tilespmem:$0x1F400] =	vst v63  }
0x4f: {  	_ =	swait.ge [sflag:s7], $0x2800  }
0x50: {  	[sflag:s7] =	ssyncset.done $0x0  }
0x51: {  	s13 =	rddreg [dreg:$0xb];
	[sflag:s7] =	ssyncadd.s32 $0xFFFFD800  }
0x52: {  	[spmem:s13] =	stream.linear.scatter [tilespmem:s6], [sflag:$0x9], $0x2800, $0x38;
	[tilespmem:$0x1F400] =	vst v63  }
0x53: {  	_ =	swait.ge [sflag:s7], $0x2800  }
0x54: {  	[sflag:s7] =	ssyncset.done $0x0  }
0x55: {  	s0 =	rddreg [dreg:$0xc];
	[sflag:s7] =	ssyncadd.s32 $0xFFFFD800  }
0x56: {  	[spmem:s0] =	stream.linear.scatter [tilespmem:s6], [sflag:$0x9], $0x2800, $0x38;
	[tilespmem:$0x1F400] =	vst v63  }
0x57: {  	_ =	swait.ge [sflag:s7], $0x2800  }
0x58: {  	[sflag:s7] =	ssyncset.done $0x0  }
0x59: {  	s5 =	rddreg [dreg:$0xd];
	[sflag:s7] =	ssyncadd.s32 $0xFFFFD800  }
0x5a: {  	[spmem:s5] =	stream.linear.scatter [tilespmem:s6], [sflag:$0x9], $0x2800, $0x38;
	[tilespmem:$0x1F400] =	vst v63  }
0x5b: {  	_ =	swait.ge [sflag:s7], $0x2800  }
0x5c: {  	[sflag:s7] =	ssyncset.done $0x0  }
0x5d: {  	s8 =	rddreg [dreg:$0xe];
	[sflag:s7] =	ssyncadd.s32 $0xFFFFD800  }
0x5e: {  	[spmem:s8] =	stream.linear.scatter [tilespmem:s6], [sflag:$0x9], $0x2400, $0x38;
	[tilespmem:$0x1F400] =	vst v63  }
0x5f: {  	_ =	swait.ge [sflag:s7], $0x2400  }
0x60: {  	[sflag:s7] =	ssyncset.done $0x0  }
0x61: {  	[sflag:s7] =	ssyncadd.s32 $0xFFFFDC00  }
0x62: {  	[bflag:$0x0] =	sbarrier.arrive $0xFFFF  }
0x63: {  	[tilespmem:s6], [sflag:$0x1] =	stream.indirect.gather [hbm4b:s2+s28], $0x80, s4, s28, $0xb8;
	[tilespmem:$0x1F400] =	vst v63  }
0x64: {  	_ =	swait.ge [sflag:s9], $0x2800  }
0x65: {  	[sflag:s9] =	ssyncset.done $0x0  }
0x66: {  	[sflag:s9] =	ssyncadd.s32 $0xFFFFD800  }
0x67: {  	[spmem:s3] =	stream.indirect.scatter.add.f32 [tilespmem:s6], [sflag:$0x4], $0x80, s17, s28, $0xb8;
	[tilespmem:$0x1F400] =	vst v63  }
0x68: {  	_ =	swait.ge [sflag:s10], $0x2800  }
0x69: {  	[sflag:s10] =	ssyncset.done $0x0  }
0x6a: {  	s11 =	simm.s32 $0x1080;
	[sflag:s10] =	ssyncadd.s32 $0xFFFFD800  }
0x6b: {  	[spmem:s3] =	stream.indirect.scatter.add.f32 [tilespmem:s30], [sflag:$0x5], $0x80, s11, s28, $0xb8;
	[tilespmem:$0x1F400] =	vst v63  }
0x6c: {  	_ =	swait.ge [sflag:s12], $0x2800  }
0x6d: {  	[sflag:s12] =	ssyncset.done $0x0  }
0x6e: {  	s13 =	simm.s32 $0x1100;
	[sflag:s12] =	ssyncadd.s32 $0xFFFFD800  }
0x6f: {  	[spmem:s3] =	stream.indirect.scatter.add.f32 [tilespmem:s1], [sflag:$0x6], $0x80, s13, s28, $0xb8;
	[tilespmem:$0x1F400] =	vst v63  }
0x70: {  	_ =	swait.ge [sflag:s14], $0x2800  }
0x71: {  	[sflag:s14] =	ssyncset.done $0x0  }
0x72: {  	s5 =	simm.s32 $0x180;
	[sflag:s14] =	ssyncadd.s32 $0xFFFFD800  }
0x73: {  	[tilespmem:s6], [sflag:$0x1] =	stream.indirect.gather [hbm4b:s2+s28], $0x80, s5, s28, $0xb8;
	[tilespmem:$0x1F400] =	vst v63  }
0x74: {  	_ =	swait.ge [sflag:s16], $0x2800  }
0x75: {  	[sflag:s16] =	ssyncset.done $0x0  }
0x76: {  	s8 =	simm.s32 $0x200;
	[sflag:s16] =	ssyncadd.s32 $0xFFFFD800  }
0x77: {  	[tilespmem:s30], [sflag:$0x2] =	stream.indirect.gather [hbm4b:s2+s28], $0x80, s8, s28, $0xb8;
	[tilespmem:$0x1F400] =	vst v63  }
0x78: {  	_ =	swait.ge [sflag:s18], $0x2800  }
0x79: {  	[sflag:s18] =	ssyncset.done $0x0  }
0x7a: {  	s11 =	simm.s32 $0x280;
	[sflag:s18] =	ssyncadd.s32 $0xFFFFD800  }
0x7b: {  	[tilespmem:s1], [sflag:$0x3] =	stream.indirect.gather [hbm4b:s2+s28], $0x80, s11, s28, $0xb8;
	[tilespmem:$0x1F400] =	vst v63  }
0x7c: {  	_ =	swait.ge [sflag:s9], $0x2800  }
0x7d: {  	[sflag:s9] =	ssyncset.done $0x0  }
0x7e: {  	s13 =	simm.s32 $0x1180;
	[sflag:s9] =	ssyncadd.s32 $0xFFFFD800  }
0x7f: {  	[spmem:s3] =	stream.indirect.scatter.add.f32 [tilespmem:s6], [sflag:$0x4], $0x80, s13, s28, $0xb8;
	[tilespmem:$0x1F400] =	vst v63  }
0x80: {  	_ =	swait.ge [sflag:s10], $0x2800  }
0x81: {  	[sflag:s10] =	ssyncset.done $0x0  }
0x82: {  	s5 =	simm.s32 $0x1200;
	[sflag:s10] =	ssyncadd.s32 $0xFFFFD800  }
0x83: {  	[spmem:s3] =	stream.indirect.scatter.add.f32 [tilespmem:s30], [sflag:$0x5], $0x80, s5, s28, $0xb8;
	[tilespmem:$0x1F400] =	vst v63  }
0x84: {  	_ =	swait.ge [sflag:s12], $0x2800  }
0x85: {  	[sflag:s12] =	ssyncset.done $0x0  }
0x86: {  	s8 =	simm.s32 $0x1280;
	[sflag:s12] =	ssyncadd.s32 $0xFFFFD800  }
0x87: {  	[spmem:s3] =	stream.indirect.scatter.add.f32 [tilespmem:s1], [sflag:$0x6], $0x80, s8, s28, $0xb8;
	[tilespmem:$0x1F400] =	vst v63  }
0x88: {  	_ =	swait.ge [sflag:s14], $0x2800  }
0x89: {  	[sflag:s14] =	ssyncset.done $0x0  }
0x8a: {  	s11 =	simm.s32 $0x300;
	[sflag:s14] =	ssyncadd.s32 $0xFFFFD800  }
0x8b: {  	[tilespmem:s6], [sflag:$0x1] =	stream.indirect.gather [hbm4b:s2+s28], $0x80, s11, s28, $0xb8;
	[tilespmem:$0x1F400] =	vst v63  }
0x8c: {  	_ =	swait.ge [sflag:s16], $0x2800  }
0x8d: {  	[sflag:s16] =	ssyncset.done $0x0  }
0x8e: {  	s13 =	simm.s32 $0x380;
	[sflag:s16] =	ssyncadd.s32 $0xFFFFD800  }
0x8f: {  	[tilespmem:s30], [sflag:$0x2] =	stream.indirect.gather [hbm4b:s2+s28], $0x80, s13, s28, $0xb8;
	[tilespmem:$0x1F400] =	vst v63  }
0x90: {  	_ =	swait.ge [sflag:s18], $0x2800  }
0x91: {  	[sflag:s18] =	ssyncset.done $0x0  }
0x92: {  	s5 =	simm.s32 $0x400;
	[sflag:s18] =	ssyncadd.s32 $0xFFFFD800  }
0x93: {  	[tilespmem:s1], [sflag:$0x3] =	stream.indirect.gather [hbm4b:s2+s28], $0x80, s5, s28, $0xb8;
	[tilespmem:$0x1F400] =	vst v63  }
0x94: {  	_ =	swait.ge [sflag:s9], $0x2800  }
0x95: {  	[sflag:s9] =	ssyncset.done $0x0  }
0x96: {  	s8 =	simm.s32 $0x1300;
	[sflag:s9] =	ssyncadd.s32 $0xFFFFD800  }
0x97: {  	[spmem:s3] =	stream.indirect.scatter.add.f32 [tilespmem:s6], [sflag:$0x4], $0x80, s8, s28, $0xb8;
	[tilespmem:$0x1F400] =	vst v63  }
0x98: {  	_ =	swait.ge [sflag:s10], $0x2800  }
0x99: {  	[sflag:s10] =	ssyncset.done $0x0  }
0x9a: {  	s11 =	simm.s32 $0x1380;
	[sflag:s10] =	ssyncadd.s32 $0xFFFFD800  }
0x9b: {  	[spmem:s3] =	stream.indirect.scatter.add.f32 [tilespmem:s30], [sflag:$0x5], $0x80, s11, s28, $0xb8;
	[tilespmem:$0x1F400] =	vst v63  }
0x9c: {  	_ =	swait.ge [sflag:s12], $0x2800  }
0x9d: {  	[sflag:s12] =	ssyncset.done $0x0  }
0x9e: {  	s13 =	simm.s32 $0x1400;
	[sflag:s12] =	ssyncadd.s32 $0xFFFFD800  }
0x9f: {  	[spmem:s3] =	stream.indirect.scatter.add.f32 [tilespmem:s1], [sflag:$0x6], $0x80, s13, s28, $0xb8;
	[tilespmem:$0x1F400] =	vst v63  }
0xa0: {  	_ =	swait.ge [sflag:s14], $0x2800  }
0xa1: {  	[sflag:s14] =	ssyncset.done $0x0  }
0xa2: {  	s5 =	simm.s32 $0x480;
	[sflag:s14] =	ssyncadd.s32 $0xFFFFD800  }
0xa3: {  	[tilespmem:s6], [sflag:$0x1] =	stream.indirect.gather [hbm4b:s2+s28], $0x80, s5, s28, $0xb8;
	[tilespmem:$0x1F400] =	vst v63  }
0xa4: {  	_ =	swait.ge [sflag:s16], $0x2800  }
0xa5: {  	[sflag:s16] =	ssyncset.done $0x0  }
0xa6: {  	s8 =	simm.s32 $0x500;
	[sflag:s16] =	ssyncadd.s32 $0xFFFFD800  }
0xa7: {  	[tilespmem:s30], [sflag:$0x2] =	stream.indirect.gather [hbm4b:s2+s28], $0x80, s8, s28, $0xb8;
	[tilespmem:$0x1F400] =	vst v63  }
0xa8: {  	_ =	swait.ge [sflag:s18], $0x2800  }
0xa9: {  	[sflag:s18] =	ssyncset.done $0x0  }
0xaa: {  	s11 =	simm.s32 $0x580;
	[sflag:s18] =	ssyncadd.s32 $0xFFFFD800  }
0xab: {  	[tilespmem:s1], [sflag:$0x3] =	stream.indirect.gather [hbm4b:s2+s28], $0x80, s11, s28, $0xb8;
	[tilespmem:$0x1F400] =	vst v63  }
0xac: {  	_ =	swait.ge [sflag:s9], $0x2800  }
0xad: {  	[sflag:s9] =	ssyncset.done $0x0  }
0xae: {  	s13 =	simm.s32 $0x1480;
	[sflag:s9] =	ssyncadd.s32 $0xFFFFD800  }
0xaf: {  	[spmem:s3] =	stream.indirect.scatter.add.f32 [tilespmem:s6], [sflag:$0x4], $0x80, s13, s28, $0xb8;
	[tilespmem:$0x1F400] =	vst v63  }
0xb0: {  	_ =	swait.ge [sflag:s10], $0x2800  }
0xb1: {  	[sflag:s10] =	ssyncset.done $0x0  }
0xb2: {  	s5 =	simm.s32 $0x1500;
	[sflag:s10] =	ssyncadd.s32 $0xFFFFD800  }
0xb3: {  	[spmem:s3] =	stream.indirect.scatter.add.f32 [tilespmem:s30], [sflag:$0x5], $0x80, s5, s28, $0xb8;
	[tilespmem:$0x1F400] =	vst v63  }
0xb4: {  	_ =	swait.ge [sflag:s12], $0x2800  }
0xb5: {  	[sflag:s12] =	ssyncset.done $0x0  }
0xb6: {  	s8 =	simm.s32 $0x1580;
	[sflag:s12] =	ssyncadd.s32 $0xFFFFD800  }
0xb7: {  	[spmem:s3] =	stream.indirect.scatter.add.f32 [tilespmem:s1], [sflag:$0x6], $0x80, s8, s28, $0xb8;
	[tilespmem:$0x1F400] =	vst v63  }
0xb8: {  	_ =	swait.ge [sflag:s14], $0x2800  }
0xb9: {  	[sflag:s14] =	ssyncset.done $0x0  }
0xba: {  	s11 =	simm.s32 $0x600;
	[sflag:s14] =	ssyncadd.s32 $0xFFFFD800  }
0xbb: {  	[tilespmem:s6], [sflag:$0x1] =	stream.indirect.gather [hbm4b:s2+s28], $0x80, s11, s28, $0xb8;
	[tilespmem:$0x1F400] =	vst v63  }
0xbc: {  	_ =	swait.ge [sflag:s16], $0x2800  }
0xbd: {  	[sflag:s16] =	ssyncset.done $0x0  }
0xbe: {  	s13 =	simm.s32 $0x680;
	[sflag:s16] =	ssyncadd.s32 $0xFFFFD800  }
0xbf: {  	[tilespmem:s30], [sflag:$0x2] =	stream.indirect.gather [hbm4b:s2+s28], $0x80, s13, s28, $0xb8;
	[tilespmem:$0x1F400] =	vst v63  }
0xc0: {  	_ =	swait.ge [sflag:s18], $0x2800  }
0xc1: {  	[sflag:s18] =	ssyncset.done $0x0  }
0xc2: {  	s5 =	simm.s32 $0x700;
	[sflag:s18] =	ssyncadd.s32 $0xFFFFD800  }
0xc3: {  	[tilespmem:s1], [sflag:$0x3] =	stream.indirect.gather [hbm4b:s2+s28], $0x80, s5, s28, $0xb8;
	[tilespmem:$0x1F400] =	vst v63  }
0xc4: {  	_ =	swait.ge [sflag:s9], $0x2800  }
0xc5: {  	[sflag:s9] =	ssyncset.done $0x0  }
0xc6: {  	s8 =	simm.s32 $0x1600;
	[sflag:s9] =	ssyncadd.s32 $0xFFFFD800  }
0xc7: {  	[spmem:s3] =	stream.indirect.scatter.add.f32 [tilespmem:s6], [sflag:$0x4], $0x80, s8, s28, $0xb8;
	[tilespmem:$0x1F400] =	vst v63  }
0xc8: {  	_ =	swait.ge [sflag:s10], $0x2800  }
0xc9: {  	[sflag:s10] =	ssyncset.done $0x0  }
0xca: {  	s11 =	simm.s32 $0x1680;
	[sflag:s10] =	ssyncadd.s32 $0xFFFFD800  }
0xcb: {  	[spmem:s3] =	stream.indirect.scatter.add.f32 [tilespmem:s30], [sflag:$0x5], $0x80, s11, s28, $0xb8;
	[tilespmem:$0x1F400] =	vst v63  }
0xcc: {  	_ =	swait.ge [sflag:s12], $0x2800  }
0xcd: {  	[sflag:s12] =	ssyncset.done $0x0  }
0xce: {  	s13 =	simm.s32 $0x1700;
	[sflag:s12] =	ssyncadd.s32 $0xFFFFD800  }
0xcf: {  	[spmem:s3] =	stream.indirect.scatter.add.f32 [tilespmem:s1], [sflag:$0x6], $0x80, s13, s28, $0xb8;
	[tilespmem:$0x1F400] =	vst v63  }
0xd0: {  	_ =	swait.ge [sflag:s14], $0x2800  }
0xd1: {  	[sflag:s14] =	ssyncset.done $0x0  }
0xd2: {  	s5 =	simm.s32 $0x780;
	[sflag:s14] =	ssyncadd.s32 $0xFFFFD800  }
0xd3: {  	[tilespmem:s6], [sflag:$0x1] =	stream.indirect.gather [hbm4b:s2+s28], $0x80, s5, s28, $0xb8;
	[tilespmem:$0x1F400] =	vst v63  }
0xd4: {  	_ =	swait.ge [sflag:s16], $0x2800  }
0xd5: {  	[sflag:s16] =	ssyncset.done $0x0  }
0xd6: {  	s8 =	simm.s32 $0x800;
	[sflag:s16] =	ssyncadd.s32 $0xFFFFD800  }
0xd7: {  	[tilespmem:s30], [sflag:$0x2] =	stream.indirect.gather [hbm4b:s2+s28], $0x80, s8, s28, $0xb8;
	[tilespmem:$0x1F400] =	vst v63  }
0xd8: {  	_ =	swait.ge [sflag:s18], $0x2800  }
0xd9: {  	[sflag:s18] =	ssyncset.done $0x0  }
0xda: {  	s11 =	simm.s32 $0x880;
	[sflag:s18] =	ssyncadd.s32 $0xFFFFD800  }
0xdb: {  	[tilespmem:s1], [sflag:$0x3] =	stream.indirect.gather [hbm4b:s2+s28], $0x80, s11, s28, $0xb8;
	[tilespmem:$0x1F400] =	vst v63  }
0xdc: {  	_ =	swait.ge [sflag:s9], $0x2800  }
0xdd: {  	[sflag:s9] =	ssyncset.done $0x0  }
0xde: {  	s13 =	simm.s32 $0x1780;
	[sflag:s9] =	ssyncadd.s32 $0xFFFFD800  }
0xdf: {  	[spmem:s3] =	stream.indirect.scatter.add.f32 [tilespmem:s6], [sflag:$0x4], $0x80, s13, s28, $0xb8;
	[tilespmem:$0x1F400] =	vst v63  }
0xe0: {  	_ =	swait.ge [sflag:s10], $0x2800  }
0xe1: {  	[sflag:s10] =	ssyncset.done $0x0  }
0xe2: {  	s5 =	simm.s32 $0x1800;
	[sflag:s10] =	ssyncadd.s32 $0xFFFFD800  }
0xe3: {  	[spmem:s3] =	stream.indirect.scatter.add.f32 [tilespmem:s30], [sflag:$0x5], $0x80, s5, s28, $0xb8;
	[tilespmem:$0x1F400] =	vst v63  }
0xe4: {  	_ =	swait.ge [sflag:s12], $0x2800  }
0xe5: {  	[sflag:s12] =	ssyncset.done $0x0  }
0xe6: {  	s8 =	simm.s32 $0x1880;
	[sflag:s12] =	ssyncadd.s32 $0xFFFFD800  }
0xe7: {  	[spmem:s3] =	stream.indirect.scatter.add.f32 [tilespmem:s1], [sflag:$0x6], $0x80, s8, s28, $0xb8;
	[tilespmem:$0x1F400] =	vst v63  }
0xe8: {  	_ =	swait.ge [sflag:s14], $0x2800  }
0xe9: {  	[sflag:s14] =	ssyncset.done $0x0  }
0xea: {  	s11 =	simm.s32 $0x900;
	[sflag:s14] =	ssyncadd.s32 $0xFFFFD800  }
0xeb: {  	[tilespmem:s6], [sflag:$0x1] =	stream.indirect.gather [hbm4b:s2+s28], $0x80, s11, s28, $0xb8;
	[tilespmem:$0x1F400] =	vst v63  }
0xec: {  	_ =	swait.ge [sflag:s16], $0x2800  }
0xed: {  	[sflag:s16] =	ssyncset.done $0x0  }
0xee: {  	s13 =	simm.s32 $0x980;
	[sflag:s16] =	ssyncadd.s32 $0xFFFFD800  }
0xef: {  	[tilespmem:s30], [sflag:$0x2] =	stream.indirect.gather [hbm4b:s2+s28], $0x80, s13, s28, $0xb8;
	[tilespmem:$0x1F400] =	vst v63  }
0xf0: {  	_ =	swait.ge [sflag:s18], $0x2800  }
0xf1: {  	[sflag:s18] =	ssyncset.done $0x0  }
0xf2: {  	s5 =	simm.s32 $0xA00;
	[sflag:s18] =	ssyncadd.s32 $0xFFFFD800  }
0xf3: {  	[tilespmem:s1], [sflag:$0x3] =	stream.indirect.gather [hbm4b:s2+s28], $0x80, s5, s28, $0xb8;
	[tilespmem:$0x1F400] =	vst v63  }
0xf4: {  	_ =	swait.ge [sflag:s9], $0x2800  }
0xf5: {  	[sflag:s9] =	ssyncset.done $0x0  }
0xf6: {  	s8 =	simm.s32 $0x1900;
	[sflag:s9] =	ssyncadd.s32 $0xFFFFD800  }
0xf7: {  	[spmem:s3] =	stream.indirect.scatter.add.f32 [tilespmem:s6], [sflag:$0x4], $0x80, s8, s28, $0xb8;
	[tilespmem:$0x1F400] =	vst v63  }
0xf8: {  	_ =	swait.ge [sflag:s10], $0x2800  }
0xf9: {  	[sflag:s10] =	ssyncset.done $0x0  }
0xfa: {  	s11 =	simm.s32 $0x1980;
	[sflag:s10] =	ssyncadd.s32 $0xFFFFD800  }
0xfb: {  	[spmem:s3] =	stream.indirect.scatter.add.f32 [tilespmem:s30], [sflag:$0x5], $0x80, s11, s28, $0xb8;
	[tilespmem:$0x1F400] =	vst v63  }
0xfc: {  	_ =	swait.ge [sflag:s12], $0x2800  }
0xfd: {  	[sflag:s12] =	ssyncset.done $0x0  }
0xfe: {  	s13 =	simm.s32 $0x1A00;
	[sflag:s12] =	ssyncadd.s32 $0xFFFFD800  }
0xff: {  	[spmem:s3] =	stream.indirect.scatter.add.f32 [tilespmem:s1], [sflag:$0x6], $0x80, s13, s28, $0xb8;
	[tilespmem:$0x1F400] =	vst v63  }
0x100: {  	_ =	swait.ge [sflag:s14], $0x2800  }
0x101: {  	[sflag:s14] =	ssyncset.done $0x0  }
0x102: {  	s5 =	simm.s32 $0xA80;
	[sflag:s14] =	ssyncadd.s32 $0xFFFFD800  }
0x103: {  	[tilespmem:s6], [sflag:$0x1] =	stream.indirect.gather [hbm4b:s2+s28], $0x80, s5, s28, $0xb8;
	[tilespmem:$0x1F400] =	vst v63  }
0x104: {  	_ =	swait.ge [sflag:s16], $0x2800  }
0x105: {  	[sflag:s16] =	ssyncset.done $0x0  }
0x106: {  	s8 =	simm.s32 $0xB00;
	[sflag:s16] =	ssyncadd.s32 $0xFFFFD800  }
0x107: {  	[tilespmem:s30], [sflag:$0x2] =	stream.indirect.gather [hbm4b:s2+s28], $0x80, s8, s28, $0xb8;
	[tilespmem:$0x1F400] =	vst v63  }
0x108: {  	_ =	swait.ge [sflag:s18], $0x2800  }
0x109: {  	[sflag:s18] =	ssyncset.done $0x0  }
0x10a: {  	s11 =	simm.s32 $0xB80;
	[sflag:s18] =	ssyncadd.s32 $0xFFFFD800  }
0x10b: {  	[tilespmem:s1], [sflag:$0x3] =	stream.indirect.gather [hbm4b:s2+s28], $0x80, s11, s28, $0xb8;
	[tilespmem:$0x1F400] =	vst v63  }
0x10c: {  	_ =	swait.ge [sflag:s9], $0x2800  }
0x10d: {  	[sflag:s9] =	ssyncset.done $0x0  }
0x10e: {  	s13 =	simm.s32 $0x1A80;
	[sflag:s9] =	ssyncadd.s32 $0xFFFFD800  }
0x10f: {  	[spmem:s3] =	stream.indirect.scatter.add.f32 [tilespmem:s6], [sflag:$0x4], $0x80, s13, s28, $0xb8;
	[tilespmem:$0x1F400] =	vst v63  }
0x110: {  	_ =	swait.ge [sflag:s10], $0x2800  }
0x111: {  	[sflag:s10] =	ssyncset.done $0x0  }
0x112: {  	s5 =	simm.s32 $0x1B00;
	[sflag:s10] =	ssyncadd.s32 $0xFFFFD800  }
0x113: {  	[spmem:s3] =	stream.indirect.scatter.add.f32 [tilespmem:s30], [sflag:$0x5], $0x80, s5, s28, $0xb8;
	[tilespmem:$0x1F400] =	vst v63  }
0x114: {  	_ =	swait.ge [sflag:s12], $0x2800  }
0x115: {  	[sflag:s12] =	ssyncset.done $0x0  }
0x116: {  	s8 =	simm.s32 $0x1B80;
	[sflag:s12] =	ssyncadd.s32 $0xFFFFD800  }
0x117: {  	[spmem:s3] =	stream.indirect.scatter.add.f32 [tilespmem:s1], [sflag:$0x6], $0x80, s8, s28, $0xb8;
	[tilespmem:$0x1F400] =	vst v63  }
0x118: {  	_ =	swait.ge [sflag:s14], $0x2800  }
0x119: {  	[sflag:s14] =	ssyncset.done $0x0  }
0x11a: {  	s11 =	simm.s32 $0xC00;
	[sflag:s14] =	ssyncadd.s32 $0xFFFFD800  }
0x11b: {  	[tilespmem:s6], [sflag:$0x1] =	stream.indirect.gather [hbm4b:s2+s28], $0x80, s11, s28, $0xb8;
	[tilespmem:$0x1F400] =	vst v63  }
0x11c: {  	_ =	swait.ge [sflag:s16], $0x2800  }
0x11d: {  	[sflag:s16] =	ssyncset.done $0x0  }
0x11e: {  	[sflag:s16] =	ssyncadd.s32 $0xFFFFD800  }
0x11f: {  	_ =	swait.ge [sflag:s18], $0x2800  }
0x120: {  	[sflag:s18] =	ssyncset.done $0x0  }
0x121: {  	[sflag:s18] =	ssyncadd.s32 $0xFFFFD800  }
0x122: {  	_ =	swait.ge [sflag:s9], $0x2800  }
0x123: {  	[sflag:s9] =	ssyncset.done $0x0  }
0x124: {  	s13 =	simm.s32 $0x1C00;
	[sflag:s9] =	ssyncadd.s32 $0xFFFFD800  }
0x125: {  	[spmem:s3] =	stream.indirect.scatter.add.f32 [tilespmem:s6], [sflag:$0x4], $0x80, s13, s28, $0xb8;
	[tilespmem:$0x1F400] =	vst v63  }
0x126: {  	_ =	swait.ge [sflag:s14], $0x2800  }
0x127: {  	[sflag:s14] =	ssyncset.done $0x0  }
0x128: {  	[sflag:s14] =	ssyncadd.s32 $0xFFFFD800  }
0x129: {  	_ =	swait.ge [sflag:s29], $0xC80  }
0x12a: {  	[sflag:s29] =	ssyncset.done $0x0  }
0x12b: {  	[sflag:s29] =	ssyncadd.s32 $0xFFFFF380  }
0x12c: {  	_ =	swait.ge [sflag:s29], $0xC80  }
0x12d: {  	[sflag:s29] =	ssyncset.done $0x0  }
0x12e: {  	s5 =	rddreg [dreg:$0xf];
	[sflag:s29] =	ssyncadd.s32 $0xFFFFF380  }
0x12f: {  	[tilespmem:s4], [sflag:$0x7] =	stream.linear.gather [hbm4b:s5+s4], $0xC80, $0x38;
	[tilespmem:$0x1F400] =	vst v63  }
0x130: {  	s8 =	rddreg [dreg:$0x10]  }
0x131: {  	[tilespmem:s17], [sflag:$0x7] =	stream.linear.gather [hbm4b:s8+s4], $0xC80, $0x38;
	[tilespmem:$0x1F400] =	vst v63  }
0x132: {  	s5 =	simm.s32 $0x2000  }
0x133: {  	[tilespmem:s6], [sflag:$0x1] =	stream.indirect.gather [hbm4b:s2+s28], $0x80, s5, s28, $0xb8;
	[tilespmem:$0x1F400] =	vst v63  }
0x134: {  	s8 =	simm.s32 $0x2080  }
0x135: {  	[tilespmem:s30], [sflag:$0x2] =	stream.indirect.gather [hbm4b:s2+s28], $0x80, s8, s28, $0xb8;
	[tilespmem:$0x1F400] =	vst v63  }
0x136: {  	_ = 	snop  }
0x137: {  	[tilespmem:s1], [sflag:$0x3] =	stream.indirect.gather [hbm4b:s2+s28], $0x80, s25, s28, $0xb8;
	[tilespmem:$0x1F400] =	vst v63  }
0x138: {  	_ =	swait.ge [sflag:s9], $0x2800  }
0x139: {  	[sflag:s9] =	ssyncset.done $0x0  }
0x13a: {  	s13 =	simm.s32 $0x3000;
	[sflag:s9] =	ssyncadd.s32 $0xFFFFD800  }
0x13b: {  	[spmem:s3] =	stream.indirect.scatter.add.f32 [tilespmem:s6], [sflag:$0x4], $0x80, s13, s28, $0xb8;
	[tilespmem:$0x1F400] =	vst v63  }
0x13c: {  	_ =	swait.ge [sflag:s10], $0x2800  }
0x13d: {  	[sflag:s10] =	ssyncset.done $0x0  }
0x13e: {  	s17 =	simm.s32 $0x3080;
	[sflag:s10] =	ssyncadd.s32 $0xFFFFD800  }
0x13f: {  	[spmem:s3] =	stream.indirect.scatter.add.f32 [tilespmem:s30], [sflag:$0x5], $0x80, s17, s28, $0xb8;
	[tilespmem:$0x1F400] =	vst v63  }
0x140: {  	_ =	swait.ge [sflag:s12], $0x2800  }
0x141: {  	[sflag:s12] =	ssyncset.done $0x0  }
0x142: {  	[sflag:s12] =	ssyncadd.s32 $0xFFFFD800  }
0x143: {  	[spmem:s3] =	stream.indirect.scatter.add.f32 [tilespmem:s1], [sflag:$0x6], $0x80, s19, s28, $0xb8;
	[tilespmem:$0x1F400] =	vst v63  }
0x144: {  	_ =	swait.ge [sflag:s14], $0x2800  }
0x145: {  	[sflag:s14] =	ssyncset.done $0x0  }
0x146: {  	[sflag:s14] =	ssyncadd.s32 $0xFFFFD800  }
0x147: {  	[tilespmem:s6], [sflag:$0x1] =	stream.indirect.gather [hbm4b:s2+s28], $0x80, s20, s28, $0xb8;
	[tilespmem:$0x1F400] =	vst v63  }
0x148: {  	_ =	swait.ge [sflag:s16], $0x2800  }
0x149: {  	[sflag:s16] =	ssyncset.done $0x0  }
0x14a: {  	[sflag:s16] =	ssyncadd.s32 $0xFFFFD800  }
0x14b: {  	[tilespmem:s30], [sflag:$0x2] =	stream.indirect.gather [hbm4b:s2+s28], $0x80, s21, s28, $0xb8;
	[tilespmem:$0x1F400] =	vst v63  }
0x14c: {  	_ =	swait.ge [sflag:s18], $0x2800  }
0x14d: {  	[sflag:s18] =	ssyncset.done $0x0  }
0x14e: {  	[sflag:s18] =	ssyncadd.s32 $0xFFFFD800  }
0x14f: {  	[tilespmem:s1], [sflag:$0x3] =	stream.indirect.gather [hbm4b:s2+s28], $0x80, s22, s28, $0xb8;
	[tilespmem:$0x1F400] =	vst v63  }
0x150: {  	_ =	swait.ge [sflag:s9], $0x2800  }
0x151: {  	[sflag:s9] =	ssyncset.done $0x0  }
0x152: {  	[sflag:s9] =	ssyncadd.s32 $0xFFFFD800  }
0x153: {  	[spmem:s3] =	stream.indirect.scatter.add.f32 [tilespmem:s6], [sflag:$0x4], $0x80, s23, s28, $0xb8;
	[tilespmem:$0x1F400] =	vst v63  }
0x154: {  	_ =	swait.ge [sflag:s10], $0x2800  }
0x155: {  	[sflag:s10] =	ssyncset.done $0x0  }
0x156: {  	[sflag:s10] =	ssyncadd.s32 $0xFFFFD800  }
0x157: {  	[spmem:s3] =	stream.indirect.scatter.add.f32 [tilespmem:s30], [sflag:$0x5], $0x80, s24, s28, $0xb8;
	[tilespmem:$0x1F400] =	vst v63  }
0x158: {  	_ =	swait.ge [sflag:s12], $0x2800  }
0x159: {  	[sflag:s12] =	ssyncset.done $0x0  }
0x15a: {  	s11 =	simm.s32 $0x3280;
	[sflag:s12] =	ssyncadd.s32 $0xFFFFD800  }
0x15b: {  	[spmem:s3] =	stream.indirect.scatter.add.f32 [tilespmem:s1], [sflag:$0x6], $0x80, s11, s28, $0xb8;
	[tilespmem:$0x1F400] =	vst v63  }
0x15c: {  	_ =	swait.ge [sflag:s14], $0x2800  }
0x15d: {  	[sflag:s14] =	ssyncset.done $0x0  }
0x15e: {  	s11 =	simm.s32 $0x2300;
	[sflag:s14] =	ssyncadd.s32 $0xFFFFD800  }
0x15f: {  	[tilespmem:s6], [sflag:$0x1] =	stream.indirect.gather [hbm4b:s2+s28], $0x80, s11, s28, $0xb8;
	[tilespmem:$0x1F400] =	vst v63  }
0x160: {  	_ =	swait.ge [sflag:s16], $0x2800  }
0x161: {  	[sflag:s16] =	ssyncset.done $0x0  }
0x162: {  	s11 =	simm.s32 $0x2380;
	[sflag:s16] =	ssyncadd.s32 $0xFFFFD800  }
0x163: {  	[tilespmem:s30], [sflag:$0x2] =	stream.indirect.gather [hbm4b:s2+s28], $0x80, s11, s28, $0xb8;
	[tilespmem:$0x1F400] =	vst v63  }
0x164: {  	_ =	swait.ge [sflag:s18], $0x2800  }
0x165: {  	[sflag:s18] =	ssyncset.done $0x0  }
0x166: {  	s11 =	simm.s32 $0x2400;
	[sflag:s18] =	ssyncadd.s32 $0xFFFFD800  }
0x167: {  	[tilespmem:s1], [sflag:$0x3] =	stream.indirect.gather [hbm4b:s2+s28], $0x80, s11, s28, $0xb8;
	[tilespmem:$0x1F400] =	vst v63  }
0x168: {  	_ =	swait.ge [sflag:s9], $0x2800  }
0x169: {  	[sflag:s9] =	ssyncset.done $0x0  }
0x16a: {  	s11 =	simm.s32 $0x3300;
	[sflag:s9] =	ssyncadd.s32 $0xFFFFD800  }
0x16b: {  	[spmem:s3] =	stream.indirect.scatter.add.f32 [tilespmem:s6], [sflag:$0x4], $0x80, s11, s28, $0xb8;
	[tilespmem:$0x1F400] =	vst v63  }
0x16c: {  	_ =	swait.ge [sflag:s10], $0x2800  }
0x16d: {  	[sflag:s10] =	ssyncset.done $0x0  }
0x16e: {  	s11 =	simm.s32 $0x3380;
	[sflag:s10] =	ssyncadd.s32 $0xFFFFD800  }
0x16f: {  	[spmem:s3] =	stream.indirect.scatter.add.f32 [tilespmem:s30], [sflag:$0x5], $0x80, s11, s28, $0xb8;
	[tilespmem:$0x1F400] =	vst v63  }
0x170: {  	_ =	swait.ge [sflag:s12], $0x2800  }
0x171: {  	[sflag:s12] =	ssyncset.done $0x0  }
0x172: {  	s11 =	simm.s32 $0x3400;
	[sflag:s12] =	ssyncadd.s32 $0xFFFFD800  }
0x173: {  	[spmem:s3] =	stream.indirect.scatter.add.f32 [tilespmem:s1], [sflag:$0x6], $0x80, s11, s28, $0xb8;
	[tilespmem:$0x1F400] =	vst v63  }
0x174: {  	_ =	swait.ge [sflag:s14], $0x2800  }
0x175: {  	[sflag:s14] =	ssyncset.done $0x0  }
0x176: {  	s11 =	simm.s32 $0x2480;
	[sflag:s14] =	ssyncadd.s32 $0xFFFFD800  }
0x177: {  	[tilespmem:s6], [sflag:$0x1] =	stream.indirect.gather [hbm4b:s2+s28], $0x80, s11, s28, $0xb8;
	[tilespmem:$0x1F400] =	vst v63  }
0x178: {  	_ =	swait.ge [sflag:s16], $0x2800  }
0x179: {  	[sflag:s16] =	ssyncset.done $0x0  }
0x17a: {  	s11 =	simm.s32 $0x2500;
	[sflag:s16] =	ssyncadd.s32 $0xFFFFD800  }
0x17b: {  	[tilespmem:s30], [sflag:$0x2] =	stream.indirect.gather [hbm4b:s2+s28], $0x80, s11, s28, $0xb8;
	[tilespmem:$0x1F400] =	vst v63  }
0x17c: {  	_ =	swait.ge [sflag:s18], $0x2800  }
0x17d: {  	[sflag:s18] =	ssyncset.done $0x0  }
0x17e: {  	s11 =	simm.s32 $0x2580;
	[sflag:s18] =	ssyncadd.s32 $0xFFFFD800  }
0x17f: {  	[tilespmem:s1], [sflag:$0x3] =	stream.indirect.gather [hbm4b:s2+s28], $0x80, s11, s28, $0xb8;
	[tilespmem:$0x1F400] =	vst v63  }
0x180: {  	_ =	swait.ge [sflag:s9], $0x2800  }
0x181: {  	[sflag:s9] =	ssyncset.done $0x0  }
0x182: {  	s11 =	simm.s32 $0x3480;
	[sflag:s9] =	ssyncadd.s32 $0xFFFFD800  }
0x183: {  	[spmem:s3] =	stream.indirect.scatter.add.f32 [tilespmem:s6], [sflag:$0x4], $0x80, s11, s28, $0xb8;
	[tilespmem:$0x1F400] =	vst v63  }
0x184: {  	_ =	swait.ge [sflag:s10], $0x2800  }
0x185: {  	[sflag:s10] =	ssyncset.done $0x0  }
0x186: {  	s11 =	simm.s32 $0x3500;
	[sflag:s10] =	ssyncadd.s32 $0xFFFFD800  }
0x187: {  	[spmem:s3] =	stream.indirect.scatter.add.f32 [tilespmem:s30], [sflag:$0x5], $0x80, s11, s28, $0xb8;
	[tilespmem:$0x1F400] =	vst v63  }
0x188: {  	_ =	swait.ge [sflag:s12], $0x2800  }
0x189: {  	[sflag:s12] =	ssyncset.done $0x0  }
0x18a: {  	s11 =	simm.s32 $0x3580;
	[sflag:s12] =	ssyncadd.s32 $0xFFFFD800  }
0x18b: {  	[spmem:s3] =	stream.indirect.scatter.add.f32 [tilespmem:s1], [sflag:$0x6], $0x80, s11, s28, $0xb8;
	[tilespmem:$0x1F400] =	vst v63  }
0x18c: {  	_ =	swait.ge [sflag:s14], $0x2800  }
0x18d: {  	[sflag:s14] =	ssyncset.done $0x0  }
0x18e: {  	s11 =	simm.s32 $0x2600;
	[sflag:s14] =	ssyncadd.s32 $0xFFFFD800  }
0x18f: {  	[tilespmem:s6], [sflag:$0x1] =	stream.indirect.gather [hbm4b:s2+s28], $0x80, s11, s28, $0xb8;
	[tilespmem:$0x1F400] =	vst v63  }
0x190: {  	_ =	swait.ge [sflag:s16], $0x2800  }
0x191: {  	[sflag:s16] =	ssyncset.done $0x0  }
0x192: {  	s11 =	simm.s32 $0x2680;
	[sflag:s16] =	ssyncadd.s32 $0xFFFFD800  }
0x193: {  	[tilespmem:s30], [sflag:$0x2] =	stream.indirect.gather [hbm4b:s2+s28], $0x80, s11, s28, $0xb8;
	[tilespmem:$0x1F400] =	vst v63  }
0x194: {  	_ =	swait.ge [sflag:s18], $0x2800  }
0x195: {  	[sflag:s18] =	ssyncset.done $0x0  }
0x196: {  	s11 =	simm.s32 $0x2700;
	[sflag:s18] =	ssyncadd.s32 $0xFFFFD800  }
0x197: {  	[tilespmem:s1], [sflag:$0x3] =	stream.indirect.gather [hbm4b:s2+s28], $0x80, s11, s28, $0xb8;
	[tilespmem:$0x1F400] =	vst v63  }
0x198: {  	_ =	swait.ge [sflag:s9], $0x2800  }
0x199: {  	[sflag:s9] =	ssyncset.done $0x0  }
0x19a: {  	s11 =	simm.s32 $0x3600;
	[sflag:s9] =	ssyncadd.s32 $0xFFFFD800  }
0x19b: {  	[spmem:s3] =	stream.indirect.scatter.add.f32 [tilespmem:s6], [sflag:$0x4], $0x80, s11, s28, $0xb8;
	[tilespmem:$0x1F400] =	vst v63  }
0x19c: {  	_ =	swait.ge [sflag:s10], $0x2800  }
0x19d: {  	[sflag:s10] =	ssyncset.done $0x0  }
0x19e: {  	s11 =	simm.s32 $0x3680;
	[sflag:s10] =	ssyncadd.s32 $0xFFFFD800  }
0x19f: {  	[spmem:s3] =	stream.indirect.scatter.add.f32 [tilespmem:s30], [sflag:$0x5], $0x80, s11, s28, $0xb8;
	[tilespmem:$0x1F400] =	vst v63  }
0x1a0: {  	_ =	swait.ge [sflag:s12], $0x2800  }
0x1a1: {  	[sflag:s12] =	ssyncset.done $0x0  }
0x1a2: {  	s11 =	simm.s32 $0x3700;
	[sflag:s12] =	ssyncadd.s32 $0xFFFFD800  }
0x1a3: {  	[spmem:s3] =	stream.indirect.scatter.add.f32 [tilespmem:s1], [sflag:$0x6], $0x80, s11, s28, $0xb8;
	[tilespmem:$0x1F400] =	vst v63  }
0x1a4: {  	_ =	swait.ge [sflag:s14], $0x2800  }
0x1a5: {  	[sflag:s14] =	ssyncset.done $0x0  }
0x1a6: {  	s11 =	simm.s32 $0x2780;
	[sflag:s14] =	ssyncadd.s32 $0xFFFFD800  }
0x1a7: {  	[tilespmem:s6], [sflag:$0x1] =	stream.indirect.gather [hbm4b:s2+s28], $0x80, s11, s28, $0xb8;
	[tilespmem:$0x1F400] =	vst v63  }
0x1a8: {  	_ =	swait.ge [sflag:s16], $0x2800  }
0x1a9: {  	[sflag:s16] =	ssyncset.done $0x0  }
0x1aa: {  	s11 =	simm.s32 $0x2800;
	[sflag:s16] =	ssyncadd.s32 $0xFFFFD800  }
0x1ab: {  	[tilespmem:s30], [sflag:$0x2] =	stream.indirect.gather [hbm4b:s2+s28], $0x80, s11, s28, $0xb8;
	[tilespmem:$0x1F400] =	vst v63  }
0x1ac: {  	_ =	swait.ge [sflag:s18], $0x2800  }
0x1ad: {  	[sflag:s18] =	ssyncset.done $0x0  }
0x1ae: {  	s11 =	simm.s32 $0x2880;
	[sflag:s18] =	ssyncadd.s32 $0xFFFFD800  }
0x1af: {  	[tilespmem:s1], [sflag:$0x3] =	stream.indirect.gather [hbm4b:s2+s28], $0x80, s11, s28, $0xb8;
	[tilespmem:$0x1F400] =	vst v63  }
0x1b0: {  	_ =	swait.ge [sflag:s9], $0x2800  }
0x1b1: {  	[sflag:s9] =	ssyncset.done $0x0  }
0x1b2: {  	s11 =	simm.s32 $0x3780;
	[sflag:s9] =	ssyncadd.s32 $0xFFFFD800  }
0x1b3: {  	[spmem:s3] =	stream.indirect.scatter.add.f32 [tilespmem:s6], [sflag:$0x4], $0x80, s11, s28, $0xb8;
	[tilespmem:$0x1F400] =	vst v63  }
0x1b4: {  	_ =	swait.ge [sflag:s10], $0x2800  }
0x1b5: {  	[sflag:s10] =	ssyncset.done $0x0  }
0x1b6: {  	s11 =	simm.s32 $0x3800;
	[sflag:s10] =	ssyncadd.s32 $0xFFFFD800  }
0x1b7: {  	[spmem:s3] =	stream.indirect.scatter.add.f32 [tilespmem:s30], [sflag:$0x5], $0x80, s11, s28, $0xb8;
	[tilespmem:$0x1F400] =	vst v63  }
0x1b8: {  	_ =	swait.ge [sflag:s12], $0x2800  }
0x1b9: {  	[sflag:s12] =	ssyncset.done $0x0  }
0x1ba: {  	s11 =	simm.s32 $0x3880;
	[sflag:s12] =	ssyncadd.s32 $0xFFFFD800  }
0x1bb: {  	[spmem:s3] =	stream.indirect.scatter.add.f32 [tilespmem:s1], [sflag:$0x6], $0x80, s11, s28, $0xb8;
	[tilespmem:$0x1F400] =	vst v63  }
0x1bc: {  	_ =	swait.ge [sflag:s14], $0x2800  }
0x1bd: {  	[sflag:s14] =	ssyncset.done $0x0  }
0x1be: {  	s11 =	simm.s32 $0x2900;
	[sflag:s14] =	ssyncadd.s32 $0xFFFFD800  }
0x1bf: {  	[tilespmem:s6], [sflag:$0x1] =	stream.indirect.gather [hbm4b:s2+s28], $0x80, s11, s28, $0xb8;
	[tilespmem:$0x1F400] =	vst v63  }
0x1c0: {  	_ =	swait.ge [sflag:s16], $0x2800  }
0x1c1: {  	[sflag:s16] =	ssyncset.done $0x0  }
0x1c2: {  	s11 =	simm.s32 $0x2980;
	[sflag:s16] =	ssyncadd.s32 $0xFFFFD800  }
0x1c3: {  	[tilespmem:s30], [sflag:$0x2] =	stream.indirect.gather [hbm4b:s2+s28], $0x80, s11, s28, $0xb8;
	[tilespmem:$0x1F400] =	vst v63  }
0x1c4: {  	_ =	swait.ge [sflag:s18], $0x2800  }
0x1c5: {  	[sflag:s18] =	ssyncset.done $0x0  }
0x1c6: {  	s11 =	simm.s32 $0x2A00;
	[sflag:s18] =	ssyncadd.s32 $0xFFFFD800  }
0x1c7: {  	[tilespmem:s1], [sflag:$0x3] =	stream.indirect.gather [hbm4b:s2+s28], $0x80, s11, s28, $0xb8;
	[tilespmem:$0x1F400] =	vst v63  }
0x1c8: {  	_ =	swait.ge [sflag:s9], $0x2800  }
0x1c9: {  	[sflag:s9] =	ssyncset.done $0x0  }
0x1ca: {  	s11 =	simm.s32 $0x3900;
	[sflag:s9] =	ssyncadd.s32 $0xFFFFD800  }
0x1cb: {  	[spmem:s3] =	stream.indirect.scatter.add.f32 [tilespmem:s6], [sflag:$0x4], $0x80, s11, s28, $0xb8;
	[tilespmem:$0x1F400] =	vst v63  }
0x1cc: {  	_ =	swait.ge [sflag:s10], $0x2800  }
0x1cd: {  	[sflag:s10] =	ssyncset.done $0x0  }
0x1ce: {  	s11 =	simm.s32 $0x3980;
	[sflag:s10] =	ssyncadd.s32 $0xFFFFD800  }
0x1cf: {  	[spmem:s3] =	stream.indirect.scatter.add.f32 [tilespmem:s30], [sflag:$0x5], $0x80, s11, s28, $0xb8;
	[tilespmem:$0x1F400] =	vst v63  }
0x1d0: {  	_ =	swait.ge [sflag:s12], $0x2800  }
0x1d1: {  	[sflag:s12] =	ssyncset.done $0x0  }
0x1d2: {  	s11 =	simm.s32 $0x3A00;
	[sflag:s12] =	ssyncadd.s32 $0xFFFFD800  }
0x1d3: {  	[spmem:s3] =	stream.indirect.scatter.add.f32 [tilespmem:s1], [sflag:$0x6], $0x80, s11, s28, $0xb8;
	[tilespmem:$0x1F400] =	vst v63  }
0x1d4: {  	_ =	swait.ge [sflag:s14], $0x2800  }
0x1d5: {  	[sflag:s14] =	ssyncset.done $0x0  }
0x1d6: {  	s11 =	simm.s32 $0x2A80;
	[sflag:s14] =	ssyncadd.s32 $0xFFFFD800  }
0x1d7: {  	[tilespmem:s6], [sflag:$0x1] =	stream.indirect.gather [hbm4b:s2+s28], $0x80, s11, s28, $0xb8;
	[tilespmem:$0x1F400] =	vst v63  }
0x1d8: {  	_ =	swait.ge [sflag:s16], $0x2800  }
0x1d9: {  	[sflag:s16] =	ssyncset.done $0x0  }
0x1da: {  	s11 =	simm.s32 $0x2B00;
	[sflag:s16] =	ssyncadd.s32 $0xFFFFD800  }
0x1db: {  	[tilespmem:s30], [sflag:$0x2] =	stream.indirect.gather [hbm4b:s2+s28], $0x80, s11, s28, $0xb8;
	[tilespmem:$0x1F400] =	vst v63  }
0x1dc: {  	_ =	swait.ge [sflag:s18], $0x2800  }
0x1dd: {  	[sflag:s18] =	ssyncset.done $0x0  }
0x1de: {  	s11 =	simm.s32 $0x2B80;
	[sflag:s18] =	ssyncadd.s32 $0xFFFFD800  }
0x1df: {  	[tilespmem:s1], [sflag:$0x3] =	stream.indirect.gather [hbm4b:s2+s28], $0x80, s11, s28, $0xb8;
	[tilespmem:$0x1F400] =	vst v63  }
0x1e0: {  	_ =	swait.ge [sflag:s9], $0x2800  }
0x1e1: {  	[sflag:s9] =	ssyncset.done $0x0  }
0x1e2: {  	s11 =	simm.s32 $0x3A80;
	[sflag:s9] =	ssyncadd.s32 $0xFFFFD800  }
0x1e3: {  	[spmem:s3] =	stream.indirect.scatter.add.f32 [tilespmem:s6], [sflag:$0x4], $0x80, s11, s28, $0xb8;
	[tilespmem:$0x1F400] =	vst v63  }
0x1e4: {  	_ =	swait.ge [sflag:s10], $0x2800  }
0x1e5: {  	[sflag:s10] =	ssyncset.done $0x0  }
0x1e6: {  	s11 =	simm.s32 $0x3B00;
	[sflag:s10] =	ssyncadd.s32 $0xFFFFD800  }
0x1e7: {  	[spmem:s3] =	stream.indirect.scatter.add.f32 [tilespmem:s30], [sflag:$0x5], $0x80, s11, s28, $0xb8;
	[tilespmem:$0x1F400] =	vst v63  }
0x1e8: {  	_ =	swait.ge [sflag:s12], $0x2800  }
0x1e9: {  	[sflag:s12] =	ssyncset.done $0x0  }
0x1ea: {  	s11 =	simm.s32 $0x3B80;
	[sflag:s12] =	ssyncadd.s32 $0xFFFFD800  }
0x1eb: {  	[spmem:s3] =	stream.indirect.scatter.add.f32 [tilespmem:s1], [sflag:$0x6], $0x80, s11, s28, $0xb8;
	[tilespmem:$0x1F400] =	vst v63  }
0x1ec: {  	_ =	swait.ge [sflag:s14], $0x2800  }
0x1ed: {  	[sflag:s14] =	ssyncset.done $0x0  }
0x1ee: {  	s11 =	simm.s32 $0x2C00;
	[sflag:s14] =	ssyncadd.s32 $0xFFFFD800  }
0x1ef: {  	[tilespmem:s6], [sflag:$0x1] =	stream.indirect.gather [hbm4b:s2+s28], $0x80, s11, s28, $0xb8;
	[tilespmem:$0x1F400] =	vst v63  }
0x1f0: {  	_ =	swait.ge [sflag:s16], $0x2800  }
0x1f1: {  	[sflag:s16] =	ssyncset.done $0x0  }
0x1f2: {  	[sflag:s16] =	ssyncadd.s32 $0xFFFFD800  }
0x1f3: {  	_ =	swait.ge [sflag:s18], $0x2800  }
0x1f4: {  	[sflag:s18] =	ssyncset.done $0x0  }
0x1f5: {  	[sflag:s18] =	ssyncadd.s32 $0xFFFFD800  }
0x1f6: {  	_ =	swait.ge [sflag:s9], $0x2800  }
0x1f7: {  	[sflag:s9] =	ssyncset.done $0x0  }
0x1f8: {  	s11 =	simm.s32 $0x3C00;
	[sflag:s9] =	ssyncadd.s32 $0xFFFFD800  }
0x1f9: {  	[spmem:s3] =	stream.indirect.scatter.add.f32 [tilespmem:s6], [sflag:$0x4], $0x80, s11, s28, $0xb8;
	[tilespmem:$0x1F400] =	vst v63  }
0x1fa: {  	_ =	swait.ge [sflag:s14], $0x2800  }
0x1fb: {  	[sflag:s14] =	ssyncset.done $0x0  }
0x1fc: {  	[sflag:s14] =	ssyncadd.s32 $0xFFFFD800  }
0x1fd: {  	_ =	swait.ge [sflag:s26], $0xC80  }
0x1fe: {  	[sflag:s26] =	ssyncset.done $0x0  }
0x1ff: {  	[sflag:s26] =	ssyncadd.s32 $0xFFFFF380  }
0x200: {  	_ =	swait.ge [sflag:s26], $0xC80  }
0x201: {  	[sflag:s26] =	ssyncset.done $0x0  }
0x202: {  	s11 =	rddreg [dreg:$0x11];
	[sflag:s26] =	ssyncadd.s32 $0xFFFFF380  }
0x203: {  	[tilespmem:s5], [sflag:$0x8] =	stream.linear.gather [hbm4b:s11+s4], $0xC80, $0x38;
	[tilespmem:$0x1F400] =	vst v63  }
0x204: {  	s11 =	rddreg [dreg:$0x12]  }
0x205: {  	[tilespmem:s13], [sflag:$0x8] =	stream.linear.gather [hbm4b:s11+s4], $0xC80, $0x38;
	[tilespmem:$0x1F400] =	vst v63  }
0x206: {  	_ = 	snop  }
0x207: {  	[tilespmem:s6], [sflag:$0x1] =	stream.indirect.gather [hbm4b:s2+s28], $0x80, s4, s28, $0xb8;
	[tilespmem:$0x1F400] =	vst v63  }
0x208: {  	_ = 	snop  }
0x209: {  	[tilespmem:s30], [sflag:$0x2] =	stream.indirect.gather [hbm4b:s2+s28], $0x80, s15, s28, $0xb8;
	[tilespmem:$0x1F400] =	vst v63  }
0x20a: {  	s13 =	simm.s32 $0x100  }
0x20b: {  	[tilespmem:s1], [sflag:$0x3] =	stream.indirect.gather [hbm4b:s2+s28], $0x80, s13, s28, $0xb8;
	[tilespmem:$0x1F400] =	vst v63  }
0x20c: {  	_ =	swait.ge [sflag:s9], $0x2800  }
0x20d: {  	[sflag:s9] =	ssyncset.done $0x0  }
0x20e: {  	s0 =	simm.s32 $0x1000;
	[sflag:s9] =	ssyncadd.s32 $0xFFFFD800  }
0x20f: {  	[spmem:s3] =	stream.indirect.scatter.add.f32 [tilespmem:s6], [sflag:$0x4], $0x80, s0, s28, $0xb8;
	[tilespmem:$0x1F400] =	vst v63  }
0x210: {  	_ =	swait.ge [sflag:s10], $0x2800  }
0x211: {  	[sflag:s10] =	ssyncset.done $0x0  }
0x212: {  	s11 =	simm.s32 $0x1080;
	[sflag:s10] =	ssyncadd.s32 $0xFFFFD800  }
0x213: {  	[spmem:s3] =	stream.indirect.scatter.add.f32 [tilespmem:s30], [sflag:$0x5], $0x80, s11, s28, $0xb8;
	[tilespmem:$0x1F400] =	vst v63  }
0x214: {  	_ =	swait.ge [sflag:s12], $0x2800  }
0x215: {  	[sflag:s12] =	ssyncset.done $0x0  }
0x216: {  	s11 =	simm.s32 $0x1100;
	[sflag:s12] =	ssyncadd.s32 $0xFFFFD800  }
0x217: {  	[spmem:s3] =	stream.indirect.scatter.add.f32 [tilespmem:s1], [sflag:$0x6], $0x80, s11, s28, $0xb8;
	[tilespmem:$0x1F400] =	vst v63  }
0x218: {  	_ =	swait.ge [sflag:s14], $0x2800  }
0x219: {  	[sflag:s14] =	ssyncset.done $0x0  }
0x21a: {  	s11 =	simm.s32 $0x180;
	[sflag:s14] =	ssyncadd.s32 $0xFFFFD800  }
0x21b: {  	[tilespmem:s6], [sflag:$0x1] =	stream.indirect.gather [hbm4b:s2+s28], $0x80, s11, s28, $0xb8;
	[tilespmem:$0x1F400] =	vst v63  }
0x21c: {  	_ =	swait.ge [sflag:s16], $0x2800  }
0x21d: {  	[sflag:s16] =	ssyncset.done $0x0  }
0x21e: {  	s11 =	simm.s32 $0x200;
	[sflag:s16] =	ssyncadd.s32 $0xFFFFD800  }
0x21f: {  	[tilespmem:s30], [sflag:$0x2] =	stream.indirect.gather [hbm4b:s2+s28], $0x80, s11, s28, $0xb8;
	[tilespmem:$0x1F400] =	vst v63  }
0x220: {  	_ =	swait.ge [sflag:s18], $0x2800  }
0x221: {  	[sflag:s18] =	ssyncset.done $0x0  }
0x222: {  	s11 =	simm.s32 $0x280;
	[sflag:s18] =	ssyncadd.s32 $0xFFFFD800  }
0x223: {  	[tilespmem:s1], [sflag:$0x3] =	stream.indirect.gather [hbm4b:s2+s28], $0x80, s11, s28, $0xb8;
	[tilespmem:$0x1F400] =	vst v63  }
0x224: {  	_ =	swait.ge [sflag:s9], $0x2800  }
0x225: {  	[sflag:s9] =	ssyncset.done $0x0  }
0x226: {  	s11 =	simm.s32 $0x1180;
	[sflag:s9] =	ssyncadd.s32 $0xFFFFD800  }
0x227: {  	[spmem:s3] =	stream.indirect.scatter.add.f32 [tilespmem:s6], [sflag:$0x4], $0x80, s11, s28, $0xb8;
	[tilespmem:$0x1F400] =	vst v63  }
0x228: {  	_ =	swait.ge [sflag:s10], $0x2800  }
0x229: {  	[sflag:s10] =	ssyncset.done $0x0  }
0x22a: {  	s11 =	simm.s32 $0x1200;
	[sflag:s10] =	ssyncadd.s32 $0xFFFFD800  }
0x22b: {  	[spmem:s3] =	stream.indirect.scatter.add.f32 [tilespmem:s30], [sflag:$0x5], $0x80, s11, s28, $0xb8;
	[tilespmem:$0x1F400] =	vst v63  }
0x22c: {  	_ =	swait.ge [sflag:s12], $0x2800  }
0x22d: {  	[sflag:s12] =	ssyncset.done $0x0  }
0x22e: {  	s11 =	simm.s32 $0x1280;
	[sflag:s12] =	ssyncadd.s32 $0xFFFFD800  }
0x22f: {  	[spmem:s3] =	stream.indirect.scatter.add.f32 [tilespmem:s1], [sflag:$0x6], $0x80, s11, s28, $0xb8;
	[tilespmem:$0x1F400] =	vst v63  }
0x230: {  	_ =	swait.ge [sflag:s14], $0x2800  }
0x231: {  	[sflag:s14] =	ssyncset.done $0x0  }
0x232: {  	s11 =	simm.s32 $0x300;
	[sflag:s14] =	ssyncadd.s32 $0xFFFFD800  }
0x233: {  	[tilespmem:s6], [sflag:$0x1] =	stream.indirect.gather [hbm4b:s2+s28], $0x80, s11, s28, $0xb8;
	[tilespmem:$0x1F400] =	vst v63  }
0x234: {  	_ =	swait.ge [sflag:s16], $0x2800  }
0x235: {  	[sflag:s16] =	ssyncset.done $0x0  }
0x236: {  	s11 =	simm.s32 $0x380;
	[sflag:s16] =	ssyncadd.s32 $0xFFFFD800  }
0x237: {  	[tilespmem:s30], [sflag:$0x2] =	stream.indirect.gather [hbm4b:s2+s28], $0x80, s11, s28, $0xb8;
	[tilespmem:$0x1F400] =	vst v63  }
0x238: {  	_ =	swait.ge [sflag:s18], $0x2800  }
0x239: {  	[sflag:s18] =	ssyncset.done $0x0  }
0x23a: {  	s11 =	simm.s32 $0x400;
	[sflag:s18] =	ssyncadd.s32 $0xFFFFD800  }
0x23b: {  	[tilespmem:s1], [sflag:$0x3] =	stream.indirect.gather [hbm4b:s2+s28], $0x80, s11, s28, $0xb8;
	[tilespmem:$0x1F400] =	vst v63  }
0x23c: {  	_ =	swait.ge [sflag:s9], $0x2800  }
0x23d: {  	[sflag:s9] =	ssyncset.done $0x0  }
0x23e: {  	s11 =	simm.s32 $0x1300;
	[sflag:s9] =	ssyncadd.s32 $0xFFFFD800  }
0x23f: {  	[spmem:s3] =	stream.indirect.scatter.add.f32 [tilespmem:s6], [sflag:$0x4], $0x80, s11, s28, $0xb8;
	[tilespmem:$0x1F400] =	vst v63  }
0x240: {  	_ =	swait.ge [sflag:s10], $0x2800  }
0x241: {  	[sflag:s10] =	ssyncset.done $0x0  }
0x242: {  	s11 =	simm.s32 $0x1380;
	[sflag:s10] =	ssyncadd.s32 $0xFFFFD800  }
0x243: {  	[spmem:s3] =	stream.indirect.scatter.add.f32 [tilespmem:s30], [sflag:$0x5], $0x80, s11, s28, $0xb8;
	[tilespmem:$0x1F400] =	vst v63  }
0x244: {  	_ =	swait.ge [sflag:s12], $0x2800  }
0x245: {  	[sflag:s12] =	ssyncset.done $0x0  }
0x246: {  	s11 =	simm.s32 $0x1400;
	[sflag:s12] =	ssyncadd.s32 $0xFFFFD800  }
0x247: {  	[spmem:s3] =	stream.indirect.scatter.add.f32 [tilespmem:s1], [sflag:$0x6], $0x80, s11, s28, $0xb8;
	[tilespmem:$0x1F400] =	vst v63  }
0x248: {  	_ =	swait.ge [sflag:s14], $0x2800  }
0x249: {  	[sflag:s14] =	ssyncset.done $0x0  }
0x24a: {  	s11 =	simm.s32 $0x480;
	[sflag:s14] =	ssyncadd.s32 $0xFFFFD800  }
0x24b: {  	[tilespmem:s6], [sflag:$0x1] =	stream.indirect.gather [hbm4b:s2+s28], $0x80, s11, s28, $0xb8;
	[tilespmem:$0x1F400] =	vst v63  }
0x24c: {  	_ =	swait.ge [sflag:s16], $0x2800  }
0x24d: {  	[sflag:s16] =	ssyncset.done $0x0  }
0x24e: {  	s11 =	simm.s32 $0x500;
	[sflag:s16] =	ssyncadd.s32 $0xFFFFD800  }
0x24f: {  	[tilespmem:s30], [sflag:$0x2] =	stream.indirect.gather [hbm4b:s2+s28], $0x80, s11, s28, $0xb8;
	[tilespmem:$0x1F400] =	vst v63  }
0x250: {  	_ =	swait.ge [sflag:s18], $0x2800  }
0x251: {  	[sflag:s18] =	ssyncset.done $0x0  }
0x252: {  	s11 =	simm.s32 $0x580;
	[sflag:s18] =	ssyncadd.s32 $0xFFFFD800  }
0x253: {  	[tilespmem:s1], [sflag:$0x3] =	stream.indirect.gather [hbm4b:s2+s28], $0x80, s11, s28, $0xb8;
	[tilespmem:$0x1F400] =	vst v63  }
0x254: {  	_ =	swait.ge [sflag:s9], $0x2800  }
0x255: {  	[sflag:s9] =	ssyncset.done $0x0  }
0x256: {  	s11 =	simm.s32 $0x1480;
	[sflag:s9] =	ssyncadd.s32 $0xFFFFD800  }
0x257: {  	[spmem:s3] =	stream.indirect.scatter.add.f32 [tilespmem:s6], [sflag:$0x4], $0x80, s11, s28, $0xb8;
	[tilespmem:$0x1F400] =	vst v63  }
0x258: {  	_ =	swait.ge [sflag:s10], $0x2800  }
0x259: {  	[sflag:s10] =	ssyncset.done $0x0  }
0x25a: {  	s11 =	simm.s32 $0x1500;
	[sflag:s10] =	ssyncadd.s32 $0xFFFFD800  }
0x25b: {  	[spmem:s3] =	stream.indirect.scatter.add.f32 [tilespmem:s30], [sflag:$0x5], $0x80, s11, s28, $0xb8;
	[tilespmem:$0x1F400] =	vst v63  }
0x25c: {  	_ =	swait.ge [sflag:s12], $0x2800  }
0x25d: {  	[sflag:s12] =	ssyncset.done $0x0  }
0x25e: {  	s11 =	simm.s32 $0x1580;
	[sflag:s12] =	ssyncadd.s32 $0xFFFFD800  }
0x25f: {  	[spmem:s3] =	stream.indirect.scatter.add.f32 [tilespmem:s1], [sflag:$0x6], $0x80, s11, s28, $0xb8;
	[tilespmem:$0x1F400] =	vst v63  }
0x260: {  	_ =	swait.ge [sflag:s14], $0x2800  }
0x261: {  	[sflag:s14] =	ssyncset.done $0x0  }
0x262: {  	s11 =	simm.s32 $0x600;
	[sflag:s14] =	ssyncadd.s32 $0xFFFFD800  }
0x263: {  	[tilespmem:s6], [sflag:$0x1] =	stream.indirect.gather [hbm4b:s2+s28], $0x80, s11, s28, $0xb8;
	[tilespmem:$0x1F400] =	vst v63  }
0x264: {  	_ =	swait.ge [sflag:s16], $0x2800  }
0x265: {  	[sflag:s16] =	ssyncset.done $0x0  }
0x266: {  	s11 =	simm.s32 $0x680;
	[sflag:s16] =	ssyncadd.s32 $0xFFFFD800  }
0x267: {  	[tilespmem:s30], [sflag:$0x2] =	stream.indirect.gather [hbm4b:s2+s28], $0x80, s11, s28, $0xb8;
	[tilespmem:$0x1F400] =	vst v63  }
0x268: {  	_ =	swait.ge [sflag:s18], $0x2800  }
0x269: {  	[sflag:s18] =	ssyncset.done $0x0  }
0x26a: {  	s11 =	simm.s32 $0x700;
	[sflag:s18] =	ssyncadd.s32 $0xFFFFD800  }
0x26b: {  	[tilespmem:s1], [sflag:$0x3] =	stream.indirect.gather [hbm4b:s2+s28], $0x80, s11, s28, $0xb8;
	[tilespmem:$0x1F400] =	vst v63  }
0x26c: {  	_ =	swait.ge [sflag:s9], $0x2800  }
0x26d: {  	[sflag:s9] =	ssyncset.done $0x0  }
0x26e: {  	s11 =	simm.s32 $0x1600;
	[sflag:s9] =	ssyncadd.s32 $0xFFFFD800  }
0x26f: {  	[spmem:s3] =	stream.indirect.scatter.add.f32 [tilespmem:s6], [sflag:$0x4], $0x80, s11, s28, $0xb8;
	[tilespmem:$0x1F400] =	vst v63  }
0x270: {  	_ =	swait.ge [sflag:s10], $0x2800  }
0x271: {  	[sflag:s10] =	ssyncset.done $0x0  }
0x272: {  	s11 =	simm.s32 $0x1680;
	[sflag:s10] =	ssyncadd.s32 $0xFFFFD800  }
0x273: {  	[spmem:s3] =	stream.indirect.scatter.add.f32 [tilespmem:s30], [sflag:$0x5], $0x80, s11, s28, $0xb8;
	[tilespmem:$0x1F400] =	vst v63  }
0x274: {  	_ =	swait.ge [sflag:s12], $0x2800  }
0x275: {  	[sflag:s12] =	ssyncset.done $0x0  }
0x276: {  	s11 =	simm.s32 $0x1700;
	[sflag:s12] =	ssyncadd.s32 $0xFFFFD800  }
0x277: {  	[spmem:s3] =	stream.indirect.scatter.add.f32 [tilespmem:s1], [sflag:$0x6], $0x80, s11, s28, $0xb8;
	[tilespmem:$0x1F400] =	vst v63  }
0x278: {  	_ =	swait.ge [sflag:s14], $0x2800  }
0x279: {  	[sflag:s14] =	ssyncset.done $0x0  }
0x27a: {  	s11 =	simm.s32 $0x780;
	[sflag:s14] =	ssyncadd.s32 $0xFFFFD800  }
0x27b: {  	[tilespmem:s6], [sflag:$0x1] =	stream.indirect.gather [hbm4b:s2+s28], $0x80, s11, s28, $0xb8;
	[tilespmem:$0x1F400] =	vst v63  }
0x27c: {  	_ =	swait.ge [sflag:s16], $0x2800  }
0x27d: {  	[sflag:s16] =	ssyncset.done $0x0  }
0x27e: {  	s11 =	simm.s32 $0x800;
	[sflag:s16] =	ssyncadd.s32 $0xFFFFD800  }
0x27f: {  	[tilespmem:s30], [sflag:$0x2] =	stream.indirect.gather [hbm4b:s2+s28], $0x80, s11, s28, $0xb8;
	[tilespmem:$0x1F400] =	vst v63  }
0x280: {  	_ =	swait.ge [sflag:s18], $0x2800  }
0x281: {  	[sflag:s18] =	ssyncset.done $0x0  }
0x282: {  	s11 =	simm.s32 $0x880;
	[sflag:s18] =	ssyncadd.s32 $0xFFFFD800  }
0x283: {  	[tilespmem:s1], [sflag:$0x3] =	stream.indirect.gather [hbm4b:s2+s28], $0x80, s11, s28, $0xb8;
	[tilespmem:$0x1F400] =	vst v63  }
0x284: {  	_ =	swait.ge [sflag:s9], $0x2800  }
0x285: {  	[sflag:s9] =	ssyncset.done $0x0  }
0x286: {  	s11 =	simm.s32 $0x1780;
	[sflag:s9] =	ssyncadd.s32 $0xFFFFD800  }
0x287: {  	[spmem:s3] =	stream.indirect.scatter.add.f32 [tilespmem:s6], [sflag:$0x4], $0x80, s11, s28, $0xb8;
	[tilespmem:$0x1F400] =	vst v63  }
0x288: {  	_ =	swait.ge [sflag:s10], $0x2800  }
0x289: {  	[sflag:s10] =	ssyncset.done $0x0  }
0x28a: {  	s11 =	simm.s32 $0x1800;
	[sflag:s10] =	ssyncadd.s32 $0xFFFFD800  }
0x28b: {  	[spmem:s3] =	stream.indirect.scatter.add.f32 [tilespmem:s30], [sflag:$0x5], $0x80, s11, s28, $0xb8;
	[tilespmem:$0x1F400] =	vst v63  }
0x28c: {  	_ =	swait.ge [sflag:s12], $0x2800  }
0x28d: {  	[sflag:s12] =	ssyncset.done $0x0  }
0x28e: {  	s11 =	simm.s32 $0x1880;
	[sflag:s12] =	ssyncadd.s32 $0xFFFFD800  }
0x28f: {  	[spmem:s3] =	stream.indirect.scatter.add.f32 [tilespmem:s1], [sflag:$0x6], $0x80, s11, s28, $0xb8;
	[tilespmem:$0x1F400] =	vst v63  }
0x290: {  	_ =	swait.ge [sflag:s14], $0x2800  }
0x291: {  	[sflag:s14] =	ssyncset.done $0x0  }
0x292: {  	s11 =	simm.s32 $0x900;
	[sflag:s14] =	ssyncadd.s32 $0xFFFFD800  }
0x293: {  	[tilespmem:s6], [sflag:$0x1] =	stream.indirect.gather [hbm4b:s2+s28], $0x80, s11, s28, $0xb8;
	[tilespmem:$0x1F400] =	vst v63  }
0x294: {  	_ =	swait.ge [sflag:s16], $0x2800  }
0x295: {  	[sflag:s16] =	ssyncset.done $0x0  }
0x296: {  	s11 =	simm.s32 $0x980;
	[sflag:s16] =	ssyncadd.s32 $0xFFFFD800  }
0x297: {  	[tilespmem:s30], [sflag:$0x2] =	stream.indirect.gather [hbm4b:s2+s28], $0x80, s11, s28, $0xb8;
	[tilespmem:$0x1F400] =	vst v63  }
0x298: {  	_ =	swait.ge [sflag:s18], $0x2800  }
0x299: {  	[sflag:s18] =	ssyncset.done $0x0  }
0x29a: {  	s11 =	simm.s32 $0xA00;
	[sflag:s18] =	ssyncadd.s32 $0xFFFFD800  }
0x29b: {  	[tilespmem:s1], [sflag:$0x3] =	stream.indirect.gather [hbm4b:s2+s28], $0x80, s11, s28, $0xb8;
	[tilespmem:$0x1F400] =	vst v63  }
0x29c: {  	_ =	swait.ge [sflag:s9], $0x2800  }
0x29d: {  	[sflag:s9] =	ssyncset.done $0x0  }
0x29e: {  	s11 =	simm.s32 $0x1900;
	[sflag:s9] =	ssyncadd.s32 $0xFFFFD800  }
0x29f: {  	[spmem:s3] =	stream.indirect.scatter.add.f32 [tilespmem:s6], [sflag:$0x4], $0x80, s11, s28, $0xb8;
	[tilespmem:$0x1F400] =	vst v63  }
0x2a0: {  	_ =	swait.ge [sflag:s10], $0x2800  }
0x2a1: {  	[sflag:s10] =	ssyncset.done $0x0  }
0x2a2: {  	s11 =	simm.s32 $0x1980;
	[sflag:s10] =	ssyncadd.s32 $0xFFFFD800  }
0x2a3: {  	[spmem:s3] =	stream.indirect.scatter.add.f32 [tilespmem:s30], [sflag:$0x5], $0x80, s11, s28, $0xb8;
	[tilespmem:$0x1F400] =	vst v63  }
0x2a4: {  	_ =	swait.ge [sflag:s12], $0x2800  }
0x2a5: {  	[sflag:s12] =	ssyncset.done $0x0  }
0x2a6: {  	s11 =	simm.s32 $0x1A00;
	[sflag:s12] =	ssyncadd.s32 $0xFFFFD800  }
0x2a7: {  	[spmem:s3] =	stream.indirect.scatter.add.f32 [tilespmem:s1], [sflag:$0x6], $0x80, s11, s28, $0xb8;
	[tilespmem:$0x1F400] =	vst v63  }
0x2a8: {  	_ =	swait.ge [sflag:s14], $0x2800  }
0x2a9: {  	[sflag:s14] =	ssyncset.done $0x0  }
0x2aa: {  	s11 =	simm.s32 $0xA80;
	[sflag:s14] =	ssyncadd.s32 $0xFFFFD800  }
0x2ab: {  	[tilespmem:s6], [sflag:$0x1] =	stream.indirect.gather [hbm4b:s2+s28], $0x80, s11, s28, $0xb8;
	[tilespmem:$0x1F400] =	vst v63  }
0x2ac: {  	_ =	swait.ge [sflag:s16], $0x2800  }
0x2ad: {  	[sflag:s16] =	ssyncset.done $0x0  }
0x2ae: {  	s11 =	simm.s32 $0xB00;
	[sflag:s16] =	ssyncadd.s32 $0xFFFFD800  }
0x2af: {  	[tilespmem:s30], [sflag:$0x2] =	stream.indirect.gather [hbm4b:s2+s28], $0x80, s11, s28, $0xb8;
	[tilespmem:$0x1F400] =	vst v63  }
0x2b0: {  	_ =	swait.ge [sflag:s18], $0x2800  }
0x2b1: {  	[sflag:s18] =	ssyncset.done $0x0  }
0x2b2: {  	s11 =	simm.s32 $0xB80;
	[sflag:s18] =	ssyncadd.s32 $0xFFFFD800  }
0x2b3: {  	[tilespmem:s1], [sflag:$0x3] =	stream.indirect.gather [hbm4b:s2+s28], $0x80, s11, s28, $0xb8;
	[tilespmem:$0x1F400] =	vst v63  }
0x2b4: {  	_ =	swait.ge [sflag:s9], $0x2800  }
0x2b5: {  	[sflag:s9] =	ssyncset.done $0x0  }
0x2b6: {  	s11 =	simm.s32 $0x1A80;
	[sflag:s9] =	ssyncadd.s32 $0xFFFFD800  }
0x2b7: {  	[spmem:s3] =	stream.indirect.scatter.add.f32 [tilespmem:s6], [sflag:$0x4], $0x80, s11, s28, $0xb8;
	[tilespmem:$0x1F400] =	vst v63  }
0x2b8: {  	_ =	swait.ge [sflag:s10], $0x2800  }
0x2b9: {  	[sflag:s10] =	ssyncset.done $0x0  }
0x2ba: {  	s11 =	simm.s32 $0x1B00;
	[sflag:s10] =	ssyncadd.s32 $0xFFFFD800  }
0x2bb: {  	[spmem:s3] =	stream.indirect.scatter.add.f32 [tilespmem:s30], [sflag:$0x5], $0x80, s11, s28, $0xb8;
	[tilespmem:$0x1F400] =	vst v63  }
0x2bc: {  	_ =	swait.ge [sflag:s12], $0x2800  }
0x2bd: {  	[sflag:s12] =	ssyncset.done $0x0  }
0x2be: {  	s11 =	simm.s32 $0x1B80;
	[sflag:s12] =	ssyncadd.s32 $0xFFFFD800  }
0x2bf: {  	[spmem:s3] =	stream.indirect.scatter.add.f32 [tilespmem:s1], [sflag:$0x6], $0x80, s11, s28, $0xb8;
	[tilespmem:$0x1F400] =	vst v63  }
0x2c0: {  	_ =	swait.ge [sflag:s14], $0x2800  }
0x2c1: {  	[sflag:s14] =	ssyncset.done $0x0  }
0x2c2: {  	s11 =	simm.s32 $0xC00;
	[sflag:s14] =	ssyncadd.s32 $0xFFFFD800  }
0x2c3: {  	[tilespmem:s6], [sflag:$0x1] =	stream.indirect.gather [hbm4b:s2+s28], $0x80, s11, s28, $0xb8;
	[tilespmem:$0x1F400] =	vst v63  }
0x2c4: {  	_ =	swait.ge [sflag:s16], $0x2800  }
0x2c5: {  	[sflag:s16] =	ssyncset.done $0x0  }
0x2c6: {  	[sflag:s16] =	ssyncadd.s32 $0xFFFFD800  }
0x2c7: {  	_ =	swait.ge [sflag:s18], $0x2800  }
0x2c8: {  	[sflag:s18] =	ssyncset.done $0x0  }
0x2c9: {  	[sflag:s18] =	ssyncadd.s32 $0xFFFFD800  }
0x2ca: {  	_ =	swait.ge [sflag:s9], $0x2800  }
0x2cb: {  	[sflag:s9] =	ssyncset.done $0x0  }
0x2cc: {  	s11 =	simm.s32 $0x1C00;
	[sflag:s9] =	ssyncadd.s32 $0xFFFFD800  }
0x2cd: {  	[spmem:s3] =	stream.indirect.scatter.add.f32 [tilespmem:s6], [sflag:$0x4], $0x80, s11, s28, $0xb8;
	[tilespmem:$0x1F400] =	vst v63  }
0x2ce: {  	_ =	swait.ge [sflag:s14], $0x2800  }
0x2cf: {  	[sflag:s14] =	ssyncset.done $0x0  }
0x2d0: {  	[sflag:s14] =	ssyncadd.s32 $0xFFFFD800  }
0x2d1: {  	_ =	swait.ge [sflag:s29], $0xC80  }
0x2d2: {  	[sflag:s29] =	ssyncset.done $0x0  }
0x2d3: {  	[sflag:s29] =	ssyncadd.s32 $0xFFFFF380  }
0x2d4: {  	_ =	swait.ge [sflag:s29], $0xC80  }
0x2d5: {  	[sflag:s29] =	ssyncset.done $0x0  }
0x2d6: {  	s11 =	rddreg [dreg:$0x13];
	[sflag:s29] =	ssyncadd.s32 $0xFFFFF380  }
0x2d7: {  	[tilespmem:s4], [sflag:$0x7] =	stream.linear.gather [hbm4b:s11+s4], $0xC80, $0x38;
	[tilespmem:$0x1F400] =	vst v63  }
0x2d8: {  	s11 =	rddreg [dreg:$0x14]  }
0x2d9: {  	[tilespmem:s0], [sflag:$0x7] =	stream.linear.gather [hbm4b:s11+s4], $0xC80, $0x38;
	[tilespmem:$0x1F400] =	vst v63  }
0x2da: {  	_ = 	snop  }
0x2db: {  	[tilespmem:s6], [sflag:$0x1] =	stream.indirect.gather [hbm4b:s2+s28], $0x80, s5, s28, $0xb8;
	[tilespmem:$0x1F400] =	vst v63  }
0x2dc: {  	_ = 	snop  }
0x2dd: {  	[tilespmem:s30], [sflag:$0x2] =	stream.indirect.gather [hbm4b:s2+s28], $0x80, s8, s28, $0xb8;
	[tilespmem:$0x1F400] =	vst v63  }
0x2de: {  	_ = 	snop  }
0x2df: {  	[tilespmem:s1], [sflag:$0x3] =	stream.indirect.gather [hbm4b:s2+s28], $0x80, s25, s28, $0xb8;
	[tilespmem:$0x1F400] =	vst v63  }
0x2e0: {  	_ =	swait.ge [sflag:s9], $0x2800  }
0x2e1: {  	[sflag:s9] =	ssyncset.done $0x0  }
0x2e2: {  	s5 =	simm.s32 $0x3000;
	[sflag:s9] =	ssyncadd.s32 $0xFFFFD800  }
0x2e3: {  	[spmem:s3] =	stream.indirect.scatter.add.f32 [tilespmem:s6], [sflag:$0x4], $0x80, s5, s28, $0xb8;
	[tilespmem:$0x1F400] =	vst v63  }
0x2e4: {  	_ =	swait.ge [sflag:s10], $0x2800  }
0x2e5: {  	[sflag:s10] =	ssyncset.done $0x0  }
0x2e6: {  	[sflag:s10] =	ssyncadd.s32 $0xFFFFD800  }
0x2e7: {  	[spmem:s3] =	stream.indirect.scatter.add.f32 [tilespmem:s30], [sflag:$0x5], $0x80, s17, s28, $0xb8;
	[tilespmem:$0x1F400] =	vst v63  }
0x2e8: {  	_ =	swait.ge [sflag:s12], $0x2800  }
0x2e9: {  	[sflag:s12] =	ssyncset.done $0x0  }
0x2ea: {  	[sflag:s12] =	ssyncadd.s32 $0xFFFFD800  }
0x2eb: {  	[spmem:s3] =	stream.indirect.scatter.add.f32 [tilespmem:s1], [sflag:$0x6], $0x80, s19, s28, $0xb8;
	[tilespmem:$0x1F400] =	vst v63  }
0x2ec: {  	_ =	swait.ge [sflag:s14], $0x2800  }
0x2ed: {  	[sflag:s14] =	ssyncset.done $0x0  }
0x2ee: {  	[sflag:s14] =	ssyncadd.s32 $0xFFFFD800  }
0x2ef: {  	[tilespmem:s6], [sflag:$0x1] =	stream.indirect.gather [hbm4b:s2+s28], $0x80, s20, s28, $0xb8;
	[tilespmem:$0x1F400] =	vst v63  }
0x2f0: {  	_ =	swait.ge [sflag:s16], $0x2800  }
0x2f1: {  	[sflag:s16] =	ssyncset.done $0x0  }
0x2f2: {  	[sflag:s16] =	ssyncadd.s32 $0xFFFFD800  }
0x2f3: {  	[tilespmem:s30], [sflag:$0x2] =	stream.indirect.gather [hbm4b:s2+s28], $0x80, s21, s28, $0xb8;
	[tilespmem:$0x1F400] =	vst v63  }
0x2f4: {  	_ =	swait.ge [sflag:s18], $0x2800  }
0x2f5: {  	[sflag:s18] =	ssyncset.done $0x0  }
0x2f6: {  	[sflag:s18] =	ssyncadd.s32 $0xFFFFD800  }
0x2f7: {  	[tilespmem:s1], [sflag:$0x3] =	stream.indirect.gather [hbm4b:s2+s28], $0x80, s22, s28, $0xb8;
	[tilespmem:$0x1F400] =	vst v63  }
0x2f8: {  	_ =	swait.ge [sflag:s9], $0x2800  }
0x2f9: {  	[sflag:s9] =	ssyncset.done $0x0  }
0x2fa: {  	[sflag:s9] =	ssyncadd.s32 $0xFFFFD800  }
0x2fb: {  	[spmem:s3] =	stream.indirect.scatter.add.f32 [tilespmem:s6], [sflag:$0x4], $0x80, s23, s28, $0xb8;
	[tilespmem:$0x1F400] =	vst v63  }
0x2fc: {  	_ =	swait.ge [sflag:s10], $0x2800  }
0x2fd: {  	[sflag:s10] =	ssyncset.done $0x0  }
0x2fe: {  	[sflag:s10] =	ssyncadd.s32 $0xFFFFD800  }
0x2ff: {  	[spmem:s3] =	stream.indirect.scatter.add.f32 [tilespmem:s30], [sflag:$0x5], $0x80, s24, s28, $0xb8;
	[tilespmem:$0x1F400] =	vst v63  }
0x300: {  	_ =	swait.ge [sflag:s12], $0x2800  }
0x301: {  	[sflag:s12] =	ssyncset.done $0x0  }
0x302: {  	s11 =	simm.s32 $0x3280;
	[sflag:s12] =	ssyncadd.s32 $0xFFFFD800  }
0x303: {  	[spmem:s3] =	stream.indirect.scatter.add.f32 [tilespmem:s1], [sflag:$0x6], $0x80, s11, s28, $0xb8;
	[tilespmem:$0x1F400] =	vst v63  }
0x304: {  	_ =	swait.ge [sflag:s14], $0x2800  }
0x305: {  	[sflag:s14] =	ssyncset.done $0x0  }
0x306: {  	s8 =	simm.s32 $0x2300;
	[sflag:s14] =	ssyncadd.s32 $0xFFFFD800  }
0x307: {  	[tilespmem:s6], [sflag:$0x1] =	stream.indirect.gather [hbm4b:s2+s28], $0x80, s8, s28, $0xb8;
	[tilespmem:$0x1F400] =	vst v63  }
0x308: {  	_ =	swait.ge [sflag:s16], $0x2800  }
0x309: {  	[sflag:s16] =	ssyncset.done $0x0  }
0x30a: {  	s11 =	simm.s32 $0x2380;
	[sflag:s16] =	ssyncadd.s32 $0xFFFFD800  }
0x30b: {  	[tilespmem:s30], [sflag:$0x2] =	stream.indirect.gather [hbm4b:s2+s28], $0x80, s11, s28, $0xb8;
	[tilespmem:$0x1F400] =	vst v63  }
0x30c: {  	_ =	swait.ge [sflag:s18], $0x2800  }
0x30d: {  	[sflag:s18] =	ssyncset.done $0x0  }
0x30e: {  	s8 =	simm.s32 $0x2400;
	[sflag:s18] =	ssyncadd.s32 $0xFFFFD800  }
0x30f: {  	[tilespmem:s1], [sflag:$0x3] =	stream.indirect.gather [hbm4b:s2+s28], $0x80, s8, s28, $0xb8;
	[tilespmem:$0x1F400] =	vst v63  }
0x310: {  	_ =	swait.ge [sflag:s9], $0x2800  }
0x311: {  	[sflag:s9] =	ssyncset.done $0x0  }
0x312: {  	s11 =	simm.s32 $0x3300;
	[sflag:s9] =	ssyncadd.s32 $0xFFFFD800  }
0x313: {  	[spmem:s3] =	stream.indirect.scatter.add.f32 [tilespmem:s6], [sflag:$0x4], $0x80, s11, s28, $0xb8;
	[tilespmem:$0x1F400] =	vst v63  }
0x314: {  	_ =	swait.ge [sflag:s10], $0x2800  }
0x315: {  	[sflag:s10] =	ssyncset.done $0x0  }
0x316: {  	s8 =	simm.s32 $0x3380;
	[sflag:s10] =	ssyncadd.s32 $0xFFFFD800  }
0x317: {  	[spmem:s3] =	stream.indirect.scatter.add.f32 [tilespmem:s30], [sflag:$0x5], $0x80, s8, s28, $0xb8;
	[tilespmem:$0x1F400] =	vst v63  }
0x318: {  	_ =	swait.ge [sflag:s12], $0x2800  }
0x319: {  	[sflag:s12] =	ssyncset.done $0x0  }
0x31a: {  	s11 =	simm.s32 $0x3400;
	[sflag:s12] =	ssyncadd.s32 $0xFFFFD800  }
0x31b: {  	[spmem:s3] =	stream.indirect.scatter.add.f32 [tilespmem:s1], [sflag:$0x6], $0x80, s11, s28, $0xb8;
	[tilespmem:$0x1F400] =	vst v63  }
0x31c: {  	_ =	swait.ge [sflag:s14], $0x2800  }
0x31d: {  	[sflag:s14] =	ssyncset.done $0x0  }
0x31e: {  	s8 =	simm.s32 $0x2480;
	[sflag:s14] =	ssyncadd.s32 $0xFFFFD800  }
0x31f: {  	[tilespmem:s6], [sflag:$0x1] =	stream.indirect.gather [hbm4b:s2+s28], $0x80, s8, s28, $0xb8;
	[tilespmem:$0x1F400] =	vst v63  }
0x320: {  	_ =	swait.ge [sflag:s16], $0x2800  }
0x321: {  	[sflag:s16] =	ssyncset.done $0x0  }
0x322: {  	s11 =	simm.s32 $0x2500;
	[sflag:s16] =	ssyncadd.s32 $0xFFFFD800  }
0x323: {  	[tilespmem:s30], [sflag:$0x2] =	stream.indirect.gather [hbm4b:s2+s28], $0x80, s11, s28, $0xb8;
	[tilespmem:$0x1F400] =	vst v63  }
0x324: {  	_ =	swait.ge [sflag:s18], $0x2800  }
0x325: {  	[sflag:s18] =	ssyncset.done $0x0  }
0x326: {  	s8 =	simm.s32 $0x2580;
	[sflag:s18] =	ssyncadd.s32 $0xFFFFD800  }
0x327: {  	[tilespmem:s1], [sflag:$0x3] =	stream.indirect.gather [hbm4b:s2+s28], $0x80, s8, s28, $0xb8;
	[tilespmem:$0x1F400] =	vst v63  }
0x328: {  	_ =	swait.ge [sflag:s9], $0x2800  }
0x329: {  	[sflag:s9] =	ssyncset.done $0x0  }
0x32a: {  	s11 =	simm.s32 $0x3480;
	[sflag:s9] =	ssyncadd.s32 $0xFFFFD800  }
0x32b: {  	[spmem:s3] =	stream.indirect.scatter.add.f32 [tilespmem:s6], [sflag:$0x4], $0x80, s11, s28, $0xb8;
	[tilespmem:$0x1F400] =	vst v63  }
0x32c: {  	_ =	swait.ge [sflag:s10], $0x2800  }
0x32d: {  	[sflag:s10] =	ssyncset.done $0x0  }
0x32e: {  	s8 =	simm.s32 $0x3500;
	[sflag:s10] =	ssyncadd.s32 $0xFFFFD800  }
0x32f: {  	[spmem:s3] =	stream.indirect.scatter.add.f32 [tilespmem:s30], [sflag:$0x5], $0x80, s8, s28, $0xb8;
	[tilespmem:$0x1F400] =	vst v63  }
0x330: {  	_ =	swait.ge [sflag:s12], $0x2800  }
0x331: {  	[sflag:s12] =	ssyncset.done $0x0  }
0x332: {  	s11 =	simm.s32 $0x3580;
	[sflag:s12] =	ssyncadd.s32 $0xFFFFD800  }
0x333: {  	[spmem:s3] =	stream.indirect.scatter.add.f32 [tilespmem:s1], [sflag:$0x6], $0x80, s11, s28, $0xb8;
	[tilespmem:$0x1F400] =	vst v63  }
0x334: {  	_ =	swait.ge [sflag:s14], $0x2800  }
0x335: {  	[sflag:s14] =	ssyncset.done $0x0  }
0x336: {  	s8 =	simm.s32 $0x2600;
	[sflag:s14] =	ssyncadd.s32 $0xFFFFD800  }
0x337: {  	[tilespmem:s6], [sflag:$0x1] =	stream.indirect.gather [hbm4b:s2+s28], $0x80, s8, s28, $0xb8;
	[tilespmem:$0x1F400] =	vst v63  }
0x338: {  	_ =	swait.ge [sflag:s16], $0x2800  }
0x339: {  	[sflag:s16] =	ssyncset.done $0x0  }
0x33a: {  	s11 =	simm.s32 $0x2680;
	[sflag:s16] =	ssyncadd.s32 $0xFFFFD800  }
0x33b: {  	[tilespmem:s30], [sflag:$0x2] =	stream.indirect.gather [hbm4b:s2+s28], $0x80, s11, s28, $0xb8;
	[tilespmem:$0x1F400] =	vst v63  }
0x33c: {  	_ =	swait.ge [sflag:s18], $0x2800  }
0x33d: {  	[sflag:s18] =	ssyncset.done $0x0  }
0x33e: {  	s8 =	simm.s32 $0x2700;
	[sflag:s18] =	ssyncadd.s32 $0xFFFFD800  }
0x33f: {  	[tilespmem:s1], [sflag:$0x3] =	stream.indirect.gather [hbm4b:s2+s28], $0x80, s8, s28, $0xb8;
	[tilespmem:$0x1F400] =	vst v63  }
0x340: {  	_ =	swait.ge [sflag:s9], $0x2800  }
0x341: {  	[sflag:s9] =	ssyncset.done $0x0  }
0x342: {  	s11 =	simm.s32 $0x3600;
	[sflag:s9] =	ssyncadd.s32 $0xFFFFD800  }
0x343: {  	[spmem:s3] =	stream.indirect.scatter.add.f32 [tilespmem:s6], [sflag:$0x4], $0x80, s11, s28, $0xb8;
	[tilespmem:$0x1F400] =	vst v63  }
0x344: {  	_ =	swait.ge [sflag:s10], $0x2800  }
0x345: {  	[sflag:s10] =	ssyncset.done $0x0  }
0x346: {  	s8 =	simm.s32 $0x3680;
	[sflag:s10] =	ssyncadd.s32 $0xFFFFD800  }
0x347: {  	[spmem:s3] =	stream.indirect.scatter.add.f32 [tilespmem:s30], [sflag:$0x5], $0x80, s8, s28, $0xb8;
	[tilespmem:$0x1F400] =	vst v63  }
0x348: {  	_ =	swait.ge [sflag:s12], $0x2800  }
0x349: {  	[sflag:s12] =	ssyncset.done $0x0  }
0x34a: {  	s11 =	simm.s32 $0x3700;
	[sflag:s12] =	ssyncadd.s32 $0xFFFFD800  }
0x34b: {  	[spmem:s3] =	stream.indirect.scatter.add.f32 [tilespmem:s1], [sflag:$0x6], $0x80, s11, s28, $0xb8;
	[tilespmem:$0x1F400] =	vst v63  }
0x34c: {  	_ =	swait.ge [sflag:s14], $0x2800  }
0x34d: {  	[sflag:s14] =	ssyncset.done $0x0  }
0x34e: {  	s8 =	simm.s32 $0x2780;
	[sflag:s14] =	ssyncadd.s32 $0xFFFFD800  }
0x34f: {  	[tilespmem:s6], [sflag:$0x1] =	stream.indirect.gather [hbm4b:s2+s28], $0x80, s8, s28, $0xb8;
	[tilespmem:$0x1F400] =	vst v63  }
0x350: {  	_ =	swait.ge [sflag:s16], $0x2800  }
0x351: {  	[sflag:s16] =	ssyncset.done $0x0  }
0x352: {  	s11 =	simm.s32 $0x2800;
	[sflag:s16] =	ssyncadd.s32 $0xFFFFD800  }
0x353: {  	[tilespmem:s30], [sflag:$0x2] =	stream.indirect.gather [hbm4b:s2+s28], $0x80, s11, s28, $0xb8;
	[tilespmem:$0x1F400] =	vst v63  }
0x354: {  	_ =	swait.ge [sflag:s18], $0x2800  }
0x355: {  	[sflag:s18] =	ssyncset.done $0x0  }
0x356: {  	s8 =	simm.s32 $0x2880;
	[sflag:s18] =	ssyncadd.s32 $0xFFFFD800  }
0x357: {  	[tilespmem:s1], [sflag:$0x3] =	stream.indirect.gather [hbm4b:s2+s28], $0x80, s8, s28, $0xb8;
	[tilespmem:$0x1F400] =	vst v63  }
0x358: {  	_ =	swait.ge [sflag:s9], $0x2800  }
0x359: {  	[sflag:s9] =	ssyncset.done $0x0  }
0x35a: {  	s11 =	simm.s32 $0x3780;
	[sflag:s9] =	ssyncadd.s32 $0xFFFFD800  }
0x35b: {  	[spmem:s3] =	stream.indirect.scatter.add.f32 [tilespmem:s6], [sflag:$0x4], $0x80, s11, s28, $0xb8;
	[tilespmem:$0x1F400] =	vst v63  }
0x35c: {  	_ =	swait.ge [sflag:s10], $0x2800  }
0x35d: {  	[sflag:s10] =	ssyncset.done $0x0  }
0x35e: {  	s8 =	simm.s32 $0x3800;
	[sflag:s10] =	ssyncadd.s32 $0xFFFFD800  }
0x35f: {  	[spmem:s3] =	stream.indirect.scatter.add.f32 [tilespmem:s30], [sflag:$0x5], $0x80, s8, s28, $0xb8;
	[tilespmem:$0x1F400] =	vst v63  }
0x360: {  	_ =	swait.ge [sflag:s12], $0x2800  }
0x361: {  	[sflag:s12] =	ssyncset.done $0x0  }
0x362: {  	s11 =	simm.s32 $0x3880;
	[sflag:s12] =	ssyncadd.s32 $0xFFFFD800  }
0x363: {  	[spmem:s3] =	stream.indirect.scatter.add.f32 [tilespmem:s1], [sflag:$0x6], $0x80, s11, s28, $0xb8;
	[tilespmem:$0x1F400] =	vst v63  }
0x364: {  	_ =	swait.ge [sflag:s14], $0x2800  }
0x365: {  	[sflag:s14] =	ssyncset.done $0x0  }
0x366: {  	s8 =	simm.s32 $0x2900;
	[sflag:s14] =	ssyncadd.s32 $0xFFFFD800  }
0x367: {  	[tilespmem:s6], [sflag:$0x1] =	stream.indirect.gather [hbm4b:s2+s28], $0x80, s8, s28, $0xb8;
	[tilespmem:$0x1F400] =	vst v63  }
0x368: {  	_ =	swait.ge [sflag:s16], $0x2800  }
0x369: {  	[sflag:s16] =	ssyncset.done $0x0  }
0x36a: {  	s11 =	simm.s32 $0x2980;
	[sflag:s16] =	ssyncadd.s32 $0xFFFFD800  }
0x36b: {  	[tilespmem:s30], [sflag:$0x2] =	stream.indirect.gather [hbm4b:s2+s28], $0x80, s11, s28, $0xb8;
	[tilespmem:$0x1F400] =	vst v63  }
0x36c: {  	_ =	swait.ge [sflag:s18], $0x2800  }
0x36d: {  	[sflag:s18] =	ssyncset.done $0x0  }
0x36e: {  	s8 =	simm.s32 $0x2A00;
	[sflag:s18] =	ssyncadd.s32 $0xFFFFD800  }
0x36f: {  	[tilespmem:s1], [sflag:$0x3] =	stream.indirect.gather [hbm4b:s2+s28], $0x80, s8, s28, $0xb8;
	[tilespmem:$0x1F400] =	vst v63  }
0x370: {  	_ =	swait.ge [sflag:s9], $0x2800  }
0x371: {  	[sflag:s9] =	ssyncset.done $0x0  }
0x372: {  	s11 =	simm.s32 $0x3900;
	[sflag:s9] =	ssyncadd.s32 $0xFFFFD800  }
0x373: {  	[spmem:s3] =	stream.indirect.scatter.add.f32 [tilespmem:s6], [sflag:$0x4], $0x80, s11, s28, $0xb8;
	[tilespmem:$0x1F400] =	vst v63  }
0x374: {  	_ =	swait.ge [sflag:s10], $0x2800  }
0x375: {  	[sflag:s10] =	ssyncset.done $0x0  }
0x376: {  	s8 =	simm.s32 $0x3980;
	[sflag:s10] =	ssyncadd.s32 $0xFFFFD800  }
0x377: {  	[spmem:s3] =	stream.indirect.scatter.add.f32 [tilespmem:s30], [sflag:$0x5], $0x80, s8, s28, $0xb8;
	[tilespmem:$0x1F400] =	vst v63  }
0x378: {  	_ =	swait.ge [sflag:s12], $0x2800  }
0x379: {  	[sflag:s12] =	ssyncset.done $0x0  }
0x37a: {  	s11 =	simm.s32 $0x3A00;
	[sflag:s12] =	ssyncadd.s32 $0xFFFFD800  }
0x37b: {  	[spmem:s3] =	stream.indirect.scatter.add.f32 [tilespmem:s1], [sflag:$0x6], $0x80, s11, s28, $0xb8;
	[tilespmem:$0x1F400] =	vst v63  }
0x37c: {  	_ =	swait.ge [sflag:s14], $0x2800  }
0x37d: {  	[sflag:s14] =	ssyncset.done $0x0  }
0x37e: {  	s8 =	simm.s32 $0x2A80;
	[sflag:s14] =	ssyncadd.s32 $0xFFFFD800  }
0x37f: {  	[tilespmem:s6], [sflag:$0x1] =	stream.indirect.gather [hbm4b:s2+s28], $0x80, s8, s28, $0xb8;
	[tilespmem:$0x1F400] =	vst v63  }
0x380: {  	_ =	swait.ge [sflag:s16], $0x2800  }
0x381: {  	[sflag:s16] =	ssyncset.done $0x0  }
0x382: {  	s11 =	simm.s32 $0x2B00;
	[sflag:s16] =	ssyncadd.s32 $0xFFFFD800  }
0x383: {  	[tilespmem:s30], [sflag:$0x2] =	stream.indirect.gather [hbm4b:s2+s28], $0x80, s11, s28, $0xb8;
	[tilespmem:$0x1F400] =	vst v63  }
0x384: {  	_ =	swait.ge [sflag:s18], $0x2800  }
0x385: {  	[sflag:s18] =	ssyncset.done $0x0  }
0x386: {  	s8 =	simm.s32 $0x2B80;
	[sflag:s18] =	ssyncadd.s32 $0xFFFFD800  }
0x387: {  	[tilespmem:s1], [sflag:$0x3] =	stream.indirect.gather [hbm4b:s2+s28], $0x80, s8, s28, $0xb8;
	[tilespmem:$0x1F400] =	vst v63  }
0x388: {  	_ =	swait.ge [sflag:s9], $0x2800  }
0x389: {  	[sflag:s9] =	ssyncset.done $0x0  }
0x38a: {  	s11 =	simm.s32 $0x3A80;
	[sflag:s9] =	ssyncadd.s32 $0xFFFFD800  }
0x38b: {  	[spmem:s3] =	stream.indirect.scatter.add.f32 [tilespmem:s6], [sflag:$0x4], $0x80, s11, s28, $0xb8;
	[tilespmem:$0x1F400] =	vst v63  }
0x38c: {  	_ =	swait.ge [sflag:s10], $0x2800  }
0x38d: {  	[sflag:s10] =	ssyncset.done $0x0  }
0x38e: {  	s8 =	simm.s32 $0x3B00;
	[sflag:s10] =	ssyncadd.s32 $0xFFFFD800  }
0x38f: {  	[spmem:s3] =	stream.indirect.scatter.add.f32 [tilespmem:s30], [sflag:$0x5], $0x80, s8, s28, $0xb8;
	[tilespmem:$0x1F400] =	vst v63  }
0x390: {  	_ =	swait.ge [sflag:s12], $0x2800  }
0x391: {  	[sflag:s12] =	ssyncset.done $0x0  }
0x392: {  	s11 =	simm.s32 $0x3B80;
	[sflag:s12] =	ssyncadd.s32 $0xFFFFD800  }
0x393: {  	[spmem:s3] =	stream.indirect.scatter.add.f32 [tilespmem:s1], [sflag:$0x6], $0x80, s11, s28, $0xb8;
	[tilespmem:$0x1F400] =	vst v63  }
0x394: {  	_ =	swait.ge [sflag:s14], $0x2800  }
0x395: {  	[sflag:s14] =	ssyncset.done $0x0  }
0x396: {  	s8 =	simm.s32 $0x2C00;
	[sflag:s14] =	ssyncadd.s32 $0xFFFFD800  }
0x397: {  	[tilespmem:s6], [sflag:$0x1] =	stream.indirect.gather [hbm4b:s2+s28], $0x80, s8, s28, $0xb8;
	[tilespmem:$0x1F400] =	vst v63  }
0x398: {  	_ =	swait.ge [sflag:s16], $0x2800  }
0x399: {  	[sflag:s16] =	ssyncset.done $0x0  }
0x39a: {  	[sflag:s16] =	ssyncadd.s32 $0xFFFFD800  }
0x39b: {  	_ =	swait.ge [sflag:s18], $0x2800  }
0x39c: {  	[sflag:s18] =	ssyncset.done $0x0  }
0x39d: {  	[sflag:s18] =	ssyncadd.s32 $0xFFFFD800  }
0x39e: {  	_ =	swait.ge [sflag:s9], $0x2800  }
0x39f: {  	[sflag:s9] =	ssyncset.done $0x0  }
0x3a0: {  	s11 =	simm.s32 $0x3C00;
	[sflag:s9] =	ssyncadd.s32 $0xFFFFD800  }
0x3a1: {  	[spmem:s3] =	stream.indirect.scatter.add.f32 [tilespmem:s6], [sflag:$0x4], $0x80, s11, s28, $0xb8;
	[tilespmem:$0x1F400] =	vst v63  }
0x3a2: {  	_ =	swait.ge [sflag:s14], $0x2800  }
0x3a3: {  	[sflag:s14] =	ssyncset.done $0x0  }
0x3a4: {  	[sflag:s14] =	ssyncadd.s32 $0xFFFFD800  }
0x3a5: {  	_ =	swait.ge [sflag:s26], $0xC80  }
0x3a6: {  	[sflag:s26] =	ssyncset.done $0x0  }
0x3a7: {  	[sflag:s26] =	ssyncadd.s32 $0xFFFFF380  }
0x3a8: {  	_ =	swait.ge [sflag:s26], $0xC80  }
0x3a9: {  	[sflag:s26] =	ssyncset.done $0x0  }
0x3aa: {  	[sflag:s26] =	ssyncadd.s32 $0xFFFFF380  }
0x3ab: {  	[tilespmem:s6], [sflag:$0x1] =	stream.indirect.gather [hbm4b:s2+s28], $0x80, s4, s28, $0xb8;
	[tilespmem:$0x1F400] =	vst v63  }
0x3ac: {  	_ = 	snop  }
0x3ad: {  	[tilespmem:s30], [sflag:$0x2] =	stream.indirect.gather [hbm4b:s2+s28], $0x80, s15, s28, $0xb8;
	[tilespmem:$0x1F400] =	vst v63  }
0x3ae: {  	_ = 	snop  }
0x3af: {  	[tilespmem:s1], [sflag:$0x3] =	stream.indirect.gather [hbm4b:s2+s28], $0x80, s13, s28, $0xb8;
	[tilespmem:$0x1F400] =	vst v63  }
0x3b0: {  	_ =	swait.ge [sflag:s9], $0x2800  }
0x3b1: {  	[sflag:s9] =	ssyncset.done $0x0  }
0x3b2: {  	s17 =	simm.s32 $0x1000;
	[sflag:s9] =	ssyncadd.s32 $0xFFFFD800  }
0x3b3: {  	[spmem:s3] =	stream.indirect.scatter.add.f32 [tilespmem:s6], [sflag:$0x4], $0x80, s17, s28, $0xb8;
	[tilespmem:$0x1F400] =	vst v63  }
0x3b4: {  	_ =	swait.ge [sflag:s10], $0x2800  }
0x3b5: {  	[sflag:s10] =	ssyncset.done $0x0  }
0x3b6: {  	s13 =	simm.s32 $0x1080;
	[sflag:s10] =	ssyncadd.s32 $0xFFFFD800  }
0x3b7: {  	[spmem:s3] =	stream.indirect.scatter.add.f32 [tilespmem:s30], [sflag:$0x5], $0x80, s13, s28, $0xb8;
	[tilespmem:$0x1F400] =	vst v63  }
0x3b8: {  	_ =	swait.ge [sflag:s12], $0x2800  }
0x3b9: {  	[sflag:s12] =	ssyncset.done $0x0  }
0x3ba: {  	s15 =	simm.s32 $0x1100;
	[sflag:s12] =	ssyncadd.s32 $0xFFFFD800  }
0x3bb: {  	[spmem:s3] =	stream.indirect.scatter.add.f32 [tilespmem:s1], [sflag:$0x6], $0x80, s15, s28, $0xb8;
	[tilespmem:$0x1F400] =	vst v63  }
0x3bc: {  	_ =	swait.ge [sflag:s14], $0x2800  }
0x3bd: {  	[sflag:s14] =	ssyncset.done $0x0  }
0x3be: {  	s8 =	simm.s32 $0x180;
	[sflag:s14] =	ssyncadd.s32 $0xFFFFD800  }
0x3bf: {  	[tilespmem:s6], [sflag:$0x1] =	stream.indirect.gather [hbm4b:s2+s28], $0x80, s8, s28, $0xb8;
	[tilespmem:$0x1F400] =	vst v63  }
0x3c0: {  	_ =	swait.ge [sflag:s16], $0x2800  }
0x3c1: {  	[sflag:s16] =	ssyncset.done $0x0  }
0x3c2: {  	s11 =	simm.s32 $0x200;
	[sflag:s16] =	ssyncadd.s32 $0xFFFFD800  }
0x3c3: {  	[tilespmem:s30], [sflag:$0x2] =	stream.indirect.gather [hbm4b:s2+s28], $0x80, s11, s28, $0xb8;
	[tilespmem:$0x1F400] =	vst v63  }
0x3c4: {  	_ =	swait.ge [sflag:s18], $0x2800  }
0x3c5: {  	[sflag:s18] =	ssyncset.done $0x0  }
0x3c6: {  	s13 =	simm.s32 $0x280;
	[sflag:s18] =	ssyncadd.s32 $0xFFFFD800  }
0x3c7: {  	[tilespmem:s1], [sflag:$0x3] =	stream.indirect.gather [hbm4b:s2+s28], $0x80, s13, s28, $0xb8;
	[tilespmem:$0x1F400] =	vst v63  }
0x3c8: {  	_ =	swait.ge [sflag:s9], $0x2800  }
0x3c9: {  	[sflag:s9] =	ssyncset.done $0x0  }
0x3ca: {  	s15 =	simm.s32 $0x1180;
	[sflag:s9] =	ssyncadd.s32 $0xFFFFD800  }
0x3cb: {  	[spmem:s3] =	stream.indirect.scatter.add.f32 [tilespmem:s6], [sflag:$0x4], $0x80, s15, s28, $0xb8;
	[tilespmem:$0x1F400] =	vst v63  }
0x3cc: {  	_ =	swait.ge [sflag:s10], $0x2800  }
0x3cd: {  	[sflag:s10] =	ssyncset.done $0x0  }
0x3ce: {  	s8 =	simm.s32 $0x1200;
	[sflag:s10] =	ssyncadd.s32 $0xFFFFD800  }
0x3cf: {  	[spmem:s3] =	stream.indirect.scatter.add.f32 [tilespmem:s30], [sflag:$0x5], $0x80, s8, s28, $0xb8;
	[tilespmem:$0x1F400] =	vst v63  }
0x3d0: {  	_ =	swait.ge [sflag:s12], $0x2800  }
0x3d1: {  	[sflag:s12] =	ssyncset.done $0x0  }
0x3d2: {  	s11 =	simm.s32 $0x1280;
	[sflag:s12] =	ssyncadd.s32 $0xFFFFD800  }
0x3d3: {  	[spmem:s3] =	stream.indirect.scatter.add.f32 [tilespmem:s1], [sflag:$0x6], $0x80, s11, s28, $0xb8;
	[tilespmem:$0x1F400] =	vst v63  }
0x3d4: {  	_ =	swait.ge [sflag:s14], $0x2800  }
0x3d5: {  	[sflag:s14] =	ssyncset.done $0x0  }
0x3d6: {  	s13 =	simm.s32 $0x300;
	[sflag:s14] =	ssyncadd.s32 $0xFFFFD800  }
0x3d7: {  	[tilespmem:s6], [sflag:$0x1] =	stream.indirect.gather [hbm4b:s2+s28], $0x80, s13, s28, $0xb8;
	[tilespmem:$0x1F400] =	vst v63  }
0x3d8: {  	_ =	swait.ge [sflag:s16], $0x2800  }
0x3d9: {  	[sflag:s16] =	ssyncset.done $0x0  }
0x3da: {  	s15 =	simm.s32 $0x380;
	[sflag:s16] =	ssyncadd.s32 $0xFFFFD800  }
0x3db: {  	[tilespmem:s30], [sflag:$0x2] =	stream.indirect.gather [hbm4b:s2+s28], $0x80, s15, s28, $0xb8;
	[tilespmem:$0x1F400] =	vst v63  }
0x3dc: {  	_ =	swait.ge [sflag:s18], $0x2800  }
0x3dd: {  	[sflag:s18] =	ssyncset.done $0x0  }
0x3de: {  	s11 =	simm.s32 $0x400;
	[sflag:s18] =	ssyncadd.s32 $0xFFFFD800  }
0x3df: {  	[tilespmem:s1], [sflag:$0x3] =	stream.indirect.gather [hbm4b:s2+s28], $0x80, s11, s28, $0xb8;
	[tilespmem:$0x1F400] =	vst v63  }
0x3e0: {  	_ =	swait.ge [sflag:s9], $0x2800  }
0x3e1: {  	[sflag:s9] =	ssyncset.done $0x0  }
0x3e2: {  	s13 =	simm.s32 $0x1300;
	[sflag:s9] =	ssyncadd.s32 $0xFFFFD800  }
0x3e3: {  	[spmem:s3] =	stream.indirect.scatter.add.f32 [tilespmem:s6], [sflag:$0x4], $0x80, s13, s28, $0xb8;
	[tilespmem:$0x1F400] =	vst v63  }
0x3e4: {  	_ =	swait.ge [sflag:s10], $0x2800  }
0x3e5: {  	[sflag:s10] =	ssyncset.done $0x0  }
0x3e6: {  	s15 =	simm.s32 $0x1380;
	[sflag:s10] =	ssyncadd.s32 $0xFFFFD800  }
0x3e7: {  	[spmem:s3] =	stream.indirect.scatter.add.f32 [tilespmem:s30], [sflag:$0x5], $0x80, s15, s28, $0xb8;
	[tilespmem:$0x1F400] =	vst v63  }
0x3e8: {  	_ =	swait.ge [sflag:s12], $0x2800  }
0x3e9: {  	[sflag:s12] =	ssyncset.done $0x0  }
0x3ea: {  	s11 =	simm.s32 $0x1400;
	[sflag:s12] =	ssyncadd.s32 $0xFFFFD800  }
0x3eb: {  	[spmem:s3] =	stream.indirect.scatter.add.f32 [tilespmem:s1], [sflag:$0x6], $0x80, s11, s28, $0xb8;
	[tilespmem:$0x1F400] =	vst v63  }
0x3ec: {  	_ =	swait.ge [sflag:s14], $0x2800  }
0x3ed: {  	[sflag:s14] =	ssyncset.done $0x0  }
0x3ee: {  	s13 =	simm.s32 $0x480;
	[sflag:s14] =	ssyncadd.s32 $0xFFFFD800  }
0x3ef: {  	[tilespmem:s6], [sflag:$0x1] =	stream.indirect.gather [hbm4b:s2+s28], $0x80, s13, s28, $0xb8;
	[tilespmem:$0x1F400] =	vst v63  }
0x3f0: {  	_ =	swait.ge [sflag:s16], $0x2800  }
0x3f1: {  	[sflag:s16] =	ssyncset.done $0x0  }
0x3f2: {  	s15 =	simm.s32 $0x500;
	[sflag:s16] =	ssyncadd.s32 $0xFFFFD800  }
0x3f3: {  	[tilespmem:s30], [sflag:$0x2] =	stream.indirect.gather [hbm4b:s2+s28], $0x80, s15, s28, $0xb8;
	[tilespmem:$0x1F400] =	vst v63  }
0x3f4: {  	_ =	swait.ge [sflag:s18], $0x2800  }
0x3f5: {  	[sflag:s18] =	ssyncset.done $0x0  }
0x3f6: {  	s11 =	simm.s32 $0x580;
	[sflag:s18] =	ssyncadd.s32 $0xFFFFD800  }
0x3f7: {  	[tilespmem:s1], [sflag:$0x3] =	stream.indirect.gather [hbm4b:s2+s28], $0x80, s11, s28, $0xb8;
	[tilespmem:$0x1F400] =	vst v63  }
0x3f8: {  	_ =	swait.ge [sflag:s9], $0x2800  }
0x3f9: {  	[sflag:s9] =	ssyncset.done $0x0  }
0x3fa: {  	s13 =	simm.s32 $0x1480;
	[sflag:s9] =	ssyncadd.s32 $0xFFFFD800  }
0x3fb: {  	[spmem:s3] =	stream.indirect.scatter.add.f32 [tilespmem:s6], [sflag:$0x4], $0x80, s13, s28, $0xb8;
	[tilespmem:$0x1F400] =	vst v63  }
0x3fc: {  	_ =	swait.ge [sflag:s10], $0x2800  }
0x3fd: {  	[sflag:s10] =	ssyncset.done $0x0  }
0x3fe: {  	s15 =	simm.s32 $0x1500;
	[sflag:s10] =	ssyncadd.s32 $0xFFFFD800  }
0x3ff: {  	[spmem:s3] =	stream.indirect.scatter.add.f32 [tilespmem:s30], [sflag:$0x5], $0x80, s15, s28, $0xb8;
	[tilespmem:$0x1F400] =	vst v63  }
0x400: {  	_ =	swait.ge [sflag:s12], $0x2800  }
0x401: {  	[sflag:s12] =	ssyncset.done $0x0  }
0x402: {  	s11 =	simm.s32 $0x1580;
	[sflag:s12] =	ssyncadd.s32 $0xFFFFD800  }
0x403: {  	[spmem:s3] =	stream.indirect.scatter.add.f32 [tilespmem:s1], [sflag:$0x6], $0x80, s11, s28, $0xb8;
	[tilespmem:$0x1F400] =	vst v63  }
0x404: {  	_ =	swait.ge [sflag:s14], $0x2800  }
0x405: {  	[sflag:s14] =	ssyncset.done $0x0  }
0x406: {  	s13 =	simm.s32 $0x600;
	[sflag:s14] =	ssyncadd.s32 $0xFFFFD800  }
0x407: {  	[tilespmem:s6], [sflag:$0x1] =	stream.indirect.gather [hbm4b:s2+s28], $0x80, s13, s28, $0xb8;
	[tilespmem:$0x1F400] =	vst v63  }
0x408: {  	_ =	swait.ge [sflag:s16], $0x2800  }
0x409: {  	[sflag:s16] =	ssyncset.done $0x0  }
0x40a: {  	s15 =	simm.s32 $0x680;
	[sflag:s16] =	ssyncadd.s32 $0xFFFFD800  }
0x40b: {  	[tilespmem:s30], [sflag:$0x2] =	stream.indirect.gather [hbm4b:s2+s28], $0x80, s15, s28, $0xb8;
	[tilespmem:$0x1F400] =	vst v63  }
0x40c: {  	_ =	swait.ge [sflag:s18], $0x2800  }
0x40d: {  	[sflag:s18] =	ssyncset.done $0x0  }
0x40e: {  	s11 =	simm.s32 $0x700;
	[sflag:s18] =	ssyncadd.s32 $0xFFFFD800  }
0x40f: {  	[tilespmem:s1], [sflag:$0x3] =	stream.indirect.gather [hbm4b:s2+s28], $0x80, s11, s28, $0xb8;
	[tilespmem:$0x1F400] =	vst v63  }
0x410: {  	_ =	swait.ge [sflag:s9], $0x2800  }
0x411: {  	[sflag:s9] =	ssyncset.done $0x0  }
0x412: {  	s13 =	simm.s32 $0x1600;
	[sflag:s9] =	ssyncadd.s32 $0xFFFFD800  }
0x413: {  	[spmem:s3] =	stream.indirect.scatter.add.f32 [tilespmem:s6], [sflag:$0x4], $0x80, s13, s28, $0xb8;
	[tilespmem:$0x1F400] =	vst v63  }
0x414: {  	_ =	swait.ge [sflag:s10], $0x2800  }
0x415: {  	[sflag:s10] =	ssyncset.done $0x0  }
0x416: {  	s15 =	simm.s32 $0x1680;
	[sflag:s10] =	ssyncadd.s32 $0xFFFFD800  }
0x417: {  	[spmem:s3] =	stream.indirect.scatter.add.f32 [tilespmem:s30], [sflag:$0x5], $0x80, s15, s28, $0xb8;
	[tilespmem:$0x1F400] =	vst v63  }
0x418: {  	_ =	swait.ge [sflag:s12], $0x2800  }
0x419: {  	[sflag:s12] =	ssyncset.done $0x0  }
0x41a: {  	s11 =	simm.s32 $0x1700;
	[sflag:s12] =	ssyncadd.s32 $0xFFFFD800  }
0x41b: {  	[spmem:s3] =	stream.indirect.scatter.add.f32 [tilespmem:s1], [sflag:$0x6], $0x80, s11, s28, $0xb8;
	[tilespmem:$0x1F400] =	vst v63  }
0x41c: {  	_ =	swait.ge [sflag:s14], $0x2800  }
0x41d: {  	[sflag:s14] =	ssyncset.done $0x0  }
0x41e: {  	s13 =	simm.s32 $0x780;
	[sflag:s14] =	ssyncadd.s32 $0xFFFFD800  }
0x41f: {  	[tilespmem:s6], [sflag:$0x1] =	stream.indirect.gather [hbm4b:s2+s28], $0x80, s13, s28, $0xb8;
	[tilespmem:$0x1F400] =	vst v63  }
0x420: {  	_ =	swait.ge [sflag:s16], $0x2800  }
0x421: {  	[sflag:s16] =	ssyncset.done $0x0  }
0x422: {  	s15 =	simm.s32 $0x800;
	[sflag:s16] =	ssyncadd.s32 $0xFFFFD800  }
0x423: {  	[tilespmem:s30], [sflag:$0x2] =	stream.indirect.gather [hbm4b:s2+s28], $0x80, s15, s28, $0xb8;
	[tilespmem:$0x1F400] =	vst v63  }
0x424: {  	_ =	swait.ge [sflag:s18], $0x2800  }
0x425: {  	[sflag:s18] =	ssyncset.done $0x0  }
0x426: {  	s11 =	simm.s32 $0x880;
	[sflag:s18] =	ssyncadd.s32 $0xFFFFD800  }
0x427: {  	[tilespmem:s1], [sflag:$0x3] =	stream.indirect.gather [hbm4b:s2+s28], $0x80, s11, s28, $0xb8;
	[tilespmem:$0x1F400] =	vst v63  }
0x428: {  	_ =	swait.ge [sflag:s9], $0x2800  }
0x429: {  	[sflag:s9] =	ssyncset.done $0x0  }
0x42a: {  	s13 =	simm.s32 $0x1780;
	[sflag:s9] =	ssyncadd.s32 $0xFFFFD800  }
0x42b: {  	[spmem:s3] =	stream.indirect.scatter.add.f32 [tilespmem:s6], [sflag:$0x4], $0x80, s13, s28, $0xb8;
	[tilespmem:$0x1F400] =	vst v63  }
0x42c: {  	_ =	swait.ge [sflag:s10], $0x2800  }
0x42d: {  	[sflag:s10] =	ssyncset.done $0x0  }
0x42e: {  	s15 =	simm.s32 $0x1800;
	[sflag:s10] =	ssyncadd.s32 $0xFFFFD800  }
0x42f: {  	[spmem:s3] =	stream.indirect.scatter.add.f32 [tilespmem:s30], [sflag:$0x5], $0x80, s15, s28, $0xb8;
	[tilespmem:$0x1F400] =	vst v63  }
0x430: {  	_ =	swait.ge [sflag:s12], $0x2800  }
0x431: {  	[sflag:s12] =	ssyncset.done $0x0  }
0x432: {  	s11 =	simm.s32 $0x1880;
	[sflag:s12] =	ssyncadd.s32 $0xFFFFD800  }
0x433: {  	[spmem:s3] =	stream.indirect.scatter.add.f32 [tilespmem:s1], [sflag:$0x6], $0x80, s11, s28, $0xb8;
	[tilespmem:$0x1F400] =	vst v63  }
0x434: {  	_ =	swait.ge [sflag:s14], $0x2800  }
0x435: {  	[sflag:s14] =	ssyncset.done $0x0  }
0x436: {  	s13 =	simm.s32 $0x900;
	[sflag:s14] =	ssyncadd.s32 $0xFFFFD800  }
0x437: {  	[tilespmem:s6], [sflag:$0x1] =	stream.indirect.gather [hbm4b:s2+s28], $0x80, s13, s28, $0xb8;
	[tilespmem:$0x1F400] =	vst v63  }
0x438: {  	_ =	swait.ge [sflag:s16], $0x2800  }
0x439: {  	[sflag:s16] =	ssyncset.done $0x0  }
0x43a: {  	s15 =	simm.s32 $0x980;
	[sflag:s16] =	ssyncadd.s32 $0xFFFFD800  }
0x43b: {  	[tilespmem:s30], [sflag:$0x2] =	stream.indirect.gather [hbm4b:s2+s28], $0x80, s15, s28, $0xb8;
	[tilespmem:$0x1F400] =	vst v63  }
0x43c: {  	_ =	swait.ge [sflag:s18], $0x2800  }
0x43d: {  	[sflag:s18] =	ssyncset.done $0x0  }
0x43e: {  	s11 =	simm.s32 $0xA00;
	[sflag:s18] =	ssyncadd.s32 $0xFFFFD800  }
0x43f: {  	[tilespmem:s1], [sflag:$0x3] =	stream.indirect.gather [hbm4b:s2+s28], $0x80, s11, s28, $0xb8;
	[tilespmem:$0x1F400] =	vst v63  }
0x440: {  	_ =	swait.ge [sflag:s9], $0x2800  }
0x441: {  	[sflag:s9] =	ssyncset.done $0x0  }
0x442: {  	s13 =	simm.s32 $0x1900;
	[sflag:s9] =	ssyncadd.s32 $0xFFFFD800  }
0x443: {  	[spmem:s3] =	stream.indirect.scatter.add.f32 [tilespmem:s6], [sflag:$0x4], $0x80, s13, s28, $0xb8;
	[tilespmem:$0x1F400] =	vst v63  }
0x444: {  	_ =	swait.ge [sflag:s10], $0x2800  }
0x445: {  	[sflag:s10] =	ssyncset.done $0x0  }
0x446: {  	s15 =	simm.s32 $0x1980;
	[sflag:s10] =	ssyncadd.s32 $0xFFFFD800  }
0x447: {  	[spmem:s3] =	stream.indirect.scatter.add.f32 [tilespmem:s30], [sflag:$0x5], $0x80, s15, s28, $0xb8;
	[tilespmem:$0x1F400] =	vst v63  }
0x448: {  	_ =	swait.ge [sflag:s12], $0x2800  }
0x449: {  	[sflag:s12] =	ssyncset.done $0x0  }
0x44a: {  	s11 =	simm.s32 $0x1A00;
	[sflag:s12] =	ssyncadd.s32 $0xFFFFD800  }
0x44b: {  	[spmem:s3] =	stream.indirect.scatter.add.f32 [tilespmem:s1], [sflag:$0x6], $0x80, s11, s28, $0xb8;
	[tilespmem:$0x1F400] =	vst v63  }
0x44c: {  	_ =	swait.ge [sflag:s14], $0x2800  }
0x44d: {  	[sflag:s14] =	ssyncset.done $0x0  }
0x44e: {  	s13 =	simm.s32 $0xA80;
	[sflag:s14] =	ssyncadd.s32 $0xFFFFD800  }
0x44f: {  	[tilespmem:s6], [sflag:$0x1] =	stream.indirect.gather [hbm4b:s2+s28], $0x80, s13, s28, $0xb8;
	[tilespmem:$0x1F400] =	vst v63  }
0x450: {  	_ =	swait.ge [sflag:s16], $0x2800  }
0x451: {  	[sflag:s16] =	ssyncset.done $0x0  }
0x452: {  	s15 =	simm.s32 $0xB00;
	[sflag:s16] =	ssyncadd.s32 $0xFFFFD800  }
0x453: {  	[tilespmem:s30], [sflag:$0x2] =	stream.indirect.gather [hbm4b:s2+s28], $0x80, s15, s28, $0xb8;
	[tilespmem:$0x1F400] =	vst v63  }
0x454: {  	_ =	swait.ge [sflag:s18], $0x2800  }
0x455: {  	[sflag:s18] =	ssyncset.done $0x0  }
0x456: {  	s11 =	simm.s32 $0xB80;
	[sflag:s18] =	ssyncadd.s32 $0xFFFFD800  }
0x457: {  	[tilespmem:s1], [sflag:$0x3] =	stream.indirect.gather [hbm4b:s2+s28], $0x80, s11, s28, $0xb8;
	[tilespmem:$0x1F400] =	vst v63  }
0x458: {  	_ =	swait.ge [sflag:s9], $0x2800  }
0x459: {  	[sflag:s9] =	ssyncset.done $0x0  }
0x45a: {  	s13 =	simm.s32 $0x1A80;
	[sflag:s9] =	ssyncadd.s32 $0xFFFFD800  }
0x45b: {  	[spmem:s3] =	stream.indirect.scatter.add.f32 [tilespmem:s6], [sflag:$0x4], $0x80, s13, s28, $0xb8;
	[tilespmem:$0x1F400] =	vst v63  }
0x45c: {  	_ =	swait.ge [sflag:s10], $0x2800  }
0x45d: {  	[sflag:s10] =	ssyncset.done $0x0  }
0x45e: {  	s15 =	simm.s32 $0x1B00;
	[sflag:s10] =	ssyncadd.s32 $0xFFFFD800  }
0x45f: {  	[spmem:s3] =	stream.indirect.scatter.add.f32 [tilespmem:s30], [sflag:$0x5], $0x80, s15, s28, $0xb8;
	[tilespmem:$0x1F400] =	vst v63  }
0x460: {  	_ =	swait.ge [sflag:s12], $0x2800  }
0x461: {  	[sflag:s12] =	ssyncset.done $0x0  }
0x462: {  	s11 =	simm.s32 $0x1B80;
	[sflag:s12] =	ssyncadd.s32 $0xFFFFD800  }
0x463: {  	[spmem:s3] =	stream.indirect.scatter.add.f32 [tilespmem:s1], [sflag:$0x6], $0x80, s11, s28, $0xb8;
	[tilespmem:$0x1F400] =	vst v63  }
0x464: {  	_ =	swait.ge [sflag:s14], $0x2800  }
0x465: {  	[sflag:s14] =	ssyncset.done $0x0  }
0x466: {  	s13 =	simm.s32 $0xC00;
	[sflag:s14] =	ssyncadd.s32 $0xFFFFD800  }
0x467: {  	[tilespmem:s6], [sflag:$0x1] =	stream.indirect.gather [hbm4b:s2+s28], $0x80, s13, s28, $0xb8;
	[tilespmem:$0x1F400] =	vst v63  }
0x468: {  	_ =	swait.ge [sflag:s16], $0x2800  }
0x469: {  	[sflag:s16] =	ssyncset.done $0x0  }
0x46a: {  	[sflag:s16] =	ssyncadd.s32 $0xFFFFD800  }
0x46b: {  	_ =	swait.ge [sflag:s18], $0x2800  }
0x46c: {  	[sflag:s18] =	ssyncset.done $0x0  }
0x46d: {  	[sflag:s18] =	ssyncadd.s32 $0xFFFFD800  }
0x46e: {  	_ =	swait.ge [sflag:s9], $0x2800  }
0x46f: {  	[sflag:s9] =	ssyncset.done $0x0  }
0x470: {  	s15 =	simm.s32 $0x1C00;
	[sflag:s9] =	ssyncadd.s32 $0xFFFFD800  }
0x471: {  	[spmem:s3] =	stream.indirect.scatter.add.f32 [tilespmem:s6], [sflag:$0x4], $0x80, s15, s28, $0xb8;
	[tilespmem:$0x1F400] =	vst v63  }
0x472: {  	_ =	swait.ge [sflag:s14], $0x2800  }
0x473: {  	[sflag:s14] =	ssyncset.done $0x0  }
0x474: {  	[sflag:s14] =	ssyncadd.s32 $0xFFFFD800  }
0x475: {  	s8 =	stileid.u32;
	[bflag:$0x0] =	sbarrier.arrive $0xFFFF  }
0x476: {  	s11 =	sshll.u32 s8, $0x6;
	s13 =	rddreg [dreg:$0x17]  }
0x477: {  	s11 =	sor.u32 $0x1C09, s11;
	s8 =	rddreg [dreg:$0x15];
	s15 =	sshrl.u32 s13, $0x3  }
0x478: {  	[hbm:s8], [sflag:s11] =	dma.local [spmem:s15], $0x2780  }
0x479: {  	_ =	swait.ge [sflag:s7], $0x2780  }
0x47a: {  	s31 =	sadd.s32 $0x1, s31;
	s8 =	rddreg [dreg:$0x16]  }
0x47b: {  	p0 =	sne.s32 s31, s8  }
.Ltmp1:
0x47c: {  	_ = 	snop;
	(pc) =	sbr.rel @p0 .LBB2_1-.Ltmp1, $3  }
0x47d: {  	_ =	sdelay $0x1  }
0x47e: {  	s0 =	simm.s32 $0x2000;
	[sflag:s7] =	ssyncset.done $0x0  }
0x47f: {  	s13 =	simm.s32 $0x100;
	s15 =	simm.s32 $0x80;
	[sflag:s7] =	ssyncadd.s32 $0xFFFFD880  }
0x480: {  	_ =	sfence.sel $0x180000  }
0x481: {  	[bflag:$0x0] =	sbarrier.arrive $0xFFFF  }
0x482: {  	_ =	strace $0x90000047  }
0x483: {  	s0 =	stileid.u32;
	[bflag:$0x2] =	sbarrier.arrive $0xFFFF  }
0x484: {  	p0 =	sne.s32 s0, $0x0;
	s0 =	rddreg [dreg:$0x3]  }
0x485: {  	s0 =	sadd.s32 @!p0 $0x100000, s0  }
0x486: {  	[sflag:s0] =	ssyncadd.tile.s32 @!p0 $0x1;
	_ =	shalt  }
.Lfunc_end2:
_tile_overlayer_lowered:
.L_overlay_start_2:
0x487: {  	(tag) =	ssettag $0x2  }
0x488: {  	s0 =	rddreg [dreg:$0x0];
	s2 =	stileid.u32  }
0x489: {  	s1 =	rddreg [dreg:$0x1];
	p0 =	sne.s32 s2, $0x0  }
0x48a: {  	s3 =	rddreg [dreg:$0x2];
	[bflag:$0x3] =	sbarrier.arrive $0xFFFF;
	s2 =	simm.s32 @!p0 $0x1C09  }
0x48b: {  	[timem:s3], [sflag:s2] =	dma.local @!p0 [hbm:s0], s1  }
0x48c: {  	s0 =	simm.s32 @!p0 $0x9  }
0x48d: {  	_ =	swait.ge @!p0 [sflag:s0], s1  }
0x48e: {  	s1 =	ssub.s32 @!p0 $0x0, s1;
	[sflag:s0] =	ssyncset.done @!p0 $0x0  }
0x48f: {  	[sflag:s0] =	ssyncadd.s32 @!p0 s1  }
0x490: {  	[bflag:$0x3] =	sbarrier.arrive $0xFFFF  }
0x491: {  	_ =	shalt  }

</sc_bundles>
